<compile_context>
chip_gen: v7x
topology: tpu7x:2x2x1
jax: 0.10.2.dev20260603
libtpu: 0.0.44.dev20260713+nightly
codegen_flags: <defaults>
</compile_context>

<pallas_src>
import functools

import jax
import jax.numpy as jnp
from jax import lax
from jax.experimental import pallas as pl
from jax.experimental.pallas import tpu as pltpu
from jax.experimental.pallas import tpu_sc as plsc

N = 10000
E = 320000
D = 64
G = 64
NC = 2
NS = 16
NW = NC * NS
EPW = E // NW
K = 125
C = EPW // K
NBUF = 4
DEGW = 16
NPD = 10240
DPT = NPD // NS
NPA = 10240
RPT = NPA // NS
L = N // 2
PA2 = NPA // 2

_mesh = plsc.VectorSubcoreMesh(core_axis_name="c", subcore_axis_name="s")



@functools.partial(
    pl.kernel,
    out_type=jax.ShapeDtypeStruct((NC * NPD, DEGW), jnp.float32),
    mesh=_mesh,
    scratch_types=[
        pltpu.VMEM((C, K), jnp.int32),
        pltpu.VMEM((K, DEGW), jnp.float32),
        pltpu.VMEM_SHARED((NPD, DEGW), jnp.float32),
    ],
    compiler_params=pltpu.CompilerParams(use_tc_tiling_on_sc=False),
)
def _sc_degree(dst3_hbm, ones_hbm, zdeg_hbm, out_hbm, didx_v, ones_v, acc_sh):
    cid = lax.axis_index("c")
    sid = lax.axis_index("s")
    wid = cid * NS + sid
    pltpu.sync_copy(zdeg_hbm, acc_sh.at[pl.ds(sid * DPT, DPT)])
    pltpu.sync_copy(ones_hbm, ones_v)
    pltpu.sync_copy(dst3_hbm.at[wid], didx_v)
    plsc.subcore_barrier()

    @pl.loop(0, C)
    def _chunk(j):
        pltpu.sync_copy(ones_v, acc_sh.at[didx_v.at[j]], add=True)

    plsc.subcore_barrier()
    pltpu.sync_copy(acc_sh.at[pl.ds(sid * DPT, DPT)],
                    out_hbm.at[pl.ds(cid * NPD + sid * DPT, DPT)])


@functools.partial(
    pl.kernel,
    out_type=jax.ShapeDtypeStruct((NC * NPA, D), jnp.float32),
    mesh=_mesh,
    scratch_types=[
        pltpu.VMEM((C, K), jnp.int32),
        pltpu.VMEM((C, K), jnp.int32),
        pltpu.VMEM((NBUF, K, D), jnp.float32),
        [pltpu.SemaphoreType.DMA] * NBUF,
        [pltpu.SemaphoreType.DMA] * NBUF,
        pltpu.VMEM_SHARED((NPA, D), jnp.float32),
    ],
    compiler_params=pltpu.CompilerParams(use_tc_tiling_on_sc=False),
)
def _sc_scatter(t_hbm, src3_hbm, dst3_hbm, zacc_hbm, out_hbm,
                sidx_v, didx_v, rows_v, gsems, ssems, acc_sh):
    cid = lax.axis_index("c")
    sid = lax.axis_index("s")
    wid = cid * NS + sid
    pltpu.sync_copy(zacc_hbm, acc_sh.at[pl.ds(sid * RPT, RPT)])
    pltpu.sync_copy(src3_hbm.at[wid], sidx_v)
    pltpu.sync_copy(dst3_hbm.at[wid], didx_v)
    plsc.subcore_barrier()

    for b in range(NBUF):
        pltpu.async_copy(t_hbm.at[sidx_v.at[b]], rows_v.at[b], gsems[b])

    @pl.loop(0, C, step=NBUF)
    def _ring(j):
        for b in range(NBUF):
            jj = j + b
            pltpu.make_async_copy(t_hbm.at[sidx_v.at[0]], rows_v.at[b],
                                  gsems[b]).wait()
            pltpu.async_copy(rows_v.at[b], acc_sh.at[didx_v.at[jj]], ssems[b],
                             add=True)
            pltpu.make_async_copy(rows_v.at[b], acc_sh.at[didx_v.at[0]],
                                  ssems[b]).wait()

            @pl.when(jj + NBUF < C)
            def _prefetch():
                pltpu.async_copy(t_hbm.at[sidx_v.at[jj + NBUF]], rows_v.at[b],
                                 gsems[b])

    plsc.subcore_barrier()
    pltpu.sync_copy(acc_sh.at[pl.ds(sid * RPT, RPT)],
                    out_hbm.at[pl.ds(cid * NPA + sid * RPT, RPT)])



def _bn(o, g, be):
    mu = jnp.mean(o, axis=0, keepdims=True)
    var = jnp.mean((o - mu) * (o - mu), axis=0, keepdims=True)
    return (o - mu) / jnp.sqrt(var + 1e-5) * g + be


def _pack_cols(a):
    m = 0.5 * (a[:, 0:D] + a[:, D:2 * D])
    return jnp.concatenate([m, m], axis=1)


def _bn_packed(o, g, be):
    mu = _pack_cols(jnp.mean(o, axis=0, keepdims=True))
    c = o - mu
    var = _pack_cols(jnp.mean(c * c, axis=0, keepdims=True))
    return c / jnp.sqrt(var + 1e-5) * g + be


def _tc_prep_body(x_ref, w1_ref, degp_ref, t1_ref, dinvp_ref):
    deg_lo = degp_ref[0:L, 0:1] + degp_ref[NPD:NPD + L, 0:1]
    deg_hi = degp_ref[L:N, 0:1] + degp_ref[NPD + L:NPD + N, 0:1]
    dinv2 = 1.0 / jnp.sqrt(jnp.concatenate([deg_lo, deg_hi], axis=1) + 1.0)
    dinvp = jnp.concatenate(
        [jnp.broadcast_to(dinv2[:, 0:1], (L, D)),
         jnp.broadcast_to(dinv2[:, 1:2], (L, D))], axis=1)
    h = jnp.dot(x_ref[...], w1_ref[...], preferred_element_type=jnp.float32)
    hp = jnp.concatenate([h[0:L, :], h[L:N, :]], axis=1)
    t1_ref[...] = hp * dinvp
    dinvp_ref[...] = dinvp


def _tc_layer_body(sp_ref, t_ref, dinvp_ref, b_ref, g_ref, be_ref, w2_ref,
                   out_ref, *, relu):
    dinvp = dinvp_ref[...]
    s = sp_ref[0:L, :] + sp_ref[PA2:PA2 + L, :] + t_ref[...]
    o = s * dinvp + b_ref[...]
    if relu:
        o = jnp.maximum(o, 0.0)
    h = _bn_packed(o, g_ref[...], be_ref[...])
    out_ref[...] = jnp.dot(h, w2_ref[...],
                           preferred_element_type=jnp.float32) * dinvp


def _tc_final_body(sp_ref, t_ref, dinvp_ref, b_ref, g_ref, be_ref,
                   blo_ref, bhi_ref,
                   wm0_ref, bm0_ref, gm0_ref, bem0_ref,
                   wm1_ref, bm1_ref, gm1_ref, bem1_ref,
                   wo_ref, bo_ref, out_ref):
    dinvp = dinvp_ref[...]
    s = sp_ref[0:L, :] + sp_ref[PA2:PA2 + L, :] + t_ref[...]
    h = _bn_packed(s * dinvp + b_ref[...], g_ref[...], be_ref[...])
    gids = lax.broadcasted_iota(jnp.int32, (G, L), 0)
    oh_lo = (gids == blo_ref[...]).astype(jnp.float32)
    oh_hi = (gids == bhi_ref[...]).astype(jnp.float32)
    p = (jnp.dot(oh_lo, h[:, 0:D], preferred_element_type=jnp.float32,
                 precision=lax.Precision.HIGHEST)
         + jnp.dot(oh_hi, h[:, D:2 * D], preferred_element_type=jnp.float32,
                   precision=lax.Precision.HIGHEST))
    p = jnp.maximum(jnp.dot(p, wm0_ref[...],
                            preferred_element_type=jnp.float32) + bm0_ref[...], 0.0)
    p = _bn(p, gm0_ref[...], bem0_ref[...])
    p = jnp.maximum(jnp.dot(p, wm1_ref[...],
                            preferred_element_type=jnp.float32) + bm1_ref[...], 0.0)
    p = _bn(p, gm1_ref[...], bem1_ref[...])
    out_ref[...] = jnp.dot(p, wo_ref[...],
                           preferred_element_type=jnp.float32) + bo_ref[...]


_f32 = jnp.float32

_tc_prep = pl.pallas_call(
    _tc_prep_body,
    out_shape=(jax.ShapeDtypeStruct((L, 2 * D), _f32),
               jax.ShapeDtypeStruct((L, 2 * D), _f32)),
)

_tc_layer_relu = pl.pallas_call(
    functools.partial(_tc_layer_body, relu=True),
    out_shape=jax.ShapeDtypeStruct((L, 2 * D), _f32),
)

_tc_layer = pl.pallas_call(
    functools.partial(_tc_layer_body, relu=False),
    out_shape=jax.ShapeDtypeStruct((L, 2 * D), _f32),
)

_tc_final = pl.pallas_call(
    _tc_final_body,
    out_shape=jax.ShapeDtypeStruct((G, 1), _f32),
)



def _tile2(v):
    return jnp.concatenate([v, v]).reshape(1, 2 * D)


def _blockdiag2(w):
    z = jnp.zeros((D, D), _f32)
    return jnp.concatenate([jnp.concatenate([w, z], axis=1),
                            jnp.concatenate([z, w], axis=1)], axis=0)


def kernel(x, edge_index, batch, W1, b1, g1, be1, Wc, bc, gc, bec,
           Wm, bm, gm, bem, Wo, bo):
    src = edge_index[0]
    dst = edge_index[1]
    srcp3 = (2 * (src % L) + src // L).reshape(NW, C, K)
    dstp3 = (2 * (dst % L) + dst // L).reshape(NW, C, K)
    dst3 = dst.reshape(NW, C, K)
    ones = jnp.ones((K, DEGW), _f32)
    z_deg = jnp.zeros((DPT, DEGW), _f32)
    z_acc = jnp.zeros((RPT, D), _f32)

    degp = _sc_degree(dst3, ones, z_deg)
    t1, dinvp = _tc_prep(x, W1, degp)

    def scatter(tp):
        s = _sc_scatter(tp.reshape(N, D), srcp3, dstp3, z_acc)
        return s.reshape(2 * PA2, 2 * D)

    t2 = _tc_layer_relu(scatter(t1), t1, dinvp, _tile2(b1), _tile2(g1),
                        _tile2(be1), _blockdiag2(Wc[0]))
    t3 = _tc_layer(scatter(t2), t2, dinvp, _tile2(bc[0]), _tile2(gc[0]),
                   _tile2(bec[0]), _blockdiag2(Wc[1]))
    t4 = _tc_layer(scatter(t3), t3, dinvp, _tile2(bc[1]), _tile2(gc[1]),
                   _tile2(bec[1]), _blockdiag2(Wc[2]))
    return _tc_final(scatter(t4), t4, dinvp, _tile2(bc[2]), _tile2(gc[2]),
                     _tile2(bec[2]),
                     batch[0:L].reshape(1, L), batch[L:N].reshape(1, L),
                     Wm[0], bm[0].reshape(1, D), gm[0].reshape(1, D),
                     bem[0].reshape(1, D),
                     Wm[1], bm[1].reshape(1, D), gm[1].reshape(1, D),
                     bem[1].reshape(1, D),
                     Wo, bo.reshape(1, 1))

# --- scband reference (transcript-rebuilt; emitter-appended) ---
"""Pipeline reference for scband-gcn-78365973283295 (READ-ONLY COPY).

The authoritative reference and input builder live on the scoring server;
editing this copy changes nothing except your own understanding.
"""

import jax, jax.numpy as jnp
import numpy as np

N = 10000
E = 320000
F_IN = 128
D = 64
G = 64
N_CONV = 3
N_MLP = 2


def setup_inputs(seed: int = 0):
    key = jax.random.key(seed)
    ks = jax.random.split(key, 8)
    x = jax.random.normal(ks[0], (N, F_IN), dtype=jnp.float32)
    edge_index = jax.random.randint(ks[1], (2, E), 0, N, dtype=jnp.int32)
    batch = jnp.sort(jax.random.randint(ks[2], (N,), 0, G, dtype=jnp.int32))
    s = 1.0 / np.sqrt(F_IN)
    sd = 1.0 / np.sqrt(D)
    W1 = jax.random.uniform(ks[3], (F_IN, D), jnp.float32, -s, s)
    b1 = jnp.zeros((D,), jnp.float32)
    g1 = jnp.ones((D,), jnp.float32)
    be1 = jnp.zeros((D,), jnp.float32)
    Wc = jax.random.uniform(ks[4], (N_CONV, D, D), jnp.float32, -sd, sd)
    bc = jnp.zeros((N_CONV, D), jnp.float32)
    gc = jnp.ones((N_CONV, D), jnp.float32)
    bec = jnp.zeros((N_CONV, D), jnp.float32)
    Wm = jax.random.uniform(ks[5], (N_MLP, D, D), jnp.float32, -sd, sd)
    bm = jax.random.uniform(ks[6], (N_MLP, D), jnp.float32, -sd, sd)
    gm = jnp.ones((N_MLP, D), jnp.float32)
    bem = jnp.zeros((N_MLP, D), jnp.float32)
    Wo = jax.random.uniform(ks[7], (D, 1), jnp.float32, -sd, sd)
    bo = jnp.zeros((1,), jnp.float32)
    return {"x": x, "edge_index": edge_index, "batch": batch,
            "W1": W1, "b1": b1, "g1": g1, "be1": be1,
            "Wc": Wc, "bc": bc, "gc": gc, "bec": bec,
            "Wm": Wm, "bm": bm, "gm": gm, "bem": bem,
            "Wo": Wo, "bo": bo}


def _bn(x, g, b):
    mu = jnp.mean(x, axis=0)
    var = jnp.var(x, axis=0)
    return (x - mu) / jnp.sqrt(var + 1e-5) * g + b


def _gcn(x, src, dst, norm, W, b):
    h = x @ W
    msg = h[src] * norm[:, None]
    out = jnp.zeros((x.shape[0], W.shape[1]), x.dtype).at[dst].add(msg)
    return out + b


def reference(x, edge_index, batch, W1, b1, g1, be1, Wc, bc, gc, bec, Wm, bm, gm, bem, Wo, bo):
    n = x.shape[0]
    loop = jnp.arange(n, dtype=edge_index.dtype)
    src = jnp.concatenate([edge_index[0], loop])
    dst = jnp.concatenate([edge_index[1], loop])
    deg = jnp.zeros((n,), x.dtype).at[dst].add(1.0)
    dinv = jnp.where(deg > 0, 1.0 / jnp.sqrt(deg), 0.0)
    norm = dinv[src] * dinv[dst]
    h = jax.nn.relu(_gcn(x, src, dst, norm, W1, b1))
    h = _bn(h, g1, be1)
    for i in range(N_CONV):
        h = _gcn(h, src, dst, norm, Wc[i], bc[i])
        h = _bn(h, gc[i], bec[i])
    p = jax.ops.segment_sum(h, batch, num_segments=G)
    for i in range(N_MLP):
        p = jax.nn.relu(p @ Wm[i] + bm[i])
        p = _bn(p, gm[i], bem[i])
    return p @ Wo + bo

if __name__ == "__main__":
    import jax
    _d = setup_inputs()
    print(jax.jit(kernel)(*tuple(_d.values())))

</pallas_src>

<mosaic_0001>
#map = affine_map<(d0, d1) -> (0, 0)>
#map1 = affine_map<(d0, d1) -> (0, 0, 0)>
module attributes {stable_mosaic.version = 14 : i64} {
  func.func @_sc_scatter(%arg0: i32, %arg1: i32, %arg2: memref<10000x64xf32, #tpu.memory_space<hbm>>, %arg3: memref<32x80x125xi32, #tpu.memory_space<hbm>>, %arg4: memref<32x80x125xi32, #tpu.memory_space<hbm>>, %arg5: memref<640x64xf32, #tpu.memory_space<hbm>>, %arg6: memref<20480x64xf32, #tpu.memory_space<hbm>>, %arg7: memref<80x125xi32, #tpu.memory_space<vmem>>, %arg8: memref<80x125xi32, #tpu.memory_space<vmem>>, %arg9: memref<4x125x64xf32, #tpu.memory_space<vmem>>, %arg10: memref<!tpu.dma_semaphore, #tpu.memory_space<semaphore_mem>>, %arg11: memref<!tpu.dma_semaphore, #tpu.memory_space<semaphore_mem>>, %arg12: memref<!tpu.dma_semaphore, #tpu.memory_space<semaphore_mem>>, %arg13: memref<!tpu.dma_semaphore, #tpu.memory_space<semaphore_mem>>, %arg14: memref<!tpu.dma_semaphore, #tpu.memory_space<semaphore_mem>>, %arg15: memref<!tpu.dma_semaphore, #tpu.memory_space<semaphore_mem>>, %arg16: memref<!tpu.dma_semaphore, #tpu.memory_space<semaphore_mem>>, %arg17: memref<!tpu.dma_semaphore, #tpu.memory_space<semaphore_mem>>, %arg18: memref<10240x64xf32, #tpu.memory_space<vmem_shared>>) attributes {dimension_semantics = [#tpu.dimension_semantics<core_parallel>, #tpu.dimension_semantics<subcore_parallel>], iteration_bounds = array<i64: 2, 16>, scalar_prefetch = 0 : i64, scratch_operands = 12 : i64, tpu.core_type = #tpu.core_type<sc_vector_subcore>, window_params = [{transform_indices = #map}, {transform_indices = #map1}, {transform_indices = #map1}, {transform_indices = #map}, {transform_indices = #map}]} {
    %mul3A = arith.constant 16 : i32
    %mul3A_0 = arith.muli %arg0, %mul3A : i32
    %add3A = arith.addi %mul3A_0, %arg1 : i32
    %mul3A_1 = arith.constant 640 : i32
    %mul3A_2 = arith.muli %arg1, %mul3A_1 : i32
    "tpu.region"() ({
      %run_scoped3A = tpu.sem_alloc : memref<!tpu.dma_semaphore, #tpu.memory_space<semaphore_mem>>
      %dma_start3A_62 = arith.constant 0 : i32
      %dma_start3A_63 = tpu.memref_slice %arg18[%mul3A_2, %dma_start3A_62] : memref<10240x64xf32, #tpu.memory_space<vmem_shared>> -> memref<640x64xf32, #tpu.memory_space<vmem_shared>>
      tpu.enqueue_dma source(%arg5 : memref<640x64xf32, #tpu.memory_space<hbm>>) target(%dma_start3A_63 : memref<640x64xf32, #tpu.memory_space<vmem_shared>>) target_semaphore(%run_scoped3A : memref<!tpu.dma_semaphore, #tpu.memory_space<semaphore_mem>>)
      %dma_wait3A = arith.constant 0 : i32
      %dma_wait3A_64 = tpu.memref_slice %arg18[%mul3A_2, %dma_wait3A] : memref<10240x64xf32, #tpu.memory_space<vmem_shared>> -> memref<640x64xf32, #tpu.memory_space<vmem_shared>>
      tpu.wait_dma2 semaphore(%run_scoped3A : memref<!tpu.dma_semaphore, #tpu.memory_space<semaphore_mem>>) src(%arg5 : memref<640x64xf32, #tpu.memory_space<hbm>>) dst(%dma_wait3A_64 : memref<640x64xf32, #tpu.memory_space<vmem_shared>>)
      tpu.yield
    }) : () -> ()
    "tpu.region"() ({
      %run_scoped3A = tpu.sem_alloc : memref<!tpu.dma_semaphore, #tpu.memory_space<semaphore_mem>>
      %dma_start3A_62 = arith.constant 0 : i32
      %dma_start3A_63 = arith.constant 0 : i32
      %dma_start3A_64 = tpu.memref_slice %arg3[%add3A, %dma_start3A_62, %dma_start3A_63] : memref<32x80x125xi32, #tpu.memory_space<hbm>> -> memref<1x80x125xi32, #tpu.memory_space<hbm>>
      %dma_start3A_65 = tpu.memref_squeeze %dma_start3A_64 : memref<1x80x125xi32, #tpu.memory_space<hbm>> -> memref<80x125xi32, #tpu.memory_space<hbm>>
      %dma_start3A_66 = arith.constant 0 : i32
      %dma_start3A_67 = arith.constant 0 : i32
      %dma_start3A_68 = tpu.memref_slice %arg3[%add3A, %dma_start3A_66, %dma_start3A_67] : memref<32x80x125xi32, #tpu.memory_space<hbm>> -> memref<1x80x125xi32, #tpu.memory_space<hbm>>
      %dma_start3A_69 = tpu.memref_squeeze %dma_start3A_68 : memref<1x80x125xi32, #tpu.memory_space<hbm>> -> memref<80x125xi32, #tpu.memory_space<hbm>>
      tpu.enqueue_dma source(%dma_start3A_69 : memref<80x125xi32, #tpu.memory_space<hbm>>) target(%arg7 : memref<80x125xi32, #tpu.memory_space<vmem>>) target_semaphore(%run_scoped3A : memref<!tpu.dma_semaphore, #tpu.memory_space<semaphore_mem>>)
      %dma_wait3A = arith.constant 0 : i32
      %dma_wait3A_70 = arith.constant 0 : i32
      %dma_wait3A_71 = tpu.memref_slice %arg3[%add3A, %dma_wait3A, %dma_wait3A_70] : memref<32x80x125xi32, #tpu.memory_space<hbm>> -> memref<1x80x125xi32, #tpu.memory_space<hbm>>
      %dma_wait3A_72 = tpu.memref_squeeze %dma_wait3A_71 : memref<1x80x125xi32, #tpu.memory_space<hbm>> -> memref<80x125xi32, #tpu.memory_space<hbm>>
      %dma_wait3A_73 = arith.constant 0 : i32
      %dma_wait3A_74 = arith.constant 0 : i32
      %dma_wait3A_75 = tpu.memref_slice %arg3[%add3A, %dma_wait3A_73, %dma_wait3A_74] : memref<32x80x125xi32, #tpu.memory_space<hbm>> -> memref<1x80x125xi32, #tpu.memory_space<hbm>>
      %dma_wait3A_76 = tpu.memref_squeeze %dma_wait3A_75 : memref<1x80x125xi32, #tpu.memory_space<hbm>> -> memref<80x125xi32, #tpu.memory_space<hbm>>
      tpu.wait_dma2 semaphore(%run_scoped3A : memref<!tpu.dma_semaphore, #tpu.memory_space<semaphore_mem>>) src(%dma_wait3A_76 : memref<80x125xi32, #tpu.memory_space<hbm>>) dst(%arg7 : memref<80x125xi32, #tpu.memory_space<vmem>>)
      tpu.yield
    }) : () -> ()
    "tpu.region"() ({
      %run_scoped3A = tpu.sem_alloc : memref<!tpu.dma_semaphore, #tpu.memory_space<semaphore_mem>>
      %dma_start3A_62 = arith.constant 0 : i32
      %dma_start3A_63 = arith.constant 0 : i32
      %dma_start3A_64 = tpu.memref_slice %arg4[%add3A, %dma_start3A_62, %dma_start3A_63] : memref<32x80x125xi32, #tpu.memory_space<hbm>> -> memref<1x80x125xi32, #tpu.memory_space<hbm>>
      %dma_start3A_65 = tpu.memref_squeeze %dma_start3A_64 : memref<1x80x125xi32, #tpu.memory_space<hbm>> -> memref<80x125xi32, #tpu.memory_space<hbm>>
      %dma_start3A_66 = arith.constant 0 : i32
      %dma_start3A_67 = arith.constant 0 : i32
      %dma_start3A_68 = tpu.memref_slice %arg4[%add3A, %dma_start3A_66, %dma_start3A_67] : memref<32x80x125xi32, #tpu.memory_space<hbm>> -> memref<1x80x125xi32, #tpu.memory_space<hbm>>
      %dma_start3A_69 = tpu.memref_squeeze %dma_start3A_68 : memref<1x80x125xi32, #tpu.memory_space<hbm>> -> memref<80x125xi32, #tpu.memory_space<hbm>>
      tpu.enqueue_dma source(%dma_start3A_69 : memref<80x125xi32, #tpu.memory_space<hbm>>) target(%arg8 : memref<80x125xi32, #tpu.memory_space<vmem>>) target_semaphore(%run_scoped3A : memref<!tpu.dma_semaphore, #tpu.memory_space<semaphore_mem>>)
      %dma_wait3A = arith.constant 0 : i32
      %dma_wait3A_70 = arith.constant 0 : i32
      %dma_wait3A_71 = tpu.memref_slice %arg4[%add3A, %dma_wait3A, %dma_wait3A_70] : memref<32x80x125xi32, #tpu.memory_space<hbm>> -> memref<1x80x125xi32, #tpu.memory_space<hbm>>
      %dma_wait3A_72 = tpu.memref_squeeze %dma_wait3A_71 : memref<1x80x125xi32, #tpu.memory_space<hbm>> -> memref<80x125xi32, #tpu.memory_space<hbm>>
      %dma_wait3A_73 = arith.constant 0 : i32
      %dma_wait3A_74 = arith.constant 0 : i32
      %dma_wait3A_75 = tpu.memref_slice %arg4[%add3A, %dma_wait3A_73, %dma_wait3A_74] : memref<32x80x125xi32, #tpu.memory_space<hbm>> -> memref<1x80x125xi32, #tpu.memory_space<hbm>>
      %dma_wait3A_76 = tpu.memref_squeeze %dma_wait3A_75 : memref<1x80x125xi32, #tpu.memory_space<hbm>> -> memref<80x125xi32, #tpu.memory_space<hbm>>
      tpu.wait_dma2 semaphore(%run_scoped3A : memref<!tpu.dma_semaphore, #tpu.memory_space<semaphore_mem>>) src(%dma_wait3A_76 : memref<80x125xi32, #tpu.memory_space<hbm>>) dst(%arg8 : memref<80x125xi32, #tpu.memory_space<vmem>>)
      tpu.yield
    }) : () -> ()
    %barrier3A = arith.constant 0 : index
    tpu.barrier barrier_id(%barrier3A)
    %dma_start3A = arith.constant 0 : i32
    %dma_start3A_3 = arith.constant 0 : i32
    %dma_start3A_4 = arith.constant 0 : i32
    %dma_start3A_5 = arith.constant 0 : i32
    %dma_start3A_6 = tpu.memref_slice %arg9[%dma_start3A_3, %dma_start3A_4, %dma_start3A_5] : memref<4x125x64xf32, #tpu.memory_space<vmem>> -> memref<1x125x64xf32, #tpu.memory_space<vmem>>
    %dma_start3A_7 = tpu.memref_squeeze %dma_start3A_6 : memref<1x125x64xf32, #tpu.memory_space<vmem>> -> memref<125x64xf32, #tpu.memory_space<vmem>>
    %dma_start3A_8 = arith.constant 0 : i32
    %dma_start3A_9 = tpu.memref_slice %arg7[%dma_start3A, %dma_start3A_8] : memref<80x125xi32, #tpu.memory_space<vmem>> -> memref<1x125xi32, #tpu.memory_space<vmem>>
    %dma_start3A_10 = tpu.memref_squeeze %dma_start3A_9 : memref<1x125xi32, #tpu.memory_space<vmem>> -> memref<125xi32, #tpu.memory_space<vmem>>
    %dma_start3A_11 = arith.constant 0 : i32
    %dma_start3A_12 = arith.constant 0 : i32
    %dma_start3A_13 = tpu.memref_slice %arg2[%dma_start3A_11, %dma_start3A_12] : memref<10000x64xf32, #tpu.memory_space<hbm>> -> memref<10000x64xf32, #tpu.memory_space<hbm>>
    tpu.enqueue_indirect_dma source(%dma_start3A_13 : memref<10000x64xf32, #tpu.memory_space<hbm>>) target(%dma_start3A_7 : memref<125x64xf32, #tpu.memory_space<vmem>>) offsets(%dma_start3A_10 : memref<125xi32, #tpu.memory_space<vmem>>) semaphore(%arg10 : memref<!tpu.dma_semaphore, #tpu.memory_space<semaphore_mem>>)
    %dma_start3A_14 = arith.constant 1 : i32
    %dma_start3A_15 = arith.constant 1 : i32
    %dma_start3A_16 = arith.constant 0 : i32
    %dma_start3A_17 = arith.constant 0 : i32
    %dma_start3A_18 = tpu.memref_slice %arg9[%dma_start3A_15, %dma_start3A_16, %dma_start3A_17] : memref<4x125x64xf32, #tpu.memory_space<vmem>> -> memref<1x125x64xf32, #tpu.memory_space<vmem>>
    %dma_start3A_19 = tpu.memref_squeeze %dma_start3A_18 : memref<1x125x64xf32, #tpu.memory_space<vmem>> -> memref<125x64xf32, #tpu.memory_space<vmem>>
    %dma_start3A_20 = arith.constant 0 : i32
    %dma_start3A_21 = tpu.memref_slice %arg7[%dma_start3A_14, %dma_start3A_20] : memref<80x125xi32, #tpu.memory_space<vmem>> -> memref<1x125xi32, #tpu.memory_space<vmem>>
    %dma_start3A_22 = tpu.memref_squeeze %dma_start3A_21 : memref<1x125xi32, #tpu.memory_space<vmem>> -> memref<125xi32, #tpu.memory_space<vmem>>
    %dma_start3A_23 = arith.constant 0 : i32
    %dma_start3A_24 = arith.constant 0 : i32
    %dma_start3A_25 = tpu.memref_slice %arg2[%dma_start3A_23, %dma_start3A_24] : memref<10000x64xf32, #tpu.memory_space<hbm>> -> memref<10000x64xf32, #tpu.memory_space<hbm>>
    tpu.enqueue_indirect_dma source(%dma_start3A_25 : memref<10000x64xf32, #tpu.memory_space<hbm>>) target(%dma_start3A_19 : memref<125x64xf32, #tpu.memory_space<vmem>>) offsets(%dma_start3A_22 : memref<125xi32, #tpu.memory_space<vmem>>) semaphore(%arg11 : memref<!tpu.dma_semaphore, #tpu.memory_space<semaphore_mem>>)
    %dma_start3A_26 = arith.constant 2 : i32
    %dma_start3A_27 = arith.constant 2 : i32
    %dma_start3A_28 = arith.constant 0 : i32
    %dma_start3A_29 = arith.constant 0 : i32
    %dma_start3A_30 = tpu.memref_slice %arg9[%dma_start3A_27, %dma_start3A_28, %dma_start3A_29] : memref<4x125x64xf32, #tpu.memory_space<vmem>> -> memref<1x125x64xf32, #tpu.memory_space<vmem>>
    %dma_start3A_31 = tpu.memref_squeeze %dma_start3A_30 : memref<1x125x64xf32, #tpu.memory_space<vmem>> -> memref<125x64xf32, #tpu.memory_space<vmem>>
    %dma_start3A_32 = arith.constant 0 : i32
    %dma_start3A_33 = tpu.memref_slice %arg7[%dma_start3A_26, %dma_start3A_32] : memref<80x125xi32, #tpu.memory_space<vmem>> -> memref<1x125xi32, #tpu.memory_space<vmem>>
    %dma_start3A_34 = tpu.memref_squeeze %dma_start3A_33 : memref<1x125xi32, #tpu.memory_space<vmem>> -> memref<125xi32, #tpu.memory_space<vmem>>
    %dma_start3A_35 = arith.constant 0 : i32
    %dma_start3A_36 = arith.constant 0 : i32
    %dma_start3A_37 = tpu.memref_slice %arg2[%dma_start3A_35, %dma_start3A_36] : memref<10000x64xf32, #tpu.memory_space<hbm>> -> memref<10000x64xf32, #tpu.memory_space<hbm>>
    tpu.enqueue_indirect_dma source(%dma_start3A_37 : memref<10000x64xf32, #tpu.memory_space<hbm>>) target(%dma_start3A_31 : memref<125x64xf32, #tpu.memory_space<vmem>>) offsets(%dma_start3A_34 : memref<125xi32, #tpu.memory_space<vmem>>) semaphore(%arg12 : memref<!tpu.dma_semaphore, #tpu.memory_space<semaphore_mem>>)
    %dma_start3A_38 = arith.constant 3 : i32
    %dma_start3A_39 = arith.constant 3 : i32
    %dma_start3A_40 = arith.constant 0 : i32
    %dma_start3A_41 = arith.constant 0 : i32
    %dma_start3A_42 = tpu.memref_slice %arg9[%dma_start3A_39, %dma_start3A_40, %dma_start3A_41] : memref<4x125x64xf32, #tpu.memory_space<vmem>> -> memref<1x125x64xf32, #tpu.memory_space<vmem>>
    %dma_start3A_43 = tpu.memref_squeeze %dma_start3A_42 : memref<1x125x64xf32, #tpu.memory_space<vmem>> -> memref<125x64xf32, #tpu.memory_space<vmem>>
    %dma_start3A_44 = arith.constant 0 : i32
    %dma_start3A_45 = tpu.memref_slice %arg7[%dma_start3A_38, %dma_start3A_44] : memref<80x125xi32, #tpu.memory_space<vmem>> -> memref<1x125xi32, #tpu.memory_space<vmem>>
    %dma_start3A_46 = tpu.memref_squeeze %dma_start3A_45 : memref<1x125xi32, #tpu.memory_space<vmem>> -> memref<125xi32, #tpu.memory_space<vmem>>
    %dma_start3A_47 = arith.constant 0 : i32
    %dma_start3A_48 = arith.constant 0 : i32
    %dma_start3A_49 = tpu.memref_slice %arg2[%dma_start3A_47, %dma_start3A_48] : memref<10000x64xf32, #tpu.memory_space<hbm>> -> memref<10000x64xf32, #tpu.memory_space<hbm>>
    tpu.enqueue_indirect_dma source(%dma_start3A_49 : memref<10000x64xf32, #tpu.memory_space<hbm>>) target(%dma_start3A_43 : memref<125x64xf32, #tpu.memory_space<vmem>>) offsets(%dma_start3A_46 : memref<125xi32, #tpu.memory_space<vmem>>) semaphore(%arg13 : memref<!tpu.dma_semaphore, #tpu.memory_space<semaphore_mem>>)
    %scan3A = arith.constant 0 : i32
    %scan3A_50 = arith.constant 20 : i32
    %scan3A_51 = arith.addi %scan3A, %scan3A_50 : i32
    %scan3A_52 = arith.constant 1 : i32
    scf.for %scan3A_62 = %scan3A to %scan3A_51 step %scan3A_52  : i32 {
      %mul3A_63 = arith.constant 4 : i32
      %mul3A_64 = arith.muli %scan3A_62, %mul3A_63 : i32
      %add3A_65 = arith.constant 0 : i32
      %add3A_66 = arith.addi %add3A_65, %mul3A_64 : i32
      %add3A_67 = arith.constant 0 : i32
      %add3A_68 = arith.addi %add3A_66, %add3A_67 : i32
      %dma_wait3A = arith.constant 0 : i32
      %dma_wait3A_69 = arith.constant 0 : i32
      %dma_wait3A_70 = arith.constant 0 : i32
      %dma_wait3A_71 = arith.constant 0 : i32
      %dma_wait3A_72 = tpu.memref_slice %arg9[%dma_wait3A_69, %dma_wait3A_70, %dma_wait3A_71] : memref<4x125x64xf32, #tpu.memory_space<vmem>> -> memref<1x125x64xf32, #tpu.memory_space<vmem>>
      %dma_wait3A_73 = tpu.memref_squeeze %dma_wait3A_72 : memref<1x125x64xf32, #tpu.memory_space<vmem>> -> memref<125x64xf32, #tpu.memory_space<vmem>>
      %dma_wait3A_74 = arith.constant 0 : i32
      %dma_wait3A_75 = tpu.memref_slice %arg7[%dma_wait3A, %dma_wait3A_74] : memref<80x125xi32, #tpu.memory_space<vmem>> -> memref<1x125xi32, #tpu.memory_space<vmem>>
      %dma_wait3A_76 = tpu.memref_squeeze %dma_wait3A_75 : memref<1x125xi32, #tpu.memory_space<vmem>> -> memref<125xi32, #tpu.memory_space<vmem>>
      %dma_wait3A_77 = arith.constant 0 : i32
      %dma_wait3A_78 = arith.constant 0 : i32
      %dma_wait3A_79 = tpu.memref_slice %arg2[%dma_wait3A_77, %dma_wait3A_78] : memref<10000x64xf32, #tpu.memory_space<hbm>> -> memref<10000x64xf32, #tpu.memory_space<hbm>>
      tpu.wait_indirect_dma semaphore(%arg10 : memref<!tpu.dma_semaphore, #tpu.memory_space<semaphore_mem>>) src(%dma_wait3A_79 : memref<10000x64xf32, #tpu.memory_space<hbm>>) dst(%dma_wait3A_73 : memref<125x64xf32, #tpu.memory_space<vmem>>)
      %dma_start3A_80 = arith.constant 0 : i32
      %dma_start3A_81 = arith.constant 0 : i32
      %dma_start3A_82 = arith.constant 0 : i32
      %dma_start3A_83 = tpu.memref_slice %arg9[%dma_start3A_80, %dma_start3A_81, %dma_start3A_82] : memref<4x125x64xf32, #tpu.memory_space<vmem>> -> memref<1x125x64xf32, #tpu.memory_space<vmem>>
      %dma_start3A_84 = tpu.memref_squeeze %dma_start3A_83 : memref<1x125x64xf32, #tpu.memory_space<vmem>> -> memref<125x64xf32, #tpu.memory_space<vmem>>
      %dma_start3A_85 = arith.constant 0 : i32
      %dma_start3A_86 = tpu.memref_slice %arg8[%add3A_68, %dma_start3A_85] : memref<80x125xi32, #tpu.memory_space<vmem>> -> memref<1x125xi32, #tpu.memory_space<vmem>>
      %dma_start3A_87 = tpu.memref_squeeze %dma_start3A_86 : memref<1x125xi32, #tpu.memory_space<vmem>> -> memref<125xi32, #tpu.memory_space<vmem>>
      %dma_start3A_88 = arith.constant 0 : i32
      %dma_start3A_89 = arith.constant 0 : i32
      %dma_start3A_90 = tpu.memref_slice %arg18[%dma_start3A_88, %dma_start3A_89] : memref<10240x64xf32, #tpu.memory_space<vmem_shared>> -> memref<10240x64xf32, #tpu.memory_space<vmem_shared>>
      tpu.enqueue_indirect_dma source(%dma_start3A_84 : memref<125x64xf32, #tpu.memory_space<vmem>>) target(%dma_start3A_90 : memref<10240x64xf32, #tpu.memory_space<vmem_shared>>) offsets(%dma_start3A_87 : memref<125xi32, #tpu.memory_space<vmem>>) semaphore(%arg14 : memref<!tpu.dma_semaphore, #tpu.memory_space<semaphore_mem>>) {add = true}
      %dma_wait3A_91 = arith.constant 0 : i32
      %dma_wait3A_92 = arith.constant 0 : i32
      %dma_wait3A_93 = arith.constant 0 : i32
      %dma_wait3A_94 = arith.constant 0 : i32
      %dma_wait3A_95 = tpu.memref_slice %arg9[%dma_wait3A_91, %dma_wait3A_93, %dma_wait3A_94] : memref<4x125x64xf32, #tpu.memory_space<vmem>> -> memref<1x125x64xf32, #tpu.memory_space<vmem>>
      %dma_wait3A_96 = tpu.memref_squeeze %dma_wait3A_95 : memref<1x125x64xf32, #tpu.memory_space<vmem>> -> memref<125x64xf32, #tpu.memory_space<vmem>>
      %dma_wait3A_97 = arith.constant 0 : i32
      %dma_wait3A_98 = tpu.memref_slice %arg8[%dma_wait3A_92, %dma_wait3A_97] : memref<80x125xi32, #tpu.memory_space<vmem>> -> memref<1x125xi32, #tpu.memory_space<vmem>>
      %dma_wait3A_99 = tpu.memref_squeeze %dma_wait3A_98 : memref<1x125xi32, #tpu.memory_space<vmem>> -> memref<125xi32, #tpu.memory_space<vmem>>
      %dma_wait3A_100 = arith.constant 0 : i32
      %dma_wait3A_101 = arith.constant 0 : i32
      %dma_wait3A_102 = tpu.memref_slice %arg18[%dma_wait3A_100, %dma_wait3A_101] : memref<10240x64xf32, #tpu.memory_space<vmem_shared>> -> memref<10240x64xf32, #tpu.memory_space<vmem_shared>>
      tpu.wait_indirect_dma semaphore(%arg14 : memref<!tpu.dma_semaphore, #tpu.memory_space<semaphore_mem>>) src(%dma_wait3A_96 : memref<125x64xf32, #tpu.memory_space<vmem>>) dst(%dma_wait3A_102 : memref<10240x64xf32, #tpu.memory_space<vmem_shared>>)
      %add3A_103 = arith.constant 4 : i32
      %add3A_104 = arith.addi %add3A_68, %add3A_103 : i32
      %lt3A = arith.constant 80 : i32
      %lt3A_105 = arith.cmpi slt, %add3A_104, %lt3A : i32
      %convert_element_type3A = arith.extui %lt3A_105 : i1 to i32
      %cond3A = arith.constant 0 : i32
      %cond3A_106 = arith.cmpi ne, %convert_element_type3A, %cond3A : i32
      scf.if %cond3A_106 {
        %add3A_239 = arith.constant 4 : i32
        %add3A_240 = arith.addi %add3A_68, %add3A_239 : i32
        %dma_start3A_241 = arith.constant 0 : i32
        %dma_start3A_242 = arith.constant 0 : i32
        %dma_start3A_243 = arith.constant 0 : i32
        %dma_start3A_244 = tpu.memref_slice %arg9[%dma_start3A_241, %dma_start3A_242, %dma_start3A_243] : memref<4x125x64xf32, #tpu.memory_space<vmem>> -> memref<1x125x64xf32, #tpu.memory_space<vmem>>
        %dma_start3A_245 = tpu.memref_squeeze %dma_start3A_244 : memref<1x125x64xf32, #tpu.memory_space<vmem>> -> memref<125x64xf32, #tpu.memory_space<vmem>>
        %dma_start3A_246 = arith.constant 0 : i32
        %dma_start3A_247 = tpu.memref_slice %arg7[%add3A_240, %dma_start3A_246] : memref<80x125xi32, #tpu.memory_space<vmem>> -> memref<1x125xi32, #tpu.memory_space<vmem>>
        %dma_start3A_248 = tpu.memref_squeeze %dma_start3A_247 : memref<1x125xi32, #tpu.memory_space<vmem>> -> memref<125xi32, #tpu.memory_space<vmem>>
        %dma_start3A_249 = arith.constant 0 : i32
        %dma_start3A_250 = arith.constant 0 : i32
        %dma_start3A_251 = tpu.memref_slice %arg2[%dma_start3A_249, %dma_start3A_250] : memref<10000x64xf32, #tpu.memory_space<hbm>> -> memref<10000x64xf32, #tpu.memory_space<hbm>>
        tpu.enqueue_indirect_dma source(%dma_start3A_251 : memref<10000x64xf32, #tpu.memory_space<hbm>>) target(%dma_start3A_245 : memref<125x64xf32, #tpu.memory_space<vmem>>) offsets(%dma_start3A_248 : memref<125xi32, #tpu.memory_space<vmem>>) semaphore(%arg10 : memref<!tpu.dma_semaphore, #tpu.memory_space<semaphore_mem>>)
      } else {
      }
      %add3A_107 = arith.constant 1 : i32
      %add3A_108 = arith.addi %add3A_66, %add3A_107 : i32
      %dma_wait3A_109 = arith.constant 0 : i32
      %dma_wait3A_110 = arith.constant 1 : i32
      %dma_wait3A_111 = arith.constant 0 : i32
      %dma_wait3A_112 = arith.constant 0 : i32
      %dma_wait3A_113 = tpu.memref_slice %arg9[%dma_wait3A_110, %dma_wait3A_111, %dma_wait3A_112] : memref<4x125x64xf32, #tpu.memory_space<vmem>> -> memref<1x125x64xf32, #tpu.memory_space<vmem>>
      %dma_wait3A_114 = tpu.memref_squeeze %dma_wait3A_113 : memref<1x125x64xf32, #tpu.memory_space<vmem>> -> memref<125x64xf32, #tpu.memory_space<vmem>>
      %dma_wait3A_115 = arith.constant 0 : i32
      %dma_wait3A_116 = tpu.memref_slice %arg7[%dma_wait3A_109, %dma_wait3A_115] : memref<80x125xi32, #tpu.memory_space<vmem>> -> memref<1x125xi32, #tpu.memory_space<vmem>>
      %dma_wait3A_117 = tpu.memref_squeeze %dma_wait3A_116 : memref<1x125xi32, #tpu.memory_space<vmem>> -> memref<125xi32, #tpu.memory_space<vmem>>
      %dma_wait3A_118 = arith.constant 0 : i32
      %dma_wait3A_119 = arith.constant 0 : i32
      %dma_wait3A_120 = tpu.memref_slice %arg2[%dma_wait3A_118, %dma_wait3A_119] : memref<10000x64xf32, #tpu.memory_space<hbm>> -> memref<10000x64xf32, #tpu.memory_space<hbm>>
      tpu.wait_indirect_dma semaphore(%arg11 : memref<!tpu.dma_semaphore, #tpu.memory_space<semaphore_mem>>) src(%dma_wait3A_120 : memref<10000x64xf32, #tpu.memory_space<hbm>>) dst(%dma_wait3A_114 : memref<125x64xf32, #tpu.memory_space<vmem>>)
      %dma_start3A_121 = arith.constant 1 : i32
      %dma_start3A_122 = arith.constant 0 : i32
      %dma_start3A_123 = arith.constant 0 : i32
      %dma_start3A_124 = tpu.memref_slice %arg9[%dma_start3A_121, %dma_start3A_122, %dma_start3A_123] : memref<4x125x64xf32, #tpu.memory_space<vmem>> -> memref<1x125x64xf32, #tpu.memory_space<vmem>>
      %dma_start3A_125 = tpu.memref_squeeze %dma_start3A_124 : memref<1x125x64xf32, #tpu.memory_space<vmem>> -> memref<125x64xf32, #tpu.memory_space<vmem>>
      %dma_start3A_126 = arith.constant 0 : i32
      %dma_start3A_127 = tpu.memref_slice %arg8[%add3A_108, %dma_start3A_126] : memref<80x125xi32, #tpu.memory_space<vmem>> -> memref<1x125xi32, #tpu.memory_space<vmem>>
      %dma_start3A_128 = tpu.memref_squeeze %dma_start3A_127 : memref<1x125xi32, #tpu.memory_space<vmem>> -> memref<125xi32, #tpu.memory_space<vmem>>
      %dma_start3A_129 = arith.constant 0 : i32
      %dma_start3A_130 = arith.constant 0 : i32
      %dma_start3A_131 = tpu.memref_slice %arg18[%dma_start3A_129, %dma_start3A_130] : memref<10240x64xf32, #tpu.memory_space<vmem_shared>> -> memref<10240x64xf32, #tpu.memory_space<vmem_shared>>
      tpu.enqueue_indirect_dma source(%dma_start3A_125 : memref<125x64xf32, #tpu.memory_space<vmem>>) target(%dma_start3A_131 : memref<10240x64xf32, #tpu.memory_space<vmem_shared>>) offsets(%dma_start3A_128 : memref<125xi32, #tpu.memory_space<vmem>>) semaphore(%arg15 : memref<!tpu.dma_semaphore, #tpu.memory_space<semaphore_mem>>) {add = true}
      %dma_wait3A_132 = arith.constant 1 : i32
      %dma_wait3A_133 = arith.constant 0 : i32
      %dma_wait3A_134 = arith.constant 0 : i32
      %dma_wait3A_135 = arith.constant 0 : i32
      %dma_wait3A_136 = tpu.memref_slice %arg9[%dma_wait3A_132, %dma_wait3A_134, %dma_wait3A_135] : memref<4x125x64xf32, #tpu.memory_space<vmem>> -> memref<1x125x64xf32, #tpu.memory_space<vmem>>
      %dma_wait3A_137 = tpu.memref_squeeze %dma_wait3A_136 : memref<1x125x64xf32, #tpu.memory_space<vmem>> -> memref<125x64xf32, #tpu.memory_space<vmem>>
      %dma_wait3A_138 = arith.constant 0 : i32
      %dma_wait3A_139 = tpu.memref_slice %arg8[%dma_wait3A_133, %dma_wait3A_138] : memref<80x125xi32, #tpu.memory_space<vmem>> -> memref<1x125xi32, #tpu.memory_space<vmem>>
      %dma_wait3A_140 = tpu.memref_squeeze %dma_wait3A_139 : memref<1x125xi32, #tpu.memory_space<vmem>> -> memref<125xi32, #tpu.memory_space<vmem>>
      %dma_wait3A_141 = arith.constant 0 : i32
      %dma_wait3A_142 = arith.constant 0 : i32
      %dma_wait3A_143 = tpu.memref_slice %arg18[%dma_wait3A_141, %dma_wait3A_142] : memref<10240x64xf32, #tpu.memory_space<vmem_shared>> -> memref<10240x64xf32, #tpu.memory_space<vmem_shared>>
      tpu.wait_indirect_dma semaphore(%arg15 : memref<!tpu.dma_semaphore, #tpu.memory_space<semaphore_mem>>) src(%dma_wait3A_137 : memref<125x64xf32, #tpu.memory_space<vmem>>) dst(%dma_wait3A_143 : memref<10240x64xf32, #tpu.memory_space<vmem_shared>>)
      %add3A_144 = arith.constant 4 : i32
      %add3A_145 = arith.addi %add3A_108, %add3A_144 : i32
      %lt3A_146 = arith.constant 80 : i32
      %lt3A_147 = arith.cmpi slt, %add3A_145, %lt3A_146 : i32
      %convert_element_type3A_148 = arith.extui %lt3A_147 : i1 to i32
      %cond3A_149 = arith.constant 0 : i32
      %cond3A_150 = arith.cmpi ne, %convert_element_type3A_148, %cond3A_149 : i32
      scf.if %cond3A_150 {
        %add3A_239 = arith.constant 4 : i32
        %add3A_240 = arith.addi %add3A_108, %add3A_239 : i32
        %dma_start3A_241 = arith.constant 1 : i32
        %dma_start3A_242 = arith.constant 0 : i32
        %dma_start3A_243 = arith.constant 0 : i32
        %dma_start3A_244 = tpu.memref_slice %arg9[%dma_start3A_241, %dma_start3A_242, %dma_start3A_243] : memref<4x125x64xf32, #tpu.memory_space<vmem>> -> memref<1x125x64xf32, #tpu.memory_space<vmem>>
        %dma_start3A_245 = tpu.memref_squeeze %dma_start3A_244 : memref<1x125x64xf32, #tpu.memory_space<vmem>> -> memref<125x64xf32, #tpu.memory_space<vmem>>
        %dma_start3A_246 = arith.constant 0 : i32
        %dma_start3A_247 = tpu.memref_slice %arg7[%add3A_240, %dma_start3A_246] : memref<80x125xi32, #tpu.memory_space<vmem>> -> memref<1x125xi32, #tpu.memory_space<vmem>>
        %dma_start3A_248 = tpu.memref_squeeze %dma_start3A_247 : memref<1x125xi32, #tpu.memory_space<vmem>> -> memref<125xi32, #tpu.memory_space<vmem>>
        %dma_start3A_249 = arith.constant 0 : i32
        %dma_start3A_250 = arith.constant 0 : i32
        %dma_start3A_251 = tpu.memref_slice %arg2[%dma_start3A_249, %dma_start3A_250] : memref<10000x64xf32, #tpu.memory_space<hbm>> -> memref<10000x64xf32, #tpu.memory_space<hbm>>
        tpu.enqueue_indirect_dma source(%dma_start3A_251 : memref<10000x64xf32, #tpu.memory_space<hbm>>) target(%dma_start3A_245 : memref<125x64xf32, #tpu.memory_space<vmem>>) offsets(%dma_start3A_248 : memref<125xi32, #tpu.memory_space<vmem>>) semaphore(%arg11 : memref<!tpu.dma_semaphore, #tpu.memory_space<semaphore_mem>>)
      } else {
      }
      %add3A_151 = arith.constant 2 : i32
      %add3A_152 = arith.addi %add3A_66, %add3A_151 : i32
      %dma_wait3A_153 = arith.constant 0 : i32
      %dma_wait3A_154 = arith.constant 2 : i32
      %dma_wait3A_155 = arith.constant 0 : i32
      %dma_wait3A_156 = arith.constant 0 : i32
      %dma_wait3A_157 = tpu.memref_slice %arg9[%dma_wait3A_154, %dma_wait3A_155, %dma_wait3A_156] : memref<4x125x64xf32, #tpu.memory_space<vmem>> -> memref<1x125x64xf32, #tpu.memory_space<vmem>>
      %dma_wait3A_158 = tpu.memref_squeeze %dma_wait3A_157 : memref<1x125x64xf32, #tpu.memory_space<vmem>> -> memref<125x64xf32, #tpu.memory_space<vmem>>
      %dma_wait3A_159 = arith.constant 0 : i32
      %dma_wait3A_160 = tpu.memref_slice %arg7[%dma_wait3A_153, %dma_wait3A_159] : memref<80x125xi32, #tpu.memory_space<vmem>> -> memref<1x125xi32, #tpu.memory_space<vmem>>
      %dma_wait3A_161 = tpu.memref_squeeze %dma_wait3A_160 : memref<1x125xi32, #tpu.memory_space<vmem>> -> memref<125xi32, #tpu.memory_space<vmem>>
      %dma_wait3A_162 = arith.constant 0 : i32
      %dma_wait3A_163 = arith.constant 0 : i32
      %dma_wait3A_164 = tpu.memref_slice %arg2[%dma_wait3A_162, %dma_wait3A_163] : memref<10000x64xf32, #tpu.memory_space<hbm>> -> memref<10000x64xf32, #tpu.memory_space<hbm>>
      tpu.wait_indirect_dma semaphore(%arg12 : memref<!tpu.dma_semaphore, #tpu.memory_space<semaphore_mem>>) src(%dma_wait3A_164 : memref<10000x64xf32, #tpu.memory_space<hbm>>) dst(%dma_wait3A_158 : memref<125x64xf32, #tpu.memory_space<vmem>>)
      %dma_start3A_165 = arith.constant 2 : i32
      %dma_start3A_166 = arith.constant 0 : i32
      %dma_start3A_167 = arith.constant 0 : i32
      %dma_start3A_168 = tpu.memref_slice %arg9[%dma_start3A_165, %dma_start3A_166, %dma_start3A_167] : memref<4x125x64xf32, #tpu.memory_space<vmem>> -> memref<1x125x64xf32, #tpu.memory_space<vmem>>
      %dma_start3A_169 = tpu.memref_squeeze %dma_start3A_168 : memref<1x125x64xf32, #tpu.memory_space<vmem>> -> memref<125x64xf32, #tpu.memory_space<vmem>>
      %dma_start3A_170 = arith.constant 0 : i32
      %dma_start3A_171 = tpu.memref_slice %arg8[%add3A_152, %dma_start3A_170] : memref<80x125xi32, #tpu.memory_space<vmem>> -> memref<1x125xi32, #tpu.memory_space<vmem>>
      %dma_start3A_172 = tpu.memref_squeeze %dma_start3A_171 : memref<1x125xi32, #tpu.memory_space<vmem>> -> memref<125xi32, #tpu.memory_space<vmem>>
      %dma_start3A_173 = arith.constant 0 : i32
      %dma_start3A_174 = arith.constant 0 : i32
      %dma_start3A_175 = tpu.memref_slice %arg18[%dma_start3A_173, %dma_start3A_174] : memref<10240x64xf32, #tpu.memory_space<vmem_shared>> -> memref<10240x64xf32, #tpu.memory_space<vmem_shared>>
      tpu.enqueue_indirect_dma source(%dma_start3A_169 : memref<125x64xf32, #tpu.memory_space<vmem>>) target(%dma_start3A_175 : memref<10240x64xf32, #tpu.memory_space<vmem_shared>>) offsets(%dma_start3A_172 : memref<125xi32, #tpu.memory_space<vmem>>) semaphore(%arg16 : memref<!tpu.dma_semaphore, #tpu.memory_space<semaphore_mem>>) {add = true}
      %dma_wait3A_176 = arith.constant 2 : i32
      %dma_wait3A_177 = arith.constant 0 : i32
      %dma_wait3A_178 = arith.constant 0 : i32
      %dma_wait3A_179 = arith.constant 0 : i32
      %dma_wait3A_180 = tpu.memref_slice %arg9[%dma_wait3A_176, %dma_wait3A_178, %dma_wait3A_179] : memref<4x125x64xf32, #tpu.memory_space<vmem>> -> memref<1x125x64xf32, #tpu.memory_space<vmem>>
      %dma_wait3A_181 = tpu.memref_squeeze %dma_wait3A_180 : memref<1x125x64xf32, #tpu.memory_space<vmem>> -> memref<125x64xf32, #tpu.memory_space<vmem>>
      %dma_wait3A_182 = arith.constant 0 : i32
      %dma_wait3A_183 = tpu.memref_slice %arg8[%dma_wait3A_177, %dma_wait3A_182] : memref<80x125xi32, #tpu.memory_space<vmem>> -> memref<1x125xi32, #tpu.memory_space<vmem>>
      %dma_wait3A_184 = tpu.memref_squeeze %dma_wait3A_183 : memref<1x125xi32, #tpu.memory_space<vmem>> -> memref<125xi32, #tpu.memory_space<vmem>>
      %dma_wait3A_185 = arith.constant 0 : i32
      %dma_wait3A_186 = arith.constant 0 : i32
      %dma_wait3A_187 = tpu.memref_slice %arg18[%dma_wait3A_185, %dma_wait3A_186] : memref<10240x64xf32, #tpu.memory_space<vmem_shared>> -> memref<10240x64xf32, #tpu.memory_space<vmem_shared>>
      tpu.wait_indirect_dma semaphore(%arg16 : memref<!tpu.dma_semaphore, #tpu.memory_space<semaphore_mem>>) src(%dma_wait3A_181 : memref<125x64xf32, #tpu.memory_space<vmem>>) dst(%dma_wait3A_187 : memref<10240x64xf32, #tpu.memory_space<vmem_shared>>)
      %add3A_188 = arith.constant 4 : i32
      %add3A_189 = arith.addi %add3A_152, %add3A_188 : i32
      %lt3A_190 = arith.constant 80 : i32
      %lt3A_191 = arith.cmpi slt, %add3A_189, %lt3A_190 : i32
      %convert_element_type3A_192 = arith.extui %lt3A_191 : i1 to i32
      %cond3A_193 = arith.constant 0 : i32
      %cond3A_194 = arith.cmpi ne, %convert_element_type3A_192, %cond3A_193 : i32
      scf.if %cond3A_194 {
        %add3A_239 = arith.constant 4 : i32
        %add3A_240 = arith.addi %add3A_152, %add3A_239 : i32
        %dma_start3A_241 = arith.constant 2 : i32
        %dma_start3A_242 = arith.constant 0 : i32
        %dma_start3A_243 = arith.constant 0 : i32
        %dma_start3A_244 = tpu.memref_slice %arg9[%dma_start3A_241, %dma_start3A_242, %dma_start3A_243] : memref<4x125x64xf32, #tpu.memory_space<vmem>> -> memref<1x125x64xf32, #tpu.memory_space<vmem>>
        %dma_start3A_245 = tpu.memref_squeeze %dma_start3A_244 : memref<1x125x64xf32, #tpu.memory_space<vmem>> -> memref<125x64xf32, #tpu.memory_space<vmem>>
        %dma_start3A_246 = arith.constant 0 : i32
        %dma_start3A_247 = tpu.memref_slice %arg7[%add3A_240, %dma_start3A_246] : memref<80x125xi32, #tpu.memory_space<vmem>> -> memref<1x125xi32, #tpu.memory_space<vmem>>
        %dma_start3A_248 = tpu.memref_squeeze %dma_start3A_247 : memref<1x125xi32, #tpu.memory_space<vmem>> -> memref<125xi32, #tpu.memory_space<vmem>>
        %dma_start3A_249 = arith.constant 0 : i32
        %dma_start3A_250 = arith.constant 0 : i32
        %dma_start3A_251 = tpu.memref_slice %arg2[%dma_start3A_249, %dma_start3A_250] : memref<10000x64xf32, #tpu.memory_space<hbm>> -> memref<10000x64xf32, #tpu.memory_space<hbm>>
        tpu.enqueue_indirect_dma source(%dma_start3A_251 : memref<10000x64xf32, #tpu.memory_space<hbm>>) target(%dma_start3A_245 : memref<125x64xf32, #tpu.memory_space<vmem>>) offsets(%dma_start3A_248 : memref<125xi32, #tpu.memory_space<vmem>>) semaphore(%arg12 : memref<!tpu.dma_semaphore, #tpu.memory_space<semaphore_mem>>)
      } else {
      }
      %add3A_195 = arith.constant 3 : i32
      %add3A_196 = arith.addi %add3A_66, %add3A_195 : i32
      %dma_wait3A_197 = arith.constant 0 : i32
      %dma_wait3A_198 = arith.constant 3 : i32
      %dma_wait3A_199 = arith.constant 0 : i32
      %dma_wait3A_200 = arith.constant 0 : i32
      %dma_wait3A_201 = tpu.memref_slice %arg9[%dma_wait3A_198, %dma_wait3A_199, %dma_wait3A_200] : memref<4x125x64xf32, #tpu.memory_space<vmem>> -> memref<1x125x64xf32, #tpu.memory_space<vmem>>
      %dma_wait3A_202 = tpu.memref_squeeze %dma_wait3A_201 : memref<1x125x64xf32, #tpu.memory_space<vmem>> -> memref<125x64xf32, #tpu.memory_space<vmem>>
      %dma_wait3A_203 = arith.constant 0 : i32
      %dma_wait3A_204 = tpu.memref_slice %arg7[%dma_wait3A_197, %dma_wait3A_203] : memref<80x125xi32, #tpu.memory_space<vmem>> -> memref<1x125xi32, #tpu.memory_space<vmem>>
      %dma_wait3A_205 = tpu.memref_squeeze %dma_wait3A_204 : memref<1x125xi32, #tpu.memory_space<vmem>> -> memref<125xi32, #tpu.memory_space<vmem>>
      %dma_wait3A_206 = arith.constant 0 : i32
      %dma_wait3A_207 = arith.constant 0 : i32
      %dma_wait3A_208 = tpu.memref_slice %arg2[%dma_wait3A_206, %dma_wait3A_207] : memref<10000x64xf32, #tpu.memory_space<hbm>> -> memref<10000x64xf32, #tpu.memory_space<hbm>>
      tpu.wait_indirect_dma semaphore(%arg13 : memref<!tpu.dma_semaphore, #tpu.memory_space<semaphore_mem>>) src(%dma_wait3A_208 : memref<10000x64xf32, #tpu.memory_space<hbm>>) dst(%dma_wait3A_202 : memref<125x64xf32, #tpu.memory_space<vmem>>)
      %dma_start3A_209 = arith.constant 3 : i32
      %dma_start3A_210 = arith.constant 0 : i32
      %dma_start3A_211 = arith.constant 0 : i32
      %dma_start3A_212 = tpu.memref_slice %arg9[%dma_start3A_209, %dma_start3A_210, %dma_start3A_211] : memref<4x125x64xf32, #tpu.memory_space<vmem>> -> memref<1x125x64xf32, #tpu.memory_space<vmem>>
      %dma_start3A_213 = tpu.memref_squeeze %dma_start3A_212 : memref<1x125x64xf32, #tpu.memory_space<vmem>> -> memref<125x64xf32, #tpu.memory_space<vmem>>
      %dma_start3A_214 = arith.constant 0 : i32
      %dma_start3A_215 = tpu.memref_slice %arg8[%add3A_196, %dma_start3A_214] : memref<80x125xi32, #tpu.memory_space<vmem>> -> memref<1x125xi32, #tpu.memory_space<vmem>>
      %dma_start3A_216 = tpu.memref_squeeze %dma_start3A_215 : memref<1x125xi32, #tpu.memory_space<vmem>> -> memref<125xi32, #tpu.memory_space<vmem>>
      %dma_start3A_217 = arith.constant 0 : i32
      %dma_start3A_218 = arith.constant 0 : i32
      %dma_start3A_219 = tpu.memref_slice %arg18[%dma_start3A_217, %dma_start3A_218] : memref<10240x64xf32, #tpu.memory_space<vmem_shared>> -> memref<10240x64xf32, #tpu.memory_space<vmem_shared>>
      tpu.enqueue_indirect_dma source(%dma_start3A_213 : memref<125x64xf32, #tpu.memory_space<vmem>>) target(%dma_start3A_219 : memref<10240x64xf32, #tpu.memory_space<vmem_shared>>) offsets(%dma_start3A_216 : memref<125xi32, #tpu.memory_space<vmem>>) semaphore(%arg17 : memref<!tpu.dma_semaphore, #tpu.memory_space<semaphore_mem>>) {add = true}
      %dma_wait3A_220 = arith.constant 3 : i32
      %dma_wait3A_221 = arith.constant 0 : i32
      %dma_wait3A_222 = arith.constant 0 : i32
      %dma_wait3A_223 = arith.constant 0 : i32
      %dma_wait3A_224 = tpu.memref_slice %arg9[%dma_wait3A_220, %dma_wait3A_222, %dma_wait3A_223] : memref<4x125x64xf32, #tpu.memory_space<vmem>> -> memref<1x125x64xf32, #tpu.memory_space<vmem>>
      %dma_wait3A_225 = tpu.memref_squeeze %dma_wait3A_224 : memref<1x125x64xf32, #tpu.memory_space<vmem>> -> memref<125x64xf32, #tpu.memory_space<vmem>>
      %dma_wait3A_226 = arith.constant 0 : i32
      %dma_wait3A_227 = tpu.memref_slice %arg8[%dma_wait3A_221, %dma_wait3A_226] : memref<80x125xi32, #tpu.memory_space<vmem>> -> memref<1x125xi32, #tpu.memory_space<vmem>>
      %dma_wait3A_228 = tpu.memref_squeeze %dma_wait3A_227 : memref<1x125xi32, #tpu.memory_space<vmem>> -> memref<125xi32, #tpu.memory_space<vmem>>
      %dma_wait3A_229 = arith.constant 0 : i32
      %dma_wait3A_230 = arith.constant 0 : i32
      %dma_wait3A_231 = tpu.memref_slice %arg18[%dma_wait3A_229, %dma_wait3A_230] : memref<10240x64xf32, #tpu.memory_space<vmem_shared>> -> memref<10240x64xf32, #tpu.memory_space<vmem_shared>>
      tpu.wait_indirect_dma semaphore(%arg17 : memref<!tpu.dma_semaphore, #tpu.memory_space<semaphore_mem>>) src(%dma_wait3A_225 : memref<125x64xf32, #tpu.memory_space<vmem>>) dst(%dma_wait3A_231 : memref<10240x64xf32, #tpu.memory_space<vmem_shared>>)
      %add3A_232 = arith.constant 4 : i32
      %add3A_233 = arith.addi %add3A_196, %add3A_232 : i32
      %lt3A_234 = arith.constant 80 : i32
      %lt3A_235 = arith.cmpi slt, %add3A_233, %lt3A_234 : i32
      %convert_element_type3A_236 = arith.extui %lt3A_235 : i1 to i32
      %cond3A_237 = arith.constant 0 : i32
      %cond3A_238 = arith.cmpi ne, %convert_element_type3A_236, %cond3A_237 : i32
      scf.if %cond3A_238 {
        %add3A_239 = arith.constant 4 : i32
        %add3A_240 = arith.addi %add3A_196, %add3A_239 : i32
        %dma_start3A_241 = arith.constant 3 : i32
        %dma_start3A_242 = arith.constant 0 : i32
        %dma_start3A_243 = arith.constant 0 : i32
        %dma_start3A_244 = tpu.memref_slice %arg9[%dma_start3A_241, %dma_start3A_242, %dma_start3A_243] : memref<4x125x64xf32, #tpu.memory_space<vmem>> -> memref<1x125x64xf32, #tpu.memory_space<vmem>>
        %dma_start3A_245 = tpu.memref_squeeze %dma_start3A_244 : memref<1x125x64xf32, #tpu.memory_space<vmem>> -> memref<125x64xf32, #tpu.memory_space<vmem>>
        %dma_start3A_246 = arith.constant 0 : i32
        %dma_start3A_247 = tpu.memref_slice %arg7[%add3A_240, %dma_start3A_246] : memref<80x125xi32, #tpu.memory_space<vmem>> -> memref<1x125xi32, #tpu.memory_space<vmem>>
        %dma_start3A_248 = tpu.memref_squeeze %dma_start3A_247 : memref<1x125xi32, #tpu.memory_space<vmem>> -> memref<125xi32, #tpu.memory_space<vmem>>
        %dma_start3A_249 = arith.constant 0 : i32
        %dma_start3A_250 = arith.constant 0 : i32
        %dma_start3A_251 = tpu.memref_slice %arg2[%dma_start3A_249, %dma_start3A_250] : memref<10000x64xf32, #tpu.memory_space<hbm>> -> memref<10000x64xf32, #tpu.memory_space<hbm>>
        tpu.enqueue_indirect_dma source(%dma_start3A_251 : memref<10000x64xf32, #tpu.memory_space<hbm>>) target(%dma_start3A_245 : memref<125x64xf32, #tpu.memory_space<vmem>>) offsets(%dma_start3A_248 : memref<125xi32, #tpu.memory_space<vmem>>) semaphore(%arg13 : memref<!tpu.dma_semaphore, #tpu.memory_space<semaphore_mem>>)
      } else {
      }
    }
    %scan3A_53 = arith.constant 20 : i32
    %barrier3A_54 = arith.constant 0 : index
    tpu.barrier barrier_id(%barrier3A_54)
    %mul3A_55 = arith.constant 640 : i32
    %mul3A_56 = arith.muli %arg1, %mul3A_55 : i32
    %mul3A_57 = arith.constant 10240 : i32
    %mul3A_58 = arith.muli %arg0, %mul3A_57 : i32
    %mul3A_59 = arith.constant 640 : i32
    %mul3A_60 = arith.muli %arg1, %mul3A_59 : i32
    %add3A_61 = arith.addi %mul3A_58, %mul3A_60 : i32
    "tpu.region"() ({
      %run_scoped3A = tpu.sem_alloc : memref<!tpu.dma_semaphore, #tpu.memory_space<semaphore_mem>>
      %dma_start3A_62 = arith.constant 0 : i32
      %dma_start3A_63 = tpu.memref_slice %arg6[%add3A_61, %dma_start3A_62] : memref<20480x64xf32, #tpu.memory_space<hbm>> -> memref<640x64xf32, #tpu.memory_space<hbm>>
      %dma_start3A_64 = arith.constant 0 : i32
      %dma_start3A_65 = tpu.memref_slice %arg18[%mul3A_56, %dma_start3A_64] : memref<10240x64xf32, #tpu.memory_space<vmem_shared>> -> memref<640x64xf32, #tpu.memory_space<vmem_shared>>
      tpu.enqueue_dma source(%dma_start3A_65 : memref<640x64xf32, #tpu.memory_space<vmem_shared>>) target(%dma_start3A_63 : memref<640x64xf32, #tpu.memory_space<hbm>>) target_semaphore(%run_scoped3A : memref<!tpu.dma_semaphore, #tpu.memory_space<semaphore_mem>>)
      %dma_wait3A = arith.constant 0 : i32
      %dma_wait3A_66 = tpu.memref_slice %arg6[%add3A_61, %dma_wait3A] : memref<20480x64xf32, #tpu.memory_space<hbm>> -> memref<640x64xf32, #tpu.memory_space<hbm>>
      %dma_wait3A_67 = arith.constant 0 : i32
      %dma_wait3A_68 = tpu.memref_slice %arg18[%mul3A_56, %dma_wait3A_67] : memref<10240x64xf32, #tpu.memory_space<vmem_shared>> -> memref<640x64xf32, #tpu.memory_space<vmem_shared>>
      tpu.wait_dma2 semaphore(%run_scoped3A : memref<!tpu.dma_semaphore, #tpu.memory_space<semaphore_mem>>) src(%dma_wait3A_68 : memref<640x64xf32, #tpu.memory_space<vmem_shared>>) dst(%dma_wait3A_66 : memref<640x64xf32, #tpu.memory_space<hbm>>)
      tpu.yield
    }) : () -> ()
    return
  }
}

#map = affine_map<(d0, d1) -> (0, 0, 0)>
#map1 = affine_map<(d0, d1) -> (0, 0)>
module attributes {stable_mosaic.version = 14 : i64} {
  func.func @_sc_degree(%arg0: i32, %arg1: i32, %arg2: memref<32x80x125xi32, #tpu.memory_space<hbm>>, %arg3: memref<125x16xf32, #tpu.memory_space<hbm>>, %arg4: memref<640x16xf32, #tpu.memory_space<hbm>>, %arg5: memref<20480x16xf32, #tpu.memory_space<hbm>>, %arg6: memref<80x125xi32, #tpu.memory_space<vmem>>, %arg7: memref<125x16xf32, #tpu.memory_space<vmem>>, %arg8: memref<10240x16xf32, #tpu.memory_space<vmem_shared>>) attributes {dimension_semantics = [#tpu.dimension_semantics<core_parallel>, #tpu.dimension_semantics<subcore_parallel>], iteration_bounds = array<i64: 2, 16>, scalar_prefetch = 0 : i64, scratch_operands = 3 : i64, tpu.core_type = #tpu.core_type<sc_vector_subcore>, window_params = [{transform_indices = #map}, {transform_indices = #map1}, {transform_indices = #map1}, {transform_indices = #map1}]} {
    %mul3A = arith.constant 16 : i32
    %mul3A_0 = arith.muli %arg0, %mul3A : i32
    %add3A = arith.addi %mul3A_0, %arg1 : i32
    %mul3A_1 = arith.constant 640 : i32
    %mul3A_2 = arith.muli %arg1, %mul3A_1 : i32
    "tpu.region"() ({
      %run_scoped3A = tpu.sem_alloc : memref<!tpu.dma_semaphore, #tpu.memory_space<semaphore_mem>>
      %dma_start3A = arith.constant 0 : i32
      %dma_start3A_15 = tpu.memref_slice %arg8[%mul3A_2, %dma_start3A] : memref<10240x16xf32, #tpu.memory_space<vmem_shared>> -> memref<640x16xf32, #tpu.memory_space<vmem_shared>>
      tpu.enqueue_dma source(%arg4 : memref<640x16xf32, #tpu.memory_space<hbm>>) target(%dma_start3A_15 : memref<640x16xf32, #tpu.memory_space<vmem_shared>>) target_semaphore(%run_scoped3A : memref<!tpu.dma_semaphore, #tpu.memory_space<semaphore_mem>>)
      %dma_wait3A = arith.constant 0 : i32
      %dma_wait3A_16 = tpu.memref_slice %arg8[%mul3A_2, %dma_wait3A] : memref<10240x16xf32, #tpu.memory_space<vmem_shared>> -> memref<640x16xf32, #tpu.memory_space<vmem_shared>>
      tpu.wait_dma2 semaphore(%run_scoped3A : memref<!tpu.dma_semaphore, #tpu.memory_space<semaphore_mem>>) src(%arg4 : memref<640x16xf32, #tpu.memory_space<hbm>>) dst(%dma_wait3A_16 : memref<640x16xf32, #tpu.memory_space<vmem_shared>>)
      tpu.yield
    }) : () -> ()
    "tpu.region"() ({
      %run_scoped3A = tpu.sem_alloc : memref<!tpu.dma_semaphore, #tpu.memory_space<semaphore_mem>>
      tpu.enqueue_dma source(%arg3 : memref<125x16xf32, #tpu.memory_space<hbm>>) target(%arg7 : memref<125x16xf32, #tpu.memory_space<vmem>>) target_semaphore(%run_scoped3A : memref<!tpu.dma_semaphore, #tpu.memory_space<semaphore_mem>>)
      tpu.wait_dma2 semaphore(%run_scoped3A : memref<!tpu.dma_semaphore, #tpu.memory_space<semaphore_mem>>) src(%arg3 : memref<125x16xf32, #tpu.memory_space<hbm>>) dst(%arg7 : memref<125x16xf32, #tpu.memory_space<vmem>>)
      tpu.yield
    }) : () -> ()
    "tpu.region"() ({
      %run_scoped3A = tpu.sem_alloc : memref<!tpu.dma_semaphore, #tpu.memory_space<semaphore_mem>>
      %dma_start3A = arith.constant 0 : i32
      %dma_start3A_15 = arith.constant 0 : i32
      %dma_start3A_16 = tpu.memref_slice %arg2[%add3A, %dma_start3A, %dma_start3A_15] : memref<32x80x125xi32, #tpu.memory_space<hbm>> -> memref<1x80x125xi32, #tpu.memory_space<hbm>>
      %dma_start3A_17 = tpu.memref_squeeze %dma_start3A_16 : memref<1x80x125xi32, #tpu.memory_space<hbm>> -> memref<80x125xi32, #tpu.memory_space<hbm>>
      %dma_start3A_18 = arith.constant 0 : i32
      %dma_start3A_19 = arith.constant 0 : i32
      %dma_start3A_20 = tpu.memref_slice %arg2[%add3A, %dma_start3A_18, %dma_start3A_19] : memref<32x80x125xi32, #tpu.memory_space<hbm>> -> memref<1x80x125xi32, #tpu.memory_space<hbm>>
      %dma_start3A_21 = tpu.memref_squeeze %dma_start3A_20 : memref<1x80x125xi32, #tpu.memory_space<hbm>> -> memref<80x125xi32, #tpu.memory_space<hbm>>
      tpu.enqueue_dma source(%dma_start3A_21 : memref<80x125xi32, #tpu.memory_space<hbm>>) target(%arg6 : memref<80x125xi32, #tpu.memory_space<vmem>>) target_semaphore(%run_scoped3A : memref<!tpu.dma_semaphore, #tpu.memory_space<semaphore_mem>>)
      %dma_wait3A = arith.constant 0 : i32
      %dma_wait3A_22 = arith.constant 0 : i32
      %dma_wait3A_23 = tpu.memref_slice %arg2[%add3A, %dma_wait3A, %dma_wait3A_22] : memref<32x80x125xi32, #tpu.memory_space<hbm>> -> memref<1x80x125xi32, #tpu.memory_space<hbm>>
      %dma_wait3A_24 = tpu.memref_squeeze %dma_wait3A_23 : memref<1x80x125xi32, #tpu.memory_space<hbm>> -> memref<80x125xi32, #tpu.memory_space<hbm>>
      %dma_wait3A_25 = arith.constant 0 : i32
      %dma_wait3A_26 = arith.constant 0 : i32
      %dma_wait3A_27 = tpu.memref_slice %arg2[%add3A, %dma_wait3A_25, %dma_wait3A_26] : memref<32x80x125xi32, #tpu.memory_space<hbm>> -> memref<1x80x125xi32, #tpu.memory_space<hbm>>
      %dma_wait3A_28 = tpu.memref_squeeze %dma_wait3A_27 : memref<1x80x125xi32, #tpu.memory_space<hbm>> -> memref<80x125xi32, #tpu.memory_space<hbm>>
      tpu.wait_dma2 semaphore(%run_scoped3A : memref<!tpu.dma_semaphore, #tpu.memory_space<semaphore_mem>>) src(%dma_wait3A_28 : memref<80x125xi32, #tpu.memory_space<hbm>>) dst(%arg6 : memref<80x125xi32, #tpu.memory_space<vmem>>)
      tpu.yield
    }) : () -> ()
    %barrier3A = arith.constant 0 : index
    tpu.barrier barrier_id(%barrier3A)
    %scan3A = arith.constant 0 : i32
    %scan3A_3 = arith.constant 80 : i32
    %scan3A_4 = arith.addi %scan3A, %scan3A_3 : i32
    %scan3A_5 = arith.constant 1 : i32
    scf.for %scan3A_15 = %scan3A to %scan3A_4 step %scan3A_5  : i32 {
      %mul3A_16 = arith.constant 1 : i32
      %mul3A_17 = arith.muli %scan3A_15, %mul3A_16 : i32
      %add3A_18 = arith.constant 0 : i32
      %add3A_19 = arith.addi %add3A_18, %mul3A_17 : i32
      "tpu.region"() ({
        %run_scoped3A = tpu.sem_alloc : memref<!tpu.dma_semaphore, #tpu.memory_space<semaphore_mem>>
        %dma_start3A = arith.constant 0 : i32
        %dma_start3A_20 = tpu.memref_slice %arg6[%add3A_19, %dma_start3A] : memref<80x125xi32, #tpu.memory_space<vmem>> -> memref<1x125xi32, #tpu.memory_space<vmem>>
        %dma_start3A_21 = tpu.memref_squeeze %dma_start3A_20 : memref<1x125xi32, #tpu.memory_space<vmem>> -> memref<125xi32, #tpu.memory_space<vmem>>
        %dma_start3A_22 = arith.constant 0 : i32
        %dma_start3A_23 = arith.constant 0 : i32
        %dma_start3A_24 = tpu.memref_slice %arg8[%dma_start3A_22, %dma_start3A_23] : memref<10240x16xf32, #tpu.memory_space<vmem_shared>> -> memref<10240x16xf32, #tpu.memory_space<vmem_shared>>
        tpu.enqueue_indirect_dma source(%arg7 : memref<125x16xf32, #tpu.memory_space<vmem>>) target(%dma_start3A_24 : memref<10240x16xf32, #tpu.memory_space<vmem_shared>>) offsets(%dma_start3A_21 : memref<125xi32, #tpu.memory_space<vmem>>) semaphore(%run_scoped3A : memref<!tpu.dma_semaphore, #tpu.memory_space<semaphore_mem>>) {add = true}
        %dma_wait3A = arith.constant 0 : i32
        %dma_wait3A_25 = tpu.memref_slice %arg6[%add3A_19, %dma_wait3A] : memref<80x125xi32, #tpu.memory_space<vmem>> -> memref<1x125xi32, #tpu.memory_space<vmem>>
        %dma_wait3A_26 = tpu.memref_squeeze %dma_wait3A_25 : memref<1x125xi32, #tpu.memory_space<vmem>> -> memref<125xi32, #tpu.memory_space<vmem>>
        %dma_wait3A_27 = arith.constant 0 : i32
        %dma_wait3A_28 = arith.constant 0 : i32
        %dma_wait3A_29 = tpu.memref_slice %arg8[%dma_wait3A_27, %dma_wait3A_28] : memref<10240x16xf32, #tpu.memory_space<vmem_shared>> -> memref<10240x16xf32, #tpu.memory_space<vmem_shared>>
        tpu.wait_indirect_dma semaphore(%run_scoped3A : memref<!tpu.dma_semaphore, #tpu.memory_space<semaphore_mem>>) src(%arg7 : memref<125x16xf32, #tpu.memory_space<vmem>>) dst(%dma_wait3A_29 : memref<10240x16xf32, #tpu.memory_space<vmem_shared>>)
        tpu.yield
      }) : () -> ()
    }
    %scan3A_6 = arith.constant 80 : i32
    %barrier3A_7 = arith.constant 0 : index
    tpu.barrier barrier_id(%barrier3A_7)
    %mul3A_8 = arith.constant 640 : i32
    %mul3A_9 = arith.muli %arg1, %mul3A_8 : i32
    %mul3A_10 = arith.constant 10240 : i32
    %mul3A_11 = arith.muli %arg0, %mul3A_10 : i32
    %mul3A_12 = arith.constant 640 : i32
    %mul3A_13 = arith.muli %arg1, %mul3A_12 : i32
    %add3A_14 = arith.addi %mul3A_11, %mul3A_13 : i32
    "tpu.region"() ({
      %run_scoped3A = tpu.sem_alloc : memref<!tpu.dma_semaphore, #tpu.memory_space<semaphore_mem>>
      %dma_start3A = arith.constant 0 : i32
      %dma_start3A_15 = tpu.memref_slice %arg5[%add3A_14, %dma_start3A] : memref<20480x16xf32, #tpu.memory_space<hbm>> -> memref<640x16xf32, #tpu.memory_space<hbm>>
      %dma_start3A_16 = arith.constant 0 : i32
      %dma_start3A_17 = tpu.memref_slice %arg8[%mul3A_9, %dma_start3A_16] : memref<10240x16xf32, #tpu.memory_space<vmem_shared>> -> memref<640x16xf32, #tpu.memory_space<vmem_shared>>
      tpu.enqueue_dma source(%dma_start3A_17 : memref<640x16xf32, #tpu.memory_space<vmem_shared>>) target(%dma_start3A_15 : memref<640x16xf32, #tpu.memory_space<hbm>>) target_semaphore(%run_scoped3A : memref<!tpu.dma_semaphore, #tpu.memory_space<semaphore_mem>>)
      %dma_wait3A = arith.constant 0 : i32
      %dma_wait3A_18 = tpu.memref_slice %arg5[%add3A_14, %dma_wait3A] : memref<20480x16xf32, #tpu.memory_space<hbm>> -> memref<640x16xf32, #tpu.memory_space<hbm>>
      %dma_wait3A_19 = arith.constant 0 : i32
      %dma_wait3A_20 = tpu.memref_slice %arg8[%mul3A_9, %dma_wait3A_19] : memref<10240x16xf32, #tpu.memory_space<vmem_shared>> -> memref<640x16xf32, #tpu.memory_space<vmem_shared>>
      tpu.wait_dma2 semaphore(%run_scoped3A : memref<!tpu.dma_semaphore, #tpu.memory_space<semaphore_mem>>) src(%dma_wait3A_20 : memref<640x16xf32, #tpu.memory_space<vmem_shared>>) dst(%dma_wait3A_18 : memref<640x16xf32, #tpu.memory_space<hbm>>)
      tpu.yield
    }) : () -> ()
    return
  }
}

#map = affine_map<(d0, d1) -> (0, 0)>
#map1 = affine_map<(d0, d1) -> (0, 0, 0)>
module attributes {stable_mosaic.version = 14 : i64} {
  func.func @_sc_scatter(%arg0: i32, %arg1: i32, %arg2: memref<10000x64xf32, #tpu.memory_space<hbm>>, %arg3: memref<32x80x125xi32, #tpu.memory_space<hbm>>, %arg4: memref<32x80x125xi32, #tpu.memory_space<hbm>>, %arg5: memref<640x64xf32, #tpu.memory_space<hbm>>, %arg6: memref<20480x64xf32, #tpu.memory_space<hbm>>, %arg7: memref<80x125xi32, #tpu.memory_space<vmem>>, %arg8: memref<80x125xi32, #tpu.memory_space<vmem>>, %arg9: memref<4x125x64xf32, #tpu.memory_space<vmem>>, %arg10: memref<!tpu.dma_semaphore, #tpu.memory_space<semaphore_mem>>, %arg11: memref<!tpu.dma_semaphore, #tpu.memory_space<semaphore_mem>>, %arg12: memref<!tpu.dma_semaphore, #tpu.memory_space<semaphore_mem>>, %arg13: memref<!tpu.dma_semaphore, #tpu.memory_space<semaphore_mem>>, %arg14: memref<!tpu.dma_semaphore, #tpu.memory_space<semaphore_mem>>, %arg15: memref<!tpu.dma_semaphore, #tpu.memory_space<semaphore_mem>>, %arg16: memref<!tpu.dma_semaphore, #tpu.memory_space<semaphore_mem>>, %arg17: memref<!tpu.dma_semaphore, #tpu.memory_space<semaphore_mem>>, %arg18: memref<10240x64xf32, #tpu.memory_space<vmem_shared>>) attributes {dimension_semantics = [#tpu.dimension_semantics<core_parallel>, #tpu.dimension_semantics<subcore_parallel>], iteration_bounds = array<i64: 2, 16>, scalar_prefetch = 0 : i64, scratch_operands = 12 : i64, tpu.core_type = #tpu.core_type<sc_vector_subcore>, window_params = [{transform_indices = #map}, {transform_indices = #map1}, {transform_indices = #map1}, {transform_indices = #map}, {transform_indices = #map}]} {
    %mul3A = arith.constant 16 : i32
    %mul3A_0 = arith.muli %arg0, %mul3A : i32
    %add3A = arith.addi %mul3A_0, %arg1 : i32
    %mul3A_1 = arith.constant 640 : i32
    %mul3A_2 = arith.muli %arg1, %mul3A_1 : i32
    "tpu.region"() ({
      %run_scoped3A = tpu.sem_alloc : memref<!tpu.dma_semaphore, #tpu.memory_space<semaphore_mem>>
      %dma_start3A_62 = arith.constant 0 : i32
      %dma_start3A_63 = tpu.memref_slice %arg18[%mul3A_2, %dma_start3A_62] : memref<10240x64xf32, #tpu.memory_space<vmem_shared>> -> memref<640x64xf32, #tpu.memory_space<vmem_shared>>
      tpu.enqueue_dma source(%arg5 : memref<640x64xf32, #tpu.memory_space<hbm>>) target(%dma_start3A_63 : memref<640x64xf32, #tpu.memory_space<vmem_shared>>) target_semaphore(%run_scoped3A : memref<!tpu.dma_semaphore, #tpu.memory_space<semaphore_mem>>)
      %dma_wait3A = arith.constant 0 : i32
      %dma_wait3A_64 = tpu.memref_slice %arg18[%mul3A_2, %dma_wait3A] : memref<10240x64xf32, #tpu.memory_space<vmem_shared>> -> memref<640x64xf32, #tpu.memory_space<vmem_shared>>
      tpu.wait_dma2 semaphore(%run_scoped3A : memref<!tpu.dma_semaphore, #tpu.memory_space<semaphore_mem>>) src(%arg5 : memref<640x64xf32, #tpu.memory_space<hbm>>) dst(%dma_wait3A_64 : memref<640x64xf32, #tpu.memory_space<vmem_shared>>)
      tpu.yield
    }) : () -> ()
    "tpu.region"() ({
      %run_scoped3A = tpu.sem_alloc : memref<!tpu.dma_semaphore, #tpu.memory_space<semaphore_mem>>
      %dma_start3A_62 = arith.constant 0 : i32
      %dma_start3A_63 = arith.constant 0 : i32
      %dma_start3A_64 = tpu.memref_slice %arg3[%add3A, %dma_start3A_62, %dma_start3A_63] : memref<32x80x125xi32, #tpu.memory_space<hbm>> -> memref<1x80x125xi32, #tpu.memory_space<hbm>>
      %dma_start3A_65 = tpu.memref_squeeze %dma_start3A_64 : memref<1x80x125xi32, #tpu.memory_space<hbm>> -> memref<80x125xi32, #tpu.memory_space<hbm>>
      %dma_start3A_66 = arith.constant 0 : i32
      %dma_start3A_67 = arith.constant 0 : i32
      %dma_start3A_68 = tpu.memref_slice %arg3[%add3A, %dma_start3A_66, %dma_start3A_67] : memref<32x80x125xi32, #tpu.memory_space<hbm>> -> memref<1x80x125xi32, #tpu.memory_space<hbm>>
      %dma_start3A_69 = tpu.memref_squeeze %dma_start3A_68 : memref<1x80x125xi32, #tpu.memory_space<hbm>> -> memref<80x125xi32, #tpu.memory_space<hbm>>
      tpu.enqueue_dma source(%dma_start3A_69 : memref<80x125xi32, #tpu.memory_space<hbm>>) target(%arg7 : memref<80x125xi32, #tpu.memory_space<vmem>>) target_semaphore(%run_scoped3A : memref<!tpu.dma_semaphore, #tpu.memory_space<semaphore_mem>>)
      %dma_wait3A = arith.constant 0 : i32
      %dma_wait3A_70 = arith.constant 0 : i32
      %dma_wait3A_71 = tpu.memref_slice %arg3[%add3A, %dma_wait3A, %dma_wait3A_70] : memref<32x80x125xi32, #tpu.memory_space<hbm>> -> memref<1x80x125xi32, #tpu.memory_space<hbm>>
      %dma_wait3A_72 = tpu.memref_squeeze %dma_wait3A_71 : memref<1x80x125xi32, #tpu.memory_space<hbm>> -> memref<80x125xi32, #tpu.memory_space<hbm>>
      %dma_wait3A_73 = arith.constant 0 : i32
      %dma_wait3A_74 = arith.constant 0 : i32
      %dma_wait3A_75 = tpu.memref_slice %arg3[%add3A, %dma_wait3A_73, %dma_wait3A_74] : memref<32x80x125xi32, #tpu.memory_space<hbm>> -> memref<1x80x125xi32, #tpu.memory_space<hbm>>
      %dma_wait3A_76 = tpu.memref_squeeze %dma_wait3A_75 : memref<1x80x125xi32, #tpu.memory_space<hbm>> -> memref<80x125xi32, #tpu.memory_space<hbm>>
      tpu.wait_dma2 semaphore(%run_scoped3A : memref<!tpu.dma_semaphore, #tpu.memory_space<semaphore_mem>>) src(%dma_wait3A_76 : memref<80x125xi32, #tpu.memory_space<hbm>>) dst(%arg7 : memref<80x125xi32, #tpu.memory_space<vmem>>)
      tpu.yield
    }) : () -> ()
    "tpu.region"() ({
      %run_scoped3A = tpu.sem_alloc : memref<!tpu.dma_semaphore, #tpu.memory_space<semaphore_mem>>
      %dma_start3A_62 = arith.constant 0 : i32
      %dma_start3A_63 = arith.constant 0 : i32
      %dma_start3A_64 = tpu.memref_slice %arg4[%add3A, %dma_start3A_62, %dma_start3A_63] : memref<32x80x125xi32, #tpu.memory_space<hbm>> -> memref<1x80x125xi32, #tpu.memory_space<hbm>>
      %dma_start3A_65 = tpu.memref_squeeze %dma_start3A_64 : memref<1x80x125xi32, #tpu.memory_space<hbm>> -> memref<80x125xi32, #tpu.memory_space<hbm>>
      %dma_start3A_66 = arith.constant 0 : i32
      %dma_start3A_67 = arith.constant 0 : i32
      %dma_start3A_68 = tpu.memref_slice %arg4[%add3A, %dma_start3A_66, %dma_start3A_67] : memref<32x80x125xi32, #tpu.memory_space<hbm>> -> memref<1x80x125xi32, #tpu.memory_space<hbm>>
      %dma_start3A_69 = tpu.memref_squeeze %dma_start3A_68 : memref<1x80x125xi32, #tpu.memory_space<hbm>> -> memref<80x125xi32, #tpu.memory_space<hbm>>
      tpu.enqueue_dma source(%dma_start3A_69 : memref<80x125xi32, #tpu.memory_space<hbm>>) target(%arg8 : memref<80x125xi32, #tpu.memory_space<vmem>>) target_semaphore(%run_scoped3A : memref<!tpu.dma_semaphore, #tpu.memory_space<semaphore_mem>>)
      %dma_wait3A = arith.constant 0 : i32
      %dma_wait3A_70 = arith.constant 0 : i32
      %dma_wait3A_71 = tpu.memref_slice %arg4[%add3A, %dma_wait3A, %dma_wait3A_70] : memref<32x80x125xi32, #tpu.memory_space<hbm>> -> memref<1x80x125xi32, #tpu.memory_space<hbm>>
      %dma_wait3A_72 = tpu.memref_squeeze %dma_wait3A_71 : memref<1x80x125xi32, #tpu.memory_space<hbm>> -> memref<80x125xi32, #tpu.memory_space<hbm>>
      %dma_wait3A_73 = arith.constant 0 : i32
      %dma_wait3A_74 = arith.constant 0 : i32
      %dma_wait3A_75 = tpu.memref_slice %arg4[%add3A, %dma_wait3A_73, %dma_wait3A_74] : memref<32x80x125xi32, #tpu.memory_space<hbm>> -> memref<1x80x125xi32, #tpu.memory_space<hbm>>
      %dma_wait3A_76 = tpu.memref_squeeze %dma_wait3A_75 : memref<1x80x125xi32, #tpu.memory_space<hbm>> -> memref<80x125xi32, #tpu.memory_space<hbm>>
      tpu.wait_dma2 semaphore(%run_scoped3A : memref<!tpu.dma_semaphore, #tpu.memory_space<semaphore_mem>>) src(%dma_wait3A_76 : memref<80x125xi32, #tpu.memory_space<hbm>>) dst(%arg8 : memref<80x125xi32, #tpu.memory_space<vmem>>)
      tpu.yield
    }) : () -> ()
    %barrier3A = arith.constant 0 : index
    tpu.barrier barrier_id(%barrier3A)
    %dma_start3A = arith.constant 0 : i32
    %dma_start3A_3 = arith.constant 0 : i32
    %dma_start3A_4 = arith.constant 0 : i32
    %dma_start3A_5 = arith.constant 0 : i32
    %dma_start3A_6 = tpu.memref_slice %arg9[%dma_start3A_3, %dma_start3A_4, %dma_start3A_5] : memref<4x125x64xf32, #tpu.memory_space<vmem>> -> memref<1x125x64xf32, #tpu.memory_space<vmem>>
    %dma_start3A_7 = tpu.memref_squeeze %dma_start3A_6 : memref<1x125x64xf32, #tpu.memory_space<vmem>> -> memref<125x64xf32, #tpu.memory_space<vmem>>
    %dma_start3A_8 = arith.constant 0 : i32
    %dma_start3A_9 = tpu.memref_slice %arg7[%dma_start3A, %dma_start3A_8] : memref<80x125xi32, #tpu.memory_space<vmem>> -> memref<1x125xi32, #tpu.memory_space<vmem>>
    %dma_start3A_10 = tpu.memref_squeeze %dma_start3A_9 : memref<1x125xi32, #tpu.memory_space<vmem>> -> memref<125xi32, #tpu.memory_space<vmem>>
    %dma_start3A_11 = arith.constant 0 : i32
    %dma_start3A_12 = arith.constant 0 : i32
    %dma_start3A_13 = tpu.memref_slice %arg2[%dma_start3A_11, %dma_start3A_12] : memref<10000x64xf32, #tpu.memory_space<hbm>> -> memref<10000x64xf32, #tpu.memory_space<hbm>>
    tpu.enqueue_indirect_dma source(%dma_start3A_13 : memref<10000x64xf32, #tpu.memory_space<hbm>>) target(%dma_start3A_7 : memref<125x64xf32, #tpu.memory_space<vmem>>) offsets(%dma_start3A_10 : memref<125xi32, #tpu.memory_space<vmem>>) semaphore(%arg10 : memref<!tpu.dma_semaphore, #tpu.memory_space<semaphore_mem>>)
    %dma_start3A_14 = arith.constant 1 : i32
    %dma_start3A_15 = arith.constant 1 : i32
    %dma_start3A_16 = arith.constant 0 : i32
    %dma_start3A_17 = arith.constant 0 : i32
    %dma_start3A_18 = tpu.memref_slice %arg9[%dma_start3A_15, %dma_start3A_16, %dma_start3A_17] : memref<4x125x64xf32, #tpu.memory_space<vmem>> -> memref<1x125x64xf32, #tpu.memory_space<vmem>>
    %dma_start3A_19 = tpu.memref_squeeze %dma_start3A_18 : memref<1x125x64xf32, #tpu.memory_space<vmem>> -> memref<125x64xf32, #tpu.memory_space<vmem>>
    %dma_start3A_20 = arith.constant 0 : i32
    %dma_start3A_21 = tpu.memref_slice %arg7[%dma_start3A_14, %dma_start3A_20] : memref<80x125xi32, #tpu.memory_space<vmem>> -> memref<1x125xi32, #tpu.memory_space<vmem>>
    %dma_start3A_22 = tpu.memref_squeeze %dma_start3A_21 : memref<1x125xi32, #tpu.memory_space<vmem>> -> memref<125xi32, #tpu.memory_space<vmem>>
    %dma_start3A_23 = arith.constant 0 : i32
    %dma_start3A_24 = arith.constant 0 : i32
    %dma_start3A_25 = tpu.memref_slice %arg2[%dma_start3A_23, %dma_start3A_24] : memref<10000x64xf32, #tpu.memory_space<hbm>> -> memref<10000x64xf32, #tpu.memory_space<hbm>>
    tpu.enqueue_indirect_dma source(%dma_start3A_25 : memref<10000x64xf32, #tpu.memory_space<hbm>>) target(%dma_start3A_19 : memref<125x64xf32, #tpu.memory_space<vmem>>) offsets(%dma_start3A_22 : memref<125xi32, #tpu.memory_space<vmem>>) semaphore(%arg11 : memref<!tpu.dma_semaphore, #tpu.memory_space<semaphore_mem>>)
    %dma_start3A_26 = arith.constant 2 : i32
    %dma_start3A_27 = arith.constant 2 : i32
    %dma_start3A_28 = arith.constant 0 : i32
    %dma_start3A_29 = arith.constant 0 : i32
    %dma_start3A_30 = tpu.memref_slice %arg9[%dma_start3A_27, %dma_start3A_28, %dma_start3A_29] : memref<4x125x64xf32, #tpu.memory_space<vmem>> -> memref<1x125x64xf32, #tpu.memory_space<vmem>>
    %dma_start3A_31 = tpu.memref_squeeze %dma_start3A_30 : memref<1x125x64xf32, #tpu.memory_space<vmem>> -> memref<125x64xf32, #tpu.memory_space<vmem>>
    %dma_start3A_32 = arith.constant 0 : i32
    %dma_start3A_33 = tpu.memref_slice %arg7[%dma_start3A_26, %dma_start3A_32] : memref<80x125xi32, #tpu.memory_space<vmem>> -> memref<1x125xi32, #tpu.memory_space<vmem>>
    %dma_start3A_34 = tpu.memref_squeeze %dma_start3A_33 : memref<1x125xi32, #tpu.memory_space<vmem>> -> memref<125xi32, #tpu.memory_space<vmem>>
    %dma_start3A_35 = arith.constant 0 : i32
    %dma_start3A_36 = arith.constant 0 : i32
    %dma_start3A_37 = tpu.memref_slice %arg2[%dma_start3A_35, %dma_start3A_36] : memref<10000x64xf32, #tpu.memory_space<hbm>> -> memref<10000x64xf32, #tpu.memory_space<hbm>>
    tpu.enqueue_indirect_dma source(%dma_start3A_37 : memref<10000x64xf32, #tpu.memory_space<hbm>>) target(%dma_start3A_31 : memref<125x64xf32, #tpu.memory_space<vmem>>) offsets(%dma_start3A_34 : memref<125xi32, #tpu.memory_space<vmem>>) semaphore(%arg12 : memref<!tpu.dma_semaphore, #tpu.memory_space<semaphore_mem>>)
    %dma_start3A_38 = arith.constant 3 : i32
    %dma_start3A_39 = arith.constant 3 : i32
    %dma_start3A_40 = arith.constant 0 : i32
    %dma_start3A_41 = arith.constant 0 : i32
    %dma_start3A_42 = tpu.memref_slice %arg9[%dma_start3A_39, %dma_start3A_40, %dma_start3A_41] : memref<4x125x64xf32, #tpu.memory_space<vmem>> -> memref<1x125x64xf32, #tpu.memory_space<vmem>>
    %dma_start3A_43 = tpu.memref_squeeze %dma_start3A_42 : memref<1x125x64xf32, #tpu.memory_space<vmem>> -> memref<125x64xf32, #tpu.memory_space<vmem>>
    %dma_start3A_44 = arith.constant 0 : i32
    %dma_start3A_45 = tpu.memref_slice %arg7[%dma_start3A_38, %dma_start3A_44] : memref<80x125xi32, #tpu.memory_space<vmem>> -> memref<1x125xi32, #tpu.memory_space<vmem>>
    %dma_start3A_46 = tpu.memref_squeeze %dma_start3A_45 : memref<1x125xi32, #tpu.memory_space<vmem>> -> memref<125xi32, #tpu.memory_space<vmem>>
    %dma_start3A_47 = arith.constant 0 : i32
    %dma_start3A_48 = arith.constant 0 : i32
    %dma_start3A_49 = tpu.memref_slice %arg2[%dma_start3A_47, %dma_start3A_48] : memref<10000x64xf32, #tpu.memory_space<hbm>> -> memref<10000x64xf32, #tpu.memory_space<hbm>>
    tpu.enqueue_indirect_dma source(%dma_start3A_49 : memref<10000x64xf32, #tpu.memory_space<hbm>>) target(%dma_start3A_43 : memref<125x64xf32, #tpu.memory_space<vmem>>) offsets(%dma_start3A_46 : memref<125xi32, #tpu.memory_space<vmem>>) semaphore(%arg13 : memref<!tpu.dma_semaphore, #tpu.memory_space<semaphore_mem>>)
    %scan3A = arith.constant 0 : i32
    %scan3A_50 = arith.constant 20 : i32
    %scan3A_51 = arith.addi %scan3A, %scan3A_50 : i32
    %scan3A_52 = arith.constant 1 : i32
    scf.for %scan3A_62 = %scan3A to %scan3A_51 step %scan3A_52  : i32 {
      %mul3A_63 = arith.constant 4 : i32
      %mul3A_64 = arith.muli %scan3A_62, %mul3A_63 : i32
      %add3A_65 = arith.constant 0 : i32
      %add3A_66 = arith.addi %add3A_65, %mul3A_64 : i32
      %add3A_67 = arith.constant 0 : i32
      %add3A_68 = arith.addi %add3A_66, %add3A_67 : i32
      %dma_wait3A = arith.constant 0 : i32
      %dma_wait3A_69 = arith.constant 0 : i32
      %dma_wait3A_70 = arith.constant 0 : i32
      %dma_wait3A_71 = arith.constant 0 : i32
      %dma_wait3A_72 = tpu.memref_slice %arg9[%dma_wait3A_69, %dma_wait3A_70, %dma_wait3A_71] : memref<4x125x64xf32, #tpu.memory_space<vmem>> -> memref<1x125x64xf32, #tpu.memory_space<vmem>>
      %dma_wait3A_73 = tpu.memref_squeeze %dma_wait3A_72 : memref<1x125x64xf32, #tpu.memory_space<vmem>> -> memref<125x64xf32, #tpu.memory_space<vmem>>
      %dma_wait3A_74 = arith.constant 0 : i32
      %dma_wait3A_75 = tpu.memref_slice %arg7[%dma_wait3A, %dma_wait3A_74] : memref<80x125xi32, #tpu.memory_space<vmem>> -> memref<1x125xi32, #tpu.memory_space<vmem>>
      %dma_wait3A_76 = tpu.memref_squeeze %dma_wait3A_75 : memref<1x125xi32, #tpu.memory_space<vmem>> -> memref<125xi32, #tpu.memory_space<vmem>>
      %dma_wait3A_77 = arith.constant 0 : i32
      %dma_wait3A_78 = arith.constant 0 : i32
      %dma_wait3A_79 = tpu.memref_slice %arg2[%dma_wait3A_77, %dma_wait3A_78] : memref<10000x64xf32, #tpu.memory_space<hbm>> -> memref<10000x64xf32, #tpu.memory_space<hbm>>
      tpu.wait_indirect_dma semaphore(%arg10 : memref<!tpu.dma_semaphore, #tpu.memory_space<semaphore_mem>>) src(%dma_wait3A_79 : memref<10000x64xf32, #tpu.memory_space<hbm>>) dst(%dma_wait3A_73 : memref<125x64xf32, #tpu.memory_space<vmem>>)
      %dma_start3A_80 = arith.constant 0 : i32
      %dma_start3A_81 = arith.constant 0 : i32
      %dma_start3A_82 = arith.constant 0 : i32
      %dma_start3A_83 = tpu.memref_slice %arg9[%dma_start3A_80, %dma_start3A_81, %dma_start3A_82] : memref<4x125x64xf32, #tpu.memory_space<vmem>> -> memref<1x125x64xf32, #tpu.memory_space<vmem>>
      %dma_start3A_84 = tpu.memref_squeeze %dma_start3A_83 : memref<1x125x64xf32, #tpu.memory_space<vmem>> -> memref<125x64xf32, #tpu.memory_space<vmem>>
      %dma_start3A_85 = arith.constant 0 : i32
      %dma_start3A_86 = tpu.memref_slice %arg8[%add3A_68, %dma_start3A_85] : memref<80x125xi32, #tpu.memory_space<vmem>> -> memref<1x125xi32, #tpu.memory_space<vmem>>
      %dma_start3A_87 = tpu.memref_squeeze %dma_start3A_86 : memref<1x125xi32, #tpu.memory_space<vmem>> -> memref<125xi32, #tpu.memory_space<vmem>>
      %dma_start3A_88 = arith.constant 0 : i32
      %dma_start3A_89 = arith.constant 0 : i32
      %dma_start3A_90 = tpu.memref_slice %arg18[%dma_start3A_88, %dma_start3A_89] : memref<10240x64xf32, #tpu.memory_space<vmem_shared>> -> memref<10240x64xf32, #tpu.memory_space<vmem_shared>>
      tpu.enqueue_indirect_dma source(%dma_start3A_84 : memref<125x64xf32, #tpu.memory_space<vmem>>) target(%dma_start3A_90 : memref<10240x64xf32, #tpu.memory_space<vmem_shared>>) offsets(%dma_start3A_87 : memref<125xi32, #tpu.memory_space<vmem>>) semaphore(%arg14 : memref<!tpu.dma_semaphore, #tpu.memory_space<semaphore_mem>>) {add = true}
      %dma_wait3A_91 = arith.constant 0 : i32
      %dma_wait3A_92 = arith.constant 0 : i32
      %dma_wait3A_93 = arith.constant 0 : i32
      %dma_wait3A_94 = arith.constant 0 : i32
      %dma_wait3A_95 = tpu.memref_slice %arg9[%dma_wait3A_91, %dma_wait3A_93, %dma_wait3A_94] : memref<4x125x64xf32, #tpu.memory_space<vmem>> -> memref<1x125x64xf32, #tpu.memory_space<vmem>>
      %dma_wait3A_96 = tpu.memref_squeeze %dma_wait3A_95 : memref<1x125x64xf32, #tpu.memory_space<vmem>> -> memref<125x64xf32, #tpu.memory_space<vmem>>
      %dma_wait3A_97 = arith.constant 0 : i32
      %dma_wait3A_98 = tpu.memref_slice %arg8[%dma_wait3A_92, %dma_wait3A_97] : memref<80x125xi32, #tpu.memory_space<vmem>> -> memref<1x125xi32, #tpu.memory_space<vmem>>
      %dma_wait3A_99 = tpu.memref_squeeze %dma_wait3A_98 : memref<1x125xi32, #tpu.memory_space<vmem>> -> memref<125xi32, #tpu.memory_space<vmem>>
      %dma_wait3A_100 = arith.constant 0 : i32
      %dma_wait3A_101 = arith.constant 0 : i32
      %dma_wait3A_102 = tpu.memref_slice %arg18[%dma_wait3A_100, %dma_wait3A_101] : memref<10240x64xf32, #tpu.memory_space<vmem_shared>> -> memref<10240x64xf32, #tpu.memory_space<vmem_shared>>
      tpu.wait_indirect_dma semaphore(%arg14 : memref<!tpu.dma_semaphore, #tpu.memory_space<semaphore_mem>>) src(%dma_wait3A_96 : memref<125x64xf32, #tpu.memory_space<vmem>>) dst(%dma_wait3A_102 : memref<10240x64xf32, #tpu.memory_space<vmem_shared>>)
      %add3A_103 = arith.constant 4 : i32
      %add3A_104 = arith.addi %add3A_68, %add3A_103 : i32
      %lt3A = arith.constant 80 : i32
      %lt3A_105 = arith.cmpi slt, %add3A_104, %lt3A : i32
      %convert_element_type3A = arith.extui %lt3A_105 : i1 to i32
      %cond3A = arith.constant 0 : i32
      %cond3A_106 = arith.cmpi ne, %convert_element_type3A, %cond3A : i32
      scf.if %cond3A_106 {
        %add3A_239 = arith.constant 4 : i32
        %add3A_240 = arith.addi %add3A_68, %add3A_239 : i32
        %dma_start3A_241 = arith.constant 0 : i32
        %dma_start3A_242 = arith.constant 0 : i32
        %dma_start3A_243 = arith.constant 0 : i32
        %dma_start3A_244 = tpu.memref_slice %arg9[%dma_start3A_241, %dma_start3A_242, %dma_start3A_243] : memref<4x125x64xf32, #tpu.memory_space<vmem>> -> memref<1x125x64xf32, #tpu.memory_space<vmem>>
        %dma_start3A_245 = tpu.memref_squeeze %dma_start3A_244 : memref<1x125x64xf32, #tpu.memory_space<vmem>> -> memref<125x64xf32, #tpu.memory_space<vmem>>
        %dma_start3A_246 = arith.constant 0 : i32
        %dma_start3A_247 = tpu.memref_slice %arg7[%add3A_240, %dma_start3A_246] : memref<80x125xi32, #tpu.memory_space<vmem>> -> memref<1x125xi32, #tpu.memory_space<vmem>>
        %dma_start3A_248 = tpu.memref_squeeze %dma_start3A_247 : memref<1x125xi32, #tpu.memory_space<vmem>> -> memref<125xi32, #tpu.memory_space<vmem>>
        %dma_start3A_249 = arith.constant 0 : i32
        %dma_start3A_250 = arith.constant 0 : i32
        %dma_start3A_251 = tpu.memref_slice %arg2[%dma_start3A_249, %dma_start3A_250] : memref<10000x64xf32, #tpu.memory_space<hbm>> -> memref<10000x64xf32, #tpu.memory_space<hbm>>
        tpu.enqueue_indirect_dma source(%dma_start3A_251 : memref<10000x64xf32, #tpu.memory_space<hbm>>) target(%dma_start3A_245 : memref<125x64xf32, #tpu.memory_space<vmem>>) offsets(%dma_start3A_248 : memref<125xi32, #tpu.memory_space<vmem>>) semaphore(%arg10 : memref<!tpu.dma_semaphore, #tpu.memory_space<semaphore_mem>>)
      } else {
      }
      %add3A_107 = arith.constant 1 : i32
      %add3A_108 = arith.addi %add3A_66, %add3A_107 : i32
      %dma_wait3A_109 = arith.constant 0 : i32
      %dma_wait3A_110 = arith.constant 1 : i32
      %dma_wait3A_111 = arith.constant 0 : i32
      %dma_wait3A_112 = arith.constant 0 : i32
      %dma_wait3A_113 = tpu.memref_slice %arg9[%dma_wait3A_110, %dma_wait3A_111, %dma_wait3A_112] : memref<4x125x64xf32, #tpu.memory_space<vmem>> -> memref<1x125x64xf32, #tpu.memory_space<vmem>>
      %dma_wait3A_114 = tpu.memref_squeeze %dma_wait3A_113 : memref<1x125x64xf32, #tpu.memory_space<vmem>> -> memref<125x64xf32, #tpu.memory_space<vmem>>
      %dma_wait3A_115 = arith.constant 0 : i32
      %dma_wait3A_116 = tpu.memref_slice %arg7[%dma_wait3A_109, %dma_wait3A_115] : memref<80x125xi32, #tpu.memory_space<vmem>> -> memref<1x125xi32, #tpu.memory_space<vmem>>
      %dma_wait3A_117 = tpu.memref_squeeze %dma_wait3A_116 : memref<1x125xi32, #tpu.memory_space<vmem>> -> memref<125xi32, #tpu.memory_space<vmem>>
      %dma_wait3A_118 = arith.constant 0 : i32
      %dma_wait3A_119 = arith.constant 0 : i32
      %dma_wait3A_120 = tpu.memref_slice %arg2[%dma_wait3A_118, %dma_wait3A_119] : memref<10000x64xf32, #tpu.memory_space<hbm>> -> memref<10000x64xf32, #tpu.memory_space<hbm>>
      tpu.wait_indirect_dma semaphore(%arg11 : memref<!tpu.dma_semaphore, #tpu.memory_space<semaphore_mem>>) src(%dma_wait3A_120 : memref<10000x64xf32, #tpu.memory_space<hbm>>) dst(%dma_wait3A_114 : memref<125x64xf32, #tpu.memory_space<vmem>>)
      %dma_start3A_121 = arith.constant 1 : i32
      %dma_start3A_122 = arith.constant 0 : i32
      %dma_start3A_123 = arith.constant 0 : i32
      %dma_start3A_124 = tpu.memref_slice %arg9[%dma_start3A_121, %dma_start3A_122, %dma_start3A_123] : memref<4x125x64xf32, #tpu.memory_space<vmem>> -> memref<1x125x64xf32, #tpu.memory_space<vmem>>
      %dma_start3A_125 = tpu.memref_squeeze %dma_start3A_124 : memref<1x125x64xf32, #tpu.memory_space<vmem>> -> memref<125x64xf32, #tpu.memory_space<vmem>>
      %dma_start3A_126 = arith.constant 0 : i32
      %dma_start3A_127 = tpu.memref_slice %arg8[%add3A_108, %dma_start3A_126] : memref<80x125xi32, #tpu.memory_space<vmem>> -> memref<1x125xi32, #tpu.memory_space<vmem>>
      %dma_start3A_128 = tpu.memref_squeeze %dma_start3A_127 : memref<1x125xi32, #tpu.memory_space<vmem>> -> memref<125xi32, #tpu.memory_space<vmem>>
      %dma_start3A_129 = arith.constant 0 : i32
      %dma_start3A_130 = arith.constant 0 : i32
      %dma_start3A_131 = tpu.memref_slice %arg18[%dma_start3A_129, %dma_start3A_130] : memref<10240x64xf32, #tpu.memory_space<vmem_shared>> -> memref<10240x64xf32, #tpu.memory_space<vmem_shared>>
      tpu.enqueue_indirect_dma source(%dma_start3A_125 : memref<125x64xf32, #tpu.memory_space<vmem>>) target(%dma_start3A_131 : memref<10240x64xf32, #tpu.memory_space<vmem_shared>>) offsets(%dma_start3A_128 : memref<125xi32, #tpu.memory_space<vmem>>) semaphore(%arg15 : memref<!tpu.dma_semaphore, #tpu.memory_space<semaphore_mem>>) {add = true}
      %dma_wait3A_132 = arith.constant 1 : i32
      %dma_wait3A_133 = arith.constant 0 : i32
      %dma_wait3A_134 = arith.constant 0 : i32
      %dma_wait3A_135 = arith.constant 0 : i32
      %dma_wait3A_136 = tpu.memref_slice %arg9[%dma_wait3A_132, %dma_wait3A_134, %dma_wait3A_135] : memref<4x125x64xf32, #tpu.memory_space<vmem>> -> memref<1x125x64xf32, #tpu.memory_space<vmem>>
      %dma_wait3A_137 = tpu.memref_squeeze %dma_wait3A_136 : memref<1x125x64xf32, #tpu.memory_space<vmem>> -> memref<125x64xf32, #tpu.memory_space<vmem>>
      %dma_wait3A_138 = arith.constant 0 : i32
      %dma_wait3A_139 = tpu.memref_slice %arg8[%dma_wait3A_133, %dma_wait3A_138] : memref<80x125xi32, #tpu.memory_space<vmem>> -> memref<1x125xi32, #tpu.memory_space<vmem>>
      %dma_wait3A_140 = tpu.memref_squeeze %dma_wait3A_139 : memref<1x125xi32, #tpu.memory_space<vmem>> -> memref<125xi32, #tpu.memory_space<vmem>>
      %dma_wait3A_141 = arith.constant 0 : i32
      %dma_wait3A_142 = arith.constant 0 : i32
      %dma_wait3A_143 = tpu.memref_slice %arg18[%dma_wait3A_141, %dma_wait3A_142] : memref<10240x64xf32, #tpu.memory_space<vmem_shared>> -> memref<10240x64xf32, #tpu.memory_space<vmem_shared>>
      tpu.wait_indirect_dma semaphore(%arg15 : memref<!tpu.dma_semaphore, #tpu.memory_space<semaphore_mem>>) src(%dma_wait3A_137 : memref<125x64xf32, #tpu.memory_space<vmem>>) dst(%dma_wait3A_143 : memref<10240x64xf32, #tpu.memory_space<vmem_shared>>)
      %add3A_144 = arith.constant 4 : i32
      %add3A_145 = arith.addi %add3A_108, %add3A_144 : i32
      %lt3A_146 = arith.constant 80 : i32
      %lt3A_147 = arith.cmpi slt, %add3A_145, %lt3A_146 : i32
      %convert_element_type3A_148 = arith.extui %lt3A_147 : i1 to i32
      %cond3A_149 = arith.constant 0 : i32
      %cond3A_150 = arith.cmpi ne, %convert_element_type3A_148, %cond3A_149 : i32
      scf.if %cond3A_150 {
        %add3A_239 = arith.constant 4 : i32
        %add3A_240 = arith.addi %add3A_108, %add3A_239 : i32
        %dma_start3A_241 = arith.constant 1 : i32
        %dma_start3A_242 = arith.constant 0 : i32
        %dma_start3A_243 = arith.constant 0 : i32
        %dma_start3A_244 = tpu.memref_slice %arg9[%dma_start3A_241, %dma_start3A_242, %dma_start3A_243] : memref<4x125x64xf32, #tpu.memory_space<vmem>> -> memref<1x125x64xf32, #tpu.memory_space<vmem>>
        %dma_start3A_245 = tpu.memref_squeeze %dma_start3A_244 : memref<1x125x64xf32, #tpu.memory_space<vmem>> -> memref<125x64xf32, #tpu.memory_space<vmem>>
        %dma_start3A_246 = arith.constant 0 : i32
        %dma_start3A_247 = tpu.memref_slice %arg7[%add3A_240, %dma_start3A_246] : memref<80x125xi32, #tpu.memory_space<vmem>> -> memref<1x125xi32, #tpu.memory_space<vmem>>
        %dma_start3A_248 = tpu.memref_squeeze %dma_start3A_247 : memref<1x125xi32, #tpu.memory_space<vmem>> -> memref<125xi32, #tpu.memory_space<vmem>>
        %dma_start3A_249 = arith.constant 0 : i32
        %dma_start3A_250 = arith.constant 0 : i32
        %dma_start3A_251 = tpu.memref_slice %arg2[%dma_start3A_249, %dma_start3A_250] : memref<10000x64xf32, #tpu.memory_space<hbm>> -> memref<10000x64xf32, #tpu.memory_space<hbm>>
        tpu.enqueue_indirect_dma source(%dma_start3A_251 : memref<10000x64xf32, #tpu.memory_space<hbm>>) target(%dma_start3A_245 : memref<125x64xf32, #tpu.memory_space<vmem>>) offsets(%dma_start3A_248 : memref<125xi32, #tpu.memory_space<vmem>>) semaphore(%arg11 : memref<!tpu.dma_semaphore, #tpu.memory_space<semaphore_mem>>)
      } else {
      }
      %add3A_151 = arith.constant 2 : i32
      %add3A_152 = arith.addi %add3A_66, %add3A_151 : i32
      %dma_wait3A_153 = arith.constant 0 : i32
      %dma_wait3A_154 = arith.constant 2 : i32
      %dma_wait3A_155 = arith.constant 0 : i32
      %dma_wait3A_156 = arith.constant 0 : i32
      %dma_wait3A_157 = tpu.memref_slice %arg9[%dma_wait3A_154, %dma_wait3A_155, %dma_wait3A_156] : memref<4x125x64xf32, #tpu.memory_space<vmem>> -> memref<1x125x64xf32, #tpu.memory_space<vmem>>
      %dma_wait3A_158 = tpu.memref_squeeze %dma_wait3A_157 : memref<1x125x64xf32, #tpu.memory_space<vmem>> -> memref<125x64xf32, #tpu.memory_space<vmem>>
      %dma_wait3A_159 = arith.constant 0 : i32
      %dma_wait3A_160 = tpu.memref_slice %arg7[%dma_wait3A_153, %dma_wait3A_159] : memref<80x125xi32, #tpu.memory_space<vmem>> -> memref<1x125xi32, #tpu.memory_space<vmem>>
      %dma_wait3A_161 = tpu.memref_squeeze %dma_wait3A_160 : memref<1x125xi32, #tpu.memory_space<vmem>> -> memref<125xi32, #tpu.memory_space<vmem>>
      %dma_wait3A_162 = arith.constant 0 : i32
      %dma_wait3A_163 = arith.constant 0 : i32
      %dma_wait3A_164 = tpu.memref_slice %arg2[%dma_wait3A_162, %dma_wait3A_163] : memref<10000x64xf32, #tpu.memory_space<hbm>> -> memref<10000x64xf32, #tpu.memory_space<hbm>>
      tpu.wait_indirect_dma semaphore(%arg12 : memref<!tpu.dma_semaphore, #tpu.memory_space<semaphore_mem>>) src(%dma_wait3A_164 : memref<10000x64xf32, #tpu.memory_space<hbm>>) dst(%dma_wait3A_158 : memref<125x64xf32, #tpu.memory_space<vmem>>)
      %dma_start3A_165 = arith.constant 2 : i32
      %dma_start3A_166 = arith.constant 0 : i32
      %dma_start3A_167 = arith.constant 0 : i32
      %dma_start3A_168 = tpu.memref_slice %arg9[%dma_start3A_165, %dma_start3A_166, %dma_start3A_167] : memref<4x125x64xf32, #tpu.memory_space<vmem>> -> memref<1x125x64xf32, #tpu.memory_space<vmem>>
      %dma_start3A_169 = tpu.memref_squeeze %dma_start3A_168 : memref<1x125x64xf32, #tpu.memory_space<vmem>> -> memref<125x64xf32, #tpu.memory_space<vmem>>
      %dma_start3A_170 = arith.constant 0 : i32
      %dma_start3A_171 = tpu.memref_slice %arg8[%add3A_152, %dma_start3A_170] : memref<80x125xi32, #tpu.memory_space<vmem>> -> memref<1x125xi32, #tpu.memory_space<vmem>>
      %dma_start3A_172 = tpu.memref_squeeze %dma_start3A_171 : memref<1x125xi32, #tpu.memory_space<vmem>> -> memref<125xi32, #tpu.memory_space<vmem>>
      %dma_start3A_173 = arith.constant 0 : i32
      %dma_start3A_174 = arith.constant 0 : i32
      %dma_start3A_175 = tpu.memref_slice %arg18[%dma_start3A_173, %dma_start3A_174] : memref<10240x64xf32, #tpu.memory_space<vmem_shared>> -> memref<10240x64xf32, #tpu.memory_space<vmem_shared>>
      tpu.enqueue_indirect_dma source(%dma_start3A_169 : memref<125x64xf32, #tpu.memory_space<vmem>>) target(%dma_start3A_175 : memref<10240x64xf32, #tpu.memory_space<vmem_shared>>) offsets(%dma_start3A_172 : memref<125xi32, #tpu.memory_space<vmem>>) semaphore(%arg16 : memref<!tpu.dma_semaphore, #tpu.memory_space<semaphore_mem>>) {add = true}
      %dma_wait3A_176 = arith.constant 2 : i32
      %dma_wait3A_177 = arith.constant 0 : i32
      %dma_wait3A_178 = arith.constant 0 : i32
      %dma_wait3A_179 = arith.constant 0 : i32
      %dma_wait3A_180 = tpu.memref_slice %arg9[%dma_wait3A_176, %dma_wait3A_178, %dma_wait3A_179] : memref<4x125x64xf32, #tpu.memory_space<vmem>> -> memref<1x125x64xf32, #tpu.memory_space<vmem>>
      %dma_wait3A_181 = tpu.memref_squeeze %dma_wait3A_180 : memref<1x125x64xf32, #tpu.memory_space<vmem>> -> memref<125x64xf32, #tpu.memory_space<vmem>>
      %dma_wait3A_182 = arith.constant 0 : i32
      %dma_wait3A_183 = tpu.memref_slice %arg8[%dma_wait3A_177, %dma_wait3A_182] : memref<80x125xi32, #tpu.memory_space<vmem>> -> memref<1x125xi32, #tpu.memory_space<vmem>>
      %dma_wait3A_184 = tpu.memref_squeeze %dma_wait3A_183 : memref<1x125xi32, #tpu.memory_space<vmem>> -> memref<125xi32, #tpu.memory_space<vmem>>
      %dma_wait3A_185 = arith.constant 0 : i32
      %dma_wait3A_186 = arith.constant 0 : i32
      %dma_wait3A_187 = tpu.memref_slice %arg18[%dma_wait3A_185, %dma_wait3A_186] : memref<10240x64xf32, #tpu.memory_space<vmem_shared>> -> memref<10240x64xf32, #tpu.memory_space<vmem_shared>>
      tpu.wait_indirect_dma semaphore(%arg16 : memref<!tpu.dma_semaphore, #tpu.memory_space<semaphore_mem>>) src(%dma_wait3A_181 : memref<125x64xf32, #tpu.memory_space<vmem>>) dst(%dma_wait3A_187 : memref<10240x64xf32, #tpu.memory_space<vmem_shared>>)
      %add3A_188 = arith.constant 4 : i32
      %add3A_189 = arith.addi %add3A_152, %add3A_188 : i32
      %lt3A_190 = arith.constant 80 : i32
      %lt3A_191 = arith.cmpi slt, %add3A_189, %lt3A_190 : i32
      %convert_element_type3A_192 = arith.extui %lt3A_191 : i1 to i32
      %cond3A_193 = arith.constant 0 : i32
      %cond3A_194 = arith.cmpi ne, %convert_element_type3A_192, %cond3A_193 : i32
      scf.if %cond3A_194 {
        %add3A_239 = arith.constant 4 : i32
        %add3A_240 = arith.addi %add3A_152, %add3A_239 : i32
        %dma_start3A_241 = arith.constant 2 : i32
        %dma_start3A_242 = arith.constant 0 : i32
        %dma_start3A_243 = arith.constant 0 : i32
        %dma_start3A_244 = tpu.memref_slice %arg9[%dma_start3A_241, %dma_start3A_242, %dma_start3A_243] : memref<4x125x64xf32, #tpu.memory_space<vmem>> -> memref<1x125x64xf32, #tpu.memory_space<vmem>>
        %dma_start3A_245 = tpu.memref_squeeze %dma_start3A_244 : memref<1x125x64xf32, #tpu.memory_space<vmem>> -> memref<125x64xf32, #tpu.memory_space<vmem>>
        %dma_start3A_246 = arith.constant 0 : i32
        %dma_start3A_247 = tpu.memref_slice %arg7[%add3A_240, %dma_start3A_246] : memref<80x125xi32, #tpu.memory_space<vmem>> -> memref<1x125xi32, #tpu.memory_space<vmem>>
        %dma_start3A_248 = tpu.memref_squeeze %dma_start3A_247 : memref<1x125xi32, #tpu.memory_space<vmem>> -> memref<125xi32, #tpu.memory_space<vmem>>
        %dma_start3A_249 = arith.constant 0 : i32
        %dma_start3A_250 = arith.constant 0 : i32
        %dma_start3A_251 = tpu.memref_slice %arg2[%dma_start3A_249, %dma_start3A_250] : memref<10000x64xf32, #tpu.memory_space<hbm>> -> memref<10000x64xf32, #tpu.memory_space<hbm>>
        tpu.enqueue_indirect_dma source(%dma_start3A_251 : memref<10000x64xf32, #tpu.memory_space<hbm>>) target(%dma_start3A_245 : memref<125x64xf32, #tpu.memory_space<vmem>>) offsets(%dma_start3A_248 : memref<125xi32, #tpu.memory_space<vmem>>) semaphore(%arg12 : memref<!tpu.dma_semaphore, #tpu.memory_space<semaphore_mem>>)
      } else {
      }
      %add3A_195 = arith.constant 3 : i32
      %add3A_196 = arith.addi %add3A_66, %add3A_195 : i32
      %dma_wait3A_197 = arith.constant 0 : i32
      %dma_wait3A_198 = arith.constant 3 : i32
      %dma_wait3A_199 = arith.constant 0 : i32
      %dma_wait3A_200 = arith.constant 0 : i32
      %dma_wait3A_201 = tpu.memref_slice %arg9[%dma_wait3A_198, %dma_wait3A_199, %dma_wait3A_200] : memref<4x125x64xf32, #tpu.memory_space<vmem>> -> memref<1x125x64xf32, #tpu.memory_space<vmem>>
      %dma_wait3A_202 = tpu.memref_squeeze %dma_wait3A_201 : memref<1x125x64xf32, #tpu.memory_space<vmem>> -> memref<125x64xf32, #tpu.memory_space<vmem>>
      %dma_wait3A_203 = arith.constant 0 : i32
      %dma_wait3A_204 = tpu.memref_slice %arg7[%dma_wait3A_197, %dma_wait3A_203] : memref<80x125xi32, #tpu.memory_space<vmem>> -> memref<1x125xi32, #tpu.memory_space<vmem>>
      %dma_wait3A_205 = tpu.memref_squeeze %dma_wait3A_204 : memref<1x125xi32, #tpu.memory_space<vmem>> -> memref<125xi32, #tpu.memory_space<vmem>>
      %dma_wait3A_206 = arith.constant 0 : i32
      %dma_wait3A_207 = arith.constant 0 : i32
      %dma_wait3A_208 = tpu.memref_slice %arg2[%dma_wait3A_206, %dma_wait3A_207] : memref<10000x64xf32, #tpu.memory_space<hbm>> -> memref<10000x64xf32, #tpu.memory_space<hbm>>
      tpu.wait_indirect_dma semaphore(%arg13 : memref<!tpu.dma_semaphore, #tpu.memory_space<semaphore_mem>>) src(%dma_wait3A_208 : memref<10000x64xf32, #tpu.memory_space<hbm>>) dst(%dma_wait3A_202 : memref<125x64xf32, #tpu.memory_space<vmem>>)
      %dma_start3A_209 = arith.constant 3 : i32
      %dma_start3A_210 = arith.constant 0 : i32
      %dma_start3A_211 = arith.constant 0 : i32
      %dma_start3A_212 = tpu.memref_slice %arg9[%dma_start3A_209, %dma_start3A_210, %dma_start3A_211] : memref<4x125x64xf32, #tpu.memory_space<vmem>> -> memref<1x125x64xf32, #tpu.memory_space<vmem>>
      %dma_start3A_213 = tpu.memref_squeeze %dma_start3A_212 : memref<1x125x64xf32, #tpu.memory_space<vmem>> -> memref<125x64xf32, #tpu.memory_space<vmem>>
      %dma_start3A_214 = arith.constant 0 : i32
      %dma_start3A_215 = tpu.memref_slice %arg8[%add3A_196, %dma_start3A_214] : memref<80x125xi32, #tpu.memory_space<vmem>> -> memref<1x125xi32, #tpu.memory_space<vmem>>
      %dma_start3A_216 = tpu.memref_squeeze %dma_start3A_215 : memref<1x125xi32, #tpu.memory_space<vmem>> -> memref<125xi32, #tpu.memory_space<vmem>>
      %dma_start3A_217 = arith.constant 0 : i32
      %dma_start3A_218 = arith.constant 0 : i32
      %dma_start3A_219 = tpu.memref_slice %arg18[%dma_start3A_217, %dma_start3A_218] : memref<10240x64xf32, #tpu.memory_space<vmem_shared>> -> memref<10240x64xf32, #tpu.memory_space<vmem_shared>>
      tpu.enqueue_indirect_dma source(%dma_start3A_213 : memref<125x64xf32, #tpu.memory_space<vmem>>) target(%dma_start3A_219 : memref<10240x64xf32, #tpu.memory_space<vmem_shared>>) offsets(%dma_start3A_216 : memref<125xi32, #tpu.memory_space<vmem>>) semaphore(%arg17 : memref<!tpu.dma_semaphore, #tpu.memory_space<semaphore_mem>>) {add = true}
      %dma_wait3A_220 = arith.constant 3 : i32
      %dma_wait3A_221 = arith.constant 0 : i32
      %dma_wait3A_222 = arith.constant 0 : i32
      %dma_wait3A_223 = arith.constant 0 : i32
      %dma_wait3A_224 = tpu.memref_slice %arg9[%dma_wait3A_220, %dma_wait3A_222, %dma_wait3A_223] : memref<4x125x64xf32, #tpu.memory_space<vmem>> -> memref<1x125x64xf32, #tpu.memory_space<vmem>>
      %dma_wait3A_225 = tpu.memref_squeeze %dma_wait3A_224 : memref<1x125x64xf32, #tpu.memory_space<vmem>> -> memref<125x64xf32, #tpu.memory_space<vmem>>
      %dma_wait3A_226 = arith.constant 0 : i32
      %dma_wait3A_227 = tpu.memref_slice %arg8[%dma_wait3A_221, %dma_wait3A_226] : memref<80x125xi32, #tpu.memory_space<vmem>> -> memref<1x125xi32, #tpu.memory_space<vmem>>
      %dma_wait3A_228 = tpu.memref_squeeze %dma_wait3A_227 : memref<1x125xi32, #tpu.memory_space<vmem>> -> memref<125xi32, #tpu.memory_space<vmem>>
      %dma_wait3A_229 = arith.constant 0 : i32
      %dma_wait3A_230 = arith.constant 0 : i32
      %dma_wait3A_231 = tpu.memref_slice %arg18[%dma_wait3A_229, %dma_wait3A_230] : memref<10240x64xf32, #tpu.memory_space<vmem_shared>> -> memref<10240x64xf32, #tpu.memory_space<vmem_shared>>
      tpu.wait_indirect_dma semaphore(%arg17 : memref<!tpu.dma_semaphore, #tpu.memory_space<semaphore_mem>>) src(%dma_wait3A_225 : memref<125x64xf32, #tpu.memory_space<vmem>>) dst(%dma_wait3A_231 : memref<10240x64xf32, #tpu.memory_space<vmem_shared>>)
      %add3A_232 = arith.constant 4 : i32
      %add3A_233 = arith.addi %add3A_196, %add3A_232 : i32
      %lt3A_234 = arith.constant 80 : i32
      %lt3A_235 = arith.cmpi slt, %add3A_233, %lt3A_234 : i32
      %convert_element_type3A_236 = arith.extui %lt3A_235 : i1 to i32
      %cond3A_237 = arith.constant 0 : i32
      %cond3A_238 = arith.cmpi ne, %convert_element_type3A_236, %cond3A_237 : i32
      scf.if %cond3A_238 {
        %add3A_239 = arith.constant 4 : i32
        %add3A_240 = arith.addi %add3A_196, %add3A_239 : i32
        %dma_start3A_241 = arith.constant 3 : i32
        %dma_start3A_242 = arith.constant 0 : i32
        %dma_start3A_243 = arith.constant 0 : i32
        %dma_start3A_244 = tpu.memref_slice %arg9[%dma_start3A_241, %dma_start3A_242, %dma_start3A_243] : memref<4x125x64xf32, #tpu.memory_space<vmem>> -> memref<1x125x64xf32, #tpu.memory_space<vmem>>
        %dma_start3A_245 = tpu.memref_squeeze %dma_start3A_244 : memref<1x125x64xf32, #tpu.memory_space<vmem>> -> memref<125x64xf32, #tpu.memory_space<vmem>>
        %dma_start3A_246 = arith.constant 0 : i32
        %dma_start3A_247 = tpu.memref_slice %arg7[%add3A_240, %dma_start3A_246] : memref<80x125xi32, #tpu.memory_space<vmem>> -> memref<1x125xi32, #tpu.memory_space<vmem>>
        %dma_start3A_248 = tpu.memref_squeeze %dma_start3A_247 : memref<1x125xi32, #tpu.memory_space<vmem>> -> memref<125xi32, #tpu.memory_space<vmem>>
        %dma_start3A_249 = arith.constant 0 : i32
        %dma_start3A_250 = arith.constant 0 : i32
        %dma_start3A_251 = tpu.memref_slice %arg2[%dma_start3A_249, %dma_start3A_250] : memref<10000x64xf32, #tpu.memory_space<hbm>> -> memref<10000x64xf32, #tpu.memory_space<hbm>>
        tpu.enqueue_indirect_dma source(%dma_start3A_251 : memref<10000x64xf32, #tpu.memory_space<hbm>>) target(%dma_start3A_245 : memref<125x64xf32, #tpu.memory_space<vmem>>) offsets(%dma_start3A_248 : memref<125xi32, #tpu.memory_space<vmem>>) semaphore(%arg13 : memref<!tpu.dma_semaphore, #tpu.memory_space<semaphore_mem>>)
      } else {
      }
    }
    %scan3A_53 = arith.constant 20 : i32
    %barrier3A_54 = arith.constant 0 : index
    tpu.barrier barrier_id(%barrier3A_54)
    %mul3A_55 = arith.constant 640 : i32
    %mul3A_56 = arith.muli %arg1, %mul3A_55 : i32
    %mul3A_57 = arith.constant 10240 : i32
    %mul3A_58 = arith.muli %arg0, %mul3A_57 : i32
    %mul3A_59 = arith.constant 640 : i32
    %mul3A_60 = arith.muli %arg1, %mul3A_59 : i32
    %add3A_61 = arith.addi %mul3A_58, %mul3A_60 : i32
    "tpu.region"() ({
      %run_scoped3A = tpu.sem_alloc : memref<!tpu.dma_semaphore, #tpu.memory_space<semaphore_mem>>
      %dma_start3A_62 = arith.constant 0 : i32
      %dma_start3A_63 = tpu.memref_slice %arg6[%add3A_61, %dma_start3A_62] : memref<20480x64xf32, #tpu.memory_space<hbm>> -> memref<640x64xf32, #tpu.memory_space<hbm>>
      %dma_start3A_64 = arith.constant 0 : i32
      %dma_start3A_65 = tpu.memref_slice %arg18[%mul3A_56, %dma_start3A_64] : memref<10240x64xf32, #tpu.memory_space<vmem_shared>> -> memref<640x64xf32, #tpu.memory_space<vmem_shared>>
      tpu.enqueue_dma source(%dma_start3A_65 : memref<640x64xf32, #tpu.memory_space<vmem_shared>>) target(%dma_start3A_63 : memref<640x64xf32, #tpu.memory_space<hbm>>) target_semaphore(%run_scoped3A : memref<!tpu.dma_semaphore, #tpu.memory_space<semaphore_mem>>)
      %dma_wait3A = arith.constant 0 : i32
      %dma_wait3A_66 = tpu.memref_slice %arg6[%add3A_61, %dma_wait3A] : memref<20480x64xf32, #tpu.memory_space<hbm>> -> memref<640x64xf32, #tpu.memory_space<hbm>>
      %dma_wait3A_67 = arith.constant 0 : i32
      %dma_wait3A_68 = tpu.memref_slice %arg18[%mul3A_56, %dma_wait3A_67] : memref<10240x64xf32, #tpu.memory_space<vmem_shared>> -> memref<640x64xf32, #tpu.memory_space<vmem_shared>>
      tpu.wait_dma2 semaphore(%run_scoped3A : memref<!tpu.dma_semaphore, #tpu.memory_space<semaphore_mem>>) src(%dma_wait3A_68 : memref<640x64xf32, #tpu.memory_space<vmem_shared>>) dst(%dma_wait3A_66 : memref<640x64xf32, #tpu.memory_space<hbm>>)
      tpu.yield
    }) : () -> ()
    return
  }
}

#map = affine_map<(d0, d1) -> (0, 0)>
#map1 = affine_map<(d0, d1) -> (0, 0, 0)>
module attributes {stable_mosaic.version = 14 : i64} {
  func.func @_sc_scatter(%arg0: i32, %arg1: i32, %arg2: memref<10000x64xf32, #tpu.memory_space<hbm>>, %arg3: memref<32x80x125xi32, #tpu.memory_space<hbm>>, %arg4: memref<32x80x125xi32, #tpu.memory_space<hbm>>, %arg5: memref<640x64xf32, #tpu.memory_space<hbm>>, %arg6: memref<20480x64xf32, #tpu.memory_space<hbm>>, %arg7: memref<80x125xi32, #tpu.memory_space<vmem>>, %arg8: memref<80x125xi32, #tpu.memory_space<vmem>>, %arg9: memref<4x125x64xf32, #tpu.memory_space<vmem>>, %arg10: memref<!tpu.dma_semaphore, #tpu.memory_space<semaphore_mem>>, %arg11: memref<!tpu.dma_semaphore, #tpu.memory_space<semaphore_mem>>, %arg12: memref<!tpu.dma_semaphore, #tpu.memory_space<semaphore_mem>>, %arg13: memref<!tpu.dma_semaphore, #tpu.memory_space<semaphore_mem>>, %arg14: memref<!tpu.dma_semaphore, #tpu.memory_space<semaphore_mem>>, %arg15: memref<!tpu.dma_semaphore, #tpu.memory_space<semaphore_mem>>, %arg16: memref<!tpu.dma_semaphore, #tpu.memory_space<semaphore_mem>>, %arg17: memref<!tpu.dma_semaphore, #tpu.memory_space<semaphore_mem>>, %arg18: memref<10240x64xf32, #tpu.memory_space<vmem_shared>>) attributes {dimension_semantics = [#tpu.dimension_semantics<core_parallel>, #tpu.dimension_semantics<subcore_parallel>], iteration_bounds = array<i64: 2, 16>, scalar_prefetch = 0 : i64, scratch_operands = 12 : i64, tpu.core_type = #tpu.core_type<sc_vector_subcore>, window_params = [{transform_indices = #map}, {transform_indices = #map1}, {transform_indices = #map1}, {transform_indices = #map}, {transform_indices = #map}]} {
    %mul3A = arith.constant 16 : i32
    %mul3A_0 = arith.muli %arg0, %mul3A : i32
    %add3A = arith.addi %mul3A_0, %arg1 : i32
    %mul3A_1 = arith.constant 640 : i32
    %mul3A_2 = arith.muli %arg1, %mul3A_1 : i32
    "tpu.region"() ({
      %run_scoped3A = tpu.sem_alloc : memref<!tpu.dma_semaphore, #tpu.memory_space<semaphore_mem>>
      %dma_start3A_62 = arith.constant 0 : i32
      %dma_start3A_63 = tpu.memref_slice %arg18[%mul3A_2, %dma_start3A_62] : memref<10240x64xf32, #tpu.memory_space<vmem_shared>> -> memref<640x64xf32, #tpu.memory_space<vmem_shared>>
      tpu.enqueue_dma source(%arg5 : memref<640x64xf32, #tpu.memory_space<hbm>>) target(%dma_start3A_63 : memref<640x64xf32, #tpu.memory_space<vmem_shared>>) target_semaphore(%run_scoped3A : memref<!tpu.dma_semaphore, #tpu.memory_space<semaphore_mem>>)
      %dma_wait3A = arith.constant 0 : i32
      %dma_wait3A_64 = tpu.memref_slice %arg18[%mul3A_2, %dma_wait3A] : memref<10240x64xf32, #tpu.memory_space<vmem_shared>> -> memref<640x64xf32, #tpu.memory_space<vmem_shared>>
      tpu.wait_dma2 semaphore(%run_scoped3A : memref<!tpu.dma_semaphore, #tpu.memory_space<semaphore_mem>>) src(%arg5 : memref<640x64xf32, #tpu.memory_space<hbm>>) dst(%dma_wait3A_64 : memref<640x64xf32, #tpu.memory_space<vmem_shared>>)
      tpu.yield
    }) : () -> ()
    "tpu.region"() ({
      %run_scoped3A = tpu.sem_alloc : memref<!tpu.dma_semaphore, #tpu.memory_space<semaphore_mem>>
      %dma_start3A_62 = arith.constant 0 : i32
      %dma_start3A_63 = arith.constant 0 : i32
      %dma_start3A_64 = tpu.memref_slice %arg3[%add3A, %dma_start3A_62, %dma_start3A_63] : memref<32x80x125xi32, #tpu.memory_space<hbm>> -> memref<1x80x125xi32, #tpu.memory_space<hbm>>
      %dma_start3A_65 = tpu.memref_squeeze %dma_start3A_64 : memref<1x80x125xi32, #tpu.memory_space<hbm>> -> memref<80x125xi32, #tpu.memory_space<hbm>>
      %dma_start3A_66 = arith.constant 0 : i32
      %dma_start3A_67 = arith.constant 0 : i32
      %dma_start3A_68 = tpu.memref_slice %arg3[%add3A, %dma_start3A_66, %dma_start3A_67] : memref<32x80x125xi32, #tpu.memory_space<hbm>> -> memref<1x80x125xi32, #tpu.memory_space<hbm>>
      %dma_start3A_69 = tpu.memref_squeeze %dma_start3A_68 : memref<1x80x125xi32, #tpu.memory_space<hbm>> -> memref<80x125xi32, #tpu.memory_space<hbm>>
      tpu.enqueue_dma source(%dma_start3A_69 : memref<80x125xi32, #tpu.memory_space<hbm>>) target(%arg7 : memref<80x125xi32, #tpu.memory_space<vmem>>) target_semaphore(%run_scoped3A : memref<!tpu.dma_semaphore, #tpu.memory_space<semaphore_mem>>)
      %dma_wait3A = arith.constant 0 : i32
      %dma_wait3A_70 = arith.constant 0 : i32
      %dma_wait3A_71 = tpu.memref_slice %arg3[%add3A, %dma_wait3A, %dma_wait3A_70] : memref<32x80x125xi32, #tpu.memory_space<hbm>> -> memref<1x80x125xi32, #tpu.memory_space<hbm>>
      %dma_wait3A_72 = tpu.memref_squeeze %dma_wait3A_71 : memref<1x80x125xi32, #tpu.memory_space<hbm>> -> memref<80x125xi32, #tpu.memory_space<hbm>>
      %dma_wait3A_73 = arith.constant 0 : i32
      %dma_wait3A_74 = arith.constant 0 : i32
      %dma_wait3A_75 = tpu.memref_slice %arg3[%add3A, %dma_wait3A_73, %dma_wait3A_74] : memref<32x80x125xi32, #tpu.memory_space<hbm>> -> memref<1x80x125xi32, #tpu.memory_space<hbm>>
      %dma_wait3A_76 = tpu.memref_squeeze %dma_wait3A_75 : memref<1x80x125xi32, #tpu.memory_space<hbm>> -> memref<80x125xi32, #tpu.memory_space<hbm>>
      tpu.wait_dma2 semaphore(%run_scoped3A : memref<!tpu.dma_semaphore, #tpu.memory_space<semaphore_mem>>) src(%dma_wait3A_76 : memref<80x125xi32, #tpu.memory_space<hbm>>) dst(%arg7 : memref<80x125xi32, #tpu.memory_space<vmem>>)
      tpu.yield
    }) : () -> ()
    "tpu.region"() ({
      %run_scoped3A = tpu.sem_alloc : memref<!tpu.dma_semaphore, #tpu.memory_space<semaphore_mem>>
      %dma_start3A_62 = arith.constant 0 : i32
      %dma_start3A_63 = arith.constant 0 : i32
      %dma_start3A_64 = tpu.memref_slice %arg4[%add3A, %dma_start3A_62, %dma_start3A_63] : memref<32x80x125xi32, #tpu.memory_space<hbm>> -> memref<1x80x125xi32, #tpu.memory_space<hbm>>
      %dma_start3A_65 = tpu.memref_squeeze %dma_start3A_64 : memref<1x80x125xi32, #tpu.memory_space<hbm>> -> memref<80x125xi32, #tpu.memory_space<hbm>>
      %dma_start3A_66 = arith.constant 0 : i32
      %dma_start3A_67 = arith.constant 0 : i32
      %dma_start3A_68 = tpu.memref_slice %arg4[%add3A, %dma_start3A_66, %dma_start3A_67] : memref<32x80x125xi32, #tpu.memory_space<hbm>> -> memref<1x80x125xi32, #tpu.memory_space<hbm>>
      %dma_start3A_69 = tpu.memref_squeeze %dma_start3A_68 : memref<1x80x125xi32, #tpu.memory_space<hbm>> -> memref<80x125xi32, #tpu.memory_space<hbm>>
      tpu.enqueue_dma source(%dma_start3A_69 : memref<80x125xi32, #tpu.memory_space<hbm>>) target(%arg8 : memref<80x125xi32, #tpu.memory_space<vmem>>) target_semaphore(%run_scoped3A : memref<!tpu.dma_semaphore, #tpu.memory_space<semaphore_mem>>)
      %dma_wait3A = arith.constant 0 : i32
      %dma_wait3A_70 = arith.constant 0 : i32
      %dma_wait3A_71 = tpu.memref_slice %arg4[%add3A, %dma_wait3A, %dma_wait3A_70] : memref<32x80x125xi32, #tpu.memory_space<hbm>> -> memref<1x80x125xi32, #tpu.memory_space<hbm>>
      %dma_wait3A_72 = tpu.memref_squeeze %dma_wait3A_71 : memref<1x80x125xi32, #tpu.memory_space<hbm>> -> memref<80x125xi32, #tpu.memory_space<hbm>>
      %dma_wait3A_73 = arith.constant 0 : i32
      %dma_wait3A_74 = arith.constant 0 : i32
      %dma_wait3A_75 = tpu.memref_slice %arg4[%add3A, %dma_wait3A_73, %dma_wait3A_74] : memref<32x80x125xi32, #tpu.memory_space<hbm>> -> memref<1x80x125xi32, #tpu.memory_space<hbm>>
      %dma_wait3A_76 = tpu.memref_squeeze %dma_wait3A_75 : memref<1x80x125xi32, #tpu.memory_space<hbm>> -> memref<80x125xi32, #tpu.memory_space<hbm>>
      tpu.wait_dma2 semaphore(%run_scoped3A : memref<!tpu.dma_semaphore, #tpu.memory_space<semaphore_mem>>) src(%dma_wait3A_76 : memref<80x125xi32, #tpu.memory_space<hbm>>) dst(%arg8 : memref<80x125xi32, #tpu.memory_space<vmem>>)
      tpu.yield
    }) : () -> ()
    %barrier3A = arith.constant 0 : index
    tpu.barrier barrier_id(%barrier3A)
    %dma_start3A = arith.constant 0 : i32
    %dma_start3A_3 = arith.constant 0 : i32
    %dma_start3A_4 = arith.constant 0 : i32
    %dma_start3A_5 = arith.constant 0 : i32
    %dma_start3A_6 = tpu.memref_slice %arg9[%dma_start3A_3, %dma_start3A_4, %dma_start3A_5] : memref<4x125x64xf32, #tpu.memory_space<vmem>> -> memref<1x125x64xf32, #tpu.memory_space<vmem>>
    %dma_start3A_7 = tpu.memref_squeeze %dma_start3A_6 : memref<1x125x64xf32, #tpu.memory_space<vmem>> -> memref<125x64xf32, #tpu.memory_space<vmem>>
    %dma_start3A_8 = arith.constant 0 : i32
    %dma_start3A_9 = tpu.memref_slice %arg7[%dma_start3A, %dma_start3A_8] : memref<80x125xi32, #tpu.memory_space<vmem>> -> memref<1x125xi32, #tpu.memory_space<vmem>>
    %dma_start3A_10 = tpu.memref_squeeze %dma_start3A_9 : memref<1x125xi32, #tpu.memory_space<vmem>> -> memref<125xi32, #tpu.memory_space<vmem>>
    %dma_start3A_11 = arith.constant 0 : i32
    %dma_start3A_12 = arith.constant 0 : i32
    %dma_start3A_13 = tpu.memref_slice %arg2[%dma_start3A_11, %dma_start3A_12] : memref<10000x64xf32, #tpu.memory_space<hbm>> -> memref<10000x64xf32, #tpu.memory_space<hbm>>
    tpu.enqueue_indirect_dma source(%dma_start3A_13 : memref<10000x64xf32, #tpu.memory_space<hbm>>) target(%dma_start3A_7 : memref<125x64xf32, #tpu.memory_space<vmem>>) offsets(%dma_start3A_10 : memref<125xi32, #tpu.memory_space<vmem>>) semaphore(%arg10 : memref<!tpu.dma_semaphore, #tpu.memory_space<semaphore_mem>>)
    %dma_start3A_14 = arith.constant 1 : i32
    %dma_start3A_15 = arith.constant 1 : i32
    %dma_start3A_16 = arith.constant 0 : i32
    %dma_start3A_17 = arith.constant 0 : i32
    %dma_start3A_18 = tpu.memref_slice %arg9[%dma_start3A_15, %dma_start3A_16, %dma_start3A_17] : memref<4x125x64xf32, #tpu.memory_space<vmem>> -> memref<1x125x64xf32, #tpu.memory_space<vmem>>
    %dma_start3A_19 = tpu.memref_squeeze %dma_start3A_18 : memref<1x125x64xf32, #tpu.memory_space<vmem>> -> memref<125x64xf32, #tpu.memory_space<vmem>>
    %dma_start3A_20 = arith.constant 0 : i32
    %dma_start3A_21 = tpu.memref_slice %arg7[%dma_start3A_14, %dma_start3A_20] : memref<80x125xi32, #tpu.memory_space<vmem>> -> memref<1x125xi32, #tpu.memory_space<vmem>>
    %dma_start3A_22 = tpu.memref_squeeze %dma_start3A_21 : memref<1x125xi32, #tpu.memory_space<vmem>> -> memref<125xi32, #tpu.memory_space<vmem>>
    %dma_start3A_23 = arith.constant 0 : i32
    %dma_start3A_24 = arith.constant 0 : i32
    %dma_start3A_25 = tpu.memref_slice %arg2[%dma_start3A_23, %dma_start3A_24] : memref<10000x64xf32, #tpu.memory_space<hbm>> -> memref<10000x64xf32, #tpu.memory_space<hbm>>
    tpu.enqueue_indirect_dma source(%dma_start3A_25 : memref<10000x64xf32, #tpu.memory_space<hbm>>) target(%dma_start3A_19 : memref<125x64xf32, #tpu.memory_space<vmem>>) offsets(%dma_start3A_22 : memref<125xi32, #tpu.memory_space<vmem>>) semaphore(%arg11 : memref<!tpu.dma_semaphore, #tpu.memory_space<semaphore_mem>>)
    %dma_start3A_26 = arith.constant 2 : i32
    %dma_start3A_27 = arith.constant 2 : i32
    %dma_start3A_28 = arith.constant 0 : i32
    %dma_start3A_29 = arith.constant 0 : i32
    %dma_start3A_30 = tpu.memref_slice %arg9[%dma_start3A_27, %dma_start3A_28, %dma_start3A_29] : memref<4x125x64xf32, #tpu.memory_space<vmem>> -> memref<1x125x64xf32, #tpu.memory_space<vmem>>
    %dma_start3A_31 = tpu.memref_squeeze %dma_start3A_30 : memref<1x125x64xf32, #tpu.memory_space<vmem>> -> memref<125x64xf32, #tpu.memory_space<vmem>>
    %dma_start3A_32 = arith.constant 0 : i32
    %dma_start3A_33 = tpu.memref_slice %arg7[%dma_start3A_26, %dma_start3A_32] : memref<80x125xi32, #tpu.memory_space<vmem>> -> memref<1x125xi32, #tpu.memory_space<vmem>>
    %dma_start3A_34 = tpu.memref_squeeze %dma_start3A_33 : memref<1x125xi32, #tpu.memory_space<vmem>> -> memref<125xi32, #tpu.memory_space<vmem>>
    %dma_start3A_35 = arith.constant 0 : i32
    %dma_start3A_36 = arith.constant 0 : i32
    %dma_start3A_37 = tpu.memref_slice %arg2[%dma_start3A_35, %dma_start3A_36] : memref<10000x64xf32, #tpu.memory_space<hbm>> -> memref<10000x64xf32, #tpu.memory_space<hbm>>
    tpu.enqueue_indirect_dma source(%dma_start3A_37 : memref<10000x64xf32, #tpu.memory_space<hbm>>) target(%dma_start3A_31 : memref<125x64xf32, #tpu.memory_space<vmem>>) offsets(%dma_start3A_34 : memref<125xi32, #tpu.memory_space<vmem>>) semaphore(%arg12 : memref<!tpu.dma_semaphore, #tpu.memory_space<semaphore_mem>>)
    %dma_start3A_38 = arith.constant 3 : i32
    %dma_start3A_39 = arith.constant 3 : i32
    %dma_start3A_40 = arith.constant 0 : i32
    %dma_start3A_41 = arith.constant 0 : i32
    %dma_start3A_42 = tpu.memref_slice %arg9[%dma_start3A_39, %dma_start3A_40, %dma_start3A_41] : memref<4x125x64xf32, #tpu.memory_space<vmem>> -> memref<1x125x64xf32, #tpu.memory_space<vmem>>
    %dma_start3A_43 = tpu.memref_squeeze %dma_start3A_42 : memref<1x125x64xf32, #tpu.memory_space<vmem>> -> memref<125x64xf32, #tpu.memory_space<vmem>>
    %dma_start3A_44 = arith.constant 0 : i32
    %dma_start3A_45 = tpu.memref_slice %arg7[%dma_start3A_38, %dma_start3A_44] : memref<80x125xi32, #tpu.memory_space<vmem>> -> memref<1x125xi32, #tpu.memory_space<vmem>>
    %dma_start3A_46 = tpu.memref_squeeze %dma_start3A_45 : memref<1x125xi32, #tpu.memory_space<vmem>> -> memref<125xi32, #tpu.memory_space<vmem>>
    %dma_start3A_47 = arith.constant 0 : i32
    %dma_start3A_48 = arith.constant 0 : i32
    %dma_start3A_49 = tpu.memref_slice %arg2[%dma_start3A_47, %dma_start3A_48] : memref<10000x64xf32, #tpu.memory_space<hbm>> -> memref<10000x64xf32, #tpu.memory_space<hbm>>
    tpu.enqueue_indirect_dma source(%dma_start3A_49 : memref<10000x64xf32, #tpu.memory_space<hbm>>) target(%dma_start3A_43 : memref<125x64xf32, #tpu.memory_space<vmem>>) offsets(%dma_start3A_46 : memref<125xi32, #tpu.memory_space<vmem>>) semaphore(%arg13 : memref<!tpu.dma_semaphore, #tpu.memory_space<semaphore_mem>>)
    %scan3A = arith.constant 0 : i32
    %scan3A_50 = arith.constant 20 : i32
    %scan3A_51 = arith.addi %scan3A, %scan3A_50 : i32
    %scan3A_52 = arith.constant 1 : i32
    scf.for %scan3A_62 = %scan3A to %scan3A_51 step %scan3A_52  : i32 {
      %mul3A_63 = arith.constant 4 : i32
      %mul3A_64 = arith.muli %scan3A_62, %mul3A_63 : i32
      %add3A_65 = arith.constant 0 : i32
      %add3A_66 = arith.addi %add3A_65, %mul3A_64 : i32
      %add3A_67 = arith.constant 0 : i32
      %add3A_68 = arith.addi %add3A_66, %add3A_67 : i32
      %dma_wait3A = arith.constant 0 : i32
      %dma_wait3A_69 = arith.constant 0 : i32
      %dma_wait3A_70 = arith.constant 0 : i32
      %dma_wait3A_71 = arith.constant 0 : i32
      %dma_wait3A_72 = tpu.memref_slice %arg9[%dma_wait3A_69, %dma_wait3A_70, %dma_wait3A_71] : memref<4x125x64xf32, #tpu.memory_space<vmem>> -> memref<1x125x64xf32, #tpu.memory_space<vmem>>
      %dma_wait3A_73 = tpu.memref_squeeze %dma_wait3A_72 : memref<1x125x64xf32, #tpu.memory_space<vmem>> -> memref<125x64xf32, #tpu.memory_space<vmem>>
      %dma_wait3A_74 = arith.constant 0 : i32
      %dma_wait3A_75 = tpu.memref_slice %arg7[%dma_wait3A, %dma_wait3A_74] : memref<80x125xi32, #tpu.memory_space<vmem>> -> memref<1x125xi32, #tpu.memory_space<vmem>>
      %dma_wait3A_76 = tpu.memref_squeeze %dma_wait3A_75 : memref<1x125xi32, #tpu.memory_space<vmem>> -> memref<125xi32, #tpu.memory_space<vmem>>
      %dma_wait3A_77 = arith.constant 0 : i32
      %dma_wait3A_78 = arith.constant 0 : i32
      %dma_wait3A_79 = tpu.memref_slice %arg2[%dma_wait3A_77, %dma_wait3A_78] : memref<10000x64xf32, #tpu.memory_space<hbm>> -> memref<10000x64xf32, #tpu.memory_space<hbm>>
      tpu.wait_indirect_dma semaphore(%arg10 : memref<!tpu.dma_semaphore, #tpu.memory_space<semaphore_mem>>) src(%dma_wait3A_79 : memref<10000x64xf32, #tpu.memory_space<hbm>>) dst(%dma_wait3A_73 : memref<125x64xf32, #tpu.memory_space<vmem>>)
      %dma_start3A_80 = arith.constant 0 : i32
      %dma_start3A_81 = arith.constant 0 : i32
      %dma_start3A_82 = arith.constant 0 : i32
      %dma_start3A_83 = tpu.memref_slice %arg9[%dma_start3A_80, %dma_start3A_81, %dma_start3A_82] : memref<4x125x64xf32, #tpu.memory_space<vmem>> -> memref<1x125x64xf32, #tpu.memory_space<vmem>>
      %dma_start3A_84 = tpu.memref_squeeze %dma_start3A_83 : memref<1x125x64xf32, #tpu.memory_space<vmem>> -> memref<125x64xf32, #tpu.memory_space<vmem>>
      %dma_start3A_85 = arith.constant 0 : i32
      %dma_start3A_86 = tpu.memref_slice %arg8[%add3A_68, %dma_start3A_85] : memref<80x125xi32, #tpu.memory_space<vmem>> -> memref<1x125xi32, #tpu.memory_space<vmem>>
      %dma_start3A_87 = tpu.memref_squeeze %dma_start3A_86 : memref<1x125xi32, #tpu.memory_space<vmem>> -> memref<125xi32, #tpu.memory_space<vmem>>
      %dma_start3A_88 = arith.constant 0 : i32
      %dma_start3A_89 = arith.constant 0 : i32
      %dma_start3A_90 = tpu.memref_slice %arg18[%dma_start3A_88, %dma_start3A_89] : memref<10240x64xf32, #tpu.memory_space<vmem_shared>> -> memref<10240x64xf32, #tpu.memory_space<vmem_shared>>
      tpu.enqueue_indirect_dma source(%dma_start3A_84 : memref<125x64xf32, #tpu.memory_space<vmem>>) target(%dma_start3A_90 : memref<10240x64xf32, #tpu.memory_space<vmem_shared>>) offsets(%dma_start3A_87 : memref<125xi32, #tpu.memory_space<vmem>>) semaphore(%arg14 : memref<!tpu.dma_semaphore, #tpu.memory_space<semaphore_mem>>) {add = true}
      %dma_wait3A_91 = arith.constant 0 : i32
      %dma_wait3A_92 = arith.constant 0 : i32
      %dma_wait3A_93 = arith.constant 0 : i32
      %dma_wait3A_94 = arith.constant 0 : i32
      %dma_wait3A_95 = tpu.memref_slice %arg9[%dma_wait3A_91, %dma_wait3A_93, %dma_wait3A_94] : memref<4x125x64xf32, #tpu.memory_space<vmem>> -> memref<1x125x64xf32, #tpu.memory_space<vmem>>
      %dma_wait3A_96 = tpu.memref_squeeze %dma_wait3A_95 : memref<1x125x64xf32, #tpu.memory_space<vmem>> -> memref<125x64xf32, #tpu.memory_space<vmem>>
      %dma_wait3A_97 = arith.constant 0 : i32
      %dma_wait3A_98 = tpu.memref_slice %arg8[%dma_wait3A_92, %dma_wait3A_97] : memref<80x125xi32, #tpu.memory_space<vmem>> -> memref<1x125xi32, #tpu.memory_space<vmem>>
      %dma_wait3A_99 = tpu.memref_squeeze %dma_wait3A_98 : memref<1x125xi32, #tpu.memory_space<vmem>> -> memref<125xi32, #tpu.memory_space<vmem>>
      %dma_wait3A_100 = arith.constant 0 : i32
      %dma_wait3A_101 = arith.constant 0 : i32
      %dma_wait3A_102 = tpu.memref_slice %arg18[%dma_wait3A_100, %dma_wait3A_101] : memref<10240x64xf32, #tpu.memory_space<vmem_shared>> -> memref<10240x64xf32, #tpu.memory_space<vmem_shared>>
      tpu.wait_indirect_dma semaphore(%arg14 : memref<!tpu.dma_semaphore, #tpu.memory_space<semaphore_mem>>) src(%dma_wait3A_96 : memref<125x64xf32, #tpu.memory_space<vmem>>) dst(%dma_wait3A_102 : memref<10240x64xf32, #tpu.memory_space<vmem_shared>>)
      %add3A_103 = arith.constant 4 : i32
      %add3A_104 = arith.addi %add3A_68, %add3A_103 : i32
      %lt3A = arith.constant 80 : i32
      %lt3A_105 = arith.cmpi slt, %add3A_104, %lt3A : i32
      %convert_element_type3A = arith.extui %lt3A_105 : i1 to i32
      %cond3A = arith.constant 0 : i32
      %cond3A_106 = arith.cmpi ne, %convert_element_type3A, %cond3A : i32
      scf.if %cond3A_106 {
        %add3A_239 = arith.constant 4 : i32
        %add3A_240 = arith.addi %add3A_68, %add3A_239 : i32
        %dma_start3A_241 = arith.constant 0 : i32
        %dma_start3A_242 = arith.constant 0 : i32
        %dma_start3A_243 = arith.constant 0 : i32
        %dma_start3A_244 = tpu.memref_slice %arg9[%dma_start3A_241, %dma_start3A_242, %dma_start3A_243] : memref<4x125x64xf32, #tpu.memory_space<vmem>> -> memref<1x125x64xf32, #tpu.memory_space<vmem>>
        %dma_start3A_245 = tpu.memref_squeeze %dma_start3A_244 : memref<1x125x64xf32, #tpu.memory_space<vmem>> -> memref<125x64xf32, #tpu.memory_space<vmem>>
        %dma_start3A_246 = arith.constant 0 : i32
        %dma_start3A_247 = tpu.memref_slice %arg7[%add3A_240, %dma_start3A_246] : memref<80x125xi32, #tpu.memory_space<vmem>> -> memref<1x125xi32, #tpu.memory_space<vmem>>
        %dma_start3A_248 = tpu.memref_squeeze %dma_start3A_247 : memref<1x125xi32, #tpu.memory_space<vmem>> -> memref<125xi32, #tpu.memory_space<vmem>>
        %dma_start3A_249 = arith.constant 0 : i32
        %dma_start3A_250 = arith.constant 0 : i32
        %dma_start3A_251 = tpu.memref_slice %arg2[%dma_start3A_249, %dma_start3A_250] : memref<10000x64xf32, #tpu.memory_space<hbm>> -> memref<10000x64xf32, #tpu.memory_space<hbm>>
        tpu.enqueue_indirect_dma source(%dma_start3A_251 : memref<10000x64xf32, #tpu.memory_space<hbm>>) target(%dma_start3A_245 : memref<125x64xf32, #tpu.memory_space<vmem>>) offsets(%dma_start3A_248 : memref<125xi32, #tpu.memory_space<vmem>>) semaphore(%arg10 : memref<!tpu.dma_semaphore, #tpu.memory_space<semaphore_mem>>)
      } else {
      }
      %add3A_107 = arith.constant 1 : i32
      %add3A_108 = arith.addi %add3A_66, %add3A_107 : i32
      %dma_wait3A_109 = arith.constant 0 : i32
      %dma_wait3A_110 = arith.constant 1 : i32
      %dma_wait3A_111 = arith.constant 0 : i32
      %dma_wait3A_112 = arith.constant 0 : i32
      %dma_wait3A_113 = tpu.memref_slice %arg9[%dma_wait3A_110, %dma_wait3A_111, %dma_wait3A_112] : memref<4x125x64xf32, #tpu.memory_space<vmem>> -> memref<1x125x64xf32, #tpu.memory_space<vmem>>
      %dma_wait3A_114 = tpu.memref_squeeze %dma_wait3A_113 : memref<1x125x64xf32, #tpu.memory_space<vmem>> -> memref<125x64xf32, #tpu.memory_space<vmem>>
      %dma_wait3A_115 = arith.constant 0 : i32
      %dma_wait3A_116 = tpu.memref_slice %arg7[%dma_wait3A_109, %dma_wait3A_115] : memref<80x125xi32, #tpu.memory_space<vmem>> -> memref<1x125xi32, #tpu.memory_space<vmem>>
      %dma_wait3A_117 = tpu.memref_squeeze %dma_wait3A_116 : memref<1x125xi32, #tpu.memory_space<vmem>> -> memref<125xi32, #tpu.memory_space<vmem>>
      %dma_wait3A_118 = arith.constant 0 : i32
      %dma_wait3A_119 = arith.constant 0 : i32
      %dma_wait3A_120 = tpu.memref_slice %arg2[%dma_wait3A_118, %dma_wait3A_119] : memref<10000x64xf32, #tpu.memory_space<hbm>> -> memref<10000x64xf32, #tpu.memory_space<hbm>>
      tpu.wait_indirect_dma semaphore(%arg11 : memref<!tpu.dma_semaphore, #tpu.memory_space<semaphore_mem>>) src(%dma_wait3A_120 : memref<10000x64xf32, #tpu.memory_space<hbm>>) dst(%dma_wait3A_114 : memref<125x64xf32, #tpu.memory_space<vmem>>)
      %dma_start3A_121 = arith.constant 1 : i32
      %dma_start3A_122 = arith.constant 0 : i32
      %dma_start3A_123 = arith.constant 0 : i32
      %dma_start3A_124 = tpu.memref_slice %arg9[%dma_start3A_121, %dma_start3A_122, %dma_start3A_123] : memref<4x125x64xf32, #tpu.memory_space<vmem>> -> memref<1x125x64xf32, #tpu.memory_space<vmem>>
      %dma_start3A_125 = tpu.memref_squeeze %dma_start3A_124 : memref<1x125x64xf32, #tpu.memory_space<vmem>> -> memref<125x64xf32, #tpu.memory_space<vmem>>
      %dma_start3A_126 = arith.constant 0 : i32
      %dma_start3A_127 = tpu.memref_slice %arg8[%add3A_108, %dma_start3A_126] : memref<80x125xi32, #tpu.memory_space<vmem>> -> memref<1x125xi32, #tpu.memory_space<vmem>>
      %dma_start3A_128 = tpu.memref_squeeze %dma_start3A_127 : memref<1x125xi32, #tpu.memory_space<vmem>> -> memref<125xi32, #tpu.memory_space<vmem>>
      %dma_start3A_129 = arith.constant 0 : i32
      %dma_start3A_130 = arith.constant 0 : i32
      %dma_start3A_131 = tpu.memref_slice %arg18[%dma_start3A_129, %dma_start3A_130] : memref<10240x64xf32, #tpu.memory_space<vmem_shared>> -> memref<10240x64xf32, #tpu.memory_space<vmem_shared>>
      tpu.enqueue_indirect_dma source(%dma_start3A_125 : memref<125x64xf32, #tpu.memory_space<vmem>>) target(%dma_start3A_131 : memref<10240x64xf32, #tpu.memory_space<vmem_shared>>) offsets(%dma_start3A_128 : memref<125xi32, #tpu.memory_space<vmem>>) semaphore(%arg15 : memref<!tpu.dma_semaphore, #tpu.memory_space<semaphore_mem>>) {add = true}
      %dma_wait3A_132 = arith.constant 1 : i32
      %dma_wait3A_133 = arith.constant 0 : i32
      %dma_wait3A_134 = arith.constant 0 : i32
      %dma_wait3A_135 = arith.constant 0 : i32
      %dma_wait3A_136 = tpu.memref_slice %arg9[%dma_wait3A_132, %dma_wait3A_134, %dma_wait3A_135] : memref<4x125x64xf32, #tpu.memory_space<vmem>> -> memref<1x125x64xf32, #tpu.memory_space<vmem>>
      %dma_wait3A_137 = tpu.memref_squeeze %dma_wait3A_136 : memref<1x125x64xf32, #tpu.memory_space<vmem>> -> memref<125x64xf32, #tpu.memory_space<vmem>>
      %dma_wait3A_138 = arith.constant 0 : i32
      %dma_wait3A_139 = tpu.memref_slice %arg8[%dma_wait3A_133, %dma_wait3A_138] : memref<80x125xi32, #tpu.memory_space<vmem>> -> memref<1x125xi32, #tpu.memory_space<vmem>>
      %dma_wait3A_140 = tpu.memref_squeeze %dma_wait3A_139 : memref<1x125xi32, #tpu.memory_space<vmem>> -> memref<125xi32, #tpu.memory_space<vmem>>
      %dma_wait3A_141 = arith.constant 0 : i32
      %dma_wait3A_142 = arith.constant 0 : i32
      %dma_wait3A_143 = tpu.memref_slice %arg18[%dma_wait3A_141, %dma_wait3A_142] : memref<10240x64xf32, #tpu.memory_space<vmem_shared>> -> memref<10240x64xf32, #tpu.memory_space<vmem_shared>>
      tpu.wait_indirect_dma semaphore(%arg15 : memref<!tpu.dma_semaphore, #tpu.memory_space<semaphore_mem>>) src(%dma_wait3A_137 : memref<125x64xf32, #tpu.memory_space<vmem>>) dst(%dma_wait3A_143 : memref<10240x64xf32, #tpu.memory_space<vmem_shared>>)
      %add3A_144 = arith.constant 4 : i32
      %add3A_145 = arith.addi %add3A_108, %add3A_144 : i32
      %lt3A_146 = arith.constant 80 : i32
      %lt3A_147 = arith.cmpi slt, %add3A_145, %lt3A_146 : i32
      %convert_element_type3A_148 = arith.extui %lt3A_147 : i1 to i32
      %cond3A_149 = arith.constant 0 : i32
      %cond3A_150 = arith.cmpi ne, %convert_element_type3A_148, %cond3A_149 : i32
      scf.if %cond3A_150 {
        %add3A_239 = arith.constant 4 : i32
        %add3A_240 = arith.addi %add3A_108, %add3A_239 : i32
        %dma_start3A_241 = arith.constant 1 : i32
        %dma_start3A_242 = arith.constant 0 : i32
        %dma_start3A_243 = arith.constant 0 : i32
        %dma_start3A_244 = tpu.memref_slice %arg9[%dma_start3A_241, %dma_start3A_242, %dma_start3A_243] : memref<4x125x64xf32, #tpu.memory_space<vmem>> -> memref<1x125x64xf32, #tpu.memory_space<vmem>>
        %dma_start3A_245 = tpu.memref_squeeze %dma_start3A_244 : memref<1x125x64xf32, #tpu.memory_space<vmem>> -> memref<125x64xf32, #tpu.memory_space<vmem>>
        %dma_start3A_246 = arith.constant 0 : i32
        %dma_start3A_247 = tpu.memref_slice %arg7[%add3A_240, %dma_start3A_246] : memref<80x125xi32, #tpu.memory_space<vmem>> -> memref<1x125xi32, #tpu.memory_space<vmem>>
        %dma_start3A_248 = tpu.memref_squeeze %dma_start3A_247 : memref<1x125xi32, #tpu.memory_space<vmem>> -> memref<125xi32, #tpu.memory_space<vmem>>
        %dma_start3A_249 = arith.constant 0 : i32
        %dma_start3A_250 = arith.constant 0 : i32
        %dma_start3A_251 = tpu.memref_slice %arg2[%dma_start3A_249, %dma_start3A_250] : memref<10000x64xf32, #tpu.memory_space<hbm>> -> memref<10000x64xf32, #tpu.memory_space<hbm>>
        tpu.enqueue_indirect_dma source(%dma_start3A_251 : memref<10000x64xf32, #tpu.memory_space<hbm>>) target(%dma_start3A_245 : memref<125x64xf32, #tpu.memory_space<vmem>>) offsets(%dma_start3A_248 : memref<125xi32, #tpu.memory_space<vmem>>) semaphore(%arg11 : memref<!tpu.dma_semaphore, #tpu.memory_space<semaphore_mem>>)
      } else {
      }
      %add3A_151 = arith.constant 2 : i32
      %add3A_152 = arith.addi %add3A_66, %add3A_151 : i32
      %dma_wait3A_153 = arith.constant 0 : i32
      %dma_wait3A_154 = arith.constant 2 : i32
      %dma_wait3A_155 = arith.constant 0 : i32
      %dma_wait3A_156 = arith.constant 0 : i32
      %dma_wait3A_157 = tpu.memref_slice %arg9[%dma_wait3A_154, %dma_wait3A_155, %dma_wait3A_156] : memref<4x125x64xf32, #tpu.memory_space<vmem>> -> memref<1x125x64xf32, #tpu.memory_space<vmem>>
      %dma_wait3A_158 = tpu.memref_squeeze %dma_wait3A_157 : memref<1x125x64xf32, #tpu.memory_space<vmem>> -> memref<125x64xf32, #tpu.memory_space<vmem>>
      %dma_wait3A_159 = arith.constant 0 : i32
      %dma_wait3A_160 = tpu.memref_slice %arg7[%dma_wait3A_153, %dma_wait3A_159] : memref<80x125xi32, #tpu.memory_space<vmem>> -> memref<1x125xi32, #tpu.memory_space<vmem>>
      %dma_wait3A_161 = tpu.memref_squeeze %dma_wait3A_160 : memref<1x125xi32, #tpu.memory_space<vmem>> -> memref<125xi32, #tpu.memory_space<vmem>>
      %dma_wait3A_162 = arith.constant 0 : i32
      %dma_wait3A_163 = arith.constant 0 : i32
      %dma_wait3A_164 = tpu.memref_slice %arg2[%dma_wait3A_162, %dma_wait3A_163] : memref<10000x64xf32, #tpu.memory_space<hbm>> -> memref<10000x64xf32, #tpu.memory_space<hbm>>
      tpu.wait_indirect_dma semaphore(%arg12 : memref<!tpu.dma_semaphore, #tpu.memory_space<semaphore_mem>>) src(%dma_wait3A_164 : memref<10000x64xf32, #tpu.memory_space<hbm>>) dst(%dma_wait3A_158 : memref<125x64xf32, #tpu.memory_space<vmem>>)
      %dma_start3A_165 = arith.constant 2 : i32
      %dma_start3A_166 = arith.constant 0 : i32
      %dma_start3A_167 = arith.constant 0 : i32
      %dma_start3A_168 = tpu.memref_slice %arg9[%dma_start3A_165, %dma_start3A_166, %dma_start3A_167] : memref<4x125x64xf32, #tpu.memory_space<vmem>> -> memref<1x125x64xf32, #tpu.memory_space<vmem>>
      %dma_start3A_169 = tpu.memref_squeeze %dma_start3A_168 : memref<1x125x64xf32, #tpu.memory_space<vmem>> -> memref<125x64xf32, #tpu.memory_space<vmem>>
      %dma_start3A_170 = arith.constant 0 : i32
      %dma_start3A_171 = tpu.memref_slice %arg8[%add3A_152, %dma_start3A_170] : memref<80x125xi32, #tpu.memory_space<vmem>> -> memref<1x125xi32, #tpu.memory_space<vmem>>
      %dma_start3A_172 = tpu.memref_squeeze %dma_start3A_171 : memref<1x125xi32, #tpu.memory_space<vmem>> -> memref<125xi32, #tpu.memory_space<vmem>>
      %dma_start3A_173 = arith.constant 0 : i32
      %dma_start3A_174 = arith.constant 0 : i32
      %dma_start3A_175 = tpu.memref_slice %arg18[%dma_start3A_173, %dma_start3A_174] : memref<10240x64xf32, #tpu.memory_space<vmem_shared>> -> memref<10240x64xf32, #tpu.memory_space<vmem_shared>>
      tpu.enqueue_indirect_dma source(%dma_start3A_169 : memref<125x64xf32, #tpu.memory_space<vmem>>) target(%dma_start3A_175 : memref<10240x64xf32, #tpu.memory_space<vmem_shared>>) offsets(%dma_start3A_172 : memref<125xi32, #tpu.memory_space<vmem>>) semaphore(%arg16 : memref<!tpu.dma_semaphore, #tpu.memory_space<semaphore_mem>>) {add = true}
      %dma_wait3A_176 = arith.constant 2 : i32
      %dma_wait3A_177 = arith.constant 0 : i32
      %dma_wait3A_178 = arith.constant 0 : i32
      %dma_wait3A_179 = arith.constant 0 : i32
      %dma_wait3A_180 = tpu.memref_slice %arg9[%dma_wait3A_176, %dma_wait3A_178, %dma_wait3A_179] : memref<4x125x64xf32, #tpu.memory_space<vmem>> -> memref<1x125x64xf32, #tpu.memory_space<vmem>>
      %dma_wait3A_181 = tpu.memref_squeeze %dma_wait3A_180 : memref<1x125x64xf32, #tpu.memory_space<vmem>> -> memref<125x64xf32, #tpu.memory_space<vmem>>
      %dma_wait3A_182 = arith.constant 0 : i32
      %dma_wait3A_183 = tpu.memref_slice %arg8[%dma_wait3A_177, %dma_wait3A_182] : memref<80x125xi32, #tpu.memory_space<vmem>> -> memref<1x125xi32, #tpu.memory_space<vmem>>
      %dma_wait3A_184 = tpu.memref_squeeze %dma_wait3A_183 : memref<1x125xi32, #tpu.memory_space<vmem>> -> memref<125xi32, #tpu.memory_space<vmem>>
      %dma_wait3A_185 = arith.constant 0 : i32
      %dma_wait3A_186 = arith.constant 0 : i32
      %dma_wait3A_187 = tpu.memref_slice %arg18[%dma_wait3A_185, %dma_wait3A_186] : memref<10240x64xf32, #tpu.memory_space<vmem_shared>> -> memref<10240x64xf32, #tpu.memory_space<vmem_shared>>
      tpu.wait_indirect_dma semaphore(%arg16 : memref<!tpu.dma_semaphore, #tpu.memory_space<semaphore_mem>>) src(%dma_wait3A_181 : memref<125x64xf32, #tpu.memory_space<vmem>>) dst(%dma_wait3A_187 : memref<10240x64xf32, #tpu.memory_space<vmem_shared>>)
      %add3A_188 = arith.constant 4 : i32
      %add3A_189 = arith.addi %add3A_152, %add3A_188 : i32
      %lt3A_190 = arith.constant 80 : i32
      %lt3A_191 = arith.cmpi slt, %add3A_189, %lt3A_190 : i32
      %convert_element_type3A_192 = arith.extui %lt3A_191 : i1 to i32
      %cond3A_193 = arith.constant 0 : i32
      %cond3A_194 = arith.cmpi ne, %convert_element_type3A_192, %cond3A_193 : i32
      scf.if %cond3A_194 {
        %add3A_239 = arith.constant 4 : i32
        %add3A_240 = arith.addi %add3A_152, %add3A_239 : i32
        %dma_start3A_241 = arith.constant 2 : i32
        %dma_start3A_242 = arith.constant 0 : i32
        %dma_start3A_243 = arith.constant 0 : i32
        %dma_start3A_244 = tpu.memref_slice %arg9[%dma_start3A_241, %dma_start3A_242, %dma_start3A_243] : memref<4x125x64xf32, #tpu.memory_space<vmem>> -> memref<1x125x64xf32, #tpu.memory_space<vmem>>
        %dma_start3A_245 = tpu.memref_squeeze %dma_start3A_244 : memref<1x125x64xf32, #tpu.memory_space<vmem>> -> memref<125x64xf32, #tpu.memory_space<vmem>>
        %dma_start3A_246 = arith.constant 0 : i32
        %dma_start3A_247 = tpu.memref_slice %arg7[%add3A_240, %dma_start3A_246] : memref<80x125xi32, #tpu.memory_space<vmem>> -> memref<1x125xi32, #tpu.memory_space<vmem>>
        %dma_start3A_248 = tpu.memref_squeeze %dma_start3A_247 : memref<1x125xi32, #tpu.memory_space<vmem>> -> memref<125xi32, #tpu.memory_space<vmem>>
        %dma_start3A_249 = arith.constant 0 : i32
        %dma_start3A_250 = arith.constant 0 : i32
        %dma_start3A_251 = tpu.memref_slice %arg2[%dma_start3A_249, %dma_start3A_250] : memref<10000x64xf32, #tpu.memory_space<hbm>> -> memref<10000x64xf32, #tpu.memory_space<hbm>>
        tpu.enqueue_indirect_dma source(%dma_start3A_251 : memref<10000x64xf32, #tpu.memory_space<hbm>>) target(%dma_start3A_245 : memref<125x64xf32, #tpu.memory_space<vmem>>) offsets(%dma_start3A_248 : memref<125xi32, #tpu.memory_space<vmem>>) semaphore(%arg12 : memref<!tpu.dma_semaphore, #tpu.memory_space<semaphore_mem>>)
      } else {
      }
      %add3A_195 = arith.constant 3 : i32
      %add3A_196 = arith.addi %add3A_66, %add3A_195 : i32
      %dma_wait3A_197 = arith.constant 0 : i32
      %dma_wait3A_198 = arith.constant 3 : i32
      %dma_wait3A_199 = arith.constant 0 : i32
      %dma_wait3A_200 = arith.constant 0 : i32
      %dma_wait3A_201 = tpu.memref_slice %arg9[%dma_wait3A_198, %dma_wait3A_199, %dma_wait3A_200] : memref<4x125x64xf32, #tpu.memory_space<vmem>> -> memref<1x125x64xf32, #tpu.memory_space<vmem>>
      %dma_wait3A_202 = tpu.memref_squeeze %dma_wait3A_201 : memref<1x125x64xf32, #tpu.memory_space<vmem>> -> memref<125x64xf32, #tpu.memory_space<vmem>>
      %dma_wait3A_203 = arith.constant 0 : i32
      %dma_wait3A_204 = tpu.memref_slice %arg7[%dma_wait3A_197, %dma_wait3A_203] : memref<80x125xi32, #tpu.memory_space<vmem>> -> memref<1x125xi32, #tpu.memory_space<vmem>>
      %dma_wait3A_205 = tpu.memref_squeeze %dma_wait3A_204 : memref<1x125xi32, #tpu.memory_space<vmem>> -> memref<125xi32, #tpu.memory_space<vmem>>
      %dma_wait3A_206 = arith.constant 0 : i32
      %dma_wait3A_207 = arith.constant 0 : i32
      %dma_wait3A_208 = tpu.memref_slice %arg2[%dma_wait3A_206, %dma_wait3A_207] : memref<10000x64xf32, #tpu.memory_space<hbm>> -> memref<10000x64xf32, #tpu.memory_space<hbm>>
      tpu.wait_indirect_dma semaphore(%arg13 : memref<!tpu.dma_semaphore, #tpu.memory_space<semaphore_mem>>) src(%dma_wait3A_208 : memref<10000x64xf32, #tpu.memory_space<hbm>>) dst(%dma_wait3A_202 : memref<125x64xf32, #tpu.memory_space<vmem>>)
      %dma_start3A_209 = arith.constant 3 : i32
      %dma_start3A_210 = arith.constant 0 : i32
      %dma_start3A_211 = arith.constant 0 : i32
      %dma_start3A_212 = tpu.memref_slice %arg9[%dma_start3A_209, %dma_start3A_210, %dma_start3A_211] : memref<4x125x64xf32, #tpu.memory_space<vmem>> -> memref<1x125x64xf32, #tpu.memory_space<vmem>>
      %dma_start3A_213 = tpu.memref_squeeze %dma_start3A_212 : memref<1x125x64xf32, #tpu.memory_space<vmem>> -> memref<125x64xf32, #tpu.memory_space<vmem>>
      %dma_start3A_214 = arith.constant 0 : i32
      %dma_start3A_215 = tpu.memref_slice %arg8[%add3A_196, %dma_start3A_214] : memref<80x125xi32, #tpu.memory_space<vmem>> -> memref<1x125xi32, #tpu.memory_space<vmem>>
      %dma_start3A_216 = tpu.memref_squeeze %dma_start3A_215 : memref<1x125xi32, #tpu.memory_space<vmem>> -> memref<125xi32, #tpu.memory_space<vmem>>
      %dma_start3A_217 = arith.constant 0 : i32
      %dma_start3A_218 = arith.constant 0 : i32
      %dma_start3A_219 = tpu.memref_slice %arg18[%dma_start3A_217, %dma_start3A_218] : memref<10240x64xf32, #tpu.memory_space<vmem_shared>> -> memref<10240x64xf32, #tpu.memory_space<vmem_shared>>
      tpu.enqueue_indirect_dma source(%dma_start3A_213 : memref<125x64xf32, #tpu.memory_space<vmem>>) target(%dma_start3A_219 : memref<10240x64xf32, #tpu.memory_space<vmem_shared>>) offsets(%dma_start3A_216 : memref<125xi32, #tpu.memory_space<vmem>>) semaphore(%arg17 : memref<!tpu.dma_semaphore, #tpu.memory_space<semaphore_mem>>) {add = true}
      %dma_wait3A_220 = arith.constant 3 : i32
      %dma_wait3A_221 = arith.constant 0 : i32
      %dma_wait3A_222 = arith.constant 0 : i32
      %dma_wait3A_223 = arith.constant 0 : i32
      %dma_wait3A_224 = tpu.memref_slice %arg9[%dma_wait3A_220, %dma_wait3A_222, %dma_wait3A_223] : memref<4x125x64xf32, #tpu.memory_space<vmem>> -> memref<1x125x64xf32, #tpu.memory_space<vmem>>
      %dma_wait3A_225 = tpu.memref_squeeze %dma_wait3A_224 : memref<1x125x64xf32, #tpu.memory_space<vmem>> -> memref<125x64xf32, #tpu.memory_space<vmem>>
      %dma_wait3A_226 = arith.constant 0 : i32
      %dma_wait3A_227 = tpu.memref_slice %arg8[%dma_wait3A_221, %dma_wait3A_226] : memref<80x125xi32, #tpu.memory_space<vmem>> -> memref<1x125xi32, #tpu.memory_space<vmem>>
      %dma_wait3A_228 = tpu.memref_squeeze %dma_wait3A_227 : memref<1x125xi32, #tpu.memory_space<vmem>> -> memref<125xi32, #tpu.memory_space<vmem>>
      %dma_wait3A_229 = arith.constant 0 : i32
      %dma_wait3A_230 = arith.constant 0 : i32
      %dma_wait3A_231 = tpu.memref_slice %arg18[%dma_wait3A_229, %dma_wait3A_230] : memref<10240x64xf32, #tpu.memory_space<vmem_shared>> -> memref<10240x64xf32, #tpu.memory_space<vmem_shared>>
      tpu.wait_indirect_dma semaphore(%arg17 : memref<!tpu.dma_semaphore, #tpu.memory_space<semaphore_mem>>) src(%dma_wait3A_225 : memref<125x64xf32, #tpu.memory_space<vmem>>) dst(%dma_wait3A_231 : memref<10240x64xf32, #tpu.memory_space<vmem_shared>>)
      %add3A_232 = arith.constant 4 : i32
      %add3A_233 = arith.addi %add3A_196, %add3A_232 : i32
      %lt3A_234 = arith.constant 80 : i32
      %lt3A_235 = arith.cmpi slt, %add3A_233, %lt3A_234 : i32
      %convert_element_type3A_236 = arith.extui %lt3A_235 : i1 to i32
      %cond3A_237 = arith.constant 0 : i32
      %cond3A_238 = arith.cmpi ne, %convert_element_type3A_236, %cond3A_237 : i32
      scf.if %cond3A_238 {
        %add3A_239 = arith.constant 4 : i32
        %add3A_240 = arith.addi %add3A_196, %add3A_239 : i32
        %dma_start3A_241 = arith.constant 3 : i32
        %dma_start3A_242 = arith.constant 0 : i32
        %dma_start3A_243 = arith.constant 0 : i32
        %dma_start3A_244 = tpu.memref_slice %arg9[%dma_start3A_241, %dma_start3A_242, %dma_start3A_243] : memref<4x125x64xf32, #tpu.memory_space<vmem>> -> memref<1x125x64xf32, #tpu.memory_space<vmem>>
        %dma_start3A_245 = tpu.memref_squeeze %dma_start3A_244 : memref<1x125x64xf32, #tpu.memory_space<vmem>> -> memref<125x64xf32, #tpu.memory_space<vmem>>
        %dma_start3A_246 = arith.constant 0 : i32
        %dma_start3A_247 = tpu.memref_slice %arg7[%add3A_240, %dma_start3A_246] : memref<80x125xi32, #tpu.memory_space<vmem>> -> memref<1x125xi32, #tpu.memory_space<vmem>>
        %dma_start3A_248 = tpu.memref_squeeze %dma_start3A_247 : memref<1x125xi32, #tpu.memory_space<vmem>> -> memref<125xi32, #tpu.memory_space<vmem>>
        %dma_start3A_249 = arith.constant 0 : i32
        %dma_start3A_250 = arith.constant 0 : i32
        %dma_start3A_251 = tpu.memref_slice %arg2[%dma_start3A_249, %dma_start3A_250] : memref<10000x64xf32, #tpu.memory_space<hbm>> -> memref<10000x64xf32, #tpu.memory_space<hbm>>
        tpu.enqueue_indirect_dma source(%dma_start3A_251 : memref<10000x64xf32, #tpu.memory_space<hbm>>) target(%dma_start3A_245 : memref<125x64xf32, #tpu.memory_space<vmem>>) offsets(%dma_start3A_248 : memref<125xi32, #tpu.memory_space<vmem>>) semaphore(%arg13 : memref<!tpu.dma_semaphore, #tpu.memory_space<semaphore_mem>>)
      } else {
      }
    }
    %scan3A_53 = arith.constant 20 : i32
    %barrier3A_54 = arith.constant 0 : index
    tpu.barrier barrier_id(%barrier3A_54)
    %mul3A_55 = arith.constant 640 : i32
    %mul3A_56 = arith.muli %arg1, %mul3A_55 : i32
    %mul3A_57 = arith.constant 10240 : i32
    %mul3A_58 = arith.muli %arg0, %mul3A_57 : i32
    %mul3A_59 = arith.constant 640 : i32
    %mul3A_60 = arith.muli %arg1, %mul3A_59 : i32
    %add3A_61 = arith.addi %mul3A_58, %mul3A_60 : i32
    "tpu.region"() ({
      %run_scoped3A = tpu.sem_alloc : memref<!tpu.dma_semaphore, #tpu.memory_space<semaphore_mem>>
      %dma_start3A_62 = arith.constant 0 : i32
      %dma_start3A_63 = tpu.memref_slice %arg6[%add3A_61, %dma_start3A_62] : memref<20480x64xf32, #tpu.memory_space<hbm>> -> memref<640x64xf32, #tpu.memory_space<hbm>>
      %dma_start3A_64 = arith.constant 0 : i32
      %dma_start3A_65 = tpu.memref_slice %arg18[%mul3A_56, %dma_start3A_64] : memref<10240x64xf32, #tpu.memory_space<vmem_shared>> -> memref<640x64xf32, #tpu.memory_space<vmem_shared>>
      tpu.enqueue_dma source(%dma_start3A_65 : memref<640x64xf32, #tpu.memory_space<vmem_shared>>) target(%dma_start3A_63 : memref<640x64xf32, #tpu.memory_space<hbm>>) target_semaphore(%run_scoped3A : memref<!tpu.dma_semaphore, #tpu.memory_space<semaphore_mem>>)
      %dma_wait3A = arith.constant 0 : i32
      %dma_wait3A_66 = tpu.memref_slice %arg6[%add3A_61, %dma_wait3A] : memref<20480x64xf32, #tpu.memory_space<hbm>> -> memref<640x64xf32, #tpu.memory_space<hbm>>
      %dma_wait3A_67 = arith.constant 0 : i32
      %dma_wait3A_68 = tpu.memref_slice %arg18[%mul3A_56, %dma_wait3A_67] : memref<10240x64xf32, #tpu.memory_space<vmem_shared>> -> memref<640x64xf32, #tpu.memory_space<vmem_shared>>
      tpu.wait_dma2 semaphore(%run_scoped3A : memref<!tpu.dma_semaphore, #tpu.memory_space<semaphore_mem>>) src(%dma_wait3A_68 : memref<640x64xf32, #tpu.memory_space<vmem_shared>>) dst(%dma_wait3A_66 : memref<640x64xf32, #tpu.memory_space<hbm>>)
      tpu.yield
    }) : () -> ()
    return
  }
}

#map = affine_map<(d0, d1) -> (0, 0)>
#map1 = affine_map<(d0, d1) -> (0, 0, 0)>
module attributes {stable_mosaic.version = 14 : i64} {
  func.func @_sc_scatter(%arg0: i32, %arg1: i32, %arg2: memref<10000x64xf32, #tpu.memory_space<hbm>>, %arg3: memref<32x80x125xi32, #tpu.memory_space<hbm>>, %arg4: memref<32x80x125xi32, #tpu.memory_space<hbm>>, %arg5: memref<640x64xf32, #tpu.memory_space<hbm>>, %arg6: memref<20480x64xf32, #tpu.memory_space<hbm>>, %arg7: memref<80x125xi32, #tpu.memory_space<vmem>>, %arg8: memref<80x125xi32, #tpu.memory_space<vmem>>, %arg9: memref<4x125x64xf32, #tpu.memory_space<vmem>>, %arg10: memref<!tpu.dma_semaphore, #tpu.memory_space<semaphore_mem>>, %arg11: memref<!tpu.dma_semaphore, #tpu.memory_space<semaphore_mem>>, %arg12: memref<!tpu.dma_semaphore, #tpu.memory_space<semaphore_mem>>, %arg13: memref<!tpu.dma_semaphore, #tpu.memory_space<semaphore_mem>>, %arg14: memref<!tpu.dma_semaphore, #tpu.memory_space<semaphore_mem>>, %arg15: memref<!tpu.dma_semaphore, #tpu.memory_space<semaphore_mem>>, %arg16: memref<!tpu.dma_semaphore, #tpu.memory_space<semaphore_mem>>, %arg17: memref<!tpu.dma_semaphore, #tpu.memory_space<semaphore_mem>>, %arg18: memref<10240x64xf32, #tpu.memory_space<vmem_shared>>) attributes {dimension_semantics = [#tpu.dimension_semantics<core_parallel>, #tpu.dimension_semantics<subcore_parallel>], iteration_bounds = array<i64: 2, 16>, scalar_prefetch = 0 : i64, scratch_operands = 12 : i64, tpu.core_type = #tpu.core_type<sc_vector_subcore>, window_params = [{transform_indices = #map}, {transform_indices = #map1}, {transform_indices = #map1}, {transform_indices = #map}, {transform_indices = #map}]} {
    %mul3A = arith.constant 16 : i32
    %mul3A_0 = arith.muli %arg0, %mul3A : i32
    %add3A = arith.addi %mul3A_0, %arg1 : i32
    %mul3A_1 = arith.constant 640 : i32
    %mul3A_2 = arith.muli %arg1, %mul3A_1 : i32
    "tpu.region"() ({
      %run_scoped3A = tpu.sem_alloc : memref<!tpu.dma_semaphore, #tpu.memory_space<semaphore_mem>>
      %dma_start3A_62 = arith.constant 0 : i32
      %dma_start3A_63 = tpu.memref_slice %arg18[%mul3A_2, %dma_start3A_62] : memref<10240x64xf32, #tpu.memory_space<vmem_shared>> -> memref<640x64xf32, #tpu.memory_space<vmem_shared>>
      tpu.enqueue_dma source(%arg5 : memref<640x64xf32, #tpu.memory_space<hbm>>) target(%dma_start3A_63 : memref<640x64xf32, #tpu.memory_space<vmem_shared>>) target_semaphore(%run_scoped3A : memref<!tpu.dma_semaphore, #tpu.memory_space<semaphore_mem>>)
      %dma_wait3A = arith.constant 0 : i32
      %dma_wait3A_64 = tpu.memref_slice %arg18[%mul3A_2, %dma_wait3A] : memref<10240x64xf32, #tpu.memory_space<vmem_shared>> -> memref<640x64xf32, #tpu.memory_space<vmem_shared>>
      tpu.wait_dma2 semaphore(%run_scoped3A : memref<!tpu.dma_semaphore, #tpu.memory_space<semaphore_mem>>) src(%arg5 : memref<640x64xf32, #tpu.memory_space<hbm>>) dst(%dma_wait3A_64 : memref<640x64xf32, #tpu.memory_space<vmem_shared>>)
      tpu.yield
    }) : () -> ()
    "tpu.region"() ({
      %run_scoped3A = tpu.sem_alloc : memref<!tpu.dma_semaphore, #tpu.memory_space<semaphore_mem>>
      %dma_start3A_62 = arith.constant 0 : i32
      %dma_start3A_63 = arith.constant 0 : i32
      %dma_start3A_64 = tpu.memref_slice %arg3[%add3A, %dma_start3A_62, %dma_start3A_63] : memref<32x80x125xi32, #tpu.memory_space<hbm>> -> memref<1x80x125xi32, #tpu.memory_space<hbm>>
      %dma_start3A_65 = tpu.memref_squeeze %dma_start3A_64 : memref<1x80x125xi32, #tpu.memory_space<hbm>> -> memref<80x125xi32, #tpu.memory_space<hbm>>
      %dma_start3A_66 = arith.constant 0 : i32
      %dma_start3A_67 = arith.constant 0 : i32
      %dma_start3A_68 = tpu.memref_slice %arg3[%add3A, %dma_start3A_66, %dma_start3A_67] : memref<32x80x125xi32, #tpu.memory_space<hbm>> -> memref<1x80x125xi32, #tpu.memory_space<hbm>>
      %dma_start3A_69 = tpu.memref_squeeze %dma_start3A_68 : memref<1x80x125xi32, #tpu.memory_space<hbm>> -> memref<80x125xi32, #tpu.memory_space<hbm>>
      tpu.enqueue_dma source(%dma_start3A_69 : memref<80x125xi32, #tpu.memory_space<hbm>>) target(%arg7 : memref<80x125xi32, #tpu.memory_space<vmem>>) target_semaphore(%run_scoped3A : memref<!tpu.dma_semaphore, #tpu.memory_space<semaphore_mem>>)
      %dma_wait3A = arith.constant 0 : i32
      %dma_wait3A_70 = arith.constant 0 : i32
      %dma_wait3A_71 = tpu.memref_slice %arg3[%add3A, %dma_wait3A, %dma_wait3A_70] : memref<32x80x125xi32, #tpu.memory_space<hbm>> -> memref<1x80x125xi32, #tpu.memory_space<hbm>>
      %dma_wait3A_72 = tpu.memref_squeeze %dma_wait3A_71 : memref<1x80x125xi32, #tpu.memory_space<hbm>> -> memref<80x125xi32, #tpu.memory_space<hbm>>
      %dma_wait3A_73 = arith.constant 0 : i32
      %dma_wait3A_74 = arith.constant 0 : i32
      %dma_wait3A_75 = tpu.memref_slice %arg3[%add3A, %dma_wait3A_73, %dma_wait3A_74] : memref<32x80x125xi32, #tpu.memory_space<hbm>> -> memref<1x80x125xi32, #tpu.memory_space<hbm>>
      %dma_wait3A_76 = tpu.memref_squeeze %dma_wait3A_75 : memref<1x80x125xi32, #tpu.memory_space<hbm>> -> memref<80x125xi32, #tpu.memory_space<hbm>>
      tpu.wait_dma2 semaphore(%run_scoped3A : memref<!tpu.dma_semaphore, #tpu.memory_space<semaphore_mem>>) src(%dma_wait3A_76 : memref<80x125xi32, #tpu.memory_space<hbm>>) dst(%arg7 : memref<80x125xi32, #tpu.memory_space<vmem>>)
      tpu.yield
    }) : () -> ()
    "tpu.region"() ({
      %run_scoped3A = tpu.sem_alloc : memref<!tpu.dma_semaphore, #tpu.memory_space<semaphore_mem>>
      %dma_start3A_62 = arith.constant 0 : i32
      %dma_start3A_63 = arith.constant 0 : i32
      %dma_start3A_64 = tpu.memref_slice %arg4[%add3A, %dma_start3A_62, %dma_start3A_63] : memref<32x80x125xi32, #tpu.memory_space<hbm>> -> memref<1x80x125xi32, #tpu.memory_space<hbm>>
      %dma_start3A_65 = tpu.memref_squeeze %dma_start3A_64 : memref<1x80x125xi32, #tpu.memory_space<hbm>> -> memref<80x125xi32, #tpu.memory_space<hbm>>
      %dma_start3A_66 = arith.constant 0 : i32
      %dma_start3A_67 = arith.constant 0 : i32
      %dma_start3A_68 = tpu.memref_slice %arg4[%add3A, %dma_start3A_66, %dma_start3A_67] : memref<32x80x125xi32, #tpu.memory_space<hbm>> -> memref<1x80x125xi32, #tpu.memory_space<hbm>>
      %dma_start3A_69 = tpu.memref_squeeze %dma_start3A_68 : memref<1x80x125xi32, #tpu.memory_space<hbm>> -> memref<80x125xi32, #tpu.memory_space<hbm>>
      tpu.enqueue_dma source(%dma_start3A_69 : memref<80x125xi32, #tpu.memory_space<hbm>>) target(%arg8 : memref<80x125xi32, #tpu.memory_space<vmem>>) target_semaphore(%run_scoped3A : memref<!tpu.dma_semaphore, #tpu.memory_space<semaphore_mem>>)
      %dma_wait3A = arith.constant 0 : i32
      %dma_wait3A_70 = arith.constant 0 : i32
      %dma_wait3A_71 = tpu.memref_slice %arg4[%add3A, %dma_wait3A, %dma_wait3A_70] : memref<32x80x125xi32, #tpu.memory_space<hbm>> -> memref<1x80x125xi32, #tpu.memory_space<hbm>>
      %dma_wait3A_72 = tpu.memref_squeeze %dma_wait3A_71 : memref<1x80x125xi32, #tpu.memory_space<hbm>> -> memref<80x125xi32, #tpu.memory_space<hbm>>
      %dma_wait3A_73 = arith.constant 0 : i32
      %dma_wait3A_74 = arith.constant 0 : i32
      %dma_wait3A_75 = tpu.memref_slice %arg4[%add3A, %dma_wait3A_73, %dma_wait3A_74] : memref<32x80x125xi32, #tpu.memory_space<hbm>> -> memref<1x80x125xi32, #tpu.memory_space<hbm>>
      %dma_wait3A_76 = tpu.memref_squeeze %dma_wait3A_75 : memref<1x80x125xi32, #tpu.memory_space<hbm>> -> memref<80x125xi32, #tpu.memory_space<hbm>>
      tpu.wait_dma2 semaphore(%run_scoped3A : memref<!tpu.dma_semaphore, #tpu.memory_space<semaphore_mem>>) src(%dma_wait3A_76 : memref<80x125xi32, #tpu.memory_space<hbm>>) dst(%arg8 : memref<80x125xi32, #tpu.memory_space<vmem>>)
      tpu.yield
    }) : () -> ()
    %barrier3A = arith.constant 0 : index
    tpu.barrier barrier_id(%barrier3A)
    %dma_start3A = arith.constant 0 : i32
    %dma_start3A_3 = arith.constant 0 : i32
    %dma_start3A_4 = arith.constant 0 : i32
    %dma_start3A_5 = arith.constant 0 : i32
    %dma_start3A_6 = tpu.memref_slice %arg9[%dma_start3A_3, %dma_start3A_4, %dma_start3A_5] : memref<4x125x64xf32, #tpu.memory_space<vmem>> -> memref<1x125x64xf32, #tpu.memory_space<vmem>>
    %dma_start3A_7 = tpu.memref_squeeze %dma_start3A_6 : memref<1x125x64xf32, #tpu.memory_space<vmem>> -> memref<125x64xf32, #tpu.memory_space<vmem>>
    %dma_start3A_8 = arith.constant 0 : i32
    %dma_start3A_9 = tpu.memref_slice %arg7[%dma_start3A, %dma_start3A_8] : memref<80x125xi32, #tpu.memory_space<vmem>> -> memref<1x125xi32, #tpu.memory_space<vmem>>
    %dma_start3A_10 = tpu.memref_squeeze %dma_start3A_9 : memref<1x125xi32, #tpu.memory_space<vmem>> -> memref<125xi32, #tpu.memory_space<vmem>>
    %dma_start3A_11 = arith.constant 0 : i32
    %dma_start3A_12 = arith.constant 0 : i32
    %dma_start3A_13 = tpu.memref_slice %arg2[%dma_start3A_11, %dma_start3A_12] : memref<10000x64xf32, #tpu.memory_space<hbm>> -> memref<10000x64xf32, #tpu.memory_space<hbm>>
    tpu.enqueue_indirect_dma source(%dma_start3A_13 : memref<10000x64xf32, #tpu.memory_space<hbm>>) target(%dma_start3A_7 : memref<125x64xf32, #tpu.memory_space<vmem>>) offsets(%dma_start3A_10 : memref<125xi32, #tpu.memory_space<vmem>>) semaphore(%arg10 : memref<!tpu.dma_semaphore, #tpu.memory_space<semaphore_mem>>)
    %dma_start3A_14 = arith.constant 1 : i32
    %dma_start3A_15 = arith.constant 1 : i32
    %dma_start3A_16 = arith.constant 0 : i32
    %dma_start3A_17 = arith.constant 0 : i32
    %dma_start3A_18 = tpu.memref_slice %arg9[%dma_start3A_15, %dma_start3A_16, %dma_start3A_17] : memref<4x125x64xf32, #tpu.memory_space<vmem>> -> memref<1x125x64xf32, #tpu.memory_space<vmem>>
    %dma_start3A_19 = tpu.memref_squeeze %dma_start3A_18 : memref<1x125x64xf32, #tpu.memory_space<vmem>> -> memref<125x64xf32, #tpu.memory_space<vmem>>
    %dma_start3A_20 = arith.constant 0 : i32
    %dma_start3A_21 = tpu.memref_slice %arg7[%dma_start3A_14, %dma_start3A_20] : memref<80x125xi32, #tpu.memory_space<vmem>> -> memref<1x125xi32, #tpu.memory_space<vmem>>
    %dma_start3A_22 = tpu.memref_squeeze %dma_start3A_21 : memref<1x125xi32, #tpu.memory_space<vmem>> -> memref<125xi32, #tpu.memory_space<vmem>>
    %dma_start3A_23 = arith.constant 0 : i32
    %dma_start3A_24 = arith.constant 0 : i32
    %dma_start3A_25 = tpu.memref_slice %arg2[%dma_start3A_23, %dma_start3A_24] : memref<10000x64xf32, #tpu.memory_space<hbm>> -> memref<10000x64xf32, #tpu.memory_space<hbm>>
    tpu.enqueue_indirect_dma source(%dma_start3A_25 : memref<10000x64xf32, #tpu.memory_space<hbm>>) target(%dma_start3A_19 : memref<125x64xf32, #tpu.memory_space<vmem>>) offsets(%dma_start3A_22 : memref<125xi32, #tpu.memory_space<vmem>>) semaphore(%arg11 : memref<!tpu.dma_semaphore, #tpu.memory_space<semaphore_mem>>)
    %dma_start3A_26 = arith.constant 2 : i32
    %dma_start3A_27 = arith.constant 2 : i32
    %dma_start3A_28 = arith.constant 0 : i32
    %dma_start3A_29 = arith.constant 0 : i32
    %dma_start3A_30 = tpu.memref_slice %arg9[%dma_start3A_27, %dma_start3A_28, %dma_start3A_29] : memref<4x125x64xf32, #tpu.memory_space<vmem>> -> memref<1x125x64xf32, #tpu.memory_space<vmem>>
    %dma_start3A_31 = tpu.memref_squeeze %dma_start3A_30 : memref<1x125x64xf32, #tpu.memory_space<vmem>> -> memref<125x64xf32, #tpu.memory_space<vmem>>
    %dma_start3A_32 = arith.constant 0 : i32
    %dma_start3A_33 = tpu.memref_slice %arg7[%dma_start3A_26, %dma_start3A_32] : memref<80x125xi32, #tpu.memory_space<vmem>> -> memref<1x125xi32, #tpu.memory_space<vmem>>
    %dma_start3A_34 = tpu.memref_squeeze %dma_start3A_33 : memref<1x125xi32, #tpu.memory_space<vmem>> -> memref<125xi32, #tpu.memory_space<vmem>>
    %dma_start3A_35 = arith.constant 0 : i32
    %dma_start3A_36 = arith.constant 0 : i32
    %dma_start3A_37 = tpu.memref_slice %arg2[%dma_start3A_35, %dma_start3A_36] : memref<10000x64xf32, #tpu.memory_space<hbm>> -> memref<10000x64xf32, #tpu.memory_space<hbm>>
    tpu.enqueue_indirect_dma source(%dma_start3A_37 : memref<10000x64xf32, #tpu.memory_space<hbm>>) target(%dma_start3A_31 : memref<125x64xf32, #tpu.memory_space<vmem>>) offsets(%dma_start3A_34 : memref<125xi32, #tpu.memory_space<vmem>>) semaphore(%arg12 : memref<!tpu.dma_semaphore, #tpu.memory_space<semaphore_mem>>)
    %dma_start3A_38 = arith.constant 3 : i32
    %dma_start3A_39 = arith.constant 3 : i32
    %dma_start3A_40 = arith.constant 0 : i32
    %dma_start3A_41 = arith.constant 0 : i32
    %dma_start3A_42 = tpu.memref_slice %arg9[%dma_start3A_39, %dma_start3A_40, %dma_start3A_41] : memref<4x125x64xf32, #tpu.memory_space<vmem>> -> memref<1x125x64xf32, #tpu.memory_space<vmem>>
    %dma_start3A_43 = tpu.memref_squeeze %dma_start3A_42 : memref<1x125x64xf32, #tpu.memory_space<vmem>> -> memref<125x64xf32, #tpu.memory_space<vmem>>
    %dma_start3A_44 = arith.constant 0 : i32
    %dma_start3A_45 = tpu.memref_slice %arg7[%dma_start3A_38, %dma_start3A_44] : memref<80x125xi32, #tpu.memory_space<vmem>> -> memref<1x125xi32, #tpu.memory_space<vmem>>
    %dma_start3A_46 = tpu.memref_squeeze %dma_start3A_45 : memref<1x125xi32, #tpu.memory_space<vmem>> -> memref<125xi32, #tpu.memory_space<vmem>>
    %dma_start3A_47 = arith.constant 0 : i32
    %dma_start3A_48 = arith.constant 0 : i32
    %dma_start3A_49 = tpu.memref_slice %arg2[%dma_start3A_47, %dma_start3A_48] : memref<10000x64xf32, #tpu.memory_space<hbm>> -> memref<10000x64xf32, #tpu.memory_space<hbm>>
    tpu.enqueue_indirect_dma source(%dma_start3A_49 : memref<10000x64xf32, #tpu.memory_space<hbm>>) target(%dma_start3A_43 : memref<125x64xf32, #tpu.memory_space<vmem>>) offsets(%dma_start3A_46 : memref<125xi32, #tpu.memory_space<vmem>>) semaphore(%arg13 : memref<!tpu.dma_semaphore, #tpu.memory_space<semaphore_mem>>)
    %scan3A = arith.constant 0 : i32
    %scan3A_50 = arith.constant 20 : i32
    %scan3A_51 = arith.addi %scan3A, %scan3A_50 : i32
    %scan3A_52 = arith.constant 1 : i32
    scf.for %scan3A_62 = %scan3A to %scan3A_51 step %scan3A_52  : i32 {
      %mul3A_63 = arith.constant 4 : i32
      %mul3A_64 = arith.muli %scan3A_62, %mul3A_63 : i32
      %add3A_65 = arith.constant 0 : i32
      %add3A_66 = arith.addi %add3A_65, %mul3A_64 : i32
      %add3A_67 = arith.constant 0 : i32
      %add3A_68 = arith.addi %add3A_66, %add3A_67 : i32
      %dma_wait3A = arith.constant 0 : i32
      %dma_wait3A_69 = arith.constant 0 : i32
      %dma_wait3A_70 = arith.constant 0 : i32
      %dma_wait3A_71 = arith.constant 0 : i32
      %dma_wait3A_72 = tpu.memref_slice %arg9[%dma_wait3A_69, %dma_wait3A_70, %dma_wait3A_71] : memref<4x125x64xf32, #tpu.memory_space<vmem>> -> memref<1x125x64xf32, #tpu.memory_space<vmem>>
      %dma_wait3A_73 = tpu.memref_squeeze %dma_wait3A_72 : memref<1x125x64xf32, #tpu.memory_space<vmem>> -> memref<125x64xf32, #tpu.memory_space<vmem>>
      %dma_wait3A_74 = arith.constant 0 : i32
      %dma_wait3A_75 = tpu.memref_slice %arg7[%dma_wait3A, %dma_wait3A_74] : memref<80x125xi32, #tpu.memory_space<vmem>> -> memref<1x125xi32, #tpu.memory_space<vmem>>
      %dma_wait3A_76 = tpu.memref_squeeze %dma_wait3A_75 : memref<1x125xi32, #tpu.memory_space<vmem>> -> memref<125xi32, #tpu.memory_space<vmem>>
      %dma_wait3A_77 = arith.constant 0 : i32
      %dma_wait3A_78 = arith.constant 0 : i32
      %dma_wait3A_79 = tpu.memref_slice %arg2[%dma_wait3A_77, %dma_wait3A_78] : memref<10000x64xf32, #tpu.memory_space<hbm>> -> memref<10000x64xf32, #tpu.memory_space<hbm>>
      tpu.wait_indirect_dma semaphore(%arg10 : memref<!tpu.dma_semaphore, #tpu.memory_space<semaphore_mem>>) src(%dma_wait3A_79 : memref<10000x64xf32, #tpu.memory_space<hbm>>) dst(%dma_wait3A_73 : memref<125x64xf32, #tpu.memory_space<vmem>>)
      %dma_start3A_80 = arith.constant 0 : i32
      %dma_start3A_81 = arith.constant 0 : i32
      %dma_start3A_82 = arith.constant 0 : i32
      %dma_start3A_83 = tpu.memref_slice %arg9[%dma_start3A_80, %dma_start3A_81, %dma_start3A_82] : memref<4x125x64xf32, #tpu.memory_space<vmem>> -> memref<1x125x64xf32, #tpu.memory_space<vmem>>
      %dma_start3A_84 = tpu.memref_squeeze %dma_start3A_83 : memref<1x125x64xf32, #tpu.memory_space<vmem>> -> memref<125x64xf32, #tpu.memory_space<vmem>>
      %dma_start3A_85 = arith.constant 0 : i32
      %dma_start3A_86 = tpu.memref_slice %arg8[%add3A_68, %dma_start3A_85] : memref<80x125xi32, #tpu.memory_space<vmem>> -> memref<1x125xi32, #tpu.memory_space<vmem>>
      %dma_start3A_87 = tpu.memref_squeeze %dma_start3A_86 : memref<1x125xi32, #tpu.memory_space<vmem>> -> memref<125xi32, #tpu.memory_space<vmem>>
      %dma_start3A_88 = arith.constant 0 : i32
      %dma_start3A_89 = arith.constant 0 : i32
      %dma_start3A_90 = tpu.memref_slice %arg18[%dma_start3A_88, %dma_start3A_89] : memref<10240x64xf32, #tpu.memory_space<vmem_shared>> -> memref<10240x64xf32, #tpu.memory_space<vmem_shared>>
      tpu.enqueue_indirect_dma source(%dma_start3A_84 : memref<125x64xf32, #tpu.memory_space<vmem>>) target(%dma_start3A_90 : memref<10240x64xf32, #tpu.memory_space<vmem_shared>>) offsets(%dma_start3A_87 : memref<125xi32, #tpu.memory_space<vmem>>) semaphore(%arg14 : memref<!tpu.dma_semaphore, #tpu.memory_space<semaphore_mem>>) {add = true}
      %dma_wait3A_91 = arith.constant 0 : i32
      %dma_wait3A_92 = arith.constant 0 : i32
      %dma_wait3A_93 = arith.constant 0 : i32
      %dma_wait3A_94 = arith.constant 0 : i32
      %dma_wait3A_95 = tpu.memref_slice %arg9[%dma_wait3A_91, %dma_wait3A_93, %dma_wait3A_94] : memref<4x125x64xf32, #tpu.memory_space<vmem>> -> memref<1x125x64xf32, #tpu.memory_space<vmem>>
      %dma_wait3A_96 = tpu.memref_squeeze %dma_wait3A_95 : memref<1x125x64xf32, #tpu.memory_space<vmem>> -> memref<125x64xf32, #tpu.memory_space<vmem>>
      %dma_wait3A_97 = arith.constant 0 : i32
      %dma_wait3A_98 = tpu.memref_slice %arg8[%dma_wait3A_92, %dma_wait3A_97] : memref<80x125xi32, #tpu.memory_space<vmem>> -> memref<1x125xi32, #tpu.memory_space<vmem>>
      %dma_wait3A_99 = tpu.memref_squeeze %dma_wait3A_98 : memref<1x125xi32, #tpu.memory_space<vmem>> -> memref<125xi32, #tpu.memory_space<vmem>>
      %dma_wait3A_100 = arith.constant 0 : i32
      %dma_wait3A_101 = arith.constant 0 : i32
      %dma_wait3A_102 = tpu.memref_slice %arg18[%dma_wait3A_100, %dma_wait3A_101] : memref<10240x64xf32, #tpu.memory_space<vmem_shared>> -> memref<10240x64xf32, #tpu.memory_space<vmem_shared>>
      tpu.wait_indirect_dma semaphore(%arg14 : memref<!tpu.dma_semaphore, #tpu.memory_space<semaphore_mem>>) src(%dma_wait3A_96 : memref<125x64xf32, #tpu.memory_space<vmem>>) dst(%dma_wait3A_102 : memref<10240x64xf32, #tpu.memory_space<vmem_shared>>)
      %add3A_103 = arith.constant 4 : i32
      %add3A_104 = arith.addi %add3A_68, %add3A_103 : i32
      %lt3A = arith.constant 80 : i32
      %lt3A_105 = arith.cmpi slt, %add3A_104, %lt3A : i32
      %convert_element_type3A = arith.extui %lt3A_105 : i1 to i32
      %cond3A = arith.constant 0 : i32
      %cond3A_106 = arith.cmpi ne, %convert_element_type3A, %cond3A : i32
      scf.if %cond3A_106 {
        %add3A_239 = arith.constant 4 : i32
        %add3A_240 = arith.addi %add3A_68, %add3A_239 : i32
        %dma_start3A_241 = arith.constant 0 : i32
        %dma_start3A_242 = arith.constant 0 : i32
        %dma_start3A_243 = arith.constant 0 : i32
        %dma_start3A_244 = tpu.memref_slice %arg9[%dma_start3A_241, %dma_start3A_242, %dma_start3A_243] : memref<4x125x64xf32, #tpu.memory_space<vmem>> -> memref<1x125x64xf32, #tpu.memory_space<vmem>>
        %dma_start3A_245 = tpu.memref_squeeze %dma_start3A_244 : memref<1x125x64xf32, #tpu.memory_space<vmem>> -> memref<125x64xf32, #tpu.memory_space<vmem>>
        %dma_start3A_246 = arith.constant 0 : i32
        %dma_start3A_247 = tpu.memref_slice %arg7[%add3A_240, %dma_start3A_246] : memref<80x125xi32, #tpu.memory_space<vmem>> -> memref<1x125xi32, #tpu.memory_space<vmem>>
        %dma_start3A_248 = tpu.memref_squeeze %dma_start3A_247 : memref<1x125xi32, #tpu.memory_space<vmem>> -> memref<125xi32, #tpu.memory_space<vmem>>
        %dma_start3A_249 = arith.constant 0 : i32
        %dma_start3A_250 = arith.constant 0 : i32
        %dma_start3A_251 = tpu.memref_slice %arg2[%dma_start3A_249, %dma_start3A_250] : memref<10000x64xf32, #tpu.memory_space<hbm>> -> memref<10000x64xf32, #tpu.memory_space<hbm>>
        tpu.enqueue_indirect_dma source(%dma_start3A_251 : memref<10000x64xf32, #tpu.memory_space<hbm>>) target(%dma_start3A_245 : memref<125x64xf32, #tpu.memory_space<vmem>>) offsets(%dma_start3A_248 : memref<125xi32, #tpu.memory_space<vmem>>) semaphore(%arg10 : memref<!tpu.dma_semaphore, #tpu.memory_space<semaphore_mem>>)
      } else {
      }
      %add3A_107 = arith.constant 1 : i32
      %add3A_108 = arith.addi %add3A_66, %add3A_107 : i32
      %dma_wait3A_109 = arith.constant 0 : i32
      %dma_wait3A_110 = arith.constant 1 : i32
      %dma_wait3A_111 = arith.constant 0 : i32
      %dma_wait3A_112 = arith.constant 0 : i32
      %dma_wait3A_113 = tpu.memref_slice %arg9[%dma_wait3A_110, %dma_wait3A_111, %dma_wait3A_112] : memref<4x125x64xf32, #tpu.memory_space<vmem>> -> memref<1x125x64xf32, #tpu.memory_space<vmem>>
      %dma_wait3A_114 = tpu.memref_squeeze %dma_wait3A_113 : memref<1x125x64xf32, #tpu.memory_space<vmem>> -> memref<125x64xf32, #tpu.memory_space<vmem>>
      %dma_wait3A_115 = arith.constant 0 : i32
      %dma_wait3A_116 = tpu.memref_slice %arg7[%dma_wait3A_109, %dma_wait3A_115] : memref<80x125xi32, #tpu.memory_space<vmem>> -> memref<1x125xi32, #tpu.memory_space<vmem>>
      %dma_wait3A_117 = tpu.memref_squeeze %dma_wait3A_116 : memref<1x125xi32, #tpu.memory_space<vmem>> -> memref<125xi32, #tpu.memory_space<vmem>>
      %dma_wait3A_118 = arith.constant 0 : i32
      %dma_wait3A_119 = arith.constant 0 : i32
      %dma_wait3A_120 = tpu.memref_slice %arg2[%dma_wait3A_118, %dma_wait3A_119] : memref<10000x64xf32, #tpu.memory_space<hbm>> -> memref<10000x64xf32, #tpu.memory_space<hbm>>
      tpu.wait_indirect_dma semaphore(%arg11 : memref<!tpu.dma_semaphore, #tpu.memory_space<semaphore_mem>>) src(%dma_wait3A_120 : memref<10000x64xf32, #tpu.memory_space<hbm>>) dst(%dma_wait3A_114 : memref<125x64xf32, #tpu.memory_space<vmem>>)
      %dma_start3A_121 = arith.constant 1 : i32
      %dma_start3A_122 = arith.constant 0 : i32
      %dma_start3A_123 = arith.constant 0 : i32
      %dma_start3A_124 = tpu.memref_slice %arg9[%dma_start3A_121, %dma_start3A_122, %dma_start3A_123] : memref<4x125x64xf32, #tpu.memory_space<vmem>> -> memref<1x125x64xf32, #tpu.memory_space<vmem>>
      %dma_start3A_125 = tpu.memref_squeeze %dma_start3A_124 : memref<1x125x64xf32, #tpu.memory_space<vmem>> -> memref<125x64xf32, #tpu.memory_space<vmem>>
      %dma_start3A_126 = arith.constant 0 : i32
      %dma_start3A_127 = tpu.memref_slice %arg8[%add3A_108, %dma_start3A_126] : memref<80x125xi32, #tpu.memory_space<vmem>> -> memref<1x125xi32, #tpu.memory_space<vmem>>
      %dma_start3A_128 = tpu.memref_squeeze %dma_start3A_127 : memref<1x125xi32, #tpu.memory_space<vmem>> -> memref<125xi32, #tpu.memory_space<vmem>>
      %dma_start3A_129 = arith.constant 0 : i32
      %dma_start3A_130 = arith.constant 0 : i32
      %dma_start3A_131 = tpu.memref_slice %arg18[%dma_start3A_129, %dma_start3A_130] : memref<10240x64xf32, #tpu.memory_space<vmem_shared>> -> memref<10240x64xf32, #tpu.memory_space<vmem_shared>>
      tpu.enqueue_indirect_dma source(%dma_start3A_125 : memref<125x64xf32, #tpu.memory_space<vmem>>) target(%dma_start3A_131 : memref<10240x64xf32, #tpu.memory_space<vmem_shared>>) offsets(%dma_start3A_128 : memref<125xi32, #tpu.memory_space<vmem>>) semaphore(%arg15 : memref<!tpu.dma_semaphore, #tpu.memory_space<semaphore_mem>>) {add = true}
      %dma_wait3A_132 = arith.constant 1 : i32
      %dma_wait3A_133 = arith.constant 0 : i32
      %dma_wait3A_134 = arith.constant 0 : i32
      %dma_wait3A_135 = arith.constant 0 : i32
      %dma_wait3A_136 = tpu.memref_slice %arg9[%dma_wait3A_132, %dma_wait3A_134, %dma_wait3A_135] : memref<4x125x64xf32, #tpu.memory_space<vmem>> -> memref<1x125x64xf32, #tpu.memory_space<vmem>>
      %dma_wait3A_137 = tpu.memref_squeeze %dma_wait3A_136 : memref<1x125x64xf32, #tpu.memory_space<vmem>> -> memref<125x64xf32, #tpu.memory_space<vmem>>
      %dma_wait3A_138 = arith.constant 0 : i32
      %dma_wait3A_139 = tpu.memref_slice %arg8[%dma_wait3A_133, %dma_wait3A_138] : memref<80x125xi32, #tpu.memory_space<vmem>> -> memref<1x125xi32, #tpu.memory_space<vmem>>
      %dma_wait3A_140 = tpu.memref_squeeze %dma_wait3A_139 : memref<1x125xi32, #tpu.memory_space<vmem>> -> memref<125xi32, #tpu.memory_space<vmem>>
      %dma_wait3A_141 = arith.constant 0 : i32
      %dma_wait3A_142 = arith.constant 0 : i32
      %dma_wait3A_143 = tpu.memref_slice %arg18[%dma_wait3A_141, %dma_wait3A_142] : memref<10240x64xf32, #tpu.memory_space<vmem_shared>> -> memref<10240x64xf32, #tpu.memory_space<vmem_shared>>
      tpu.wait_indirect_dma semaphore(%arg15 : memref<!tpu.dma_semaphore, #tpu.memory_space<semaphore_mem>>) src(%dma_wait3A_137 : memref<125x64xf32, #tpu.memory_space<vmem>>) dst(%dma_wait3A_143 : memref<10240x64xf32, #tpu.memory_space<vmem_shared>>)
      %add3A_144 = arith.constant 4 : i32
      %add3A_145 = arith.addi %add3A_108, %add3A_144 : i32
      %lt3A_146 = arith.constant 80 : i32
      %lt3A_147 = arith.cmpi slt, %add3A_145, %lt3A_146 : i32
      %convert_element_type3A_148 = arith.extui %lt3A_147 : i1 to i32
      %cond3A_149 = arith.constant 0 : i32
      %cond3A_150 = arith.cmpi ne, %convert_element_type3A_148, %cond3A_149 : i32
      scf.if %cond3A_150 {
        %add3A_239 = arith.constant 4 : i32
        %add3A_240 = arith.addi %add3A_108, %add3A_239 : i32
        %dma_start3A_241 = arith.constant 1 : i32
        %dma_start3A_242 = arith.constant 0 : i32
        %dma_start3A_243 = arith.constant 0 : i32
        %dma_start3A_244 = tpu.memref_slice %arg9[%dma_start3A_241, %dma_start3A_242, %dma_start3A_243] : memref<4x125x64xf32, #tpu.memory_space<vmem>> -> memref<1x125x64xf32, #tpu.memory_space<vmem>>
        %dma_start3A_245 = tpu.memref_squeeze %dma_start3A_244 : memref<1x125x64xf32, #tpu.memory_space<vmem>> -> memref<125x64xf32, #tpu.memory_space<vmem>>
        %dma_start3A_246 = arith.constant 0 : i32
        %dma_start3A_247 = tpu.memref_slice %arg7[%add3A_240, %dma_start3A_246] : memref<80x125xi32, #tpu.memory_space<vmem>> -> memref<1x125xi32, #tpu.memory_space<vmem>>
        %dma_start3A_248 = tpu.memref_squeeze %dma_start3A_247 : memref<1x125xi32, #tpu.memory_space<vmem>> -> memref<125xi32, #tpu.memory_space<vmem>>
        %dma_start3A_249 = arith.constant 0 : i32
        %dma_start3A_250 = arith.constant 0 : i32
        %dma_start3A_251 = tpu.memref_slice %arg2[%dma_start3A_249, %dma_start3A_250] : memref<10000x64xf32, #tpu.memory_space<hbm>> -> memref<10000x64xf32, #tpu.memory_space<hbm>>
        tpu.enqueue_indirect_dma source(%dma_start3A_251 : memref<10000x64xf32, #tpu.memory_space<hbm>>) target(%dma_start3A_245 : memref<125x64xf32, #tpu.memory_space<vmem>>) offsets(%dma_start3A_248 : memref<125xi32, #tpu.memory_space<vmem>>) semaphore(%arg11 : memref<!tpu.dma_semaphore, #tpu.memory_space<semaphore_mem>>)
      } else {
      }
      %add3A_151 = arith.constant 2 : i32
      %add3A_152 = arith.addi %add3A_66, %add3A_151 : i32
      %dma_wait3A_153 = arith.constant 0 : i32
      %dma_wait3A_154 = arith.constant 2 : i32
      %dma_wait3A_155 = arith.constant 0 : i32
      %dma_wait3A_156 = arith.constant 0 : i32
      %dma_wait3A_157 = tpu.memref_slice %arg9[%dma_wait3A_154, %dma_wait3A_155, %dma_wait3A_156] : memref<4x125x64xf32, #tpu.memory_space<vmem>> -> memref<1x125x64xf32, #tpu.memory_space<vmem>>
      %dma_wait3A_158 = tpu.memref_squeeze %dma_wait3A_157 : memref<1x125x64xf32, #tpu.memory_space<vmem>> -> memref<125x64xf32, #tpu.memory_space<vmem>>
      %dma_wait3A_159 = arith.constant 0 : i32
      %dma_wait3A_160 = tpu.memref_slice %arg7[%dma_wait3A_153, %dma_wait3A_159] : memref<80x125xi32, #tpu.memory_space<vmem>> -> memref<1x125xi32, #tpu.memory_space<vmem>>
      %dma_wait3A_161 = tpu.memref_squeeze %dma_wait3A_160 : memref<1x125xi32, #tpu.memory_space<vmem>> -> memref<125xi32, #tpu.memory_space<vmem>>
      %dma_wait3A_162 = arith.constant 0 : i32
      %dma_wait3A_163 = arith.constant 0 : i32
      %dma_wait3A_164 = tpu.memref_slice %arg2[%dma_wait3A_162, %dma_wait3A_163] : memref<10000x64xf32, #tpu.memory_space<hbm>> -> memref<10000x64xf32, #tpu.memory_space<hbm>>
      tpu.wait_indirect_dma semaphore(%arg12 : memref<!tpu.dma_semaphore, #tpu.memory_space<semaphore_mem>>) src(%dma_wait3A_164 : memref<10000x64xf32, #tpu.memory_space<hbm>>) dst(%dma_wait3A_158 : memref<125x64xf32, #tpu.memory_space<vmem>>)
      %dma_start3A_165 = arith.constant 2 : i32
      %dma_start3A_166 = arith.constant 0 : i32
      %dma_start3A_167 = arith.constant 0 : i32
      %dma_start3A_168 = tpu.memref_slice %arg9[%dma_start3A_165, %dma_start3A_166, %dma_start3A_167] : memref<4x125x64xf32, #tpu.memory_space<vmem>> -> memref<1x125x64xf32, #tpu.memory_space<vmem>>
      %dma_start3A_169 = tpu.memref_squeeze %dma_start3A_168 : memref<1x125x64xf32, #tpu.memory_space<vmem>> -> memref<125x64xf32, #tpu.memory_space<vmem>>
      %dma_start3A_170 = arith.constant 0 : i32
      %dma_start3A_171 = tpu.memref_slice %arg8[%add3A_152, %dma_start3A_170] : memref<80x125xi32, #tpu.memory_space<vmem>> -> memref<1x125xi32, #tpu.memory_space<vmem>>
      %dma_start3A_172 = tpu.memref_squeeze %dma_start3A_171 : memref<1x125xi32, #tpu.memory_space<vmem>> -> memref<125xi32, #tpu.memory_space<vmem>>
      %dma_start3A_173 = arith.constant 0 : i32
      %dma_start3A_174 = arith.constant 0 : i32
      %dma_start3A_175 = tpu.memref_slice %arg18[%dma_start3A_173, %dma_start3A_174] : memref<10240x64xf32, #tpu.memory_space<vmem_shared>> -> memref<10240x64xf32, #tpu.memory_space<vmem_shared>>
      tpu.enqueue_indirect_dma source(%dma_start3A_169 : memref<125x64xf32, #tpu.memory_space<vmem>>) target(%dma_start3A_175 : memref<10240x64xf32, #tpu.memory_space<vmem_shared>>) offsets(%dma_start3A_172 : memref<125xi32, #tpu.memory_space<vmem>>) semaphore(%arg16 : memref<!tpu.dma_semaphore, #tpu.memory_space<semaphore_mem>>) {add = true}
      %dma_wait3A_176 = arith.constant 2 : i32
      %dma_wait3A_177 = arith.constant 0 : i32
      %dma_wait3A_178 = arith.constant 0 : i32
      %dma_wait3A_179 = arith.constant 0 : i32
      %dma_wait3A_180 = tpu.memref_slice %arg9[%dma_wait3A_176, %dma_wait3A_178, %dma_wait3A_179] : memref<4x125x64xf32, #tpu.memory_space<vmem>> -> memref<1x125x64xf32, #tpu.memory_space<vmem>>
      %dma_wait3A_181 = tpu.memref_squeeze %dma_wait3A_180 : memref<1x125x64xf32, #tpu.memory_space<vmem>> -> memref<125x64xf32, #tpu.memory_space<vmem>>
      %dma_wait3A_182 = arith.constant 0 : i32
      %dma_wait3A_183 = tpu.memref_slice %arg8[%dma_wait3A_177, %dma_wait3A_182] : memref<80x125xi32, #tpu.memory_space<vmem>> -> memref<1x125xi32, #tpu.memory_space<vmem>>
      %dma_wait3A_184 = tpu.memref_squeeze %dma_wait3A_183 : memref<1x125xi32, #tpu.memory_space<vmem>> -> memref<125xi32, #tpu.memory_space<vmem>>
      %dma_wait3A_185 = arith.constant 0 : i32
      %dma_wait3A_186 = arith.constant 0 : i32
      %dma_wait3A_187 = tpu.memref_slice %arg18[%dma_wait3A_185, %dma_wait3A_186] : memref<10240x64xf32, #tpu.memory_space<vmem_shared>> -> memref<10240x64xf32, #tpu.memory_space<vmem_shared>>
      tpu.wait_indirect_dma semaphore(%arg16 : memref<!tpu.dma_semaphore, #tpu.memory_space<semaphore_mem>>) src(%dma_wait3A_181 : memref<125x64xf32, #tpu.memory_space<vmem>>) dst(%dma_wait3A_187 : memref<10240x64xf32, #tpu.memory_space<vmem_shared>>)
      %add3A_188 = arith.constant 4 : i32
      %add3A_189 = arith.addi %add3A_152, %add3A_188 : i32
      %lt3A_190 = arith.constant 80 : i32
      %lt3A_191 = arith.cmpi slt, %add3A_189, %lt3A_190 : i32
      %convert_element_type3A_192 = arith.extui %lt3A_191 : i1 to i32
      %cond3A_193 = arith.constant 0 : i32
      %cond3A_194 = arith.cmpi ne, %convert_element_type3A_192, %cond3A_193 : i32
      scf.if %cond3A_194 {
        %add3A_239 = arith.constant 4 : i32
        %add3A_240 = arith.addi %add3A_152, %add3A_239 : i32
        %dma_start3A_241 = arith.constant 2 : i32
        %dma_start3A_242 = arith.constant 0 : i32
        %dma_start3A_243 = arith.constant 0 : i32
        %dma_start3A_244 = tpu.memref_slice %arg9[%dma_start3A_241, %dma_start3A_242, %dma_start3A_243] : memref<4x125x64xf32, #tpu.memory_space<vmem>> -> memref<1x125x64xf32, #tpu.memory_space<vmem>>
        %dma_start3A_245 = tpu.memref_squeeze %dma_start3A_244 : memref<1x125x64xf32, #tpu.memory_space<vmem>> -> memref<125x64xf32, #tpu.memory_space<vmem>>
        %dma_start3A_246 = arith.constant 0 : i32
        %dma_start3A_247 = tpu.memref_slice %arg7[%add3A_240, %dma_start3A_246] : memref<80x125xi32, #tpu.memory_space<vmem>> -> memref<1x125xi32, #tpu.memory_space<vmem>>
        %dma_start3A_248 = tpu.memref_squeeze %dma_start3A_247 : memref<1x125xi32, #tpu.memory_space<vmem>> -> memref<125xi32, #tpu.memory_space<vmem>>
        %dma_start3A_249 = arith.constant 0 : i32
        %dma_start3A_250 = arith.constant 0 : i32
        %dma_start3A_251 = tpu.memref_slice %arg2[%dma_start3A_249, %dma_start3A_250] : memref<10000x64xf32, #tpu.memory_space<hbm>> -> memref<10000x64xf32, #tpu.memory_space<hbm>>
        tpu.enqueue_indirect_dma source(%dma_start3A_251 : memref<10000x64xf32, #tpu.memory_space<hbm>>) target(%dma_start3A_245 : memref<125x64xf32, #tpu.memory_space<vmem>>) offsets(%dma_start3A_248 : memref<125xi32, #tpu.memory_space<vmem>>) semaphore(%arg12 : memref<!tpu.dma_semaphore, #tpu.memory_space<semaphore_mem>>)
      } else {
      }
      %add3A_195 = arith.constant 3 : i32
      %add3A_196 = arith.addi %add3A_66, %add3A_195 : i32
      %dma_wait3A_197 = arith.constant 0 : i32
      %dma_wait3A_198 = arith.constant 3 : i32
      %dma_wait3A_199 = arith.constant 0 : i32
      %dma_wait3A_200 = arith.constant 0 : i32
      %dma_wait3A_201 = tpu.memref_slice %arg9[%dma_wait3A_198, %dma_wait3A_199, %dma_wait3A_200] : memref<4x125x64xf32, #tpu.memory_space<vmem>> -> memref<1x125x64xf32, #tpu.memory_space<vmem>>
      %dma_wait3A_202 = tpu.memref_squeeze %dma_wait3A_201 : memref<1x125x64xf32, #tpu.memory_space<vmem>> -> memref<125x64xf32, #tpu.memory_space<vmem>>
      %dma_wait3A_203 = arith.constant 0 : i32
      %dma_wait3A_204 = tpu.memref_slice %arg7[%dma_wait3A_197, %dma_wait3A_203] : memref<80x125xi32, #tpu.memory_space<vmem>> -> memref<1x125xi32, #tpu.memory_space<vmem>>
      %dma_wait3A_205 = tpu.memref_squeeze %dma_wait3A_204 : memref<1x125xi32, #tpu.memory_space<vmem>> -> memref<125xi32, #tpu.memory_space<vmem>>
      %dma_wait3A_206 = arith.constant 0 : i32
      %dma_wait3A_207 = arith.constant 0 : i32
      %dma_wait3A_208 = tpu.memref_slice %arg2[%dma_wait3A_206, %dma_wait3A_207] : memref<10000x64xf32, #tpu.memory_space<hbm>> -> memref<10000x64xf32, #tpu.memory_space<hbm>>
      tpu.wait_indirect_dma semaphore(%arg13 : memref<!tpu.dma_semaphore, #tpu.memory_space<semaphore_mem>>) src(%dma_wait3A_208 : memref<10000x64xf32, #tpu.memory_space<hbm>>) dst(%dma_wait3A_202 : memref<125x64xf32, #tpu.memory_space<vmem>>)
      %dma_start3A_209 = arith.constant 3 : i32
      %dma_start3A_210 = arith.constant 0 : i32
      %dma_start3A_211 = arith.constant 0 : i32
      %dma_start3A_212 = tpu.memref_slice %arg9[%dma_start3A_209, %dma_start3A_210, %dma_start3A_211] : memref<4x125x64xf32, #tpu.memory_space<vmem>> -> memref<1x125x64xf32, #tpu.memory_space<vmem>>
      %dma_start3A_213 = tpu.memref_squeeze %dma_start3A_212 : memref<1x125x64xf32, #tpu.memory_space<vmem>> -> memref<125x64xf32, #tpu.memory_space<vmem>>
      %dma_start3A_214 = arith.constant 0 : i32
      %dma_start3A_215 = tpu.memref_slice %arg8[%add3A_196, %dma_start3A_214] : memref<80x125xi32, #tpu.memory_space<vmem>> -> memref<1x125xi32, #tpu.memory_space<vmem>>
      %dma_start3A_216 = tpu.memref_squeeze %dma_start3A_215 : memref<1x125xi32, #tpu.memory_space<vmem>> -> memref<125xi32, #tpu.memory_space<vmem>>
      %dma_start3A_217 = arith.constant 0 : i32
      %dma_start3A_218 = arith.constant 0 : i32
      %dma_start3A_219 = tpu.memref_slice %arg18[%dma_start3A_217, %dma_start3A_218] : memref<10240x64xf32, #tpu.memory_space<vmem_shared>> -> memref<10240x64xf32, #tpu.memory_space<vmem_shared>>
      tpu.enqueue_indirect_dma source(%dma_start3A_213 : memref<125x64xf32, #tpu.memory_space<vmem>>) target(%dma_start3A_219 : memref<10240x64xf32, #tpu.memory_space<vmem_shared>>) offsets(%dma_start3A_216 : memref<125xi32, #tpu.memory_space<vmem>>) semaphore(%arg17 : memref<!tpu.dma_semaphore, #tpu.memory_space<semaphore_mem>>) {add = true}
      %dma_wait3A_220 = arith.constant 3 : i32
      %dma_wait3A_221 = arith.constant 0 : i32
      %dma_wait3A_222 = arith.constant 0 : i32
      %dma_wait3A_223 = arith.constant 0 : i32
      %dma_wait3A_224 = tpu.memref_slice %arg9[%dma_wait3A_220, %dma_wait3A_222, %dma_wait3A_223] : memref<4x125x64xf32, #tpu.memory_space<vmem>> -> memref<1x125x64xf32, #tpu.memory_space<vmem>>
      %dma_wait3A_225 = tpu.memref_squeeze %dma_wait3A_224 : memref<1x125x64xf32, #tpu.memory_space<vmem>> -> memref<125x64xf32, #tpu.memory_space<vmem>>
      %dma_wait3A_226 = arith.constant 0 : i32
      %dma_wait3A_227 = tpu.memref_slice %arg8[%dma_wait3A_221, %dma_wait3A_226] : memref<80x125xi32, #tpu.memory_space<vmem>> -> memref<1x125xi32, #tpu.memory_space<vmem>>
      %dma_wait3A_228 = tpu.memref_squeeze %dma_wait3A_227 : memref<1x125xi32, #tpu.memory_space<vmem>> -> memref<125xi32, #tpu.memory_space<vmem>>
      %dma_wait3A_229 = arith.constant 0 : i32
      %dma_wait3A_230 = arith.constant 0 : i32
      %dma_wait3A_231 = tpu.memref_slice %arg18[%dma_wait3A_229, %dma_wait3A_230] : memref<10240x64xf32, #tpu.memory_space<vmem_shared>> -> memref<10240x64xf32, #tpu.memory_space<vmem_shared>>
      tpu.wait_indirect_dma semaphore(%arg17 : memref<!tpu.dma_semaphore, #tpu.memory_space<semaphore_mem>>) src(%dma_wait3A_225 : memref<125x64xf32, #tpu.memory_space<vmem>>) dst(%dma_wait3A_231 : memref<10240x64xf32, #tpu.memory_space<vmem_shared>>)
      %add3A_232 = arith.constant 4 : i32
      %add3A_233 = arith.addi %add3A_196, %add3A_232 : i32
      %lt3A_234 = arith.constant 80 : i32
      %lt3A_235 = arith.cmpi slt, %add3A_233, %lt3A_234 : i32
      %convert_element_type3A_236 = arith.extui %lt3A_235 : i1 to i32
      %cond3A_237 = arith.constant 0 : i32
      %cond3A_238 = arith.cmpi ne, %convert_element_type3A_236, %cond3A_237 : i32
      scf.if %cond3A_238 {
        %add3A_239 = arith.constant 4 : i32
        %add3A_240 = arith.addi %add3A_196, %add3A_239 : i32
        %dma_start3A_241 = arith.constant 3 : i32
        %dma_start3A_242 = arith.constant 0 : i32
        %dma_start3A_243 = arith.constant 0 : i32
        %dma_start3A_244 = tpu.memref_slice %arg9[%dma_start3A_241, %dma_start3A_242, %dma_start3A_243] : memref<4x125x64xf32, #tpu.memory_space<vmem>> -> memref<1x125x64xf32, #tpu.memory_space<vmem>>
        %dma_start3A_245 = tpu.memref_squeeze %dma_start3A_244 : memref<1x125x64xf32, #tpu.memory_space<vmem>> -> memref<125x64xf32, #tpu.memory_space<vmem>>
        %dma_start3A_246 = arith.constant 0 : i32
        %dma_start3A_247 = tpu.memref_slice %arg7[%add3A_240, %dma_start3A_246] : memref<80x125xi32, #tpu.memory_space<vmem>> -> memref<1x125xi32, #tpu.memory_space<vmem>>
        %dma_start3A_248 = tpu.memref_squeeze %dma_start3A_247 : memref<1x125xi32, #tpu.memory_space<vmem>> -> memref<125xi32, #tpu.memory_space<vmem>>
        %dma_start3A_249 = arith.constant 0 : i32
        %dma_start3A_250 = arith.constant 0 : i32
        %dma_start3A_251 = tpu.memref_slice %arg2[%dma_start3A_249, %dma_start3A_250] : memref<10000x64xf32, #tpu.memory_space<hbm>> -> memref<10000x64xf32, #tpu.memory_space<hbm>>
        tpu.enqueue_indirect_dma source(%dma_start3A_251 : memref<10000x64xf32, #tpu.memory_space<hbm>>) target(%dma_start3A_245 : memref<125x64xf32, #tpu.memory_space<vmem>>) offsets(%dma_start3A_248 : memref<125xi32, #tpu.memory_space<vmem>>) semaphore(%arg13 : memref<!tpu.dma_semaphore, #tpu.memory_space<semaphore_mem>>)
      } else {
      }
    }
    %scan3A_53 = arith.constant 20 : i32
    %barrier3A_54 = arith.constant 0 : index
    tpu.barrier barrier_id(%barrier3A_54)
    %mul3A_55 = arith.constant 640 : i32
    %mul3A_56 = arith.muli %arg1, %mul3A_55 : i32
    %mul3A_57 = arith.constant 10240 : i32
    %mul3A_58 = arith.muli %arg0, %mul3A_57 : i32
    %mul3A_59 = arith.constant 640 : i32
    %mul3A_60 = arith.muli %arg1, %mul3A_59 : i32
    %add3A_61 = arith.addi %mul3A_58, %mul3A_60 : i32
    "tpu.region"() ({
      %run_scoped3A = tpu.sem_alloc : memref<!tpu.dma_semaphore, #tpu.memory_space<semaphore_mem>>
      %dma_start3A_62 = arith.constant 0 : i32
      %dma_start3A_63 = tpu.memref_slice %arg6[%add3A_61, %dma_start3A_62] : memref<20480x64xf32, #tpu.memory_space<hbm>> -> memref<640x64xf32, #tpu.memory_space<hbm>>
      %dma_start3A_64 = arith.constant 0 : i32
      %dma_start3A_65 = tpu.memref_slice %arg18[%mul3A_56, %dma_start3A_64] : memref<10240x64xf32, #tpu.memory_space<vmem_shared>> -> memref<640x64xf32, #tpu.memory_space<vmem_shared>>
      tpu.enqueue_dma source(%dma_start3A_65 : memref<640x64xf32, #tpu.memory_space<vmem_shared>>) target(%dma_start3A_63 : memref<640x64xf32, #tpu.memory_space<hbm>>) target_semaphore(%run_scoped3A : memref<!tpu.dma_semaphore, #tpu.memory_space<semaphore_mem>>)
      %dma_wait3A = arith.constant 0 : i32
      %dma_wait3A_66 = tpu.memref_slice %arg6[%add3A_61, %dma_wait3A] : memref<20480x64xf32, #tpu.memory_space<hbm>> -> memref<640x64xf32, #tpu.memory_space<hbm>>
      %dma_wait3A_67 = arith.constant 0 : i32
      %dma_wait3A_68 = tpu.memref_slice %arg18[%mul3A_56, %dma_wait3A_67] : memref<10240x64xf32, #tpu.memory_space<vmem_shared>> -> memref<640x64xf32, #tpu.memory_space<vmem_shared>>
      tpu.wait_dma2 semaphore(%run_scoped3A : memref<!tpu.dma_semaphore, #tpu.memory_space<semaphore_mem>>) src(%dma_wait3A_68 : memref<640x64xf32, #tpu.memory_space<vmem_shared>>) dst(%dma_wait3A_66 : memref<640x64xf32, #tpu.memory_space<hbm>>)
      tpu.yield
    }) : () -> ()
    return
  }
}

module attributes {stable_mosaic.version = 14 : i64} {
  func.func @_tc_prep_body(%arg0: memref<10000x128xf32, #tpu.memory_space<vmem>>, %arg1: memref<128x64xf32, #tpu.memory_space<vmem>>, %arg2: memref<20480x16xf32, #tpu.memory_space<vmem>>, %arg3: memref<5000x128xf32, #tpu.memory_space<vmem>>, %arg4: memref<5000x128xf32, #tpu.memory_space<vmem>>) attributes {dimension_semantics = [], scalar_prefetch = 0 : i64, scratch_operands = 0 : i64, tpu.core_type = #tpu.core_type<tc>} {
    %get3A = arith.constant 0 : index
    %get3A_0 = arith.constant 0 : index
    %get3A_1 = vector.load %arg2[%get3A, %get3A_0] : memref<20480x16xf32, #tpu.memory_space<vmem>>, vector<5000x1xf32>
    %get3A_2 = arith.constant 10240 : index
    %get3A_3 = arith.constant 0 : index
    %get3A_4 = vector.load %arg2[%get3A_2, %get3A_3] : memref<20480x16xf32, #tpu.memory_space<vmem>>, vector<5000x1xf32>
    %add3A = arith.addf %get3A_1, %get3A_4 : vector<5000x1xf32>
    %get3A_5 = arith.constant 5000 : index
    %get3A_6 = arith.constant 0 : index
    %get3A_7 = vector.load %arg2[%get3A_5, %get3A_6] : memref<20480x16xf32, #tpu.memory_space<vmem>>, vector<5000x1xf32>
    %get3A_8 = arith.constant 15240 : index
    %get3A_9 = arith.constant 0 : index
    %get3A_10 = vector.load %arg2[%get3A_8, %get3A_9] : memref<20480x16xf32, #tpu.memory_space<vmem>>, vector<5000x1xf32>
    %add3A_11 = arith.addf %get3A_7, %get3A_10 : vector<5000x1xf32>
    %concatenate3A = tpu.concatenate %add3A, %add3A_11 in 1 : vector<5000x1xf32>, vector<5000x1xf32> -> vector<5000x2xf32>
    %add3A_12 = arith.constant 1.000000e+00 : f32
    %add3A_13 = vector.broadcast %add3A_12 : f32 to vector<5000x2xf32>
    %add3A_14 = arith.addf %concatenate3A, %add3A_13 : vector<5000x2xf32>
    %sqrt3A = math.sqrt %add3A_14 : vector<5000x2xf32>
    %div3A = arith.constant 1.000000e+00 : f32
    %div3A_15 = vector.broadcast %div3A : f32 to vector<5000x2xf32>
    %div3A_16 = arith.divf %div3A_15, %sqrt3A : vector<5000x2xf32>
    %slice3A = vector.extract_strided_slice %div3A_16 {offsets = [0, 0], sizes = [5000, 1], strides = [1, 1]} : vector<5000x2xf32> to vector<5000x1xf32>
    %broadcast_in_dim3A = vector.shape_cast %slice3A : vector<5000x1xf32> to vector<5000x1xf32>
    %broadcast_in_dim3A_17 = vector.broadcast %broadcast_in_dim3A : vector<5000x1xf32> to vector<5000x64xf32>
    %slice3A_18 = vector.extract_strided_slice %div3A_16 {offsets = [0, 1], sizes = [5000, 1], strides = [1, 1]} : vector<5000x2xf32> to vector<5000x1xf32>
    %broadcast_in_dim3A_19 = vector.shape_cast %slice3A_18 : vector<5000x1xf32> to vector<5000x1xf32>
    %broadcast_in_dim3A_20 = vector.broadcast %broadcast_in_dim3A_19 : vector<5000x1xf32> to vector<5000x64xf32>
    %concatenate3A_21 = tpu.concatenate %broadcast_in_dim3A_17, %broadcast_in_dim3A_20 in 1 : vector<5000x64xf32>, vector<5000x64xf32> -> vector<5000x128xf32>
    %get3A_22 = arith.constant 0 : index
    %get3A_23 = arith.constant 0 : index
    %get3A_24 = vector.load %arg0[%get3A_22, %get3A_23] : memref<10000x128xf32, #tpu.memory_space<vmem>>, vector<10000x128xf32>
    %get3A_25 = arith.constant 0 : index
    %get3A_26 = arith.constant 0 : index
    %get3A_27 = vector.load %arg1[%get3A_25, %get3A_26] : memref<128x64xf32, #tpu.memory_space<vmem>>, vector<128x64xf32>
    %dot_general3A = arith.constant dense<0.000000e+00> : vector<10000x64xf32>
    %dot_general3A_28 = tpu.matmul %get3A_24, %get3A_27, %dot_general3A {dimension_numbers = #tpu.dot_dimension_numbers<[1], [0], [0], [1], [0, 0, 1, 1], [], []>, transpose_lhs_hint = false} : vector<10000x128xf32>, vector<128x64xf32>, vector<10000x64xf32> -> vector<10000x64xf32>
    %slice3A_29 = vector.extract_strided_slice %dot_general3A_28 {offsets = [0, 0], sizes = [5000, 64], strides = [1, 1]} : vector<10000x64xf32> to vector<5000x64xf32>
    %slice3A_30 = vector.extract_strided_slice %dot_general3A_28 {offsets = [5000, 0], sizes = [5000, 64], strides = [1, 1]} : vector<10000x64xf32> to vector<5000x64xf32>
    %concatenate3A_31 = tpu.concatenate %slice3A_29, %slice3A_30 in 1 : vector<5000x64xf32>, vector<5000x64xf32> -> vector<5000x128xf32>
    %mul3A = arith.mulf %concatenate3A_31, %concatenate3A_21 : vector<5000x128xf32>
    %swap3A = arith.constant 0 : index
    %swap3A_32 = arith.constant 0 : index
    %swap3A_33 = vector.load %arg3[%swap3A, %swap3A_32] : memref<5000x128xf32, #tpu.memory_space<vmem>>, vector<5000x128xf32>
    tpu.vector_store %arg3[%swap3A, %swap3A_32], %mul3A {strides = array<i32>} : memref<5000x128xf32, #tpu.memory_space<vmem>>, vector<5000x128xf32>,
    %swap3A_34 = arith.constant 0 : index
    %swap3A_35 = arith.constant 0 : index
    %swap3A_36 = vector.load %arg4[%swap3A_34, %swap3A_35] : memref<5000x128xf32, #tpu.memory_space<vmem>>, vector<5000x128xf32>
    tpu.vector_store %arg4[%swap3A_34, %swap3A_35], %concatenate3A_21 {strides = array<i32>} : memref<5000x128xf32, #tpu.memory_space<vmem>>, vector<5000x128xf32>,
    return
  }
}

module attributes {stable_mosaic.version = 14 : i64} {
  func.func @_tc_layer_body(%arg0: memref<10240x128xf32, #tpu.memory_space<vmem>>, %arg1: memref<5000x128xf32, #tpu.memory_space<vmem>>, %arg2: memref<5000x128xf32, #tpu.memory_space<vmem>>, %arg3: memref<1x128xf32, #tpu.memory_space<vmem>>, %arg4: memref<1x128xf32, #tpu.memory_space<vmem>>, %arg5: memref<1x128xf32, #tpu.memory_space<vmem>>, %arg6: memref<128x128xf32, #tpu.memory_space<vmem>>, %arg7: memref<5000x128xf32, #tpu.memory_space<vmem>>) attributes {dimension_semantics = [], scalar_prefetch = 0 : i64, scratch_operands = 0 : i64, tpu.core_type = #tpu.core_type<tc>} {
    %get3A = arith.constant 0 : index
    %get3A_0 = arith.constant 0 : index
    %get3A_1 = vector.load %arg2[%get3A, %get3A_0] : memref<5000x128xf32, #tpu.memory_space<vmem>>, vector<5000x128xf32>
    %get3A_2 = arith.constant 0 : index
    %get3A_3 = arith.constant 0 : index
    %get3A_4 = vector.load %arg0[%get3A_2, %get3A_3] : memref<10240x128xf32, #tpu.memory_space<vmem>>, vector<5000x128xf32>
    %get3A_5 = arith.constant 5120 : index
    %get3A_6 = arith.constant 0 : index
    %get3A_7 = vector.load %arg0[%get3A_5, %get3A_6] : memref<10240x128xf32, #tpu.memory_space<vmem>>, vector<5000x128xf32>
    %add3A = arith.addf %get3A_4, %get3A_7 : vector<5000x128xf32>
    %get3A_8 = arith.constant 0 : index
    %get3A_9 = arith.constant 0 : index
    %get3A_10 = vector.load %arg1[%get3A_8, %get3A_9] : memref<5000x128xf32, #tpu.memory_space<vmem>>, vector<5000x128xf32>
    %add3A_11 = arith.addf %add3A, %get3A_10 : vector<5000x128xf32>
    %mul3A = arith.mulf %add3A_11, %get3A_1 : vector<5000x128xf32>
    %get3A_12 = arith.constant 0 : index
    %get3A_13 = arith.constant 0 : index
    %get3A_14 = vector.load %arg3[%get3A_12, %get3A_13] : memref<1x128xf32, #tpu.memory_space<vmem>>, vector<1x128xf32>
    %add3A_15 = vector.broadcast %get3A_14 : vector<1x128xf32> to vector<5000x128xf32>
    %add3A_16 = arith.addf %mul3A, %add3A_15 : vector<5000x128xf32>
    %max3A = arith.constant 0.000000e+00 : f32
    %max3A_17 = vector.broadcast %max3A : f32 to vector<5000x128xf32>
    %max3A_18 = arith.maximumf %add3A_16, %max3A_17 : vector<5000x128xf32>
    %get3A_19 = arith.constant 0 : index
    %get3A_20 = arith.constant 0 : index
    %get3A_21 = vector.load %arg4[%get3A_19, %get3A_20] : memref<1x128xf32, #tpu.memory_space<vmem>>, vector<1x128xf32>
    %get3A_22 = arith.constant 0 : index
    %get3A_23 = arith.constant 0 : index
    %get3A_24 = vector.load %arg5[%get3A_22, %get3A_23] : memref<1x128xf32, #tpu.memory_space<vmem>>, vector<1x128xf32>
    %reduce_sum3A = arith.constant dense<0.000000e+00> : vector<128xf32>
    %reduce_sum3A_25 = vector.multi_reduction <add>, %max3A_18, %reduce_sum3A [0] : vector<5000x128xf32> to vector<128xf32>
    %broadcast_in_dim3A = vector.shape_cast %reduce_sum3A_25 : vector<128xf32> to vector<1x128xf32>
    %div3A = arith.constant 5.000000e+03 : f32
    %div3A_26 = vector.broadcast %div3A : f32 to vector<1x128xf32>
    %div3A_27 = arith.divf %broadcast_in_dim3A, %div3A_26 : vector<1x128xf32>
    %slice3A = vector.extract_strided_slice %div3A_27 {offsets = [0, 0], sizes = [1, 64], strides = [1, 1]} : vector<1x128xf32> to vector<1x64xf32>
    %slice3A_28 = vector.extract_strided_slice %div3A_27 {offsets = [0, 64], sizes = [1, 64], strides = [1, 1]} : vector<1x128xf32> to vector<1x64xf32>
    %add3A_29 = arith.addf %slice3A, %slice3A_28 : vector<1x64xf32>
    %mul3A_30 = arith.constant 5.000000e-01 : f32
    %mul3A_31 = vector.broadcast %mul3A_30 : f32 to vector<1x64xf32>
    %mul3A_32 = arith.mulf %mul3A_31, %add3A_29 : vector<1x64xf32>
    %concatenate3A = tpu.concatenate %mul3A_32, %mul3A_32 in 1 : vector<1x64xf32>, vector<1x64xf32> -> vector<1x128xf32>
    %sub3A = vector.broadcast %concatenate3A : vector<1x128xf32> to vector<5000x128xf32>
    %sub3A_33 = arith.subf %max3A_18, %sub3A : vector<5000x128xf32>
    %mul3A_34 = arith.mulf %sub3A_33, %sub3A_33 : vector<5000x128xf32>
    %reduce_sum3A_35 = arith.constant dense<0.000000e+00> : vector<128xf32>
    %reduce_sum3A_36 = vector.multi_reduction <add>, %mul3A_34, %reduce_sum3A_35 [0] : vector<5000x128xf32> to vector<128xf32>
    %broadcast_in_dim3A_37 = vector.shape_cast %reduce_sum3A_36 : vector<128xf32> to vector<1x128xf32>
    %div3A_38 = arith.constant 5.000000e+03 : f32
    %div3A_39 = vector.broadcast %div3A_38 : f32 to vector<1x128xf32>
    %div3A_40 = arith.divf %broadcast_in_dim3A_37, %div3A_39 : vector<1x128xf32>
    %slice3A_41 = vector.extract_strided_slice %div3A_40 {offsets = [0, 0], sizes = [1, 64], strides = [1, 1]} : vector<1x128xf32> to vector<1x64xf32>
    %slice3A_42 = vector.extract_strided_slice %div3A_40 {offsets = [0, 64], sizes = [1, 64], strides = [1, 1]} : vector<1x128xf32> to vector<1x64xf32>
    %add3A_43 = arith.addf %slice3A_41, %slice3A_42 : vector<1x64xf32>
    %mul3A_44 = arith.constant 5.000000e-01 : f32
    %mul3A_45 = vector.broadcast %mul3A_44 : f32 to vector<1x64xf32>
    %mul3A_46 = arith.mulf %mul3A_45, %add3A_43 : vector<1x64xf32>
    %concatenate3A_47 = tpu.concatenate %mul3A_46, %mul3A_46 in 1 : vector<1x64xf32>, vector<1x64xf32> -> vector<1x128xf32>
    %add3A_48 = arith.constant 9.99999974E-6 : f32
    %add3A_49 = vector.broadcast %add3A_48 : f32 to vector<1x128xf32>
    %add3A_50 = arith.addf %concatenate3A_47, %add3A_49 : vector<1x128xf32>
    %sqrt3A = math.sqrt %add3A_50 : vector<1x128xf32>
    %div3A_51 = vector.broadcast %sqrt3A : vector<1x128xf32> to vector<5000x128xf32>
    %div3A_52 = arith.divf %sub3A_33, %div3A_51 : vector<5000x128xf32>
    %mul3A_53 = vector.broadcast %get3A_21 : vector<1x128xf32> to vector<5000x128xf32>
    %mul3A_54 = arith.mulf %div3A_52, %mul3A_53 : vector<5000x128xf32>
    %add3A_55 = vector.broadcast %get3A_24 : vector<1x128xf32> to vector<5000x128xf32>
    %add3A_56 = arith.addf %mul3A_54, %add3A_55 : vector<5000x128xf32>
    %get3A_57 = arith.constant 0 : index
    %get3A_58 = arith.constant 0 : index
    %get3A_59 = vector.load %arg6[%get3A_57, %get3A_58] : memref<128x128xf32, #tpu.memory_space<vmem>>, vector<128x128xf32>
    %dot_general3A = arith.constant dense<0.000000e+00> : vector<5000x128xf32>
    %dot_general3A_60 = tpu.matmul %add3A_56, %get3A_59, %dot_general3A {dimension_numbers = #tpu.dot_dimension_numbers<[1], [0], [0], [1], [0, 0, 1, 1], [], []>, transpose_lhs_hint = false} : vector<5000x128xf32>, vector<128x128xf32>, vector<5000x128xf32> -> vector<5000x128xf32>
    %mul3A_61 = arith.mulf %dot_general3A_60, %get3A_1 : vector<5000x128xf32>
    %swap3A = arith.constant 0 : index
    %swap3A_62 = arith.constant 0 : index
    %swap3A_63 = vector.load %arg7[%swap3A, %swap3A_62] : memref<5000x128xf32, #tpu.memory_space<vmem>>, vector<5000x128xf32>
    tpu.vector_store %arg7[%swap3A, %swap3A_62], %mul3A_61 {strides = array<i32>} : memref<5000x128xf32, #tpu.memory_space<vmem>>, vector<5000x128xf32>,
    return
  }
}

module attributes {stable_mosaic.version = 14 : i64} {
  func.func @_tc_layer_body(%arg0: memref<10240x128xf32, #tpu.memory_space<vmem>>, %arg1: memref<5000x128xf32, #tpu.memory_space<vmem>>, %arg2: memref<5000x128xf32, #tpu.memory_space<vmem>>, %arg3: memref<1x128xf32, #tpu.memory_space<vmem>>, %arg4: memref<1x128xf32, #tpu.memory_space<vmem>>, %arg5: memref<1x128xf32, #tpu.memory_space<vmem>>, %arg6: memref<128x128xf32, #tpu.memory_space<vmem>>, %arg7: memref<5000x128xf32, #tpu.memory_space<vmem>>) attributes {dimension_semantics = [], scalar_prefetch = 0 : i64, scratch_operands = 0 : i64, tpu.core_type = #tpu.core_type<tc>} {
    %get3A = arith.constant 0 : index
    %get3A_0 = arith.constant 0 : index
    %get3A_1 = vector.load %arg2[%get3A, %get3A_0] : memref<5000x128xf32, #tpu.memory_space<vmem>>, vector<5000x128xf32>
    %get3A_2 = arith.constant 0 : index
    %get3A_3 = arith.constant 0 : index
    %get3A_4 = vector.load %arg0[%get3A_2, %get3A_3] : memref<10240x128xf32, #tpu.memory_space<vmem>>, vector<5000x128xf32>
    %get3A_5 = arith.constant 5120 : index
    %get3A_6 = arith.constant 0 : index
    %get3A_7 = vector.load %arg0[%get3A_5, %get3A_6] : memref<10240x128xf32, #tpu.memory_space<vmem>>, vector<5000x128xf32>
    %add3A = arith.addf %get3A_4, %get3A_7 : vector<5000x128xf32>
    %get3A_8 = arith.constant 0 : index
    %get3A_9 = arith.constant 0 : index
    %get3A_10 = vector.load %arg1[%get3A_8, %get3A_9] : memref<5000x128xf32, #tpu.memory_space<vmem>>, vector<5000x128xf32>
    %add3A_11 = arith.addf %add3A, %get3A_10 : vector<5000x128xf32>
    %mul3A = arith.mulf %add3A_11, %get3A_1 : vector<5000x128xf32>
    %get3A_12 = arith.constant 0 : index
    %get3A_13 = arith.constant 0 : index
    %get3A_14 = vector.load %arg3[%get3A_12, %get3A_13] : memref<1x128xf32, #tpu.memory_space<vmem>>, vector<1x128xf32>
    %add3A_15 = vector.broadcast %get3A_14 : vector<1x128xf32> to vector<5000x128xf32>
    %add3A_16 = arith.addf %mul3A, %add3A_15 : vector<5000x128xf32>
    %get3A_17 = arith.constant 0 : index
    %get3A_18 = arith.constant 0 : index
    %get3A_19 = vector.load %arg4[%get3A_17, %get3A_18] : memref<1x128xf32, #tpu.memory_space<vmem>>, vector<1x128xf32>
    %get3A_20 = arith.constant 0 : index
    %get3A_21 = arith.constant 0 : index
    %get3A_22 = vector.load %arg5[%get3A_20, %get3A_21] : memref<1x128xf32, #tpu.memory_space<vmem>>, vector<1x128xf32>
    %reduce_sum3A = arith.constant dense<0.000000e+00> : vector<128xf32>
    %reduce_sum3A_23 = vector.multi_reduction <add>, %add3A_16, %reduce_sum3A [0] : vector<5000x128xf32> to vector<128xf32>
    %broadcast_in_dim3A = vector.shape_cast %reduce_sum3A_23 : vector<128xf32> to vector<1x128xf32>
    %div3A = arith.constant 5.000000e+03 : f32
    %div3A_24 = vector.broadcast %div3A : f32 to vector<1x128xf32>
    %div3A_25 = arith.divf %broadcast_in_dim3A, %div3A_24 : vector<1x128xf32>
    %slice3A = vector.extract_strided_slice %div3A_25 {offsets = [0, 0], sizes = [1, 64], strides = [1, 1]} : vector<1x128xf32> to vector<1x64xf32>
    %slice3A_26 = vector.extract_strided_slice %div3A_25 {offsets = [0, 64], sizes = [1, 64], strides = [1, 1]} : vector<1x128xf32> to vector<1x64xf32>
    %add3A_27 = arith.addf %slice3A, %slice3A_26 : vector<1x64xf32>
    %mul3A_28 = arith.constant 5.000000e-01 : f32
    %mul3A_29 = vector.broadcast %mul3A_28 : f32 to vector<1x64xf32>
    %mul3A_30 = arith.mulf %mul3A_29, %add3A_27 : vector<1x64xf32>
    %concatenate3A = tpu.concatenate %mul3A_30, %mul3A_30 in 1 : vector<1x64xf32>, vector<1x64xf32> -> vector<1x128xf32>
    %sub3A = vector.broadcast %concatenate3A : vector<1x128xf32> to vector<5000x128xf32>
    %sub3A_31 = arith.subf %add3A_16, %sub3A : vector<5000x128xf32>
    %mul3A_32 = arith.mulf %sub3A_31, %sub3A_31 : vector<5000x128xf32>
    %reduce_sum3A_33 = arith.constant dense<0.000000e+00> : vector<128xf32>
    %reduce_sum3A_34 = vector.multi_reduction <add>, %mul3A_32, %reduce_sum3A_33 [0] : vector<5000x128xf32> to vector<128xf32>
    %broadcast_in_dim3A_35 = vector.shape_cast %reduce_sum3A_34 : vector<128xf32> to vector<1x128xf32>
    %div3A_36 = arith.constant 5.000000e+03 : f32
    %div3A_37 = vector.broadcast %div3A_36 : f32 to vector<1x128xf32>
    %div3A_38 = arith.divf %broadcast_in_dim3A_35, %div3A_37 : vector<1x128xf32>
    %slice3A_39 = vector.extract_strided_slice %div3A_38 {offsets = [0, 0], sizes = [1, 64], strides = [1, 1]} : vector<1x128xf32> to vector<1x64xf32>
    %slice3A_40 = vector.extract_strided_slice %div3A_38 {offsets = [0, 64], sizes = [1, 64], strides = [1, 1]} : vector<1x128xf32> to vector<1x64xf32>
    %add3A_41 = arith.addf %slice3A_39, %slice3A_40 : vector<1x64xf32>
    %mul3A_42 = arith.constant 5.000000e-01 : f32
    %mul3A_43 = vector.broadcast %mul3A_42 : f32 to vector<1x64xf32>
    %mul3A_44 = arith.mulf %mul3A_43, %add3A_41 : vector<1x64xf32>
    %concatenate3A_45 = tpu.concatenate %mul3A_44, %mul3A_44 in 1 : vector<1x64xf32>, vector<1x64xf32> -> vector<1x128xf32>
    %add3A_46 = arith.constant 9.99999974E-6 : f32
    %add3A_47 = vector.broadcast %add3A_46 : f32 to vector<1x128xf32>
    %add3A_48 = arith.addf %concatenate3A_45, %add3A_47 : vector<1x128xf32>
    %sqrt3A = math.sqrt %add3A_48 : vector<1x128xf32>
    %div3A_49 = vector.broadcast %sqrt3A : vector<1x128xf32> to vector<5000x128xf32>
    %div3A_50 = arith.divf %sub3A_31, %div3A_49 : vector<5000x128xf32>
    %mul3A_51 = vector.broadcast %get3A_19 : vector<1x128xf32> to vector<5000x128xf32>
    %mul3A_52 = arith.mulf %div3A_50, %mul3A_51 : vector<5000x128xf32>
    %add3A_53 = vector.broadcast %get3A_22 : vector<1x128xf32> to vector<5000x128xf32>
    %add3A_54 = arith.addf %mul3A_52, %add3A_53 : vector<5000x128xf32>
    %get3A_55 = arith.constant 0 : index
    %get3A_56 = arith.constant 0 : index
    %get3A_57 = vector.load %arg6[%get3A_55, %get3A_56] : memref<128x128xf32, #tpu.memory_space<vmem>>, vector<128x128xf32>
    %dot_general3A = arith.constant dense<0.000000e+00> : vector<5000x128xf32>
    %dot_general3A_58 = tpu.matmul %add3A_54, %get3A_57, %dot_general3A {dimension_numbers = #tpu.dot_dimension_numbers<[1], [0], [0], [1], [0, 0, 1, 1], [], []>, transpose_lhs_hint = false} : vector<5000x128xf32>, vector<128x128xf32>, vector<5000x128xf32> -> vector<5000x128xf32>
    %mul3A_59 = arith.mulf %dot_general3A_58, %get3A_1 : vector<5000x128xf32>
    %swap3A = arith.constant 0 : index
    %swap3A_60 = arith.constant 0 : index
    %swap3A_61 = vector.load %arg7[%swap3A, %swap3A_60] : memref<5000x128xf32, #tpu.memory_space<vmem>>, vector<5000x128xf32>
    tpu.vector_store %arg7[%swap3A, %swap3A_60], %mul3A_59 {strides = array<i32>} : memref<5000x128xf32, #tpu.memory_space<vmem>>, vector<5000x128xf32>,
    return
  }
}

module attributes {stable_mosaic.version = 14 : i64} {
  func.func @_tc_final_body(%arg0: memref<10240x128xf32, #tpu.memory_space<vmem>>, %arg1: memref<5000x128xf32, #tpu.memory_space<vmem>>, %arg2: memref<5000x128xf32, #tpu.memory_space<vmem>>, %arg3: memref<1x128xf32, #tpu.memory_space<vmem>>, %arg4: memref<1x128xf32, #tpu.memory_space<vmem>>, %arg5: memref<1x128xf32, #tpu.memory_space<vmem>>, %arg6: memref<1x5000xi32, #tpu.memory_space<vmem>>, %arg7: memref<1x5000xi32, #tpu.memory_space<vmem>>, %arg8: memref<64x64xf32, #tpu.memory_space<vmem>>, %arg9: memref<1x64xf32, #tpu.memory_space<vmem>>, %arg10: memref<1x64xf32, #tpu.memory_space<vmem>>, %arg11: memref<1x64xf32, #tpu.memory_space<vmem>>, %arg12: memref<64x64xf32, #tpu.memory_space<vmem>>, %arg13: memref<1x64xf32, #tpu.memory_space<vmem>>, %arg14: memref<1x64xf32, #tpu.memory_space<vmem>>, %arg15: memref<1x64xf32, #tpu.memory_space<vmem>>, %arg16: memref<64x1xf32, #tpu.memory_space<vmem>>, %arg17: memref<1x1xf32, #tpu.memory_space<vmem>>, %arg18: memref<64x1xf32, #tpu.memory_space<vmem>>) attributes {dimension_semantics = [], scalar_prefetch = 0 : i64, scratch_operands = 0 : i64, tpu.core_type = #tpu.core_type<tc>} {
    %get3A = arith.constant 0 : index
    %get3A_0 = arith.constant 0 : index
    %get3A_1 = vector.load %arg2[%get3A, %get3A_0] : memref<5000x128xf32, #tpu.memory_space<vmem>>, vector<5000x128xf32>
    %get3A_2 = arith.constant 0 : index
    %get3A_3 = arith.constant 0 : index
    %get3A_4 = vector.load %arg0[%get3A_2, %get3A_3] : memref<10240x128xf32, #tpu.memory_space<vmem>>, vector<5000x128xf32>
    %get3A_5 = arith.constant 5120 : index
    %get3A_6 = arith.constant 0 : index
    %get3A_7 = vector.load %arg0[%get3A_5, %get3A_6] : memref<10240x128xf32, #tpu.memory_space<vmem>>, vector<5000x128xf32>
    %add3A = arith.addf %get3A_4, %get3A_7 : vector<5000x128xf32>
    %get3A_8 = arith.constant 0 : index
    %get3A_9 = arith.constant 0 : index
    %get3A_10 = vector.load %arg1[%get3A_8, %get3A_9] : memref<5000x128xf32, #tpu.memory_space<vmem>>, vector<5000x128xf32>
    %add3A_11 = arith.addf %add3A, %get3A_10 : vector<5000x128xf32>
    %mul3A = arith.mulf %add3A_11, %get3A_1 : vector<5000x128xf32>
    %get3A_12 = arith.constant 0 : index
    %get3A_13 = arith.constant 0 : index
    %get3A_14 = vector.load %arg3[%get3A_12, %get3A_13] : memref<1x128xf32, #tpu.memory_space<vmem>>, vector<1x128xf32>
    %add3A_15 = vector.broadcast %get3A_14 : vector<1x128xf32> to vector<5000x128xf32>
    %add3A_16 = arith.addf %mul3A, %add3A_15 : vector<5000x128xf32>
    %get3A_17 = arith.constant 0 : index
    %get3A_18 = arith.constant 0 : index
    %get3A_19 = vector.load %arg4[%get3A_17, %get3A_18] : memref<1x128xf32, #tpu.memory_space<vmem>>, vector<1x128xf32>
    %get3A_20 = arith.constant 0 : index
    %get3A_21 = arith.constant 0 : index
    %get3A_22 = vector.load %arg5[%get3A_20, %get3A_21] : memref<1x128xf32, #tpu.memory_space<vmem>>, vector<1x128xf32>
    %reduce_sum3A = arith.constant dense<0.000000e+00> : vector<128xf32>
    %reduce_sum3A_23 = vector.multi_reduction <add>, %add3A_16, %reduce_sum3A [0] : vector<5000x128xf32> to vector<128xf32>
    %broadcast_in_dim3A = vector.shape_cast %reduce_sum3A_23 : vector<128xf32> to vector<1x128xf32>
    %div3A = arith.constant 5.000000e+03 : f32
    %div3A_24 = vector.broadcast %div3A : f32 to vector<1x128xf32>
    %div3A_25 = arith.divf %broadcast_in_dim3A, %div3A_24 : vector<1x128xf32>
    %slice3A = vector.extract_strided_slice %div3A_25 {offsets = [0, 0], sizes = [1, 64], strides = [1, 1]} : vector<1x128xf32> to vector<1x64xf32>
    %slice3A_26 = vector.extract_strided_slice %div3A_25 {offsets = [0, 64], sizes = [1, 64], strides = [1, 1]} : vector<1x128xf32> to vector<1x64xf32>
    %add3A_27 = arith.addf %slice3A, %slice3A_26 : vector<1x64xf32>
    %mul3A_28 = arith.constant 5.000000e-01 : f32
    %mul3A_29 = vector.broadcast %mul3A_28 : f32 to vector<1x64xf32>
    %mul3A_30 = arith.mulf %mul3A_29, %add3A_27 : vector<1x64xf32>
    %concatenate3A = tpu.concatenate %mul3A_30, %mul3A_30 in 1 : vector<1x64xf32>, vector<1x64xf32> -> vector<1x128xf32>
    %sub3A = vector.broadcast %concatenate3A : vector<1x128xf32> to vector<5000x128xf32>
    %sub3A_31 = arith.subf %add3A_16, %sub3A : vector<5000x128xf32>
    %mul3A_32 = arith.mulf %sub3A_31, %sub3A_31 : vector<5000x128xf32>
    %reduce_sum3A_33 = arith.constant dense<0.000000e+00> : vector<128xf32>
    %reduce_sum3A_34 = vector.multi_reduction <add>, %mul3A_32, %reduce_sum3A_33 [0] : vector<5000x128xf32> to vector<128xf32>
    %broadcast_in_dim3A_35 = vector.shape_cast %reduce_sum3A_34 : vector<128xf32> to vector<1x128xf32>
    %div3A_36 = arith.constant 5.000000e+03 : f32
    %div3A_37 = vector.broadcast %div3A_36 : f32 to vector<1x128xf32>
    %div3A_38 = arith.divf %broadcast_in_dim3A_35, %div3A_37 : vector<1x128xf32>
    %slice3A_39 = vector.extract_strided_slice %div3A_38 {offsets = [0, 0], sizes = [1, 64], strides = [1, 1]} : vector<1x128xf32> to vector<1x64xf32>
    %slice3A_40 = vector.extract_strided_slice %div3A_38 {offsets = [0, 64], sizes = [1, 64], strides = [1, 1]} : vector<1x128xf32> to vector<1x64xf32>
    %add3A_41 = arith.addf %slice3A_39, %slice3A_40 : vector<1x64xf32>
    %mul3A_42 = arith.constant 5.000000e-01 : f32
    %mul3A_43 = vector.broadcast %mul3A_42 : f32 to vector<1x64xf32>
    %mul3A_44 = arith.mulf %mul3A_43, %add3A_41 : vector<1x64xf32>
    %concatenate3A_45 = tpu.concatenate %mul3A_44, %mul3A_44 in 1 : vector<1x64xf32>, vector<1x64xf32> -> vector<1x128xf32>
    %add3A_46 = arith.constant 9.99999974E-6 : f32
    %add3A_47 = vector.broadcast %add3A_46 : f32 to vector<1x128xf32>
    %add3A_48 = arith.addf %concatenate3A_45, %add3A_47 : vector<1x128xf32>
    %sqrt3A = math.sqrt %add3A_48 : vector<1x128xf32>
    %div3A_49 = vector.broadcast %sqrt3A : vector<1x128xf32> to vector<5000x128xf32>
    %div3A_50 = arith.divf %sub3A_31, %div3A_49 : vector<5000x128xf32>
    %mul3A_51 = vector.broadcast %get3A_19 : vector<1x128xf32> to vector<5000x128xf32>
    %mul3A_52 = arith.mulf %div3A_50, %mul3A_51 : vector<5000x128xf32>
    %add3A_53 = vector.broadcast %get3A_22 : vector<1x128xf32> to vector<5000x128xf32>
    %add3A_54 = arith.addf %mul3A_52, %add3A_53 : vector<5000x128xf32>
    %iota3A = tpu.iota {dimensions = array<i32: 0>} : vector<64x5000xi32>
    %get3A_55 = arith.constant 0 : index
    %get3A_56 = arith.constant 0 : index
    %get3A_57 = vector.load %arg6[%get3A_55, %get3A_56] : memref<1x5000xi32, #tpu.memory_space<vmem>>, vector<1x5000xi32>
    %eq3A = vector.broadcast %get3A_57 : vector<1x5000xi32> to vector<64x5000xi32>
    %eq3A_58 = arith.cmpi eq, %iota3A, %eq3A : vector<64x5000xi32>
    %convert_element_type3A = arith.extui %eq3A_58 : vector<64x5000xi1> to vector<64x5000xi32>
    %convert_element_type3A_59 = arith.sitofp %convert_element_type3A : vector<64x5000xi32> to vector<64x5000xf32>
    %get3A_60 = arith.constant 0 : index
    %get3A_61 = arith.constant 0 : index
    %get3A_62 = vector.load %arg7[%get3A_60, %get3A_61] : memref<1x5000xi32, #tpu.memory_space<vmem>>, vector<1x5000xi32>
    %eq3A_63 = vector.broadcast %get3A_62 : vector<1x5000xi32> to vector<64x5000xi32>
    %eq3A_64 = arith.cmpi eq, %iota3A, %eq3A_63 : vector<64x5000xi32>
    %convert_element_type3A_65 = arith.extui %eq3A_64 : vector<64x5000xi1> to vector<64x5000xi32>
    %convert_element_type3A_66 = arith.sitofp %convert_element_type3A_65 : vector<64x5000xi32> to vector<64x5000xf32>
    %slice3A_67 = vector.extract_strided_slice %add3A_54 {offsets = [0, 0], sizes = [5000, 64], strides = [1, 1]} : vector<5000x128xf32> to vector<5000x64xf32>
    %dot_general3A = arith.constant dense<0.000000e+00> : vector<64x64xf32>
    %dot_general3A_68 = tpu.matmul %convert_element_type3A_59, %slice3A_67, %dot_general3A {dimension_numbers = #tpu.dot_dimension_numbers<[1], [0], [0], [1], [0, 0, 1, 1], [], []>, precision = #tpu.contract_precision<fp32>, transpose_lhs_hint = false} : vector<64x5000xf32>, vector<5000x64xf32>, vector<64x64xf32> -> vector<64x64xf32>
    %slice3A_69 = vector.extract_strided_slice %add3A_54 {offsets = [0, 64], sizes = [5000, 64], strides = [1, 1]} : vector<5000x128xf32> to vector<5000x64xf32>
    %dot_general3A_70 = arith.constant dense<0.000000e+00> : vector<64x64xf32>
    %dot_general3A_71 = tpu.matmul %convert_element_type3A_66, %slice3A_69, %dot_general3A_70 {dimension_numbers = #tpu.dot_dimension_numbers<[1], [0], [0], [1], [0, 0, 1, 1], [], []>, precision = #tpu.contract_precision<fp32>, transpose_lhs_hint = false} : vector<64x5000xf32>, vector<5000x64xf32>, vector<64x64xf32> -> vector<64x64xf32>
    %add3A_72 = arith.addf %dot_general3A_68, %dot_general3A_71 : vector<64x64xf32>
    %get3A_73 = arith.constant 0 : index
    %get3A_74 = arith.constant 0 : index
    %get3A_75 = vector.load %arg8[%get3A_73, %get3A_74] : memref<64x64xf32, #tpu.memory_space<vmem>>, vector<64x64xf32>
    %dot_general3A_76 = arith.constant dense<0.000000e+00> : vector<64x64xf32>
    %dot_general3A_77 = tpu.matmul %add3A_72, %get3A_75, %dot_general3A_76 {dimension_numbers = #tpu.dot_dimension_numbers<[1], [0], [0], [1], [0, 0, 1, 1], [], []>, transpose_lhs_hint = false} : vector<64x64xf32>, vector<64x64xf32>, vector<64x64xf32> -> vector<64x64xf32>
    %get3A_78 = arith.constant 0 : index
    %get3A_79 = arith.constant 0 : index
    %get3A_80 = vector.load %arg9[%get3A_78, %get3A_79] : memref<1x64xf32, #tpu.memory_space<vmem>>, vector<1x64xf32>
    %add3A_81 = vector.broadcast %get3A_80 : vector<1x64xf32> to vector<64x64xf32>
    %add3A_82 = arith.addf %dot_general3A_77, %add3A_81 : vector<64x64xf32>
    %max3A = arith.constant 0.000000e+00 : f32
    %max3A_83 = vector.broadcast %max3A : f32 to vector<64x64xf32>
    %max3A_84 = arith.maximumf %add3A_82, %max3A_83 : vector<64x64xf32>
    %get3A_85 = arith.constant 0 : index
    %get3A_86 = arith.constant 0 : index
    %get3A_87 = vector.load %arg10[%get3A_85, %get3A_86] : memref<1x64xf32, #tpu.memory_space<vmem>>, vector<1x64xf32>
    %get3A_88 = arith.constant 0 : index
    %get3A_89 = arith.constant 0 : index
    %get3A_90 = vector.load %arg11[%get3A_88, %get3A_89] : memref<1x64xf32, #tpu.memory_space<vmem>>, vector<1x64xf32>
    %reduce_sum3A_91 = arith.constant dense<0.000000e+00> : vector<64xf32>
    %reduce_sum3A_92 = vector.multi_reduction <add>, %max3A_84, %reduce_sum3A_91 [0] : vector<64x64xf32> to vector<64xf32>
    %div3A_93 = arith.constant 6.400000e+01 : f32
    %div3A_94 = vector.broadcast %div3A_93 : f32 to vector<64xf32>
    %div3A_95 = arith.divf %reduce_sum3A_92, %div3A_94 : vector<64xf32>
    %jit3A = arith.constant 0 : i32
    %reduce_sum3A_96 = arith.constant dense<0.000000e+00> : vector<64xf32>
    %reduce_sum3A_97 = vector.multi_reduction <add>, %max3A_84, %reduce_sum3A_96 [0] : vector<64x64xf32> to vector<64xf32>
    %broadcast_in_dim3A_98 = vector.shape_cast %reduce_sum3A_97 : vector<64xf32> to vector<1x64xf32>
    %div3A_99 = arith.constant 6.400000e+01 : f32
    %div3A_100 = vector.broadcast %div3A_99 : f32 to vector<1x64xf32>
    %div3A_101 = arith.divf %broadcast_in_dim3A_98, %div3A_100 : vector<1x64xf32>
    %sub3A_102 = vector.broadcast %div3A_101 : vector<1x64xf32> to vector<64x64xf32>
    %sub3A_103 = arith.subf %max3A_84, %sub3A_102 : vector<64x64xf32>
    %square3A = arith.mulf %sub3A_103, %sub3A_103 : vector<64x64xf32>
    %convert_element_type3A_104 = arith.sitofp %jit3A : i32 to f32
    %sub3A_105 = arith.constant 6.400000e+01 : f32
    %sub3A_106 = arith.subf %sub3A_105, %convert_element_type3A_104 : f32
    %reduce_sum3A_107 = arith.constant dense<0.000000e+00> : vector<64xf32>
    %reduce_sum3A_108 = vector.multi_reduction <add>, %square3A, %reduce_sum3A_107 [0] : vector<64x64xf32> to vector<64xf32>
    %div3A_109 = vector.broadcast %sub3A_106 : f32 to vector<64xf32>
    %div3A_110 = arith.divf %reduce_sum3A_108, %div3A_109 : vector<64xf32>
    %gt3A = arith.constant 0.000000e+00 : f32
    %gt3A_111 = arith.cmpf ogt, %sub3A_106, %gt3A : f32
    %jit3A_112 = arith.constant 0x7FC00000 : f32
    %broadcast_in_dim3A_113 = vector.broadcast %jit3A_112 : f32 to vector<64xf32>
    %select_n3A = arith.select %gt3A_111, %div3A_110, %broadcast_in_dim3A_113 : vector<64xf32>
    %broadcast_in_dim3A_114 = vector.shape_cast %div3A_95 : vector<64xf32> to vector<1x64xf32>
    %sub3A_115 = vector.broadcast %broadcast_in_dim3A_114 : vector<1x64xf32> to vector<64x64xf32>
    %sub3A_116 = arith.subf %max3A_84, %sub3A_115 : vector<64x64xf32>
    %add3A_117 = arith.constant 9.99999974E-6 : f32
    %add3A_118 = vector.broadcast %add3A_117 : f32 to vector<64xf32>
    %add3A_119 = arith.addf %select_n3A, %add3A_118 : vector<64xf32>
    %sqrt3A_120 = math.sqrt %add3A_119 : vector<64xf32>
    %broadcast_in_dim3A_121 = vector.shape_cast %sqrt3A_120 : vector<64xf32> to vector<1x64xf32>
    %div3A_122 = vector.broadcast %broadcast_in_dim3A_121 : vector<1x64xf32> to vector<64x64xf32>
    %div3A_123 = arith.divf %sub3A_116, %div3A_122 : vector<64x64xf32>
    %mul3A_124 = vector.broadcast %get3A_87 : vector<1x64xf32> to vector<64x64xf32>
    %mul3A_125 = arith.mulf %div3A_123, %mul3A_124 : vector<64x64xf32>
    %add3A_126 = vector.broadcast %get3A_90 : vector<1x64xf32> to vector<64x64xf32>
    %add3A_127 = arith.addf %mul3A_125, %add3A_126 : vector<64x64xf32>
    %get3A_128 = arith.constant 0 : index
    %get3A_129 = arith.constant 0 : index
    %get3A_130 = vector.load %arg12[%get3A_128, %get3A_129] : memref<64x64xf32, #tpu.memory_space<vmem>>, vector<64x64xf32>
    %dot_general3A_131 = arith.constant dense<0.000000e+00> : vector<64x64xf32>
    %dot_general3A_132 = tpu.matmul %add3A_127, %get3A_130, %dot_general3A_131 {dimension_numbers = #tpu.dot_dimension_numbers<[1], [0], [0], [1], [0, 0, 1, 1], [], []>, transpose_lhs_hint = false} : vector<64x64xf32>, vector<64x64xf32>, vector<64x64xf32> -> vector<64x64xf32>
    %get3A_133 = arith.constant 0 : index
    %get3A_134 = arith.constant 0 : index
    %get3A_135 = vector.load %arg13[%get3A_133, %get3A_134] : memref<1x64xf32, #tpu.memory_space<vmem>>, vector<1x64xf32>
    %add3A_136 = vector.broadcast %get3A_135 : vector<1x64xf32> to vector<64x64xf32>
    %add3A_137 = arith.addf %dot_general3A_132, %add3A_136 : vector<64x64xf32>
    %max3A_138 = arith.constant 0.000000e+00 : f32
    %max3A_139 = vector.broadcast %max3A_138 : f32 to vector<64x64xf32>
    %max3A_140 = arith.maximumf %add3A_137, %max3A_139 : vector<64x64xf32>
    %get3A_141 = arith.constant 0 : index
    %get3A_142 = arith.constant 0 : index
    %get3A_143 = vector.load %arg14[%get3A_141, %get3A_142] : memref<1x64xf32, #tpu.memory_space<vmem>>, vector<1x64xf32>
    %get3A_144 = arith.constant 0 : index
    %get3A_145 = arith.constant 0 : index
    %get3A_146 = vector.load %arg15[%get3A_144, %get3A_145] : memref<1x64xf32, #tpu.memory_space<vmem>>, vector<1x64xf32>
    %reduce_sum3A_147 = arith.constant dense<0.000000e+00> : vector<64xf32>
    %reduce_sum3A_148 = vector.multi_reduction <add>, %max3A_140, %reduce_sum3A_147 [0] : vector<64x64xf32> to vector<64xf32>
    %div3A_149 = arith.constant 6.400000e+01 : f32
    %div3A_150 = vector.broadcast %div3A_149 : f32 to vector<64xf32>
    %div3A_151 = arith.divf %reduce_sum3A_148, %div3A_150 : vector<64xf32>
    %jit3A_152 = arith.constant 0 : i32
    %reduce_sum3A_153 = arith.constant dense<0.000000e+00> : vector<64xf32>
    %reduce_sum3A_154 = vector.multi_reduction <add>, %max3A_140, %reduce_sum3A_153 [0] : vector<64x64xf32> to vector<64xf32>
    %broadcast_in_dim3A_155 = vector.shape_cast %reduce_sum3A_154 : vector<64xf32> to vector<1x64xf32>
    %div3A_156 = arith.constant 6.400000e+01 : f32
    %div3A_157 = vector.broadcast %div3A_156 : f32 to vector<1x64xf32>
    %div3A_158 = arith.divf %broadcast_in_dim3A_155, %div3A_157 : vector<1x64xf32>
    %sub3A_159 = vector.broadcast %div3A_158 : vector<1x64xf32> to vector<64x64xf32>
    %sub3A_160 = arith.subf %max3A_140, %sub3A_159 : vector<64x64xf32>
    %square3A_161 = arith.mulf %sub3A_160, %sub3A_160 : vector<64x64xf32>
    %convert_element_type3A_162 = arith.sitofp %jit3A_152 : i32 to f32
    %sub3A_163 = arith.constant 6.400000e+01 : f32
    %sub3A_164 = arith.subf %sub3A_163, %convert_element_type3A_162 : f32
    %reduce_sum3A_165 = arith.constant dense<0.000000e+00> : vector<64xf32>
    %reduce_sum3A_166 = vector.multi_reduction <add>, %square3A_161, %reduce_sum3A_165 [0] : vector<64x64xf32> to vector<64xf32>
    %div3A_167 = vector.broadcast %sub3A_164 : f32 to vector<64xf32>
    %div3A_168 = arith.divf %reduce_sum3A_166, %div3A_167 : vector<64xf32>
    %gt3A_169 = arith.constant 0.000000e+00 : f32
    %gt3A_170 = arith.cmpf ogt, %sub3A_164, %gt3A_169 : f32
    %jit3A_171 = arith.constant 0x7FC00000 : f32
    %broadcast_in_dim3A_172 = vector.broadcast %jit3A_171 : f32 to vector<64xf32>
    %select_n3A_173 = arith.select %gt3A_170, %div3A_168, %broadcast_in_dim3A_172 : vector<64xf32>
    %broadcast_in_dim3A_174 = vector.shape_cast %div3A_151 : vector<64xf32> to vector<1x64xf32>
    %sub3A_175 = vector.broadcast %broadcast_in_dim3A_174 : vector<1x64xf32> to vector<64x64xf32>
    %sub3A_176 = arith.subf %max3A_140, %sub3A_175 : vector<64x64xf32>
    %add3A_177 = arith.constant 9.99999974E-6 : f32
    %add3A_178 = vector.broadcast %add3A_177 : f32 to vector<64xf32>
    %add3A_179 = arith.addf %select_n3A_173, %add3A_178 : vector<64xf32>
    %sqrt3A_180 = math.sqrt %add3A_179 : vector<64xf32>
    %broadcast_in_dim3A_181 = vector.shape_cast %sqrt3A_180 : vector<64xf32> to vector<1x64xf32>
    %div3A_182 = vector.broadcast %broadcast_in_dim3A_181 : vector<1x64xf32> to vector<64x64xf32>
    %div3A_183 = arith.divf %sub3A_176, %div3A_182 : vector<64x64xf32>
    %mul3A_184 = vector.broadcast %get3A_143 : vector<1x64xf32> to vector<64x64xf32>
    %mul3A_185 = arith.mulf %div3A_183, %mul3A_184 : vector<64x64xf32>
    %add3A_186 = vector.broadcast %get3A_146 : vector<1x64xf32> to vector<64x64xf32>
    %add3A_187 = arith.addf %mul3A_185, %add3A_186 : vector<64x64xf32>
    %get3A_188 = arith.constant 0 : index
    %get3A_189 = arith.constant 0 : index
    %get3A_190 = vector.load %arg16[%get3A_188, %get3A_189] : memref<64x1xf32, #tpu.memory_space<vmem>>, vector<64x1xf32>
    %dot_general3A_191 = arith.constant dense<0.000000e+00> : vector<64x1xf32>
    %dot_general3A_192 = tpu.matmul %add3A_187, %get3A_190, %dot_general3A_191 {dimension_numbers = #tpu.dot_dimension_numbers<[1], [0], [0], [1], [0, 0, 1, 1], [], []>, transpose_lhs_hint = false} : vector<64x64xf32>, vector<64x1xf32>, vector<64x1xf32> -> vector<64x1xf32>
    %get3A_193 = arith.constant 0 : index
    %get3A_194 = arith.constant 0 : index
    %get3A_195 = vector.load %arg17[%get3A_193, %get3A_194] : memref<1x1xf32, #tpu.memory_space<vmem>>, vector<1x1xf32>
    %add3A_196 = vector.broadcast %get3A_195 : vector<1x1xf32> to vector<64x1xf32>
    %add3A_197 = arith.addf %dot_general3A_192, %add3A_196 : vector<64x1xf32>
    %swap3A = arith.constant 0 : index
    %swap3A_198 = arith.constant 0 : index
    %swap3A_199 = vector.load %arg18[%swap3A, %swap3A_198] : memref<64x1xf32, #tpu.memory_space<vmem>>, vector<64x1xf32>
    tpu.vector_store %arg18[%swap3A, %swap3A_198], %add3A_197 {strides = array<i32>} : memref<64x1xf32, #tpu.memory_space<vmem>>, vector<64x1xf32>,
    return
  }
}

</mosaic_0001>

<sc_bundles>
// kernel: kernel.12.cloned.1.call-start
scs
__scs_entry_jumppad:
0x0: {  	(pc) =	sbr.rel $0x88, $3  }
0x1: {  	(tag) =	ssettag $0x0;
	lr =	simm.s32 $0x1  }
0x2: {  	[smem:$0x3F90] =	sst lr;
	_ =	strace $0xD0000000  }
0x3: {  	_ = 	snop  }
0x4: {  	_ = 	snop  }
0x5: {  	_ = 	snop  }
0x6: {  	_ = 	snop  }
0x7: {  	_ = 	snop  }
__scs_overlays_trampoline_lowered:
0x8: {  	[smem:$0x3F9F] =	sst s0  }
0x9: {  	[smem:$0x3FA0] =	sst s1  }
0xa: {  	[smem:$0x3FA1] =	sst s2  }
0xb: {  	[smem:$0x3FA2] =	sst s3  }
0xc: {  	[smem:$0x3FA3] =	sst s4  }
0xd: {  	[smem:$0x3FA4] =	sst s5  }
0xe: {  	[smem:$0x3FA5] =	sst s6  }
0xf: {  	[smem:$0x3FA6] =	sst s7  }
0x10: {  	[smem:$0x3FA7] =	sst s8  }
0x11: {  	[smem:$0x3FA8] =	sst s9;
	s0 =	simm.s32 @!p0 $0x0  }
0x12: {  	s1 =	sld [smem:$0x3F8E];
	s0 =	simm.s32 @p0 $0x1  }
0x13: {  	[smem:$0x3FA9] =	sst s0;
	s0 =	simm.s32 @!p1 $0x0  }
0x14: {  	s2 =	sld [smem:$0x3F8D];
	s0 =	simm.s32 @p1 $0x1  }
0x15: {  	[smem:$0x3FAA] =	sst s0;
	s0 =	simm.s32 @!p2 $0x0  }
0x16: {  	s3 =	sld [smem:$0x3FDB];
	s0 =	simm.s32 @p2 $0x1  }
0x17: {  	s4 =	simm.s32 $0x1BF5;
	[smem:$0x3FAC] =	sst s0  }
0x18: {  	s0 =	sld [smem:$0x3F8F];
	_ =	swait.ge [sflag:s4], $0x0  }
0x19: {  	s7 =	sld [smem:$0x3F90]  }
0x1a: {  	s8 =	sadd.s32 $0xFFFFE003, lr  }
0x1b: {  	s9 =	sadd.s32 $0xFFFFFEF7, lr;
	s5 =	simm.s32 $0xFFFFFFFF;
	p2 =	slt.u32 s8, $0xFFFFF086  }
0x1c: {  	p1 =	slt.u32 s9, $0xF7A;
	s5 =	simm.s32 @!p2 $0x0  }
0x1d: {  	s5 =	simm.s32 @p1 $0x1;
	p0 =	seq.s32 s7, s2  }
0x1e: {  	s7 =	smul.u32 @!p0 $0xF7A, s2;
	p2 =	seq.s32 @!p0 s5, $0x0  }
0x1f: {  	s9 =	smul.u32 $0xF7A, s1;
	s8 =	simm.s32 @!p0 $0x1BF5;
	p2 =	por !p2, p0  }
0x20: {  	[sflag:s8] =	ssyncset.s32 @!p0 $0xFFFFF086;
	s6 =	sadd.s32 @!p0 s3, s7;
	s7 =	simm.s32 @!p0 $0x108  }
0x21: {  	s3 =	sadd.s32 s3, s9;
	s6 =	sadd.s32 @!p0 $0x88, s6;
	s7 =	simm.s32 @p2 $0x1082  }
0x22: {  	[simem:s7], [sflag:s8] =	dma.local @!p0 [hbm:s6], $0xF7A  }
0x23: {  	s9 =	sor.u32 $0xD0000000, s2;
	s6 =	simm.s32 $0x108;
	_ =	swait.ge @!p0 [sflag:s8], $0x0  }
0x24: {  	s3 =	sadd.s32 $0x88, s3;
	s6 =	simm.s32 @!p1 $0x1082;
	[sflag:s4] =	ssyncset.s32 $0xFFFFF086  }
0x25: {  	[simem:s6], [sflag:s4] =	dma.local [hbm:s3], $0xF7A  }
0x26: {  	[smem:$0x3F90] =	sst s1;
	(tag) =	ssettag s2;
	_ =	strace s9  }
0x27: {  	s1 =	sld [smem:$0x3FA0]  }
0x28: {  	s2 =	sld [smem:$0x3FA1]  }
0x29: {  	s4 =	sld [smem:$0x3FA3]  }
0x2a: {  	p0 =	seq.s32 s5, $0x0;
	s5 =	sld [smem:$0x3FA4]  }
0x2b: {  	s6 =	sld [smem:$0x3FA5]  }
0x2c: {  	s7 =	sld [smem:$0x3FA6]  }
0x2d: {  	s3 =	simm.s32 $0x108;
	s8 =	sld [smem:$0x3FA7]  }
0x2e: {  	s3 =	simm.s32 @!p0 $0x1082;
	s9 =	sld [smem:$0x3FA8]  }
0x2f: {  	lr =	sadd.s32 s0, s3;
	s0 =	sld [smem:$0x3F9F]  }
0x30: {  	s3 =	sld [smem:$0x3FA2]  }
0x31: {  	[smem:$0x3FAB] =	sst s10  }
0x32: {  	s10 =	sld [smem:$0x3FA9];
	_ =	sdelay $0x3  }
0x33: {  	p0 =	seq.s32 s10, $0x1;
	s10 =	sld [smem:$0x3FAB];
	_ =	sdelay $0x3  }
0x34: {  	[smem:$0x3FAB] =	sst s10  }
0x35: {  	s10 =	sld [smem:$0x3FAA];
	_ =	sdelay $0x3  }
0x36: {  	p1 =	seq.s32 s10, $0x1;
	s10 =	sld [smem:$0x3FAB];
	_ =	sdelay $0x3  }
0x37: {  	[smem:$0x3FAB] =	sst s10  }
0x38: {  	s10 =	sld [smem:$0x3FAC]  }
0x39: {  	_ = 	snop;
	(pc) =	sbr.ind lr, $3  }
0x3a: {  	_ = 	snop  }
0x3b: {  	_ = 	snop  }
0x3c: {  	p2 =	seq.s32 s10, $0x1;
	s10 =	sld [smem:$0x3FAB]  }
0x3d: {  	_ =	shalt  }
0x3e: {  	_ =	shalt  }
0x3f: {  	_ =	shalt  }
0x40: {  	_ =	shalt  }
0x41: {  	_ =	shalt  }
0x42: {  	_ =	shalt  }
0x43: {  	_ =	shalt  }
0x44: {  	_ =	shalt  }
0x45: {  	_ =	shalt  }
0x46: {  	_ =	shalt  }
0x47: {  	_ =	shalt  }
0x48: {  	_ =	shalt  }
0x49: {  	_ =	shalt  }
0x4a: {  	_ =	shalt  }
0x4b: {  	_ =	shalt  }
0x4c: {  	_ =	shalt  }
0x4d: {  	_ =	shalt  }
0x4e: {  	_ =	shalt  }
0x4f: {  	_ =	shalt  }
0x50: {  	_ =	shalt  }
0x51: {  	_ =	shalt  }
0x52: {  	_ =	shalt  }
0x53: {  	_ =	shalt  }
0x54: {  	_ =	shalt  }
0x55: {  	_ =	shalt  }
0x56: {  	_ =	shalt  }
0x57: {  	_ =	shalt  }
0x58: {  	_ =	shalt  }
0x59: {  	_ =	shalt  }
0x5a: {  	_ =	shalt  }
0x5b: {  	_ =	shalt  }
0x5c: {  	_ =	shalt  }
0x5d: {  	_ =	shalt  }
0x5e: {  	_ =	shalt  }
0x5f: {  	_ =	shalt  }
0x60: {  	_ =	shalt  }
0x61: {  	_ =	shalt  }
0x62: {  	_ =	shalt  }
0x63: {  	_ =	shalt  }
0x64: {  	_ =	shalt  }
0x65: {  	_ =	shalt  }
0x66: {  	_ =	shalt  }
0x67: {  	_ =	shalt  }
0x68: {  	_ =	shalt  }
0x69: {  	_ =	shalt  }
0x6a: {  	_ =	shalt  }
0x6b: {  	_ =	shalt  }
0x6c: {  	_ =	shalt  }
0x6d: {  	_ =	shalt  }
0x6e: {  	_ =	shalt  }
0x6f: {  	_ =	shalt  }
0x70: {  	_ =	shalt  }
0x71: {  	_ =	shalt  }
0x72: {  	_ =	shalt  }
0x73: {  	_ =	shalt  }
0x74: {  	_ =	shalt  }
0x75: {  	_ =	shalt  }
0x76: {  	_ =	shalt  }
0x77: {  	_ =	shalt  }
0x78: {  	_ =	shalt  }
0x79: {  	_ =	shalt  }
0x7a: {  	_ =	shalt  }
0x7b: {  	_ =	shalt  }
0x7c: {  	_ =	shalt  }
0x7d: {  	_ =	shalt  }
0x7e: {  	_ =	shalt  }
0x7f: {  	_ =	shalt  }
0x80: {  	_ =	shalt  }
0x81: {  	_ =	shalt  }
0x82: {  	_ =	shalt  }
0x83: {  	_ =	shalt  }
0x84: {  	_ =	shalt  }
0x85: {  	_ =	shalt  }
0x86: {  	_ =	shalt  }
0x87: {  	_ =	shalt  }
.Lfunc_end0:
.L_simem_size_0:
called_computation_lowered:
.L_overlay_start_0:
0x88: {  	s2 =	sld [smem:$0x3FD9]  }
0x89: {  	s3 =	sld [smem:$0x3FFE];
	_ =	sdelay $0x1  }
0x8a: {  	s1 =	srdreg.scid  }
0x8b: {  	s0 =	sand.u32 $0x1, s1  }
0x8c: {  	s16 =	sshll.u32 s0, $0xA;
	s2 =	sadd.s32 s3, s2  }
0x8d: {  	s2 =	sadd.s32 s2, s16  }
0x8e: {  	[smem:$0x3FB7] =	sst s2  }
0x8f: {  	_ = 	snop  }
0x90: {  	(tm) =	ssettm $0x1  }
0x91: {  	s17 =	sld [smem:$0x3FFB];
	_ =	sdelay $0x3  }
0x92: {  	_ =	strace s17  }
0x93: {  	s2 =	sld [smem:$0x3FFC];
	_ =	sdelay $0x3  }
0x94: {  	_ =	strace s2  }
0x95: {  	s2 =	sld [smem:$0x3FFD];
	_ =	sdelay $0x3  }
0x96: {  	_ =	strace s2  }
0x97: {  	_ =	strace $0x8FFFFFFF  }
0x98: {  	s18 =	sld [smem:$0x3FDB];
	_ =	sdelay $0x1  }
0x99: {  	s19 =	simm.s32 $_scs_section_size  }
0x9a: {  	s4 =	simm.s32 $_size__tile_overlayer_lowered;
	s5 =	simm.s32 $_tile_overlayer_lowered  }
0x9b: {  	s22 =	simm.s32 $0x1BFF;
	s21 =	sshll.u32 s5, $0x1;
	s2 =	sadd.s32 s19, s18  }
0x9c: {  	s6 =	simm.s32 $0x0;
	s20 =	sshll.u32 s4, $0x1;
	s4 =	sadd.s32 s21, s2  }
0x9d: {  	[timem:s6], [sflag:s22] =	dma.local [hbm:s4], s20  }
0x9e: {  	_ =	swait.ge [sflag:s22], s20  }
0x9f: {  	s3 =	ssub.s32 $0x0, s20;
	[sflag:s22] =	ssyncset.done $0x0  }
0xa0: {  	[sflag:s22] =	ssyncadd.s32 s3;
	_ =	sdelay $0x1  }
0xa1: {  	s23 =	simm.s32 $0x1B8B  }
0xa2: {  	_ =	swait.ge [sflag:s23], $0x1  }
0xa3: {  	[sflag:s23] =	ssyncset.done $0x0  }
0xa4: {  	s25 =	simm.s32 $0x1B8E;
	s24 =	sld [smem:$0x3FFE];
	[sflag:s23] =	ssyncadd.s32 $0xFFFFFFFF  }
0xa5: {  	s26 =	simm.s32 $execute0_lowered;
	[smem:$0x3FD2] =	sst s25  }
0xa6: {  	s4 =	sshll.u32 s26, $0x1;
	_ =	strace $0x80000046;
	[dreg:$0x1] =	wrdreg $0xFFFFFFFF  }
0xa7: {  	s28 =	simm.s32 $_size_execute0_lowered;
	s2 =	sadd.s32 s2, s4;
	[dreg:$0x0] =	wrdreg $0x0  }
0xa8: {  	s4 =	sshll.u32 s28, $0x1;
	[dreg:$0x2] =	wrdreg s2  }
0xa9: {  	[dreg:$0x3] =	wrdreg s4  }
0xaa: {  	[dreg:$0x4] =	wrdreg $0xC0  }
0xab: {  	_ =	task [dreg:s6], $0x5FFFF  }
0xac: {  	[dreg:$0x1] =	wrdreg $0xFFFFFFFF  }
0xad: {  	[dreg:$0x0] =	wrdreg $0x60  }
0xae: {  	[dreg:$0x2] =	wrdreg s24  }
0xaf: {  	[dreg:$0x3] =	wrdreg $0x2FD00  }
0xb0: {  	[dreg:$0x4] =	wrdreg $0x9  }
0xb1: {  	_ =	task.clear_ibuf [dreg:s6], $0x5FFFF;
	_ =	strace $0x90000046  }
0xb2: {  	s29 =	simm.s32 $0x9;
	_ =	strace $0x80000048  }
0xb3: {  	_ =	swait.ge [sflag:s29], $0x1  }
0xb4: {  	[sflag:s29] =	ssyncadd.s32 $0xFFFFFFFF  }
0xb5: {  	_ =	strace $0x90000048  }
0xb6: {  	_ =	sfence  }
0xb7: {  	s30 =	sld [smem:$0x0];
	_ =	sdelay $0x2  }
0xb8: {  	s31 =	sshll.u32 s1, $0xD;
	s1 =	sshrl.u32 s1, $0x2  }
0xb9: {  	s3 =	sand.u32 $0x4000, s31;
	s1 =	sadd.s32 s1, s30  }
0xba: {  	s0 =	sor.u32 s3, s0;
	s1 =	sshll.u32 s1, $0x11  }
0xbb: {  	s0 =	sor.u32 s1, s0  }
0xbc: {  	s0 =	sadd.s32 $0x8F2B, s0  }
0xbd: {  	[sflag:s0] =	ssyncadd.remote.s32 $0x1  }
0xbe: {  	_ =	sfence.sel $0xFFFF  }
0xbf: {  	[dreg:$0x0] =	wrdreg $0xFFFFFFFF;
	(pc) =	sbr.abs _section_cstart, $3  }
0xc0: {  	[dreg:$0x1] =	wrdreg $0xFFFFFFFF  }
0xc1: {  	_ =	task.clear_ibuf [dreg:s6], $0x2FFFF;
	_ =	strace $0x9FFFFFFF  }
0xc2: {  	(tm) =	ssettm $0x7FFFFFFF  }
0xc3: {  	_ =	shalt  }
tec
execute0_lowered:
.L_overlay_start_1:
0x0: {  	(tag) =	ssettag $0x1  }
0x1: {  	s0 =	srdreg.scid;
	s7 =	rddreg [dreg:$0x0]  }
0x2: {  	s2 =	rddreg [dreg:$0x1];
	s6 =	sand.u32 $0x1, s0;
	s0 =	stileid.u32  }
0x3: {  	s3 =	simm.s32 $0x0;
	s13 =	simm.s32 $0x7D;
	s8 =	smul.u32 $0x500, s0  }
0x4: {  	s14 =	simm.s32 $0x0;
	[smem:$0x7FF] =	sst s3;
	s9 =	smul.u32 $0x5000, s6  }
0x5: {  	s5 =	sadd.s32 $0xFC00, s7;
	s1 =	sshll.u32 s6, $0x4;
	s11 =	smul.u32 $0xA000, s0  }
0x6: {  	s6 =	ssub.s32 $0x2, s6;
	s31 =	sshll.u32 s0, $0x6;
	s4 =	sor.u32 s0, s1  }
0x7: {  	s1 =	rddreg [dreg:$0x2];
	_ =	strace $0x80000047;
	s28 =	sshrl.u32 s6, $0x1  }
0x8: {  	s4 =	smul.u32 $0x500, s4;
	s8 =	sadd.s32 s8, s9;
	s29 =	sshrl.u32 s11, $0x2  }
0x9: {  	s30 =	ssub.s32 s6, s28;
	s6 =	sor.u32 $0x1C01, s31;
	s11 =	simm.s32 $0x1  }
0xa: {  	s8 =	sadd.s32 s8, s7;
	s12 =	sadd.s32 s29, s2;
	s9 =	smax.u32 s30, $0x1  }
0xb: {  	s10 =	sadd.s32 s4, s7;
	s4 =	sadd.s32 $0x10200, s7;
	s8 =	sadd.s32 $0x10400, s8  }
0xc: {  	s7 =	sadd.s32 $0x5C00, s10;
	s10 =	sshrl.u32 s12, $0x3;
	s12 =	simm.s32 $0x2800  }
.LBB2_1:
0xd: {  	[spmem:s10], [sflag:s6] =	dma.local [hbm:s5], $0x500  }
0xe: {  	_ =	swait.ge [sflag:s11], $0x500  }
0xf: {  	[sflag:s11] =	ssyncset.done $0x0  }
0x10: {  	[sflag:s11] =	ssyncadd.s32 $0xFFFFFB00  }
0x11: {  	[tilespmem:s12], [sflag:$0x1] =	stream.linear.gather [hbm4b:s4+s3], $0x7D0, $0x38;
	[tilespmem:$0x57D0] =	vst v63  }
0x12: {  	_ =	swait.ge [sflag:s11], $0x7D0  }
0x13: {  	[sflag:s11] =	ssyncset.done $0x0  }
0x14: {  	[sflag:s11] =	ssyncadd.s32 $0xFFFFF830  }
0x15: {  	[tilespmem:s3], [sflag:$0x1] =	stream.linear.gather [hbm4b:s7+s3], $0x2800, $0x38;
	[tilespmem:$0x57D0] =	vst v63  }
0x16: {  	_ =	swait.ge [sflag:s11], $0x2800  }
0x17: {  	[sflag:s11] =	ssyncset.done $0x0  }
0x18: {  	[sflag:s11] =	ssyncadd.s32 $0xFFFFD800  }
0x19: {  	s15 =	simm.s32 $0x0;
	[bflag:$0x0] =	sbarrier.arrive $0xFFFF  }
0x1a: {  	[spmem:s2] =	stream.indirect.scatter.add.f32 [tilespmem:s12], [sflag:$0x1], $0x10, s15, s13, $0xb8;
	[tilespmem:$0x57D0] =	vst v63  }
0x1b: {  	_ =	swait.ge [sflag:s11], $0x7D0  }
0x1c: {  	s15 =	simm.s32 $0x200;
	[sflag:s11] =	ssyncset.done $0x0  }
.LBB2_2:
0x1d: {  	s16 =	sshra.s32 s15, $0x2;
	[sflag:s11] =	ssyncadd.s32 $0xFFFFF830;
	p0 =	sne.s32 s15, $0x9E00  }
0x1e: {  	[spmem:s2] =	stream.indirect.scatter.add.f32 [tilespmem:s12], [sflag:$0x1], $0x10, s16, s13, $0xb8;
	[tilespmem:$0x57D0] =	vst v63  }
.Ltmp0:
0x1f: {  	_ = 	snop;
	(pc) =	sbr.rel @p0 .LBB2_2-.Ltmp0, $4  }
0x20: {  	_ = 	snop  }
0x21: {  	s15 =	sadd.s32 $0x200, s15  }
0x22: {  	_ =	swait.ge [sflag:s11], $0x7D0  }
0x23: {  	[sflag:s11] =	ssyncset.done $0x0  }
0x24: {  	s14 =	sadd.s32 $0x1, s14  }
0x25: {  	[sflag:s11] =	ssyncadd.s32 $0xFFFFF830;
	p0 =	sne.s32 s14, s9  }
.Ltmp1:
0x26: {  	[bflag:$0x0] =	sbarrier.arrive $0xFFFF;
	(pc) =	sbr.rel @p0 .LBB2_1-.Ltmp1, $4  }
0x27: {  	[hbm:s8], [sflag:s6] =	dma.local [spmem:s10], $0x500  }
0x28: {  	_ =	swait.ge [sflag:s11], $0x500  }
0x29: {  	[sflag:s11] =	ssyncset.done $0x0  }
0x2a: {  	[sflag:s11] =	ssyncadd.s32 $0xFFFFFB00  }
0x2b: {  	_ =	sfence.sel $0x180000  }
0x2c: {  	[bflag:$0x0] =	sbarrier.arrive $0xFFFF  }
0x2d: {  	p0 =	sne.s32 s0, $0x0;
	_ =	strace $0x90000047  }
0x2e: {  	s0 =	sadd.s32 @!p0 $0x100000, s1;
	[bflag:$0x2] =	sbarrier.arrive $0xFFFF  }
0x2f: {  	[sflag:s0] =	ssyncadd.tile.s32 @!p0 $0x1;
	_ =	shalt  }
.Lfunc_end2:
_tile_overlayer_lowered:
.L_overlay_start_2:
0x30: {  	(tag) =	ssettag $0x2  }
0x31: {  	s0 =	rddreg [dreg:$0x0];
	s2 =	stileid.u32  }
0x32: {  	s1 =	rddreg [dreg:$0x1];
	p0 =	sne.s32 s2, $0x0  }
0x33: {  	s3 =	rddreg [dreg:$0x2];
	[bflag:$0x3] =	sbarrier.arrive $0xFFFF;
	s2 =	simm.s32 @!p0 $0x1C01  }
0x34: {  	[timem:s3], [sflag:s2] =	dma.local @!p0 [hbm:s0], s1  }
0x35: {  	s0 =	simm.s32 @!p0 $0x1  }
0x36: {  	_ =	swait.ge @!p0 [sflag:s0], s1  }
0x37: {  	s1 =	ssub.s32 @!p0 $0x0, s1;
	[sflag:s0] =	ssyncset.done @!p0 $0x0  }
0x38: {  	[sflag:s0] =	ssyncadd.s32 @!p0 s1  }
0x39: {  	[bflag:$0x3] =	sbarrier.arrive $0xFFFF  }
0x3a: {  	_ =	shalt  }

// kernel: kernel.15.cloned.1.call-start
scs
__scs_entry_jumppad:
0x0: {  	(pc) =	sbr.rel $0x88, $3  }
0x1: {  	(tag) =	ssettag $0x0;
	lr =	simm.s32 $0x1  }
0x2: {  	[smem:$0x3F90] =	sst lr;
	_ =	strace $0xD0000000  }
0x3: {  	_ = 	snop  }
0x4: {  	_ = 	snop  }
0x5: {  	_ = 	snop  }
0x6: {  	_ = 	snop  }
0x7: {  	_ = 	snop  }
__scs_overlays_trampoline_lowered:
0x8: {  	[smem:$0x3F9F] =	sst s0  }
0x9: {  	[smem:$0x3FA0] =	sst s1  }
0xa: {  	[smem:$0x3FA1] =	sst s2  }
0xb: {  	[smem:$0x3FA2] =	sst s3  }
0xc: {  	[smem:$0x3FA3] =	sst s4  }
0xd: {  	[smem:$0x3FA4] =	sst s5  }
0xe: {  	[smem:$0x3FA5] =	sst s6  }
0xf: {  	[smem:$0x3FA6] =	sst s7  }
0x10: {  	[smem:$0x3FA7] =	sst s8  }
0x11: {  	[smem:$0x3FA8] =	sst s9;
	s0 =	simm.s32 @!p0 $0x0  }
0x12: {  	s1 =	sld [smem:$0x3F8E];
	s0 =	simm.s32 @p0 $0x1  }
0x13: {  	[smem:$0x3FA9] =	sst s0;
	s0 =	simm.s32 @!p1 $0x0  }
0x14: {  	s2 =	sld [smem:$0x3F8D];
	s0 =	simm.s32 @p1 $0x1  }
0x15: {  	[smem:$0x3FAA] =	sst s0;
	s0 =	simm.s32 @!p2 $0x0  }
0x16: {  	s3 =	sld [smem:$0x3FDB];
	s0 =	simm.s32 @p2 $0x1  }
0x17: {  	s4 =	simm.s32 $0x1BF5;
	[smem:$0x3FAC] =	sst s0  }
0x18: {  	s0 =	sld [smem:$0x3F8F];
	_ =	swait.ge [sflag:s4], $0x0  }
0x19: {  	s7 =	sld [smem:$0x3F90]  }
0x1a: {  	s8 =	sadd.s32 $0xFFFFE003, lr  }
0x1b: {  	s9 =	sadd.s32 $0xFFFFFEF7, lr;
	s5 =	simm.s32 $0xFFFFFFFF;
	p2 =	slt.u32 s8, $0xFFFFF086  }
0x1c: {  	p1 =	slt.u32 s9, $0xF7A;
	s5 =	simm.s32 @!p2 $0x0  }
0x1d: {  	s5 =	simm.s32 @p1 $0x1;
	p0 =	seq.s32 s7, s2  }
0x1e: {  	s7 =	smul.u32 @!p0 $0xF7A, s2;
	p2 =	seq.s32 @!p0 s5, $0x0  }
0x1f: {  	s9 =	smul.u32 $0xF7A, s1;
	s8 =	simm.s32 @!p0 $0x1BF5;
	p2 =	por !p2, p0  }
0x20: {  	[sflag:s8] =	ssyncset.s32 @!p0 $0xFFFFF086;
	s6 =	sadd.s32 @!p0 s3, s7;
	s7 =	simm.s32 @!p0 $0x108  }
0x21: {  	s3 =	sadd.s32 s3, s9;
	s6 =	sadd.s32 @!p0 $0x88, s6;
	s7 =	simm.s32 @p2 $0x1082  }
0x22: {  	[simem:s7], [sflag:s8] =	dma.local @!p0 [hbm:s6], $0xF7A  }
0x23: {  	s9 =	sor.u32 $0xD0000000, s2;
	s6 =	simm.s32 $0x108;
	_ =	swait.ge @!p0 [sflag:s8], $0x0  }
0x24: {  	s3 =	sadd.s32 $0x88, s3;
	s6 =	simm.s32 @!p1 $0x1082;
	[sflag:s4] =	ssyncset.s32 $0xFFFFF086  }
0x25: {  	[simem:s6], [sflag:s4] =	dma.local [hbm:s3], $0xF7A  }
0x26: {  	[smem:$0x3F90] =	sst s1;
	(tag) =	ssettag s2;
	_ =	strace s9  }
0x27: {  	s1 =	sld [smem:$0x3FA0]  }
0x28: {  	s2 =	sld [smem:$0x3FA1]  }
0x29: {  	s4 =	sld [smem:$0x3FA3]  }
0x2a: {  	p0 =	seq.s32 s5, $0x0;
	s5 =	sld [smem:$0x3FA4]  }
0x2b: {  	s6 =	sld [smem:$0x3FA5]  }
0x2c: {  	s7 =	sld [smem:$0x3FA6]  }
0x2d: {  	s3 =	simm.s32 $0x108;
	s8 =	sld [smem:$0x3FA7]  }
0x2e: {  	s3 =	simm.s32 @!p0 $0x1082;
	s9 =	sld [smem:$0x3FA8]  }
0x2f: {  	lr =	sadd.s32 s0, s3;
	s0 =	sld [smem:$0x3F9F]  }
0x30: {  	s3 =	sld [smem:$0x3FA2]  }
0x31: {  	[smem:$0x3FAB] =	sst s10  }
0x32: {  	s10 =	sld [smem:$0x3FA9];
	_ =	sdelay $0x3  }
0x33: {  	p0 =	seq.s32 s10, $0x1;
	s10 =	sld [smem:$0x3FAB];
	_ =	sdelay $0x3  }
0x34: {  	[smem:$0x3FAB] =	sst s10  }
0x35: {  	s10 =	sld [smem:$0x3FAA];
	_ =	sdelay $0x3  }
0x36: {  	p1 =	seq.s32 s10, $0x1;
	s10 =	sld [smem:$0x3FAB];
	_ =	sdelay $0x3  }
0x37: {  	[smem:$0x3FAB] =	sst s10  }
0x38: {  	s10 =	sld [smem:$0x3FAC]  }
0x39: {  	_ = 	snop;
	(pc) =	sbr.ind lr, $3  }
0x3a: {  	_ = 	snop  }
0x3b: {  	_ = 	snop  }
0x3c: {  	p2 =	seq.s32 s10, $0x1;
	s10 =	sld [smem:$0x3FAB]  }
0x3d: {  	_ =	shalt  }
0x3e: {  	_ =	shalt  }
0x3f: {  	_ =	shalt  }
0x40: {  	_ =	shalt  }
0x41: {  	_ =	shalt  }
0x42: {  	_ =	shalt  }
0x43: {  	_ =	shalt  }
0x44: {  	_ =	shalt  }
0x45: {  	_ =	shalt  }
0x46: {  	_ =	shalt  }
0x47: {  	_ =	shalt  }
0x48: {  	_ =	shalt  }
0x49: {  	_ =	shalt  }
0x4a: {  	_ =	shalt  }
0x4b: {  	_ =	shalt  }
0x4c: {  	_ =	shalt  }
0x4d: {  	_ =	shalt  }
0x4e: {  	_ =	shalt  }
0x4f: {  	_ =	shalt  }
0x50: {  	_ =	shalt  }
0x51: {  	_ =	shalt  }
0x52: {  	_ =	shalt  }
0x53: {  	_ =	shalt  }
0x54: {  	_ =	shalt  }
0x55: {  	_ =	shalt  }
0x56: {  	_ =	shalt  }
0x57: {  	_ =	shalt  }
0x58: {  	_ =	shalt  }
0x59: {  	_ =	shalt  }
0x5a: {  	_ =	shalt  }
0x5b: {  	_ =	shalt  }
0x5c: {  	_ =	shalt  }
0x5d: {  	_ =	shalt  }
0x5e: {  	_ =	shalt  }
0x5f: {  	_ =	shalt  }
0x60: {  	_ =	shalt  }
0x61: {  	_ =	shalt  }
0x62: {  	_ =	shalt  }
0x63: {  	_ =	shalt  }
0x64: {  	_ =	shalt  }
0x65: {  	_ =	shalt  }
0x66: {  	_ =	shalt  }
0x67: {  	_ =	shalt  }
0x68: {  	_ =	shalt  }
0x69: {  	_ =	shalt  }
0x6a: {  	_ =	shalt  }
0x6b: {  	_ =	shalt  }
0x6c: {  	_ =	shalt  }
0x6d: {  	_ =	shalt  }
0x6e: {  	_ =	shalt  }
0x6f: {  	_ =	shalt  }
0x70: {  	_ =	shalt  }
0x71: {  	_ =	shalt  }
0x72: {  	_ =	shalt  }
0x73: {  	_ =	shalt  }
0x74: {  	_ =	shalt  }
0x75: {  	_ =	shalt  }
0x76: {  	_ =	shalt  }
0x77: {  	_ =	shalt  }
0x78: {  	_ =	shalt  }
0x79: {  	_ =	shalt  }
0x7a: {  	_ =	shalt  }
0x7b: {  	_ =	shalt  }
0x7c: {  	_ =	shalt  }
0x7d: {  	_ =	shalt  }
0x7e: {  	_ =	shalt  }
0x7f: {  	_ =	shalt  }
0x80: {  	_ =	shalt  }
0x81: {  	_ =	shalt  }
0x82: {  	_ =	shalt  }
0x83: {  	_ =	shalt  }
0x84: {  	_ =	shalt  }
0x85: {  	_ =	shalt  }
0x86: {  	_ =	shalt  }
0x87: {  	_ =	shalt  }
.Lfunc_end0:
.L_simem_size_0:
called_computation.1_lowered:
.L_overlay_start_0:
0x88: {  	s2 =	sld [smem:$0x3FD9]  }
0x89: {  	s3 =	sld [smem:$0x3FFE];
	_ =	sdelay $0x1  }
0x8a: {  	s1 =	srdreg.scid  }
0x8b: {  	s0 =	sand.u32 $0x1, s1  }
0x8c: {  	s16 =	sshll.u32 s0, $0xA;
	s2 =	sadd.s32 s3, s2  }
0x8d: {  	s2 =	sadd.s32 s2, s16  }
0x8e: {  	[smem:$0x3FB7] =	sst s2  }
0x8f: {  	_ = 	snop  }
0x90: {  	(tm) =	ssettm $0x1  }
0x91: {  	s17 =	sld [smem:$0x3FFB];
	_ =	sdelay $0x3  }
0x92: {  	_ =	strace s17  }
0x93: {  	s2 =	sld [smem:$0x3FFC];
	_ =	sdelay $0x3  }
0x94: {  	_ =	strace s2  }
0x95: {  	s2 =	sld [smem:$0x3FFD];
	_ =	sdelay $0x3  }
0x96: {  	_ =	strace s2  }
0x97: {  	_ =	strace $0x8FFFFFFF  }
0x98: {  	s18 =	sld [smem:$0x3FDB];
	_ =	sdelay $0x1  }
0x99: {  	s19 =	simm.s32 $_scs_section_size  }
0x9a: {  	s4 =	simm.s32 $_size__tile_overlayer_lowered;
	s5 =	simm.s32 $_tile_overlayer_lowered  }
0x9b: {  	s22 =	simm.s32 $0x1BFF;
	s21 =	sshll.u32 s5, $0x1;
	s2 =	sadd.s32 s19, s18  }
0x9c: {  	s6 =	simm.s32 $0x0;
	s20 =	sshll.u32 s4, $0x1;
	s4 =	sadd.s32 s21, s2  }
0x9d: {  	[timem:s6], [sflag:s22] =	dma.local [hbm:s4], s20  }
0x9e: {  	_ =	swait.ge [sflag:s22], s20  }
0x9f: {  	s3 =	ssub.s32 $0x0, s20;
	[sflag:s22] =	ssyncset.done $0x0  }
0xa0: {  	[sflag:s22] =	ssyncadd.s32 s3;
	_ =	sdelay $0x1  }
0xa1: {  	s23 =	simm.s32 $0x1B8B  }
0xa2: {  	_ =	swait.ge [sflag:s23], $0x1  }
0xa3: {  	[sflag:s23] =	ssyncset.done $0x0  }
0xa4: {  	s25 =	simm.s32 $0x1B8E;
	s24 =	sld [smem:$0x3FFE];
	[sflag:s23] =	ssyncadd.s32 $0xFFFFFFFF  }
0xa5: {  	s26 =	simm.s32 $execute0_lowered;
	[smem:$0x3FD2] =	sst s25  }
0xa6: {  	s4 =	sshll.u32 s26, $0x1;
	_ =	strace $0x80000049;
	[dreg:$0x1] =	wrdreg $0xFFFFFFFF  }
0xa7: {  	s28 =	simm.s32 $_size_execute0_lowered;
	s2 =	sadd.s32 s2, s4;
	[dreg:$0x0] =	wrdreg $0x0  }
0xa8: {  	s4 =	sshll.u32 s28, $0x1;
	[dreg:$0x2] =	wrdreg s2  }
0xa9: {  	[dreg:$0x3] =	wrdreg s4  }
0xaa: {  	[dreg:$0x4] =	wrdreg $0xC0  }
0xab: {  	_ =	task [dreg:s6], $0x5FFFF  }
0xac: {  	[dreg:$0x1] =	wrdreg $0xFFFFFFFF  }
0xad: {  	[dreg:$0x0] =	wrdreg $0x60  }
0xae: {  	[dreg:$0x2] =	wrdreg s24  }
0xaf: {  	[dreg:$0x3] =	wrdreg $0xCD000  }
0xb0: {  	[dreg:$0x4] =	wrdreg $0x9  }
0xb1: {  	_ =	task.clear_ibuf [dreg:s6], $0x5FFFF;
	_ =	strace $0x90000049  }
0xb2: {  	s29 =	simm.s32 $0x9;
	_ =	strace $0x8000004B  }
0xb3: {  	_ =	swait.ge [sflag:s29], $0x1  }
0xb4: {  	[sflag:s29] =	ssyncadd.s32 $0xFFFFFFFF  }
0xb5: {  	_ =	strace $0x9000004B  }
0xb6: {  	_ =	sfence  }
0xb7: {  	s30 =	sld [smem:$0x0];
	_ =	sdelay $0x2  }
0xb8: {  	s31 =	sshll.u32 s1, $0xD;
	s1 =	sshrl.u32 s1, $0x2  }
0xb9: {  	s3 =	sand.u32 $0x4000, s31;
	s1 =	sadd.s32 s1, s30  }
0xba: {  	s0 =	sor.u32 s3, s0;
	s1 =	sshll.u32 s1, $0x11  }
0xbb: {  	s0 =	sor.u32 s1, s0  }
0xbc: {  	s0 =	sadd.s32 $0x8F2B, s0  }
0xbd: {  	[sflag:s0] =	ssyncadd.remote.s32 $0x1  }
0xbe: {  	_ =	sfence.sel $0xFFFF  }
0xbf: {  	[dreg:$0x0] =	wrdreg $0xFFFFFFFF;
	(pc) =	sbr.abs _section_cstart, $3  }
0xc0: {  	[dreg:$0x1] =	wrdreg $0xFFFFFFFF  }
0xc1: {  	_ =	task.clear_ibuf [dreg:s6], $0x2FFFF;
	_ =	strace $0x9FFFFFFF  }
0xc2: {  	(tm) =	ssettm $0x7FFFFFFF  }
0xc3: {  	_ =	shalt  }
tec
execute0_lowered:
.L_overlay_start_1:
0x0: {  	(tag) =	ssettag $0x1  }
0x1: {  	s0 =	srdreg.scid;
	s6 =	rddreg [dreg:$0x0]  }
0x2: {  	s10 =	stileid.u32;
	s2 =	rddreg [dreg:$0x1]  }
0x3: {  	s3 =	simm.s32 $0x0;
	s12 =	simm.s32 $0x9;
	s14 =	simm.s32 $0x7D  }
0x4: {  	s15 =	simm.s32 $0x5000;
	s17 =	simm.s32 $0x6F40;
	s19 =	simm.s32 $0x8E80  }
0x5: {  	s21 =	simm.s32 $0xADC0;
	s22 =	simm.s32 $0x1;
	s23 =	simm.s32 $0x5  }
0x6: {  	s24 =	simm.s32 $0x2;
	s28 =	simm.s32 $0x7;
	s29 =	simm.s32 $0x4  }
0x7: {  	s30 =	simm.s32 $0x8;
	s13 =	simm.s32 $0x4F80;
	s16 =	simm.s32 $0x0  }
0x8: {  	s0 =	sand.u32 $0x1, s0;
	s5 =	smul.u32 $0x1400, s10;
	[smem:$0x7FF] =	sst s3  }
0x9: {  	s4 =	sadd.s32 $0x5C00, s6;
	s8 =	smul.u32 $0x28000, s10;
	s31 =	sshll.u32 s10, $0x6  }
0xa: {  	s1 =	sshll.u32 s0, $0x4;
	s7 =	smul.u32 $0x14000, s0;
	s0 =	ssub.s32 $0x2, s0  }
0xb: {  	_ =	strace $0x8000004A;
	s1 =	sor.u32 s10, s1;
	s25 =	sshrl.u32 s0, $0x1  }
0xc: {  	s26 =	sshrl.u32 s8, $0x2;
	s1 =	smul.u32 $0x500, s1;
	s7 =	sadd.s32 s5, s7  }
0xd: {  	s5 =	sadd.s32 $0x2E400, s6;
	s0 =	ssub.s32 s0, s25;
	s11 =	sadd.s32 s26, s2  }
0xe: {  	s25 =	simm.s32 $0x6;
	s26 =	simm.s32 $0x3;
	s9 =	sadd.s32 s7, s6  }
0xf: {  	s10 =	smax.u32 s0, $0x1;
	s11 =	sshrl.u32 s11, $0x3;
	s0 =	simm.s32 $0x4F00  }
0x10: {  	s1 =	sadd.s32 s1, s6;
	s6 =	sor.u32 $0x1C09, s31;
	s9 =	sadd.s32 $0x2F800, s9  }
0x11: {  	s7 =	sadd.s32 $0x1A400, s1;
	s8 =	sadd.s32 $0x24400, s1;
	s1 =	simm.s32 $0x4E80  }
.LBB2_1:
0x12: {  	[spmem:s11], [sflag:s6] =	dma.local [hbm:s5], $0x1400  }
0x13: {  	_ =	swait.ge [sflag:s12], $0x1400  }
0x14: {  	[sflag:s12] =	ssyncset.done $0x0  }
0x15: {  	[sflag:s12] =	ssyncadd.s32 $0xFFFFEC00  }
0x16: {  	[tilespmem:s3], [sflag:$0x9] =	stream.linear.gather [hbm4b:s7+s3], $0x2800, $0x38;
	[tilespmem:$0x16D00] =	vst v63  }
0x17: {  	_ =	swait.ge [sflag:s12], $0x2800  }
0x18: {  	[sflag:s12] =	ssyncset.done $0x0  }
0x19: {  	s18 =	simm.s32 $0x2800;
	[sflag:s12] =	ssyncadd.s32 $0xFFFFD800  }
0x1a: {  	[tilespmem:s18], [sflag:$0x9] =	stream.linear.gather [hbm4b:s8+s3], $0x2800, $0x38;
	[tilespmem:$0x16D00] =	vst v63  }
0x1b: {  	_ =	swait.ge [sflag:s12], $0x2800  }
0x1c: {  	[sflag:s12] =	ssyncset.done $0x0  }
0x1d: {  	[sflag:s12] =	ssyncadd.s32 $0xFFFFD800  }
0x1e: {  	[bflag:$0x0] =	sbarrier.arrive $0xFFFF  }
0x1f: {  	[tilespmem:s15], [sflag:$0x1] =	stream.indirect.gather [hbm4b:s4+s14], $0x40, s3, s14, $0xb8;
	[tilespmem:$0x16D00] =	vst v63  }
0x20: {  	s20 =	simm.s32 $0x80  }
0x21: {  	[tilespmem:s17], [sflag:$0x2] =	stream.indirect.gather [hbm4b:s4+s14], $0x40, s20, s14, $0xb8;
	[tilespmem:$0x16D00] =	vst v63  }
0x22: {  	s31 =	simm.s32 $0x100  }
0x23: {  	[tilespmem:s19], [sflag:$0x3] =	stream.indirect.gather [hbm4b:s4+s14], $0x40, s31, s14, $0xb8;
	[tilespmem:$0x16D00] =	vst v63  }
0x24: {  	s20 =	simm.s32 $0x180  }
0x25: {  	[tilespmem:s21], [sflag:$0x4] =	stream.indirect.gather [hbm4b:s4+s14], $0x40, s20, s14, $0xb8;
	[tilespmem:$0x16D00] =	vst v63  }
0x26: {  	_ =	swait.ge [sflag:s22], $0x1F40  }
0x27: {  	[sflag:s22] =	ssyncset.done $0x0  }
0x28: {  	s31 =	simm.s32 $0x2800;
	[sflag:s22] =	ssyncadd.s32 $0xFFFFE0C0  }
0x29: {  	[spmem:s2] =	stream.indirect.scatter.add.f32 [tilespmem:s15], [sflag:$0x5], $0x40, s31, s14, $0xb8;
	[tilespmem:$0x16D00] =	vst v63  }
0x2a: {  	_ =	swait.ge [sflag:s23], $0x1F40  }
0x2b: {  	[sflag:s23] =	ssyncset.done $0x0  }
0x2c: {  	s20 =	simm.s32 $0x200;
	[sflag:s23] =	ssyncadd.s32 $0xFFFFE0C0  }
0x2d: {  	[tilespmem:s15], [sflag:$0x1] =	stream.indirect.gather [hbm4b:s4+s14], $0x40, s20, s14, $0xb8;
	[tilespmem:$0x16D00] =	vst v63  }
0x2e: {  	_ =	swait.ge [sflag:s24], $0x1F40  }
0x2f: {  	[sflag:s24] =	ssyncset.done $0x0  }
0x30: {  	s31 =	simm.s32 $0x2880;
	[sflag:s24] =	ssyncadd.s32 $0xFFFFE0C0  }
0x31: {  	[spmem:s2] =	stream.indirect.scatter.add.f32 [tilespmem:s17], [sflag:$0x6], $0x40, s31, s14, $0xb8;
	[tilespmem:$0x16D00] =	vst v63  }
0x32: {  	_ =	swait.ge [sflag:s25], $0x1F40  }
0x33: {  	[sflag:s25] =	ssyncset.done $0x0  }
0x34: {  	s20 =	simm.s32 $0x280;
	[sflag:s25] =	ssyncadd.s32 $0xFFFFE0C0  }
0x35: {  	[tilespmem:s17], [sflag:$0x2] =	stream.indirect.gather [hbm4b:s4+s14], $0x40, s20, s14, $0xb8;
	[tilespmem:$0x16D00] =	vst v63  }
0x36: {  	_ =	swait.ge [sflag:s26], $0x1F40  }
0x37: {  	[sflag:s26] =	ssyncset.done $0x0  }
0x38: {  	s31 =	simm.s32 $0x2900;
	[sflag:s26] =	ssyncadd.s32 $0xFFFFE0C0  }
0x39: {  	[spmem:s2] =	stream.indirect.scatter.add.f32 [tilespmem:s19], [sflag:$0x7], $0x40, s31, s14, $0xb8;
	[tilespmem:$0x16D00] =	vst v63  }
0x3a: {  	_ =	swait.ge [sflag:s28], $0x1F40  }
0x3b: {  	[sflag:s28] =	ssyncset.done $0x0  }
0x3c: {  	s20 =	simm.s32 $0x300;
	[sflag:s28] =	ssyncadd.s32 $0xFFFFE0C0  }
0x3d: {  	[tilespmem:s19], [sflag:$0x3] =	stream.indirect.gather [hbm4b:s4+s14], $0x40, s20, s14, $0xb8;
	[tilespmem:$0x16D00] =	vst v63  }
0x3e: {  	_ =	swait.ge [sflag:s29], $0x1F40  }
0x3f: {  	[sflag:s29] =	ssyncset.done $0x0  }
0x40: {  	s31 =	simm.s32 $0x2980;
	[sflag:s29] =	ssyncadd.s32 $0xFFFFE0C0  }
0x41: {  	[spmem:s2] =	stream.indirect.scatter.add.f32 [tilespmem:s21], [sflag:$0x8], $0x40, s31, s14, $0xb8;
	[tilespmem:$0x16D00] =	vst v63  }
0x42: {  	_ =	swait.ge [sflag:s30], $0x1F40  }
0x43: {  	[sflag:s30] =	ssyncset.done $0x0  }
0x44: {  	s18 =	simm.s32 $0x800;
	s20 =	simm.s32 $0x380;
	[sflag:s30] =	ssyncadd.s32 $0xFFFFE0C0  }
.LBB2_2:
0x45: {  	[tilespmem:s21], [sflag:$0x4] =	stream.indirect.gather [hbm4b:s4+s14], $0x40, s20, s14, $0xb8;
	[tilespmem:$0x16D00] =	vst v63  }
0x46: {  	s20 =	smov.u32 s18  }
0x47: {  	p0 =	sne.s32 s18, $0x9000;
	s18 =	sadd.s32 $0x800, s18;
	_ =	swait.ge [sflag:s22], $0x1F40  }
0x48: {  	s20 =	sshra.s32 s20, $0x2;
	[sflag:s22] =	ssyncset.done $0x0  }
0x49: {  	s31 =	sadd.s32 $0x2800, s20;
	[sflag:s22] =	ssyncadd.s32 $0xFFFFE0C0  }
0x4a: {  	[spmem:s2] =	stream.indirect.scatter.add.f32 [tilespmem:s15], [sflag:$0x5], $0x40, s31, s14, $0xb8;
	[tilespmem:$0x16D00] =	vst v63  }
0x4b: {  	_ =	swait.ge [sflag:s23], $0x1F40  }
0x4c: {  	[sflag:s23] =	ssyncset.done $0x0  }
0x4d: {  	s31 =	sadd.s32 $0x200, s20;
	[sflag:s23] =	ssyncadd.s32 $0xFFFFE0C0  }
0x4e: {  	[tilespmem:s15], [sflag:$0x1] =	stream.indirect.gather [hbm4b:s4+s14], $0x40, s31, s14, $0xb8;
	[tilespmem:$0x16D00] =	vst v63  }
0x4f: {  	_ =	swait.ge [sflag:s24], $0x1F40  }
0x50: {  	[sflag:s24] =	ssyncset.done $0x0  }
0x51: {  	s31 =	sadd.s32 $0x2880, s20;
	[sflag:s24] =	ssyncadd.s32 $0xFFFFE0C0  }
0x52: {  	[spmem:s2] =	stream.indirect.scatter.add.f32 [tilespmem:s17], [sflag:$0x6], $0x40, s31, s14, $0xb8;
	[tilespmem:$0x16D00] =	vst v63  }
0x53: {  	_ =	swait.ge [sflag:s25], $0x1F40  }
0x54: {  	[sflag:s25] =	ssyncset.done $0x0  }
0x55: {  	s31 =	sadd.s32 $0x280, s20;
	[sflag:s25] =	ssyncadd.s32 $0xFFFFE0C0  }
0x56: {  	[tilespmem:s17], [sflag:$0x2] =	stream.indirect.gather [hbm4b:s4+s14], $0x40, s31, s14, $0xb8;
	[tilespmem:$0x16D00] =	vst v63  }
0x57: {  	_ =	swait.ge [sflag:s26], $0x1F40  }
0x58: {  	[sflag:s26] =	ssyncset.done $0x0  }
0x59: {  	s31 =	sadd.s32 $0x2900, s20;
	[sflag:s26] =	ssyncadd.s32 $0xFFFFE0C0  }
0x5a: {  	[spmem:s2] =	stream.indirect.scatter.add.f32 [tilespmem:s19], [sflag:$0x7], $0x40, s31, s14, $0xb8;
	[tilespmem:$0x16D00] =	vst v63  }
0x5b: {  	_ =	swait.ge [sflag:s28], $0x1F40  }
0x5c: {  	[sflag:s28] =	ssyncset.done $0x0  }
0x5d: {  	s31 =	sadd.s32 $0x300, s20;
	[sflag:s28] =	ssyncadd.s32 $0xFFFFE0C0  }
0x5e: {  	[tilespmem:s19], [sflag:$0x3] =	stream.indirect.gather [hbm4b:s4+s14], $0x40, s31, s14, $0xb8;
	[tilespmem:$0x16D00] =	vst v63  }
0x5f: {  	_ =	swait.ge [sflag:s29], $0x1F40  }
0x60: {  	[sflag:s29] =	ssyncset.done $0x0  }
.Ltmp0:
0x61: {  	s31 =	sadd.s32 $0x2980, s20;
	[sflag:s29] =	ssyncadd.s32 $0xFFFFE0C0;
	(pc) =	sbr.rel @p0 .LBB2_2-.Ltmp0, $4  }
0x62: {  	[spmem:s2] =	stream.indirect.scatter.add.f32 [tilespmem:s21], [sflag:$0x8], $0x40, s31, s14, $0xb8;
	[tilespmem:$0x16D00] =	vst v63  }
0x63: {  	_ =	swait.ge [sflag:s30], $0x1F40  }
0x64: {  	[sflag:s30] =	ssyncset.done $0x0  }
0x65: {  	s20 =	sadd.s32 $0x380, s20;
	[sflag:s30] =	ssyncadd.s32 $0xFFFFE0C0  }
0x66: {  	[tilespmem:s21], [sflag:$0x4] =	stream.indirect.gather [hbm4b:s4+s14], $0x40, s20, s14, $0xb8;
	[tilespmem:$0x16D00] =	vst v63  }
0x67: {  	_ =	swait.ge [sflag:s22], $0x1F40  }
0x68: {  	[sflag:s22] =	ssyncset.done $0x0  }
0x69: {  	s18 =	simm.s32 $0x4E00;
	[sflag:s22] =	ssyncadd.s32 $0xFFFFE0C0  }
0x6a: {  	[spmem:s2] =	stream.indirect.scatter.add.f32 [tilespmem:s15], [sflag:$0x5], $0x40, s18, s14, $0xb8;
	[tilespmem:$0x16D00] =	vst v63  }
0x6b: {  	_ =	swait.ge [sflag:s23], $0x1F40  }
0x6c: {  	[sflag:s23] =	ssyncset.done $0x0  }
0x6d: {  	[sflag:s23] =	ssyncadd.s32 $0xFFFFE0C0  }
0x6e: {  	_ =	swait.ge [sflag:s24], $0x1F40  }
0x6f: {  	[sflag:s24] =	ssyncset.done $0x0  }
0x70: {  	[sflag:s24] =	ssyncadd.s32 $0xFFFFE0C0  }
0x71: {  	[spmem:s2] =	stream.indirect.scatter.add.f32 [tilespmem:s17], [sflag:$0x6], $0x40, s1, s14, $0xb8;
	[tilespmem:$0x16D00] =	vst v63  }
0x72: {  	_ =	swait.ge [sflag:s25], $0x1F40  }
0x73: {  	[sflag:s25] =	ssyncset.done $0x0  }
0x74: {  	[sflag:s25] =	ssyncadd.s32 $0xFFFFE0C0  }
0x75: {  	_ =	swait.ge [sflag:s26], $0x1F40  }
0x76: {  	[sflag:s26] =	ssyncset.done $0x0  }
0x77: {  	[sflag:s26] =	ssyncadd.s32 $0xFFFFE0C0  }
0x78: {  	[spmem:s2] =	stream.indirect.scatter.add.f32 [tilespmem:s19], [sflag:$0x7], $0x40, s0, s14, $0xb8;
	[tilespmem:$0x16D00] =	vst v63  }
0x79: {  	_ =	swait.ge [sflag:s28], $0x1F40  }
0x7a: {  	[sflag:s28] =	ssyncset.done $0x0  }
0x7b: {  	[sflag:s28] =	ssyncadd.s32 $0xFFFFE0C0  }
0x7c: {  	_ =	swait.ge [sflag:s29], $0x1F40  }
0x7d: {  	[sflag:s29] =	ssyncset.done $0x0  }
0x7e: {  	[sflag:s29] =	ssyncadd.s32 $0xFFFFE0C0  }
0x7f: {  	[spmem:s2] =	stream.indirect.scatter.add.f32 [tilespmem:s21], [sflag:$0x8], $0x40, s13, s14, $0xb8;
	[tilespmem:$0x16D00] =	vst v63  }
0x80: {  	_ =	swait.ge [sflag:s30], $0x1F40  }
0x81: {  	s16 =	sadd.s32 $0x1, s16;
	[sflag:s30] =	ssyncset.done $0x0  }
0x82: {  	p0 =	sne.s32 s16, s10;
	[sflag:s30] =	ssyncadd.s32 $0xFFFFE0C0  }
.Ltmp1:
0x83: {  	[bflag:$0x0] =	sbarrier.arrive $0xFFFF;
	(pc) =	sbr.rel @p0 .LBB2_1-.Ltmp1, $4  }
0x84: {  	[hbm:s9], [sflag:s6] =	dma.local [spmem:s11], $0x1400  }
0x85: {  	_ =	swait.ge [sflag:s12], $0x1400  }
0x86: {  	[sflag:s12] =	ssyncset.done $0x0  }
0x87: {  	[sflag:s12] =	ssyncadd.s32 $0xFFFFEC00  }
0x88: {  	_ =	sfence.sel $0x180000  }
0x89: {  	[bflag:$0x0] =	sbarrier.arrive $0xFFFF  }
0x8a: {  	_ =	strace $0x9000004A  }
0x8b: {  	s0 =	stileid.u32;
	[bflag:$0x2] =	sbarrier.arrive $0xFFFF  }
0x8c: {  	p0 =	sne.s32 s0, $0x0;
	s0 =	rddreg [dreg:$0x2]  }
0x8d: {  	s0 =	sadd.s32 @!p0 $0x100000, s0  }
0x8e: {  	[sflag:s0] =	ssyncadd.tile.s32 @!p0 $0x1;
	_ =	shalt  }
.Lfunc_end2:
_tile_overlayer_lowered:
.L_overlay_start_2:
0x8f: {  	(tag) =	ssettag $0x2  }
0x90: {  	s0 =	rddreg [dreg:$0x0];
	s2 =	stileid.u32  }
0x91: {  	s1 =	rddreg [dreg:$0x1];
	p0 =	sne.s32 s2, $0x0  }
0x92: {  	s3 =	rddreg [dreg:$0x2];
	[bflag:$0x3] =	sbarrier.arrive $0xFFFF;
	s2 =	simm.s32 @!p0 $0x1C09  }
0x93: {  	[timem:s3], [sflag:s2] =	dma.local @!p0 [hbm:s0], s1  }
0x94: {  	s0 =	simm.s32 @!p0 $0x9  }
0x95: {  	_ =	swait.ge @!p0 [sflag:s0], s1  }
0x96: {  	s1 =	ssub.s32 @!p0 $0x0, s1;
	[sflag:s0] =	ssyncset.done @!p0 $0x0  }
0x97: {  	[sflag:s0] =	ssyncadd.s32 @!p0 s1  }
0x98: {  	[bflag:$0x3] =	sbarrier.arrive $0xFFFF  }
0x99: {  	_ =	shalt  }

// kernel: kernel.18.cloned.1.call-start
scs
__scs_entry_jumppad:
0x0: {  	(pc) =	sbr.rel $0x88, $3  }
0x1: {  	(tag) =	ssettag $0x0;
	lr =	simm.s32 $0x1  }
0x2: {  	[smem:$0x3F90] =	sst lr;
	_ =	strace $0xD0000000  }
0x3: {  	_ = 	snop  }
0x4: {  	_ = 	snop  }
0x5: {  	_ = 	snop  }
0x6: {  	_ = 	snop  }
0x7: {  	_ = 	snop  }
__scs_overlays_trampoline_lowered:
0x8: {  	[smem:$0x3F9F] =	sst s0  }
0x9: {  	[smem:$0x3FA0] =	sst s1  }
0xa: {  	[smem:$0x3FA1] =	sst s2  }
0xb: {  	[smem:$0x3FA2] =	sst s3  }
0xc: {  	[smem:$0x3FA3] =	sst s4  }
0xd: {  	[smem:$0x3FA4] =	sst s5  }
0xe: {  	[smem:$0x3FA5] =	sst s6  }
0xf: {  	[smem:$0x3FA6] =	sst s7  }
0x10: {  	[smem:$0x3FA7] =	sst s8  }
0x11: {  	[smem:$0x3FA8] =	sst s9;
	s0 =	simm.s32 @!p0 $0x0  }
0x12: {  	s1 =	sld [smem:$0x3F8E];
	s0 =	simm.s32 @p0 $0x1  }
0x13: {  	[smem:$0x3FA9] =	sst s0;
	s0 =	simm.s32 @!p1 $0x0  }
0x14: {  	s2 =	sld [smem:$0x3F8D];
	s0 =	simm.s32 @p1 $0x1  }
0x15: {  	[smem:$0x3FAA] =	sst s0;
	s0 =	simm.s32 @!p2 $0x0  }
0x16: {  	s3 =	sld [smem:$0x3FDB];
	s0 =	simm.s32 @p2 $0x1  }
0x17: {  	s4 =	simm.s32 $0x1BF5;
	[smem:$0x3FAC] =	sst s0  }
0x18: {  	s0 =	sld [smem:$0x3F8F];
	_ =	swait.ge [sflag:s4], $0x0  }
0x19: {  	s7 =	sld [smem:$0x3F90]  }
0x1a: {  	s8 =	sadd.s32 $0xFFFFE003, lr  }
0x1b: {  	s9 =	sadd.s32 $0xFFFFFEF7, lr;
	s5 =	simm.s32 $0xFFFFFFFF;
	p2 =	slt.u32 s8, $0xFFFFF086  }
0x1c: {  	p1 =	slt.u32 s9, $0xF7A;
	s5 =	simm.s32 @!p2 $0x0  }
0x1d: {  	s5 =	simm.s32 @p1 $0x1;
	p0 =	seq.s32 s7, s2  }
0x1e: {  	s7 =	smul.u32 @!p0 $0xF7A, s2;
	p2 =	seq.s32 @!p0 s5, $0x0  }
0x1f: {  	s9 =	smul.u32 $0xF7A, s1;
	s8 =	simm.s32 @!p0 $0x1BF5;
	p2 =	por !p2, p0  }
0x20: {  	[sflag:s8] =	ssyncset.s32 @!p0 $0xFFFFF086;
	s6 =	sadd.s32 @!p0 s3, s7;
	s7 =	simm.s32 @!p0 $0x108  }
0x21: {  	s3 =	sadd.s32 s3, s9;
	s6 =	sadd.s32 @!p0 $0x88, s6;
	s7 =	simm.s32 @p2 $0x1082  }
0x22: {  	[simem:s7], [sflag:s8] =	dma.local @!p0 [hbm:s6], $0xF7A  }
0x23: {  	s9 =	sor.u32 $0xD0000000, s2;
	s6 =	simm.s32 $0x108;
	_ =	swait.ge @!p0 [sflag:s8], $0x0  }
0x24: {  	s3 =	sadd.s32 $0x88, s3;
	s6 =	simm.s32 @!p1 $0x1082;
	[sflag:s4] =	ssyncset.s32 $0xFFFFF086  }
0x25: {  	[simem:s6], [sflag:s4] =	dma.local [hbm:s3], $0xF7A  }
0x26: {  	[smem:$0x3F90] =	sst s1;
	(tag) =	ssettag s2;
	_ =	strace s9  }
0x27: {  	s1 =	sld [smem:$0x3FA0]  }
0x28: {  	s2 =	sld [smem:$0x3FA1]  }
0x29: {  	s4 =	sld [smem:$0x3FA3]  }
0x2a: {  	p0 =	seq.s32 s5, $0x0;
	s5 =	sld [smem:$0x3FA4]  }
0x2b: {  	s6 =	sld [smem:$0x3FA5]  }
0x2c: {  	s7 =	sld [smem:$0x3FA6]  }
0x2d: {  	s3 =	simm.s32 $0x108;
	s8 =	sld [smem:$0x3FA7]  }
0x2e: {  	s3 =	simm.s32 @!p0 $0x1082;
	s9 =	sld [smem:$0x3FA8]  }
0x2f: {  	lr =	sadd.s32 s0, s3;
	s0 =	sld [smem:$0x3F9F]  }
0x30: {  	s3 =	sld [smem:$0x3FA2]  }
0x31: {  	[smem:$0x3FAB] =	sst s10  }
0x32: {  	s10 =	sld [smem:$0x3FA9];
	_ =	sdelay $0x3  }
0x33: {  	p0 =	seq.s32 s10, $0x1;
	s10 =	sld [smem:$0x3FAB];
	_ =	sdelay $0x3  }
0x34: {  	[smem:$0x3FAB] =	sst s10  }
0x35: {  	s10 =	sld [smem:$0x3FAA];
	_ =	sdelay $0x3  }
0x36: {  	p1 =	seq.s32 s10, $0x1;
	s10 =	sld [smem:$0x3FAB];
	_ =	sdelay $0x3  }
0x37: {  	[smem:$0x3FAB] =	sst s10  }
0x38: {  	s10 =	sld [smem:$0x3FAC]  }
0x39: {  	_ = 	snop;
	(pc) =	sbr.ind lr, $3  }
0x3a: {  	_ = 	snop  }
0x3b: {  	_ = 	snop  }
0x3c: {  	p2 =	seq.s32 s10, $0x1;
	s10 =	sld [smem:$0x3FAB]  }
0x3d: {  	_ =	shalt  }
0x3e: {  	_ =	shalt  }
0x3f: {  	_ =	shalt  }
0x40: {  	_ =	shalt  }
0x41: {  	_ =	shalt  }
0x42: {  	_ =	shalt  }
0x43: {  	_ =	shalt  }
0x44: {  	_ =	shalt  }
0x45: {  	_ =	shalt  }
0x46: {  	_ =	shalt  }
0x47: {  	_ =	shalt  }
0x48: {  	_ =	shalt  }
0x49: {  	_ =	shalt  }
0x4a: {  	_ =	shalt  }
0x4b: {  	_ =	shalt  }
0x4c: {  	_ =	shalt  }
0x4d: {  	_ =	shalt  }
0x4e: {  	_ =	shalt  }
0x4f: {  	_ =	shalt  }
0x50: {  	_ =	shalt  }
0x51: {  	_ =	shalt  }
0x52: {  	_ =	shalt  }
0x53: {  	_ =	shalt  }
0x54: {  	_ =	shalt  }
0x55: {  	_ =	shalt  }
0x56: {  	_ =	shalt  }
0x57: {  	_ =	shalt  }
0x58: {  	_ =	shalt  }
0x59: {  	_ =	shalt  }
0x5a: {  	_ =	shalt  }
0x5b: {  	_ =	shalt  }
0x5c: {  	_ =	shalt  }
0x5d: {  	_ =	shalt  }
0x5e: {  	_ =	shalt  }
0x5f: {  	_ =	shalt  }
0x60: {  	_ =	shalt  }
0x61: {  	_ =	shalt  }
0x62: {  	_ =	shalt  }
0x63: {  	_ =	shalt  }
0x64: {  	_ =	shalt  }
0x65: {  	_ =	shalt  }
0x66: {  	_ =	shalt  }
0x67: {  	_ =	shalt  }
0x68: {  	_ =	shalt  }
0x69: {  	_ =	shalt  }
0x6a: {  	_ =	shalt  }
0x6b: {  	_ =	shalt  }
0x6c: {  	_ =	shalt  }
0x6d: {  	_ =	shalt  }
0x6e: {  	_ =	shalt  }
0x6f: {  	_ =	shalt  }
0x70: {  	_ =	shalt  }
0x71: {  	_ =	shalt  }
0x72: {  	_ =	shalt  }
0x73: {  	_ =	shalt  }
0x74: {  	_ =	shalt  }
0x75: {  	_ =	shalt  }
0x76: {  	_ =	shalt  }
0x77: {  	_ =	shalt  }
0x78: {  	_ =	shalt  }
0x79: {  	_ =	shalt  }
0x7a: {  	_ =	shalt  }
0x7b: {  	_ =	shalt  }
0x7c: {  	_ =	shalt  }
0x7d: {  	_ =	shalt  }
0x7e: {  	_ =	shalt  }
0x7f: {  	_ =	shalt  }
0x80: {  	_ =	shalt  }
0x81: {  	_ =	shalt  }
0x82: {  	_ =	shalt  }
0x83: {  	_ =	shalt  }
0x84: {  	_ =	shalt  }
0x85: {  	_ =	shalt  }
0x86: {  	_ =	shalt  }
0x87: {  	_ =	shalt  }
.Lfunc_end0:
.L_simem_size_0:
called_computation.2_lowered:
.L_overlay_start_0:
0x88: {  	s2 =	sld [smem:$0x3FD9]  }
0x89: {  	s3 =	sld [smem:$0x3FFE];
	_ =	sdelay $0x1  }
0x8a: {  	s1 =	srdreg.scid  }
0x8b: {  	s0 =	sand.u32 $0x1, s1  }
0x8c: {  	s16 =	sshll.u32 s0, $0xA;
	s2 =	sadd.s32 s3, s2  }
0x8d: {  	s2 =	sadd.s32 s2, s16  }
0x8e: {  	[smem:$0x3FB7] =	sst s2  }
0x8f: {  	_ = 	snop  }
0x90: {  	(tm) =	ssettm $0x1  }
0x91: {  	s17 =	sld [smem:$0x3FFB];
	_ =	sdelay $0x3  }
0x92: {  	_ =	strace s17  }
0x93: {  	s2 =	sld [smem:$0x3FFC];
	_ =	sdelay $0x3  }
0x94: {  	_ =	strace s2  }
0x95: {  	s2 =	sld [smem:$0x3FFD];
	_ =	sdelay $0x3  }
0x96: {  	_ =	strace s2  }
0x97: {  	_ =	strace $0x8FFFFFFF  }
0x98: {  	s18 =	sld [smem:$0x3FDB];
	_ =	sdelay $0x1  }
0x99: {  	s19 =	simm.s32 $_scs_section_size  }
0x9a: {  	s4 =	simm.s32 $_size__tile_overlayer_lowered;
	s5 =	simm.s32 $_tile_overlayer_lowered  }
0x9b: {  	s22 =	simm.s32 $0x1BFF;
	s21 =	sshll.u32 s5, $0x1;
	s2 =	sadd.s32 s19, s18  }
0x9c: {  	s6 =	simm.s32 $0x0;
	s20 =	sshll.u32 s4, $0x1;
	s4 =	sadd.s32 s21, s2  }
0x9d: {  	[timem:s6], [sflag:s22] =	dma.local [hbm:s4], s20  }
0x9e: {  	_ =	swait.ge [sflag:s22], s20  }
0x9f: {  	s3 =	ssub.s32 $0x0, s20;
	[sflag:s22] =	ssyncset.done $0x0  }
0xa0: {  	[sflag:s22] =	ssyncadd.s32 s3;
	_ =	sdelay $0x1  }
0xa1: {  	s23 =	simm.s32 $0x1B8B  }
0xa2: {  	_ =	swait.ge [sflag:s23], $0x1  }
0xa3: {  	[sflag:s23] =	ssyncset.done $0x0  }
0xa4: {  	s25 =	simm.s32 $0x1B8E;
	s24 =	sld [smem:$0x3FFE];
	[sflag:s23] =	ssyncadd.s32 $0xFFFFFFFF  }
0xa5: {  	s26 =	simm.s32 $execute0_lowered;
	[smem:$0x3FD2] =	sst s25  }
0xa6: {  	s4 =	sshll.u32 s26, $0x1;
	_ =	strace $0x8000004C;
	[dreg:$0x1] =	wrdreg $0xFFFFFFFF  }
0xa7: {  	s28 =	simm.s32 $_size_execute0_lowered;
	s2 =	sadd.s32 s2, s4;
	[dreg:$0x0] =	wrdreg $0x0  }
0xa8: {  	s4 =	sshll.u32 s28, $0x1;
	[dreg:$0x2] =	wrdreg s2  }
0xa9: {  	[dreg:$0x3] =	wrdreg s4  }
0xaa: {  	[dreg:$0x4] =	wrdreg $0xC0  }
0xab: {  	_ =	task [dreg:s6], $0x5FFFF  }
0xac: {  	[dreg:$0x1] =	wrdreg $0xFFFFFFFF  }
0xad: {  	[dreg:$0x0] =	wrdreg $0x60  }
0xae: {  	[dreg:$0x2] =	wrdreg s24  }
0xaf: {  	[dreg:$0x3] =	wrdreg $0xCD000  }
0xb0: {  	[dreg:$0x4] =	wrdreg $0x9  }
0xb1: {  	_ =	task.clear_ibuf [dreg:s6], $0x5FFFF;
	_ =	strace $0x9000004C  }
0xb2: {  	s29 =	simm.s32 $0x9;
	_ =	strace $0x8000004E  }
0xb3: {  	_ =	swait.ge [sflag:s29], $0x1  }
0xb4: {  	[sflag:s29] =	ssyncadd.s32 $0xFFFFFFFF  }
0xb5: {  	_ =	strace $0x9000004E  }
0xb6: {  	_ =	sfence  }
0xb7: {  	s30 =	sld [smem:$0x0];
	_ =	sdelay $0x2  }
0xb8: {  	s31 =	sshll.u32 s1, $0xD;
	s1 =	sshrl.u32 s1, $0x2  }
0xb9: {  	s3 =	sand.u32 $0x4000, s31;
	s1 =	sadd.s32 s1, s30  }
0xba: {  	s0 =	sor.u32 s3, s0;
	s1 =	sshll.u32 s1, $0x11  }
0xbb: {  	s0 =	sor.u32 s1, s0  }
0xbc: {  	s0 =	sadd.s32 $0x8F2B, s0  }
0xbd: {  	[sflag:s0] =	ssyncadd.remote.s32 $0x1  }
0xbe: {  	_ =	sfence.sel $0xFFFF  }
0xbf: {  	[dreg:$0x0] =	wrdreg $0xFFFFFFFF;
	(pc) =	sbr.abs _section_cstart, $3  }
0xc0: {  	[dreg:$0x1] =	wrdreg $0xFFFFFFFF  }
0xc1: {  	_ =	task.clear_ibuf [dreg:s6], $0x2FFFF;
	_ =	strace $0x9FFFFFFF  }
0xc2: {  	(tm) =	ssettm $0x7FFFFFFF  }
0xc3: {  	_ =	shalt  }
tec
execute0_lowered:
.L_overlay_start_1:
0x0: {  	(tag) =	ssettag $0x1  }
0x1: {  	s0 =	srdreg.scid;
	s6 =	rddreg [dreg:$0x0]  }
0x2: {  	s10 =	stileid.u32;
	s2 =	rddreg [dreg:$0x1]  }
0x3: {  	s3 =	simm.s32 $0x0;
	s12 =	simm.s32 $0x9;
	s14 =	simm.s32 $0x7D  }
0x4: {  	s15 =	simm.s32 $0x5000;
	s17 =	simm.s32 $0x6F40;
	s19 =	simm.s32 $0x8E80  }
0x5: {  	s21 =	simm.s32 $0xADC0;
	s22 =	simm.s32 $0x1;
	s23 =	simm.s32 $0x5  }
0x6: {  	s24 =	simm.s32 $0x2;
	s28 =	simm.s32 $0x7;
	s29 =	simm.s32 $0x4  }
0x7: {  	s30 =	simm.s32 $0x8;
	s13 =	simm.s32 $0x4F80;
	s16 =	simm.s32 $0x0  }
0x8: {  	s0 =	sand.u32 $0x1, s0;
	s5 =	smul.u32 $0x1400, s10;
	[smem:$0x7FF] =	sst s3  }
0x9: {  	s4 =	sadd.s32 $0x5C00, s6;
	s8 =	smul.u32 $0x28000, s10;
	s31 =	sshll.u32 s10, $0x6  }
0xa: {  	s1 =	sshll.u32 s0, $0x4;
	s7 =	smul.u32 $0x14000, s0;
	s0 =	ssub.s32 $0x2, s0  }
0xb: {  	_ =	strace $0x8000004D;
	s1 =	sor.u32 s10, s1;
	s25 =	sshrl.u32 s0, $0x1  }
0xc: {  	s26 =	sshrl.u32 s8, $0x2;
	s1 =	smul.u32 $0x500, s1;
	s7 =	sadd.s32 s5, s7  }
0xd: {  	s5 =	sadd.s32 $0x2E400, s6;
	s0 =	ssub.s32 s0, s25;
	s11 =	sadd.s32 s26, s2  }
0xe: {  	s25 =	simm.s32 $0x6;
	s26 =	simm.s32 $0x3;
	s9 =	sadd.s32 s7, s6  }
0xf: {  	s10 =	smax.u32 s0, $0x1;
	s11 =	sshrl.u32 s11, $0x3;
	s0 =	simm.s32 $0x4F00  }
0x10: {  	s1 =	sadd.s32 s1, s6;
	s6 =	sor.u32 $0x1C09, s31;
	s9 =	sadd.s32 $0x2F800, s9  }
0x11: {  	s7 =	sadd.s32 $0x1A400, s1;
	s8 =	sadd.s32 $0x24400, s1;
	s1 =	simm.s32 $0x4E80  }
.LBB2_1:
0x12: {  	[spmem:s11], [sflag:s6] =	dma.local [hbm:s5], $0x1400  }
0x13: {  	_ =	swait.ge [sflag:s12], $0x1400  }
0x14: {  	[sflag:s12] =	ssyncset.done $0x0  }
0x15: {  	[sflag:s12] =	ssyncadd.s32 $0xFFFFEC00  }
0x16: {  	[tilespmem:s3], [sflag:$0x9] =	stream.linear.gather [hbm4b:s7+s3], $0x2800, $0x38;
	[tilespmem:$0x16D00] =	vst v63  }
0x17: {  	_ =	swait.ge [sflag:s12], $0x2800  }
0x18: {  	[sflag:s12] =	ssyncset.done $0x0  }
0x19: {  	s18 =	simm.s32 $0x2800;
	[sflag:s12] =	ssyncadd.s32 $0xFFFFD800  }
0x1a: {  	[tilespmem:s18], [sflag:$0x9] =	stream.linear.gather [hbm4b:s8+s3], $0x2800, $0x38;
	[tilespmem:$0x16D00] =	vst v63  }
0x1b: {  	_ =	swait.ge [sflag:s12], $0x2800  }
0x1c: {  	[sflag:s12] =	ssyncset.done $0x0  }
0x1d: {  	[sflag:s12] =	ssyncadd.s32 $0xFFFFD800  }
0x1e: {  	[bflag:$0x0] =	sbarrier.arrive $0xFFFF  }
0x1f: {  	[tilespmem:s15], [sflag:$0x1] =	stream.indirect.gather [hbm4b:s4+s14], $0x40, s3, s14, $0xb8;
	[tilespmem:$0x16D00] =	vst v63  }
0x20: {  	s20 =	simm.s32 $0x80  }
0x21: {  	[tilespmem:s17], [sflag:$0x2] =	stream.indirect.gather [hbm4b:s4+s14], $0x40, s20, s14, $0xb8;
	[tilespmem:$0x16D00] =	vst v63  }
0x22: {  	s31 =	simm.s32 $0x100  }
0x23: {  	[tilespmem:s19], [sflag:$0x3] =	stream.indirect.gather [hbm4b:s4+s14], $0x40, s31, s14, $0xb8;
	[tilespmem:$0x16D00] =	vst v63  }
0x24: {  	s20 =	simm.s32 $0x180  }
0x25: {  	[tilespmem:s21], [sflag:$0x4] =	stream.indirect.gather [hbm4b:s4+s14], $0x40, s20, s14, $0xb8;
	[tilespmem:$0x16D00] =	vst v63  }
0x26: {  	_ =	swait.ge [sflag:s22], $0x1F40  }
0x27: {  	[sflag:s22] =	ssyncset.done $0x0  }
0x28: {  	s31 =	simm.s32 $0x2800;
	[sflag:s22] =	ssyncadd.s32 $0xFFFFE0C0  }
0x29: {  	[spmem:s2] =	stream.indirect.scatter.add.f32 [tilespmem:s15], [sflag:$0x5], $0x40, s31, s14, $0xb8;
	[tilespmem:$0x16D00] =	vst v63  }
0x2a: {  	_ =	swait.ge [sflag:s23], $0x1F40  }
0x2b: {  	[sflag:s23] =	ssyncset.done $0x0  }
0x2c: {  	s20 =	simm.s32 $0x200;
	[sflag:s23] =	ssyncadd.s32 $0xFFFFE0C0  }
0x2d: {  	[tilespmem:s15], [sflag:$0x1] =	stream.indirect.gather [hbm4b:s4+s14], $0x40, s20, s14, $0xb8;
	[tilespmem:$0x16D00] =	vst v63  }
0x2e: {  	_ =	swait.ge [sflag:s24], $0x1F40  }
0x2f: {  	[sflag:s24] =	ssyncset.done $0x0  }
0x30: {  	s31 =	simm.s32 $0x2880;
	[sflag:s24] =	ssyncadd.s32 $0xFFFFE0C0  }
0x31: {  	[spmem:s2] =	stream.indirect.scatter.add.f32 [tilespmem:s17], [sflag:$0x6], $0x40, s31, s14, $0xb8;
	[tilespmem:$0x16D00] =	vst v63  }
0x32: {  	_ =	swait.ge [sflag:s25], $0x1F40  }
0x33: {  	[sflag:s25] =	ssyncset.done $0x0  }
0x34: {  	s20 =	simm.s32 $0x280;
	[sflag:s25] =	ssyncadd.s32 $0xFFFFE0C0  }
0x35: {  	[tilespmem:s17], [sflag:$0x2] =	stream.indirect.gather [hbm4b:s4+s14], $0x40, s20, s14, $0xb8;
	[tilespmem:$0x16D00] =	vst v63  }
0x36: {  	_ =	swait.ge [sflag:s26], $0x1F40  }
0x37: {  	[sflag:s26] =	ssyncset.done $0x0  }
0x38: {  	s31 =	simm.s32 $0x2900;
	[sflag:s26] =	ssyncadd.s32 $0xFFFFE0C0  }
0x39: {  	[spmem:s2] =	stream.indirect.scatter.add.f32 [tilespmem:s19], [sflag:$0x7], $0x40, s31, s14, $0xb8;
	[tilespmem:$0x16D00] =	vst v63  }
0x3a: {  	_ =	swait.ge [sflag:s28], $0x1F40  }
0x3b: {  	[sflag:s28] =	ssyncset.done $0x0  }
0x3c: {  	s20 =	simm.s32 $0x300;
	[sflag:s28] =	ssyncadd.s32 $0xFFFFE0C0  }
0x3d: {  	[tilespmem:s19], [sflag:$0x3] =	stream.indirect.gather [hbm4b:s4+s14], $0x40, s20, s14, $0xb8;
	[tilespmem:$0x16D00] =	vst v63  }
0x3e: {  	_ =	swait.ge [sflag:s29], $0x1F40  }
0x3f: {  	[sflag:s29] =	ssyncset.done $0x0  }
0x40: {  	s31 =	simm.s32 $0x2980;
	[sflag:s29] =	ssyncadd.s32 $0xFFFFE0C0  }
0x41: {  	[spmem:s2] =	stream.indirect.scatter.add.f32 [tilespmem:s21], [sflag:$0x8], $0x40, s31, s14, $0xb8;
	[tilespmem:$0x16D00] =	vst v63  }
0x42: {  	_ =	swait.ge [sflag:s30], $0x1F40  }
0x43: {  	[sflag:s30] =	ssyncset.done $0x0  }
0x44: {  	s18 =	simm.s32 $0x800;
	s20 =	simm.s32 $0x380;
	[sflag:s30] =	ssyncadd.s32 $0xFFFFE0C0  }
.LBB2_2:
0x45: {  	[tilespmem:s21], [sflag:$0x4] =	stream.indirect.gather [hbm4b:s4+s14], $0x40, s20, s14, $0xb8;
	[tilespmem:$0x16D00] =	vst v63  }
0x46: {  	s20 =	smov.u32 s18  }
0x47: {  	p0 =	sne.s32 s18, $0x9000;
	s18 =	sadd.s32 $0x800, s18;
	_ =	swait.ge [sflag:s22], $0x1F40  }
0x48: {  	s20 =	sshra.s32 s20, $0x2;
	[sflag:s22] =	ssyncset.done $0x0  }
0x49: {  	s31 =	sadd.s32 $0x2800, s20;
	[sflag:s22] =	ssyncadd.s32 $0xFFFFE0C0  }
0x4a: {  	[spmem:s2] =	stream.indirect.scatter.add.f32 [tilespmem:s15], [sflag:$0x5], $0x40, s31, s14, $0xb8;
	[tilespmem:$0x16D00] =	vst v63  }
0x4b: {  	_ =	swait.ge [sflag:s23], $0x1F40  }
0x4c: {  	[sflag:s23] =	ssyncset.done $0x0  }
0x4d: {  	s31 =	sadd.s32 $0x200, s20;
	[sflag:s23] =	ssyncadd.s32 $0xFFFFE0C0  }
0x4e: {  	[tilespmem:s15], [sflag:$0x1] =	stream.indirect.gather [hbm4b:s4+s14], $0x40, s31, s14, $0xb8;
	[tilespmem:$0x16D00] =	vst v63  }
0x4f: {  	_ =	swait.ge [sflag:s24], $0x1F40  }
0x50: {  	[sflag:s24] =	ssyncset.done $0x0  }
0x51: {  	s31 =	sadd.s32 $0x2880, s20;
	[sflag:s24] =	ssyncadd.s32 $0xFFFFE0C0  }
0x52: {  	[spmem:s2] =	stream.indirect.scatter.add.f32 [tilespmem:s17], [sflag:$0x6], $0x40, s31, s14, $0xb8;
	[tilespmem:$0x16D00] =	vst v63  }
0x53: {  	_ =	swait.ge [sflag:s25], $0x1F40  }
0x54: {  	[sflag:s25] =	ssyncset.done $0x0  }
0x55: {  	s31 =	sadd.s32 $0x280, s20;
	[sflag:s25] =	ssyncadd.s32 $0xFFFFE0C0  }
0x56: {  	[tilespmem:s17], [sflag:$0x2] =	stream.indirect.gather [hbm4b:s4+s14], $0x40, s31, s14, $0xb8;
	[tilespmem:$0x16D00] =	vst v63  }
0x57: {  	_ =	swait.ge [sflag:s26], $0x1F40  }
0x58: {  	[sflag:s26] =	ssyncset.done $0x0  }
0x59: {  	s31 =	sadd.s32 $0x2900, s20;
	[sflag:s26] =	ssyncadd.s32 $0xFFFFE0C0  }
0x5a: {  	[spmem:s2] =	stream.indirect.scatter.add.f32 [tilespmem:s19], [sflag:$0x7], $0x40, s31, s14, $0xb8;
	[tilespmem:$0x16D00] =	vst v63  }
0x5b: {  	_ =	swait.ge [sflag:s28], $0x1F40  }
0x5c: {  	[sflag:s28] =	ssyncset.done $0x0  }
0x5d: {  	s31 =	sadd.s32 $0x300, s20;
	[sflag:s28] =	ssyncadd.s32 $0xFFFFE0C0  }
0x5e: {  	[tilespmem:s19], [sflag:$0x3] =	stream.indirect.gather [hbm4b:s4+s14], $0x40, s31, s14, $0xb8;
	[tilespmem:$0x16D00] =	vst v63  }
0x5f: {  	_ =	swait.ge [sflag:s29], $0x1F40  }
0x60: {  	[sflag:s29] =	ssyncset.done $0x0  }
.Ltmp0:
0x61: {  	s31 =	sadd.s32 $0x2980, s20;
	[sflag:s29] =	ssyncadd.s32 $0xFFFFE0C0;
	(pc) =	sbr.rel @p0 .LBB2_2-.Ltmp0, $4  }
0x62: {  	[spmem:s2] =	stream.indirect.scatter.add.f32 [tilespmem:s21], [sflag:$0x8], $0x40, s31, s14, $0xb8;
	[tilespmem:$0x16D00] =	vst v63  }
0x63: {  	_ =	swait.ge [sflag:s30], $0x1F40  }
0x64: {  	[sflag:s30] =	ssyncset.done $0x0  }
0x65: {  	s20 =	sadd.s32 $0x380, s20;
	[sflag:s30] =	ssyncadd.s32 $0xFFFFE0C0  }
0x66: {  	[tilespmem:s21], [sflag:$0x4] =	stream.indirect.gather [hbm4b:s4+s14], $0x40, s20, s14, $0xb8;
	[tilespmem:$0x16D00] =	vst v63  }
0x67: {  	_ =	swait.ge [sflag:s22], $0x1F40  }
0x68: {  	[sflag:s22] =	ssyncset.done $0x0  }
0x69: {  	s18 =	simm.s32 $0x4E00;
	[sflag:s22] =	ssyncadd.s32 $0xFFFFE0C0  }
0x6a: {  	[spmem:s2] =	stream.indirect.scatter.add.f32 [tilespmem:s15], [sflag:$0x5], $0x40, s18, s14, $0xb8;
	[tilespmem:$0x16D00] =	vst v63  }
0x6b: {  	_ =	swait.ge [sflag:s23], $0x1F40  }
0x6c: {  	[sflag:s23] =	ssyncset.done $0x0  }
0x6d: {  	[sflag:s23] =	ssyncadd.s32 $0xFFFFE0C0  }
0x6e: {  	_ =	swait.ge [sflag:s24], $0x1F40  }
0x6f: {  	[sflag:s24] =	ssyncset.done $0x0  }
0x70: {  	[sflag:s24] =	ssyncadd.s32 $0xFFFFE0C0  }
0x71: {  	[spmem:s2] =	stream.indirect.scatter.add.f32 [tilespmem:s17], [sflag:$0x6], $0x40, s1, s14, $0xb8;
	[tilespmem:$0x16D00] =	vst v63  }
0x72: {  	_ =	swait.ge [sflag:s25], $0x1F40  }
0x73: {  	[sflag:s25] =	ssyncset.done $0x0  }
0x74: {  	[sflag:s25] =	ssyncadd.s32 $0xFFFFE0C0  }
0x75: {  	_ =	swait.ge [sflag:s26], $0x1F40  }
0x76: {  	[sflag:s26] =	ssyncset.done $0x0  }
0x77: {  	[sflag:s26] =	ssyncadd.s32 $0xFFFFE0C0  }
0x78: {  	[spmem:s2] =	stream.indirect.scatter.add.f32 [tilespmem:s19], [sflag:$0x7], $0x40, s0, s14, $0xb8;
	[tilespmem:$0x16D00] =	vst v63  }
0x79: {  	_ =	swait.ge [sflag:s28], $0x1F40  }
0x7a: {  	[sflag:s28] =	ssyncset.done $0x0  }
0x7b: {  	[sflag:s28] =	ssyncadd.s32 $0xFFFFE0C0  }
0x7c: {  	_ =	swait.ge [sflag:s29], $0x1F40  }
0x7d: {  	[sflag:s29] =	ssyncset.done $0x0  }
0x7e: {  	[sflag:s29] =	ssyncadd.s32 $0xFFFFE0C0  }
0x7f: {  	[spmem:s2] =	stream.indirect.scatter.add.f32 [tilespmem:s21], [sflag:$0x8], $0x40, s13, s14, $0xb8;
	[tilespmem:$0x16D00] =	vst v63  }
0x80: {  	_ =	swait.ge [sflag:s30], $0x1F40  }
0x81: {  	s16 =	sadd.s32 $0x1, s16;
	[sflag:s30] =	ssyncset.done $0x0  }
0x82: {  	p0 =	sne.s32 s16, s10;
	[sflag:s30] =	ssyncadd.s32 $0xFFFFE0C0  }
.Ltmp1:
0x83: {  	[bflag:$0x0] =	sbarrier.arrive $0xFFFF;
	(pc) =	sbr.rel @p0 .LBB2_1-.Ltmp1, $4  }
0x84: {  	[hbm:s9], [sflag:s6] =	dma.local [spmem:s11], $0x1400  }
0x85: {  	_ =	swait.ge [sflag:s12], $0x1400  }
0x86: {  	[sflag:s12] =	ssyncset.done $0x0  }
0x87: {  	[sflag:s12] =	ssyncadd.s32 $0xFFFFEC00  }
0x88: {  	_ =	sfence.sel $0x180000  }
0x89: {  	[bflag:$0x0] =	sbarrier.arrive $0xFFFF  }
0x8a: {  	_ =	strace $0x9000004D  }
0x8b: {  	s0 =	stileid.u32;
	[bflag:$0x2] =	sbarrier.arrive $0xFFFF  }
0x8c: {  	p0 =	sne.s32 s0, $0x0;
	s0 =	rddreg [dreg:$0x2]  }
0x8d: {  	s0 =	sadd.s32 @!p0 $0x100000, s0  }
0x8e: {  	[sflag:s0] =	ssyncadd.tile.s32 @!p0 $0x1;
	_ =	shalt  }
.Lfunc_end2:
_tile_overlayer_lowered:
.L_overlay_start_2:
0x8f: {  	(tag) =	ssettag $0x2  }
0x90: {  	s0 =	rddreg [dreg:$0x0];
	s2 =	stileid.u32  }
0x91: {  	s1 =	rddreg [dreg:$0x1];
	p0 =	sne.s32 s2, $0x0  }
0x92: {  	s3 =	rddreg [dreg:$0x2];
	[bflag:$0x3] =	sbarrier.arrive $0xFFFF;
	s2 =	simm.s32 @!p0 $0x1C09  }
0x93: {  	[timem:s3], [sflag:s2] =	dma.local @!p0 [hbm:s0], s1  }
0x94: {  	s0 =	simm.s32 @!p0 $0x9  }
0x95: {  	_ =	swait.ge @!p0 [sflag:s0], s1  }
0x96: {  	s1 =	ssub.s32 @!p0 $0x0, s1;
	[sflag:s0] =	ssyncset.done @!p0 $0x0  }
0x97: {  	[sflag:s0] =	ssyncadd.s32 @!p0 s1  }
0x98: {  	[bflag:$0x3] =	sbarrier.arrive $0xFFFF  }
0x99: {  	_ =	shalt  }

// kernel: kernel.21.cloned.1.call-start
scs
__scs_entry_jumppad:
0x0: {  	(pc) =	sbr.rel $0x88, $3  }
0x1: {  	(tag) =	ssettag $0x0;
	lr =	simm.s32 $0x1  }
0x2: {  	[smem:$0x3F90] =	sst lr;
	_ =	strace $0xD0000000  }
0x3: {  	_ = 	snop  }
0x4: {  	_ = 	snop  }
0x5: {  	_ = 	snop  }
0x6: {  	_ = 	snop  }
0x7: {  	_ = 	snop  }
__scs_overlays_trampoline_lowered:
0x8: {  	[smem:$0x3F9F] =	sst s0  }
0x9: {  	[smem:$0x3FA0] =	sst s1  }
0xa: {  	[smem:$0x3FA1] =	sst s2  }
0xb: {  	[smem:$0x3FA2] =	sst s3  }
0xc: {  	[smem:$0x3FA3] =	sst s4  }
0xd: {  	[smem:$0x3FA4] =	sst s5  }
0xe: {  	[smem:$0x3FA5] =	sst s6  }
0xf: {  	[smem:$0x3FA6] =	sst s7  }
0x10: {  	[smem:$0x3FA7] =	sst s8  }
0x11: {  	[smem:$0x3FA8] =	sst s9;
	s0 =	simm.s32 @!p0 $0x0  }
0x12: {  	s1 =	sld [smem:$0x3F8E];
	s0 =	simm.s32 @p0 $0x1  }
0x13: {  	[smem:$0x3FA9] =	sst s0;
	s0 =	simm.s32 @!p1 $0x0  }
0x14: {  	s2 =	sld [smem:$0x3F8D];
	s0 =	simm.s32 @p1 $0x1  }
0x15: {  	[smem:$0x3FAA] =	sst s0;
	s0 =	simm.s32 @!p2 $0x0  }
0x16: {  	s3 =	sld [smem:$0x3FDB];
	s0 =	simm.s32 @p2 $0x1  }
0x17: {  	s4 =	simm.s32 $0x1BF5;
	[smem:$0x3FAC] =	sst s0  }
0x18: {  	s0 =	sld [smem:$0x3F8F];
	_ =	swait.ge [sflag:s4], $0x0  }
0x19: {  	s7 =	sld [smem:$0x3F90]  }
0x1a: {  	s8 =	sadd.s32 $0xFFFFE003, lr  }
0x1b: {  	s9 =	sadd.s32 $0xFFFFFEF7, lr;
	s5 =	simm.s32 $0xFFFFFFFF;
	p2 =	slt.u32 s8, $0xFFFFF086  }
0x1c: {  	p1 =	slt.u32 s9, $0xF7A;
	s5 =	simm.s32 @!p2 $0x0  }
0x1d: {  	s5 =	simm.s32 @p1 $0x1;
	p0 =	seq.s32 s7, s2  }
0x1e: {  	s7 =	smul.u32 @!p0 $0xF7A, s2;
	p2 =	seq.s32 @!p0 s5, $0x0  }
0x1f: {  	s9 =	smul.u32 $0xF7A, s1;
	s8 =	simm.s32 @!p0 $0x1BF5;
	p2 =	por !p2, p0  }
0x20: {  	[sflag:s8] =	ssyncset.s32 @!p0 $0xFFFFF086;
	s6 =	sadd.s32 @!p0 s3, s7;
	s7 =	simm.s32 @!p0 $0x108  }
0x21: {  	s3 =	sadd.s32 s3, s9;
	s6 =	sadd.s32 @!p0 $0x88, s6;
	s7 =	simm.s32 @p2 $0x1082  }
0x22: {  	[simem:s7], [sflag:s8] =	dma.local @!p0 [hbm:s6], $0xF7A  }
0x23: {  	s9 =	sor.u32 $0xD0000000, s2;
	s6 =	simm.s32 $0x108;
	_ =	swait.ge @!p0 [sflag:s8], $0x0  }
0x24: {  	s3 =	sadd.s32 $0x88, s3;
	s6 =	simm.s32 @!p1 $0x1082;
	[sflag:s4] =	ssyncset.s32 $0xFFFFF086  }
0x25: {  	[simem:s6], [sflag:s4] =	dma.local [hbm:s3], $0xF7A  }
0x26: {  	[smem:$0x3F90] =	sst s1;
	(tag) =	ssettag s2;
	_ =	strace s9  }
0x27: {  	s1 =	sld [smem:$0x3FA0]  }
0x28: {  	s2 =	sld [smem:$0x3FA1]  }
0x29: {  	s4 =	sld [smem:$0x3FA3]  }
0x2a: {  	p0 =	seq.s32 s5, $0x0;
	s5 =	sld [smem:$0x3FA4]  }
0x2b: {  	s6 =	sld [smem:$0x3FA5]  }
0x2c: {  	s7 =	sld [smem:$0x3FA6]  }
0x2d: {  	s3 =	simm.s32 $0x108;
	s8 =	sld [smem:$0x3FA7]  }
0x2e: {  	s3 =	simm.s32 @!p0 $0x1082;
	s9 =	sld [smem:$0x3FA8]  }
0x2f: {  	lr =	sadd.s32 s0, s3;
	s0 =	sld [smem:$0x3F9F]  }
0x30: {  	s3 =	sld [smem:$0x3FA2]  }
0x31: {  	[smem:$0x3FAB] =	sst s10  }
0x32: {  	s10 =	sld [smem:$0x3FA9];
	_ =	sdelay $0x3  }
0x33: {  	p0 =	seq.s32 s10, $0x1;
	s10 =	sld [smem:$0x3FAB];
	_ =	sdelay $0x3  }
0x34: {  	[smem:$0x3FAB] =	sst s10  }
0x35: {  	s10 =	sld [smem:$0x3FAA];
	_ =	sdelay $0x3  }
0x36: {  	p1 =	seq.s32 s10, $0x1;
	s10 =	sld [smem:$0x3FAB];
	_ =	sdelay $0x3  }
0x37: {  	[smem:$0x3FAB] =	sst s10  }
0x38: {  	s10 =	sld [smem:$0x3FAC]  }
0x39: {  	_ = 	snop;
	(pc) =	sbr.ind lr, $3  }
0x3a: {  	_ = 	snop  }
0x3b: {  	_ = 	snop  }
0x3c: {  	p2 =	seq.s32 s10, $0x1;
	s10 =	sld [smem:$0x3FAB]  }
0x3d: {  	_ =	shalt  }
0x3e: {  	_ =	shalt  }
0x3f: {  	_ =	shalt  }
0x40: {  	_ =	shalt  }
0x41: {  	_ =	shalt  }
0x42: {  	_ =	shalt  }
0x43: {  	_ =	shalt  }
0x44: {  	_ =	shalt  }
0x45: {  	_ =	shalt  }
0x46: {  	_ =	shalt  }
0x47: {  	_ =	shalt  }
0x48: {  	_ =	shalt  }
0x49: {  	_ =	shalt  }
0x4a: {  	_ =	shalt  }
0x4b: {  	_ =	shalt  }
0x4c: {  	_ =	shalt  }
0x4d: {  	_ =	shalt  }
0x4e: {  	_ =	shalt  }
0x4f: {  	_ =	shalt  }
0x50: {  	_ =	shalt  }
0x51: {  	_ =	shalt  }
0x52: {  	_ =	shalt  }
0x53: {  	_ =	shalt  }
0x54: {  	_ =	shalt  }
0x55: {  	_ =	shalt  }
0x56: {  	_ =	shalt  }
0x57: {  	_ =	shalt  }
0x58: {  	_ =	shalt  }
0x59: {  	_ =	shalt  }
0x5a: {  	_ =	shalt  }
0x5b: {  	_ =	shalt  }
0x5c: {  	_ =	shalt  }
0x5d: {  	_ =	shalt  }
0x5e: {  	_ =	shalt  }
0x5f: {  	_ =	shalt  }
0x60: {  	_ =	shalt  }
0x61: {  	_ =	shalt  }
0x62: {  	_ =	shalt  }
0x63: {  	_ =	shalt  }
0x64: {  	_ =	shalt  }
0x65: {  	_ =	shalt  }
0x66: {  	_ =	shalt  }
0x67: {  	_ =	shalt  }
0x68: {  	_ =	shalt  }
0x69: {  	_ =	shalt  }
0x6a: {  	_ =	shalt  }
0x6b: {  	_ =	shalt  }
0x6c: {  	_ =	shalt  }
0x6d: {  	_ =	shalt  }
0x6e: {  	_ =	shalt  }
0x6f: {  	_ =	shalt  }
0x70: {  	_ =	shalt  }
0x71: {  	_ =	shalt  }
0x72: {  	_ =	shalt  }
0x73: {  	_ =	shalt  }
0x74: {  	_ =	shalt  }
0x75: {  	_ =	shalt  }
0x76: {  	_ =	shalt  }
0x77: {  	_ =	shalt  }
0x78: {  	_ =	shalt  }
0x79: {  	_ =	shalt  }
0x7a: {  	_ =	shalt  }
0x7b: {  	_ =	shalt  }
0x7c: {  	_ =	shalt  }
0x7d: {  	_ =	shalt  }
0x7e: {  	_ =	shalt  }
0x7f: {  	_ =	shalt  }
0x80: {  	_ =	shalt  }
0x81: {  	_ =	shalt  }
0x82: {  	_ =	shalt  }
0x83: {  	_ =	shalt  }
0x84: {  	_ =	shalt  }
0x85: {  	_ =	shalt  }
0x86: {  	_ =	shalt  }
0x87: {  	_ =	shalt  }
.Lfunc_end0:
.L_simem_size_0:
called_computation.3_lowered:
.L_overlay_start_0:
0x88: {  	s2 =	sld [smem:$0x3FD9]  }
0x89: {  	s3 =	sld [smem:$0x3FFE];
	_ =	sdelay $0x1  }
0x8a: {  	s1 =	srdreg.scid  }
0x8b: {  	s0 =	sand.u32 $0x1, s1  }
0x8c: {  	s16 =	sshll.u32 s0, $0xA;
	s2 =	sadd.s32 s3, s2  }
0x8d: {  	s2 =	sadd.s32 s2, s16  }
0x8e: {  	[smem:$0x3FB7] =	sst s2  }
0x8f: {  	_ = 	snop  }
0x90: {  	(tm) =	ssettm $0x1  }
0x91: {  	s17 =	sld [smem:$0x3FFB];
	_ =	sdelay $0x3  }
0x92: {  	_ =	strace s17  }
0x93: {  	s2 =	sld [smem:$0x3FFC];
	_ =	sdelay $0x3  }
0x94: {  	_ =	strace s2  }
0x95: {  	s2 =	sld [smem:$0x3FFD];
	_ =	sdelay $0x3  }
0x96: {  	_ =	strace s2  }
0x97: {  	_ =	strace $0x8FFFFFFF  }
0x98: {  	s18 =	sld [smem:$0x3FDB];
	_ =	sdelay $0x1  }
0x99: {  	s19 =	simm.s32 $_scs_section_size  }
0x9a: {  	s4 =	simm.s32 $_size__tile_overlayer_lowered;
	s5 =	simm.s32 $_tile_overlayer_lowered  }
0x9b: {  	s22 =	simm.s32 $0x1BFF;
	s21 =	sshll.u32 s5, $0x1;
	s2 =	sadd.s32 s19, s18  }
0x9c: {  	s6 =	simm.s32 $0x0;
	s20 =	sshll.u32 s4, $0x1;
	s4 =	sadd.s32 s21, s2  }
0x9d: {  	[timem:s6], [sflag:s22] =	dma.local [hbm:s4], s20  }
0x9e: {  	_ =	swait.ge [sflag:s22], s20  }
0x9f: {  	s3 =	ssub.s32 $0x0, s20;
	[sflag:s22] =	ssyncset.done $0x0  }
0xa0: {  	[sflag:s22] =	ssyncadd.s32 s3;
	_ =	sdelay $0x1  }
0xa1: {  	s23 =	simm.s32 $0x1B8B  }
0xa2: {  	_ =	swait.ge [sflag:s23], $0x1  }
0xa3: {  	[sflag:s23] =	ssyncset.done $0x0  }
0xa4: {  	s25 =	simm.s32 $0x1B8E;
	s24 =	sld [smem:$0x3FFE];
	[sflag:s23] =	ssyncadd.s32 $0xFFFFFFFF  }
0xa5: {  	s26 =	simm.s32 $execute0_lowered;
	[smem:$0x3FD2] =	sst s25  }
0xa6: {  	s4 =	sshll.u32 s26, $0x1;
	_ =	strace $0x8000004F;
	[dreg:$0x1] =	wrdreg $0xFFFFFFFF  }
0xa7: {  	s28 =	simm.s32 $_size_execute0_lowered;
	s2 =	sadd.s32 s2, s4;
	[dreg:$0x0] =	wrdreg $0x0  }
0xa8: {  	s4 =	sshll.u32 s28, $0x1;
	[dreg:$0x2] =	wrdreg s2  }
0xa9: {  	[dreg:$0x3] =	wrdreg s4  }
0xaa: {  	[dreg:$0x4] =	wrdreg $0xC0  }
0xab: {  	_ =	task [dreg:s6], $0x5FFFF  }
0xac: {  	[dreg:$0x1] =	wrdreg $0xFFFFFFFF  }
0xad: {  	[dreg:$0x0] =	wrdreg $0x60  }
0xae: {  	[dreg:$0x2] =	wrdreg s24  }
0xaf: {  	[dreg:$0x3] =	wrdreg $0xCD000  }
0xb0: {  	[dreg:$0x4] =	wrdreg $0x9  }
0xb1: {  	_ =	task.clear_ibuf [dreg:s6], $0x5FFFF;
	_ =	strace $0x9000004F  }
0xb2: {  	s29 =	simm.s32 $0x9;
	_ =	strace $0x80000051  }
0xb3: {  	_ =	swait.ge [sflag:s29], $0x1  }
0xb4: {  	[sflag:s29] =	ssyncadd.s32 $0xFFFFFFFF  }
0xb5: {  	_ =	strace $0x90000051  }
0xb6: {  	_ =	sfence  }
0xb7: {  	s30 =	sld [smem:$0x0];
	_ =	sdelay $0x2  }
0xb8: {  	s31 =	sshll.u32 s1, $0xD;
	s1 =	sshrl.u32 s1, $0x2  }
0xb9: {  	s3 =	sand.u32 $0x4000, s31;
	s1 =	sadd.s32 s1, s30  }
0xba: {  	s0 =	sor.u32 s3, s0;
	s1 =	sshll.u32 s1, $0x11  }
0xbb: {  	s0 =	sor.u32 s1, s0  }
0xbc: {  	s0 =	sadd.s32 $0x8F2B, s0  }
0xbd: {  	[sflag:s0] =	ssyncadd.remote.s32 $0x1  }
0xbe: {  	_ =	sfence.sel $0xFFFF  }
0xbf: {  	[dreg:$0x0] =	wrdreg $0xFFFFFFFF;
	(pc) =	sbr.abs _section_cstart, $3  }
0xc0: {  	[dreg:$0x1] =	wrdreg $0xFFFFFFFF  }
0xc1: {  	_ =	task.clear_ibuf [dreg:s6], $0x2FFFF;
	_ =	strace $0x9FFFFFFF  }
0xc2: {  	(tm) =	ssettm $0x7FFFFFFF  }
0xc3: {  	_ =	shalt  }
tec
execute0_lowered:
.L_overlay_start_1:
0x0: {  	(tag) =	ssettag $0x1  }
0x1: {  	s0 =	srdreg.scid;
	s6 =	rddreg [dreg:$0x0]  }
0x2: {  	s10 =	stileid.u32;
	s2 =	rddreg [dreg:$0x1]  }
0x3: {  	s3 =	simm.s32 $0x0;
	s12 =	simm.s32 $0x9;
	s14 =	simm.s32 $0x7D  }
0x4: {  	s15 =	simm.s32 $0x5000;
	s17 =	simm.s32 $0x6F40;
	s19 =	simm.s32 $0x8E80  }
0x5: {  	s21 =	simm.s32 $0xADC0;
	s22 =	simm.s32 $0x1;
	s23 =	simm.s32 $0x5  }
0x6: {  	s24 =	simm.s32 $0x2;
	s28 =	simm.s32 $0x7;
	s29 =	simm.s32 $0x4  }
0x7: {  	s30 =	simm.s32 $0x8;
	s13 =	simm.s32 $0x4F80;
	s16 =	simm.s32 $0x0  }
0x8: {  	s0 =	sand.u32 $0x1, s0;
	s5 =	smul.u32 $0x1400, s10;
	[smem:$0x7FF] =	sst s3  }
0x9: {  	s4 =	sadd.s32 $0x5C00, s6;
	s8 =	smul.u32 $0x28000, s10;
	s31 =	sshll.u32 s10, $0x6  }
0xa: {  	s1 =	sshll.u32 s0, $0x4;
	s7 =	smul.u32 $0x14000, s0;
	s0 =	ssub.s32 $0x2, s0  }
0xb: {  	_ =	strace $0x80000050;
	s1 =	sor.u32 s10, s1;
	s25 =	sshrl.u32 s0, $0x1  }
0xc: {  	s26 =	sshrl.u32 s8, $0x2;
	s1 =	smul.u32 $0x500, s1;
	s7 =	sadd.s32 s5, s7  }
0xd: {  	s5 =	sadd.s32 $0x2E400, s6;
	s0 =	ssub.s32 s0, s25;
	s11 =	sadd.s32 s26, s2  }
0xe: {  	s25 =	simm.s32 $0x6;
	s26 =	simm.s32 $0x3;
	s9 =	sadd.s32 s7, s6  }
0xf: {  	s10 =	smax.u32 s0, $0x1;
	s11 =	sshrl.u32 s11, $0x3;
	s0 =	simm.s32 $0x4F00  }
0x10: {  	s1 =	sadd.s32 s1, s6;
	s6 =	sor.u32 $0x1C09, s31;
	s9 =	sadd.s32 $0x2F800, s9  }
0x11: {  	s7 =	sadd.s32 $0x1A400, s1;
	s8 =	sadd.s32 $0x24400, s1;
	s1 =	simm.s32 $0x4E80  }
.LBB2_1:
0x12: {  	[spmem:s11], [sflag:s6] =	dma.local [hbm:s5], $0x1400  }
0x13: {  	_ =	swait.ge [sflag:s12], $0x1400  }
0x14: {  	[sflag:s12] =	ssyncset.done $0x0  }
0x15: {  	[sflag:s12] =	ssyncadd.s32 $0xFFFFEC00  }
0x16: {  	[tilespmem:s3], [sflag:$0x9] =	stream.linear.gather [hbm4b:s7+s3], $0x2800, $0x38;
	[tilespmem:$0x16D00] =	vst v63  }
0x17: {  	_ =	swait.ge [sflag:s12], $0x2800  }
0x18: {  	[sflag:s12] =	ssyncset.done $0x0  }
0x19: {  	s18 =	simm.s32 $0x2800;
	[sflag:s12] =	ssyncadd.s32 $0xFFFFD800  }
0x1a: {  	[tilespmem:s18], [sflag:$0x9] =	stream.linear.gather [hbm4b:s8+s3], $0x2800, $0x38;
	[tilespmem:$0x16D00] =	vst v63  }
0x1b: {  	_ =	swait.ge [sflag:s12], $0x2800  }
0x1c: {  	[sflag:s12] =	ssyncset.done $0x0  }
0x1d: {  	[sflag:s12] =	ssyncadd.s32 $0xFFFFD800  }
0x1e: {  	[bflag:$0x0] =	sbarrier.arrive $0xFFFF  }
0x1f: {  	[tilespmem:s15], [sflag:$0x1] =	stream.indirect.gather [hbm4b:s4+s14], $0x40, s3, s14, $0xb8;
	[tilespmem:$0x16D00] =	vst v63  }
0x20: {  	s20 =	simm.s32 $0x80  }
0x21: {  	[tilespmem:s17], [sflag:$0x2] =	stream.indirect.gather [hbm4b:s4+s14], $0x40, s20, s14, $0xb8;
	[tilespmem:$0x16D00] =	vst v63  }
0x22: {  	s31 =	simm.s32 $0x100  }
0x23: {  	[tilespmem:s19], [sflag:$0x3] =	stream.indirect.gather [hbm4b:s4+s14], $0x40, s31, s14, $0xb8;
	[tilespmem:$0x16D00] =	vst v63  }
0x24: {  	s20 =	simm.s32 $0x180  }
0x25: {  	[tilespmem:s21], [sflag:$0x4] =	stream.indirect.gather [hbm4b:s4+s14], $0x40, s20, s14, $0xb8;
	[tilespmem:$0x16D00] =	vst v63  }
0x26: {  	_ =	swait.ge [sflag:s22], $0x1F40  }
0x27: {  	[sflag:s22] =	ssyncset.done $0x0  }
0x28: {  	s31 =	simm.s32 $0x2800;
	[sflag:s22] =	ssyncadd.s32 $0xFFFFE0C0  }
0x29: {  	[spmem:s2] =	stream.indirect.scatter.add.f32 [tilespmem:s15], [sflag:$0x5], $0x40, s31, s14, $0xb8;
	[tilespmem:$0x16D00] =	vst v63  }
0x2a: {  	_ =	swait.ge [sflag:s23], $0x1F40  }
0x2b: {  	[sflag:s23] =	ssyncset.done $0x0  }
0x2c: {  	s20 =	simm.s32 $0x200;
	[sflag:s23] =	ssyncadd.s32 $0xFFFFE0C0  }
0x2d: {  	[tilespmem:s15], [sflag:$0x1] =	stream.indirect.gather [hbm4b:s4+s14], $0x40, s20, s14, $0xb8;
	[tilespmem:$0x16D00] =	vst v63  }
0x2e: {  	_ =	swait.ge [sflag:s24], $0x1F40  }
0x2f: {  	[sflag:s24] =	ssyncset.done $0x0  }
0x30: {  	s31 =	simm.s32 $0x2880;
	[sflag:s24] =	ssyncadd.s32 $0xFFFFE0C0  }
0x31: {  	[spmem:s2] =	stream.indirect.scatter.add.f32 [tilespmem:s17], [sflag:$0x6], $0x40, s31, s14, $0xb8;
	[tilespmem:$0x16D00] =	vst v63  }
0x32: {  	_ =	swait.ge [sflag:s25], $0x1F40  }
0x33: {  	[sflag:s25] =	ssyncset.done $0x0  }
0x34: {  	s20 =	simm.s32 $0x280;
	[sflag:s25] =	ssyncadd.s32 $0xFFFFE0C0  }
0x35: {  	[tilespmem:s17], [sflag:$0x2] =	stream.indirect.gather [hbm4b:s4+s14], $0x40, s20, s14, $0xb8;
	[tilespmem:$0x16D00] =	vst v63  }
0x36: {  	_ =	swait.ge [sflag:s26], $0x1F40  }
0x37: {  	[sflag:s26] =	ssyncset.done $0x0  }
0x38: {  	s31 =	simm.s32 $0x2900;
	[sflag:s26] =	ssyncadd.s32 $0xFFFFE0C0  }
0x39: {  	[spmem:s2] =	stream.indirect.scatter.add.f32 [tilespmem:s19], [sflag:$0x7], $0x40, s31, s14, $0xb8;
	[tilespmem:$0x16D00] =	vst v63  }
0x3a: {  	_ =	swait.ge [sflag:s28], $0x1F40  }
0x3b: {  	[sflag:s28] =	ssyncset.done $0x0  }
0x3c: {  	s20 =	simm.s32 $0x300;
	[sflag:s28] =	ssyncadd.s32 $0xFFFFE0C0  }
0x3d: {  	[tilespmem:s19], [sflag:$0x3] =	stream.indirect.gather [hbm4b:s4+s14], $0x40, s20, s14, $0xb8;
	[tilespmem:$0x16D00] =	vst v63  }
0x3e: {  	_ =	swait.ge [sflag:s29], $0x1F40  }
0x3f: {  	[sflag:s29] =	ssyncset.done $0x0  }
0x40: {  	s31 =	simm.s32 $0x2980;
	[sflag:s29] =	ssyncadd.s32 $0xFFFFE0C0  }
0x41: {  	[spmem:s2] =	stream.indirect.scatter.add.f32 [tilespmem:s21], [sflag:$0x8], $0x40, s31, s14, $0xb8;
	[tilespmem:$0x16D00] =	vst v63  }
0x42: {  	_ =	swait.ge [sflag:s30], $0x1F40  }
0x43: {  	[sflag:s30] =	ssyncset.done $0x0  }
0x44: {  	s18 =	simm.s32 $0x800;
	s20 =	simm.s32 $0x380;
	[sflag:s30] =	ssyncadd.s32 $0xFFFFE0C0  }
.LBB2_2:
0x45: {  	[tilespmem:s21], [sflag:$0x4] =	stream.indirect.gather [hbm4b:s4+s14], $0x40, s20, s14, $0xb8;
	[tilespmem:$0x16D00] =	vst v63  }
0x46: {  	s20 =	smov.u32 s18  }
0x47: {  	p0 =	sne.s32 s18, $0x9000;
	s18 =	sadd.s32 $0x800, s18;
	_ =	swait.ge [sflag:s22], $0x1F40  }
0x48: {  	s20 =	sshra.s32 s20, $0x2;
	[sflag:s22] =	ssyncset.done $0x0  }
0x49: {  	s31 =	sadd.s32 $0x2800, s20;
	[sflag:s22] =	ssyncadd.s32 $0xFFFFE0C0  }
0x4a: {  	[spmem:s2] =	stream.indirect.scatter.add.f32 [tilespmem:s15], [sflag:$0x5], $0x40, s31, s14, $0xb8;
	[tilespmem:$0x16D00] =	vst v63  }
0x4b: {  	_ =	swait.ge [sflag:s23], $0x1F40  }
0x4c: {  	[sflag:s23] =	ssyncset.done $0x0  }
0x4d: {  	s31 =	sadd.s32 $0x200, s20;
	[sflag:s23] =	ssyncadd.s32 $0xFFFFE0C0  }
0x4e: {  	[tilespmem:s15], [sflag:$0x1] =	stream.indirect.gather [hbm4b:s4+s14], $0x40, s31, s14, $0xb8;
	[tilespmem:$0x16D00] =	vst v63  }
0x4f: {  	_ =	swait.ge [sflag:s24], $0x1F40  }
0x50: {  	[sflag:s24] =	ssyncset.done $0x0  }
0x51: {  	s31 =	sadd.s32 $0x2880, s20;
	[sflag:s24] =	ssyncadd.s32 $0xFFFFE0C0  }
0x52: {  	[spmem:s2] =	stream.indirect.scatter.add.f32 [tilespmem:s17], [sflag:$0x6], $0x40, s31, s14, $0xb8;
	[tilespmem:$0x16D00] =	vst v63  }
0x53: {  	_ =	swait.ge [sflag:s25], $0x1F40  }
0x54: {  	[sflag:s25] =	ssyncset.done $0x0  }
0x55: {  	s31 =	sadd.s32 $0x280, s20;
	[sflag:s25] =	ssyncadd.s32 $0xFFFFE0C0  }
0x56: {  	[tilespmem:s17], [sflag:$0x2] =	stream.indirect.gather [hbm4b:s4+s14], $0x40, s31, s14, $0xb8;
	[tilespmem:$0x16D00] =	vst v63  }
0x57: {  	_ =	swait.ge [sflag:s26], $0x1F40  }
0x58: {  	[sflag:s26] =	ssyncset.done $0x0  }
0x59: {  	s31 =	sadd.s32 $0x2900, s20;
	[sflag:s26] =	ssyncadd.s32 $0xFFFFE0C0  }
0x5a: {  	[spmem:s2] =	stream.indirect.scatter.add.f32 [tilespmem:s19], [sflag:$0x7], $0x40, s31, s14, $0xb8;
	[tilespmem:$0x16D00] =	vst v63  }
0x5b: {  	_ =	swait.ge [sflag:s28], $0x1F40  }
0x5c: {  	[sflag:s28] =	ssyncset.done $0x0  }
0x5d: {  	s31 =	sadd.s32 $0x300, s20;
	[sflag:s28] =	ssyncadd.s32 $0xFFFFE0C0  }
0x5e: {  	[tilespmem:s19], [sflag:$0x3] =	stream.indirect.gather [hbm4b:s4+s14], $0x40, s31, s14, $0xb8;
	[tilespmem:$0x16D00] =	vst v63  }
0x5f: {  	_ =	swait.ge [sflag:s29], $0x1F40  }
0x60: {  	[sflag:s29] =	ssyncset.done $0x0  }
.Ltmp0:
0x61: {  	s31 =	sadd.s32 $0x2980, s20;
	[sflag:s29] =	ssyncadd.s32 $0xFFFFE0C0;
	(pc) =	sbr.rel @p0 .LBB2_2-.Ltmp0, $4  }
0x62: {  	[spmem:s2] =	stream.indirect.scatter.add.f32 [tilespmem:s21], [sflag:$0x8], $0x40, s31, s14, $0xb8;
	[tilespmem:$0x16D00] =	vst v63  }
0x63: {  	_ =	swait.ge [sflag:s30], $0x1F40  }
0x64: {  	[sflag:s30] =	ssyncset.done $0x0  }
0x65: {  	s20 =	sadd.s32 $0x380, s20;
	[sflag:s30] =	ssyncadd.s32 $0xFFFFE0C0  }
0x66: {  	[tilespmem:s21], [sflag:$0x4] =	stream.indirect.gather [hbm4b:s4+s14], $0x40, s20, s14, $0xb8;
	[tilespmem:$0x16D00] =	vst v63  }
0x67: {  	_ =	swait.ge [sflag:s22], $0x1F40  }
0x68: {  	[sflag:s22] =	ssyncset.done $0x0  }
0x69: {  	s18 =	simm.s32 $0x4E00;
	[sflag:s22] =	ssyncadd.s32 $0xFFFFE0C0  }
0x6a: {  	[spmem:s2] =	stream.indirect.scatter.add.f32 [tilespmem:s15], [sflag:$0x5], $0x40, s18, s14, $0xb8;
	[tilespmem:$0x16D00] =	vst v63  }
0x6b: {  	_ =	swait.ge [sflag:s23], $0x1F40  }
0x6c: {  	[sflag:s23] =	ssyncset.done $0x0  }
0x6d: {  	[sflag:s23] =	ssyncadd.s32 $0xFFFFE0C0  }
0x6e: {  	_ =	swait.ge [sflag:s24], $0x1F40  }
0x6f: {  	[sflag:s24] =	ssyncset.done $0x0  }
0x70: {  	[sflag:s24] =	ssyncadd.s32 $0xFFFFE0C0  }
0x71: {  	[spmem:s2] =	stream.indirect.scatter.add.f32 [tilespmem:s17], [sflag:$0x6], $0x40, s1, s14, $0xb8;
	[tilespmem:$0x16D00] =	vst v63  }
0x72: {  	_ =	swait.ge [sflag:s25], $0x1F40  }
0x73: {  	[sflag:s25] =	ssyncset.done $0x0  }
0x74: {  	[sflag:s25] =	ssyncadd.s32 $0xFFFFE0C0  }
0x75: {  	_ =	swait.ge [sflag:s26], $0x1F40  }
0x76: {  	[sflag:s26] =	ssyncset.done $0x0  }
0x77: {  	[sflag:s26] =	ssyncadd.s32 $0xFFFFE0C0  }
0x78: {  	[spmem:s2] =	stream.indirect.scatter.add.f32 [tilespmem:s19], [sflag:$0x7], $0x40, s0, s14, $0xb8;
	[tilespmem:$0x16D00] =	vst v63  }
0x79: {  	_ =	swait.ge [sflag:s28], $0x1F40  }
0x7a: {  	[sflag:s28] =	ssyncset.done $0x0  }
0x7b: {  	[sflag:s28] =	ssyncadd.s32 $0xFFFFE0C0  }
0x7c: {  	_ =	swait.ge [sflag:s29], $0x1F40  }
0x7d: {  	[sflag:s29] =	ssyncset.done $0x0  }
0x7e: {  	[sflag:s29] =	ssyncadd.s32 $0xFFFFE0C0  }
0x7f: {  	[spmem:s2] =	stream.indirect.scatter.add.f32 [tilespmem:s21], [sflag:$0x8], $0x40, s13, s14, $0xb8;
	[tilespmem:$0x16D00] =	vst v63  }
0x80: {  	_ =	swait.ge [sflag:s30], $0x1F40  }
0x81: {  	s16 =	sadd.s32 $0x1, s16;
	[sflag:s30] =	ssyncset.done $0x0  }
0x82: {  	p0 =	sne.s32 s16, s10;
	[sflag:s30] =	ssyncadd.s32 $0xFFFFE0C0  }
.Ltmp1:
0x83: {  	[bflag:$0x0] =	sbarrier.arrive $0xFFFF;
	(pc) =	sbr.rel @p0 .LBB2_1-.Ltmp1, $4  }
0x84: {  	[hbm:s9], [sflag:s6] =	dma.local [spmem:s11], $0x1400  }
0x85: {  	_ =	swait.ge [sflag:s12], $0x1400  }
0x86: {  	[sflag:s12] =	ssyncset.done $0x0  }
0x87: {  	[sflag:s12] =	ssyncadd.s32 $0xFFFFEC00  }
0x88: {  	_ =	sfence.sel $0x180000  }
0x89: {  	[bflag:$0x0] =	sbarrier.arrive $0xFFFF  }
0x8a: {  	_ =	strace $0x90000050  }
0x8b: {  	s0 =	stileid.u32;
	[bflag:$0x2] =	sbarrier.arrive $0xFFFF  }
0x8c: {  	p0 =	sne.s32 s0, $0x0;
	s0 =	rddreg [dreg:$0x2]  }
0x8d: {  	s0 =	sadd.s32 @!p0 $0x100000, s0  }
0x8e: {  	[sflag:s0] =	ssyncadd.tile.s32 @!p0 $0x1;
	_ =	shalt  }
.Lfunc_end2:
_tile_overlayer_lowered:
.L_overlay_start_2:
0x8f: {  	(tag) =	ssettag $0x2  }
0x90: {  	s0 =	rddreg [dreg:$0x0];
	s2 =	stileid.u32  }
0x91: {  	s1 =	rddreg [dreg:$0x1];
	p0 =	sne.s32 s2, $0x0  }
0x92: {  	s3 =	rddreg [dreg:$0x2];
	[bflag:$0x3] =	sbarrier.arrive $0xFFFF;
	s2 =	simm.s32 @!p0 $0x1C09  }
0x93: {  	[timem:s3], [sflag:s2] =	dma.local @!p0 [hbm:s0], s1  }
0x94: {  	s0 =	simm.s32 @!p0 $0x9  }
0x95: {  	_ =	swait.ge @!p0 [sflag:s0], s1  }
0x96: {  	s1 =	ssub.s32 @!p0 $0x0, s1;
	[sflag:s0] =	ssyncset.done @!p0 $0x0  }
0x97: {  	[sflag:s0] =	ssyncadd.s32 @!p0 s1  }
0x98: {  	[bflag:$0x3] =	sbarrier.arrive $0xFFFF  }
0x99: {  	_ =	shalt  }

// kernel: kernel.24.cloned.1.call-start
scs
__scs_entry_jumppad:
0x0: {  	(pc) =	sbr.rel $0x88, $3  }
0x1: {  	(tag) =	ssettag $0x0;
	lr =	simm.s32 $0x1  }
0x2: {  	[smem:$0x3F90] =	sst lr;
	_ =	strace $0xD0000000  }
0x3: {  	_ = 	snop  }
0x4: {  	_ = 	snop  }
0x5: {  	_ = 	snop  }
0x6: {  	_ = 	snop  }
0x7: {  	_ = 	snop  }
__scs_overlays_trampoline_lowered:
0x8: {  	[smem:$0x3F9F] =	sst s0  }
0x9: {  	[smem:$0x3FA0] =	sst s1  }
0xa: {  	[smem:$0x3FA1] =	sst s2  }
0xb: {  	[smem:$0x3FA2] =	sst s3  }
0xc: {  	[smem:$0x3FA3] =	sst s4  }
0xd: {  	[smem:$0x3FA4] =	sst s5  }
0xe: {  	[smem:$0x3FA5] =	sst s6  }
0xf: {  	[smem:$0x3FA6] =	sst s7  }
0x10: {  	[smem:$0x3FA7] =	sst s8  }
0x11: {  	[smem:$0x3FA8] =	sst s9;
	s0 =	simm.s32 @!p0 $0x0  }
0x12: {  	s1 =	sld [smem:$0x3F8E];
	s0 =	simm.s32 @p0 $0x1  }
0x13: {  	[smem:$0x3FA9] =	sst s0;
	s0 =	simm.s32 @!p1 $0x0  }
0x14: {  	s2 =	sld [smem:$0x3F8D];
	s0 =	simm.s32 @p1 $0x1  }
0x15: {  	[smem:$0x3FAA] =	sst s0;
	s0 =	simm.s32 @!p2 $0x0  }
0x16: {  	s3 =	sld [smem:$0x3FDB];
	s0 =	simm.s32 @p2 $0x1  }
0x17: {  	s4 =	simm.s32 $0x1BF5;
	[smem:$0x3FAC] =	sst s0  }
0x18: {  	s0 =	sld [smem:$0x3F8F];
	_ =	swait.ge [sflag:s4], $0x0  }
0x19: {  	s7 =	sld [smem:$0x3F90]  }
0x1a: {  	s8 =	sadd.s32 $0xFFFFE003, lr  }
0x1b: {  	s9 =	sadd.s32 $0xFFFFFEF7, lr;
	s5 =	simm.s32 $0xFFFFFFFF;
	p2 =	slt.u32 s8, $0xFFFFF086  }
0x1c: {  	p1 =	slt.u32 s9, $0xF7A;
	s5 =	simm.s32 @!p2 $0x0  }
0x1d: {  	s5 =	simm.s32 @p1 $0x1;
	p0 =	seq.s32 s7, s2  }
0x1e: {  	s7 =	smul.u32 @!p0 $0xF7A, s2;
	p2 =	seq.s32 @!p0 s5, $0x0  }
0x1f: {  	s9 =	smul.u32 $0xF7A, s1;
	s8 =	simm.s32 @!p0 $0x1BF5;
	p2 =	por !p2, p0  }
0x20: {  	[sflag:s8] =	ssyncset.s32 @!p0 $0xFFFFF086;
	s6 =	sadd.s32 @!p0 s3, s7;
	s7 =	simm.s32 @!p0 $0x108  }
0x21: {  	s3 =	sadd.s32 s3, s9;
	s6 =	sadd.s32 @!p0 $0x88, s6;
	s7 =	simm.s32 @p2 $0x1082  }
0x22: {  	[simem:s7], [sflag:s8] =	dma.local @!p0 [hbm:s6], $0xF7A  }
0x23: {  	s9 =	sor.u32 $0xD0000000, s2;
	s6 =	simm.s32 $0x108;
	_ =	swait.ge @!p0 [sflag:s8], $0x0  }
0x24: {  	s3 =	sadd.s32 $0x88, s3;
	s6 =	simm.s32 @!p1 $0x1082;
	[sflag:s4] =	ssyncset.s32 $0xFFFFF086  }
0x25: {  	[simem:s6], [sflag:s4] =	dma.local [hbm:s3], $0xF7A  }
0x26: {  	[smem:$0x3F90] =	sst s1;
	(tag) =	ssettag s2;
	_ =	strace s9  }
0x27: {  	s1 =	sld [smem:$0x3FA0]  }
0x28: {  	s2 =	sld [smem:$0x3FA1]  }
0x29: {  	s4 =	sld [smem:$0x3FA3]  }
0x2a: {  	p0 =	seq.s32 s5, $0x0;
	s5 =	sld [smem:$0x3FA4]  }
0x2b: {  	s6 =	sld [smem:$0x3FA5]  }
0x2c: {  	s7 =	sld [smem:$0x3FA6]  }
0x2d: {  	s3 =	simm.s32 $0x108;
	s8 =	sld [smem:$0x3FA7]  }
0x2e: {  	s3 =	simm.s32 @!p0 $0x1082;
	s9 =	sld [smem:$0x3FA8]  }
0x2f: {  	lr =	sadd.s32 s0, s3;
	s0 =	sld [smem:$0x3F9F]  }
0x30: {  	s3 =	sld [smem:$0x3FA2]  }
0x31: {  	[smem:$0x3FAB] =	sst s10  }
0x32: {  	s10 =	sld [smem:$0x3FA9];
	_ =	sdelay $0x3  }
0x33: {  	p0 =	seq.s32 s10, $0x1;
	s10 =	sld [smem:$0x3FAB];
	_ =	sdelay $0x3  }
0x34: {  	[smem:$0x3FAB] =	sst s10  }
0x35: {  	s10 =	sld [smem:$0x3FAA];
	_ =	sdelay $0x3  }
0x36: {  	p1 =	seq.s32 s10, $0x1;
	s10 =	sld [smem:$0x3FAB];
	_ =	sdelay $0x3  }
0x37: {  	[smem:$0x3FAB] =	sst s10  }
0x38: {  	s10 =	sld [smem:$0x3FAC]  }
0x39: {  	_ = 	snop;
	(pc) =	sbr.ind lr, $3  }
0x3a: {  	_ = 	snop  }
0x3b: {  	_ = 	snop  }
0x3c: {  	p2 =	seq.s32 s10, $0x1;
	s10 =	sld [smem:$0x3FAB]  }
0x3d: {  	_ =	shalt  }
0x3e: {  	_ =	shalt  }
0x3f: {  	_ =	shalt  }
0x40: {  	_ =	shalt  }
0x41: {  	_ =	shalt  }
0x42: {  	_ =	shalt  }
0x43: {  	_ =	shalt  }
0x44: {  	_ =	shalt  }
0x45: {  	_ =	shalt  }
0x46: {  	_ =	shalt  }
0x47: {  	_ =	shalt  }
0x48: {  	_ =	shalt  }
0x49: {  	_ =	shalt  }
0x4a: {  	_ =	shalt  }
0x4b: {  	_ =	shalt  }
0x4c: {  	_ =	shalt  }
0x4d: {  	_ =	shalt  }
0x4e: {  	_ =	shalt  }
0x4f: {  	_ =	shalt  }
0x50: {  	_ =	shalt  }
0x51: {  	_ =	shalt  }
0x52: {  	_ =	shalt  }
0x53: {  	_ =	shalt  }
0x54: {  	_ =	shalt  }
0x55: {  	_ =	shalt  }
0x56: {  	_ =	shalt  }
0x57: {  	_ =	shalt  }
0x58: {  	_ =	shalt  }
0x59: {  	_ =	shalt  }
0x5a: {  	_ =	shalt  }
0x5b: {  	_ =	shalt  }
0x5c: {  	_ =	shalt  }
0x5d: {  	_ =	shalt  }
0x5e: {  	_ =	shalt  }
0x5f: {  	_ =	shalt  }
0x60: {  	_ =	shalt  }
0x61: {  	_ =	shalt  }
0x62: {  	_ =	shalt  }
0x63: {  	_ =	shalt  }
0x64: {  	_ =	shalt  }
0x65: {  	_ =	shalt  }
0x66: {  	_ =	shalt  }
0x67: {  	_ =	shalt  }
0x68: {  	_ =	shalt  }
0x69: {  	_ =	shalt  }
0x6a: {  	_ =	shalt  }
0x6b: {  	_ =	shalt  }
0x6c: {  	_ =	shalt  }
0x6d: {  	_ =	shalt  }
0x6e: {  	_ =	shalt  }
0x6f: {  	_ =	shalt  }
0x70: {  	_ =	shalt  }
0x71: {  	_ =	shalt  }
0x72: {  	_ =	shalt  }
0x73: {  	_ =	shalt  }
0x74: {  	_ =	shalt  }
0x75: {  	_ =	shalt  }
0x76: {  	_ =	shalt  }
0x77: {  	_ =	shalt  }
0x78: {  	_ =	shalt  }
0x79: {  	_ =	shalt  }
0x7a: {  	_ =	shalt  }
0x7b: {  	_ =	shalt  }
0x7c: {  	_ =	shalt  }
0x7d: {  	_ =	shalt  }
0x7e: {  	_ =	shalt  }
0x7f: {  	_ =	shalt  }
0x80: {  	_ =	shalt  }
0x81: {  	_ =	shalt  }
0x82: {  	_ =	shalt  }
0x83: {  	_ =	shalt  }
0x84: {  	_ =	shalt  }
0x85: {  	_ =	shalt  }
0x86: {  	_ =	shalt  }
0x87: {  	_ =	shalt  }
.Lfunc_end0:
.L_simem_size_0:
called_computation.4_lowered:
.L_overlay_start_0:
0x88: {  	s2 =	sld [smem:$0x3FD9]  }
0x89: {  	s3 =	sld [smem:$0x3FFE];
	_ =	sdelay $0x1  }
0x8a: {  	s1 =	srdreg.scid  }
0x8b: {  	s0 =	sand.u32 $0x1, s1  }
0x8c: {  	s16 =	sshll.u32 s0, $0xA;
	s2 =	sadd.s32 s3, s2  }
0x8d: {  	s2 =	sadd.s32 s2, s16  }
0x8e: {  	[smem:$0x3FB7] =	sst s2  }
0x8f: {  	_ = 	snop  }
0x90: {  	(tm) =	ssettm $0x1  }
0x91: {  	s17 =	sld [smem:$0x3FFB];
	_ =	sdelay $0x3  }
0x92: {  	_ =	strace s17  }
0x93: {  	s2 =	sld [smem:$0x3FFC];
	_ =	sdelay $0x3  }
0x94: {  	_ =	strace s2  }
0x95: {  	s2 =	sld [smem:$0x3FFD];
	_ =	sdelay $0x3  }
0x96: {  	_ =	strace s2  }
0x97: {  	_ =	strace $0x8FFFFFFF  }
0x98: {  	s18 =	sld [smem:$0x3FDB];
	_ =	sdelay $0x1  }
0x99: {  	s19 =	simm.s32 $_scs_section_size  }
0x9a: {  	s4 =	simm.s32 $_size__tile_overlayer_lowered;
	s5 =	simm.s32 $_tile_overlayer_lowered  }
0x9b: {  	s22 =	simm.s32 $0x1BFF;
	s21 =	sshll.u32 s5, $0x1;
	s2 =	sadd.s32 s19, s18  }
0x9c: {  	s6 =	simm.s32 $0x0;
	s20 =	sshll.u32 s4, $0x1;
	s4 =	sadd.s32 s21, s2  }
0x9d: {  	[timem:s6], [sflag:s22] =	dma.local [hbm:s4], s20  }
0x9e: {  	_ =	swait.ge [sflag:s22], s20  }
0x9f: {  	s3 =	ssub.s32 $0x0, s20;
	[sflag:s22] =	ssyncset.done $0x0  }
0xa0: {  	[sflag:s22] =	ssyncadd.s32 s3;
	_ =	sdelay $0x1  }
0xa1: {  	s23 =	simm.s32 $0x1B8B  }
0xa2: {  	_ =	swait.ge [sflag:s23], $0x1  }
0xa3: {  	[sflag:s23] =	ssyncset.done $0x0  }
0xa4: {  	s25 =	simm.s32 $0x1B8E;
	s24 =	sld [smem:$0x3FFE];
	[sflag:s23] =	ssyncadd.s32 $0xFFFFFFFF  }
0xa5: {  	s26 =	simm.s32 $execute0_lowered;
	[smem:$0x3FD2] =	sst s25  }
0xa6: {  	s4 =	sshll.u32 s26, $0x1;
	_ =	strace $0x80000052;
	[dreg:$0x1] =	wrdreg $0xFFFFFFFF  }
0xa7: {  	s28 =	simm.s32 $_size_execute0_lowered;
	s2 =	sadd.s32 s2, s4;
	[dreg:$0x0] =	wrdreg $0x0  }
0xa8: {  	s4 =	sshll.u32 s28, $0x1;
	[dreg:$0x2] =	wrdreg s2  }
0xa9: {  	[dreg:$0x3] =	wrdreg s4  }
0xaa: {  	[dreg:$0x4] =	wrdreg $0xC0  }
0xab: {  	_ =	task [dreg:s6], $0x5FFFF  }
0xac: {  	[dreg:$0x1] =	wrdreg $0xFFFFFFFF  }
0xad: {  	[dreg:$0x0] =	wrdreg $0x60  }
0xae: {  	[dreg:$0x2] =	wrdreg s24  }
0xaf: {  	[dreg:$0x3] =	wrdreg $0xCD000  }
0xb0: {  	[dreg:$0x4] =	wrdreg $0x9  }
0xb1: {  	_ =	task.clear_ibuf [dreg:s6], $0x5FFFF;
	_ =	strace $0x90000052  }
0xb2: {  	s29 =	simm.s32 $0x9;
	_ =	strace $0x80000054  }
0xb3: {  	_ =	swait.ge [sflag:s29], $0x1  }
0xb4: {  	[sflag:s29] =	ssyncadd.s32 $0xFFFFFFFF  }
0xb5: {  	_ =	strace $0x90000054  }
0xb6: {  	_ =	sfence  }
0xb7: {  	s30 =	sld [smem:$0x0];
	_ =	sdelay $0x2  }
0xb8: {  	s31 =	sshll.u32 s1, $0xD;
	s1 =	sshrl.u32 s1, $0x2  }
0xb9: {  	s3 =	sand.u32 $0x4000, s31;
	s1 =	sadd.s32 s1, s30  }
0xba: {  	s0 =	sor.u32 s3, s0;
	s1 =	sshll.u32 s1, $0x11  }
0xbb: {  	s0 =	sor.u32 s1, s0  }
0xbc: {  	s0 =	sadd.s32 $0x8F2B, s0  }
0xbd: {  	[sflag:s0] =	ssyncadd.remote.s32 $0x1  }
0xbe: {  	_ =	sfence.sel $0xFFFF  }
0xbf: {  	[dreg:$0x0] =	wrdreg $0xFFFFFFFF;
	(pc) =	sbr.abs _section_cstart, $3  }
0xc0: {  	[dreg:$0x1] =	wrdreg $0xFFFFFFFF  }
0xc1: {  	_ =	task.clear_ibuf [dreg:s6], $0x2FFFF;
	_ =	strace $0x9FFFFFFF  }
0xc2: {  	(tm) =	ssettm $0x7FFFFFFF  }
0xc3: {  	_ =	shalt  }
tec
execute0_lowered:
.L_overlay_start_1:
0x0: {  	(tag) =	ssettag $0x1  }
0x1: {  	s0 =	srdreg.scid;
	s6 =	rddreg [dreg:$0x0]  }
0x2: {  	s10 =	stileid.u32;
	s2 =	rddreg [dreg:$0x1]  }
0x3: {  	s3 =	simm.s32 $0x0;
	s12 =	simm.s32 $0x9;
	s14 =	simm.s32 $0x7D  }
0x4: {  	s15 =	simm.s32 $0x5000;
	s17 =	simm.s32 $0x6F40;
	s19 =	simm.s32 $0x8E80  }
0x5: {  	s21 =	simm.s32 $0xADC0;
	s22 =	simm.s32 $0x1;
	s23 =	simm.s32 $0x5  }
0x6: {  	s24 =	simm.s32 $0x2;
	s28 =	simm.s32 $0x7;
	s29 =	simm.s32 $0x4  }
0x7: {  	s30 =	simm.s32 $0x8;
	s13 =	simm.s32 $0x4F80;
	s16 =	simm.s32 $0x0  }
0x8: {  	s0 =	sand.u32 $0x1, s0;
	s5 =	smul.u32 $0x1400, s10;
	[smem:$0x7FF] =	sst s3  }
0x9: {  	s4 =	sadd.s32 $0x5C00, s6;
	s8 =	smul.u32 $0x28000, s10;
	s31 =	sshll.u32 s10, $0x6  }
0xa: {  	s1 =	sshll.u32 s0, $0x4;
	s7 =	smul.u32 $0x14000, s0;
	s0 =	ssub.s32 $0x2, s0  }
0xb: {  	_ =	strace $0x80000053;
	s1 =	sor.u32 s10, s1;
	s25 =	sshrl.u32 s0, $0x1  }
0xc: {  	s26 =	sshrl.u32 s8, $0x2;
	s1 =	smul.u32 $0x500, s1;
	s7 =	sadd.s32 s5, s7  }
0xd: {  	s5 =	sadd.s32 $0x2E400, s6;
	s0 =	ssub.s32 s0, s25;
	s11 =	sadd.s32 s26, s2  }
0xe: {  	s25 =	simm.s32 $0x6;
	s26 =	simm.s32 $0x3;
	s9 =	sadd.s32 s7, s6  }
0xf: {  	s10 =	smax.u32 s0, $0x1;
	s11 =	sshrl.u32 s11, $0x3;
	s0 =	simm.s32 $0x4F00  }
0x10: {  	s1 =	sadd.s32 s1, s6;
	s6 =	sor.u32 $0x1C09, s31;
	s9 =	sadd.s32 $0x2F800, s9  }
0x11: {  	s7 =	sadd.s32 $0x1A400, s1;
	s8 =	sadd.s32 $0x24400, s1;
	s1 =	simm.s32 $0x4E80  }
.LBB2_1:
0x12: {  	[spmem:s11], [sflag:s6] =	dma.local [hbm:s5], $0x1400  }
0x13: {  	_ =	swait.ge [sflag:s12], $0x1400  }
0x14: {  	[sflag:s12] =	ssyncset.done $0x0  }
0x15: {  	[sflag:s12] =	ssyncadd.s32 $0xFFFFEC00  }
0x16: {  	[tilespmem:s3], [sflag:$0x9] =	stream.linear.gather [hbm4b:s7+s3], $0x2800, $0x38;
	[tilespmem:$0x16D00] =	vst v63  }
0x17: {  	_ =	swait.ge [sflag:s12], $0x2800  }
0x18: {  	[sflag:s12] =	ssyncset.done $0x0  }
0x19: {  	s18 =	simm.s32 $0x2800;
	[sflag:s12] =	ssyncadd.s32 $0xFFFFD800  }
0x1a: {  	[tilespmem:s18], [sflag:$0x9] =	stream.linear.gather [hbm4b:s8+s3], $0x2800, $0x38;
	[tilespmem:$0x16D00] =	vst v63  }
0x1b: {  	_ =	swait.ge [sflag:s12], $0x2800  }
0x1c: {  	[sflag:s12] =	ssyncset.done $0x0  }
0x1d: {  	[sflag:s12] =	ssyncadd.s32 $0xFFFFD800  }
0x1e: {  	[bflag:$0x0] =	sbarrier.arrive $0xFFFF  }
0x1f: {  	[tilespmem:s15], [sflag:$0x1] =	stream.indirect.gather [hbm4b:s4+s14], $0x40, s3, s14, $0xb8;
	[tilespmem:$0x16D00] =	vst v63  }
0x20: {  	s20 =	simm.s32 $0x80  }
0x21: {  	[tilespmem:s17], [sflag:$0x2] =	stream.indirect.gather [hbm4b:s4+s14], $0x40, s20, s14, $0xb8;
	[tilespmem:$0x16D00] =	vst v63  }
0x22: {  	s31 =	simm.s32 $0x100  }
0x23: {  	[tilespmem:s19], [sflag:$0x3] =	stream.indirect.gather [hbm4b:s4+s14], $0x40, s31, s14, $0xb8;
	[tilespmem:$0x16D00] =	vst v63  }
0x24: {  	s20 =	simm.s32 $0x180  }
0x25: {  	[tilespmem:s21], [sflag:$0x4] =	stream.indirect.gather [hbm4b:s4+s14], $0x40, s20, s14, $0xb8;
	[tilespmem:$0x16D00] =	vst v63  }
0x26: {  	_ =	swait.ge [sflag:s22], $0x1F40  }
0x27: {  	[sflag:s22] =	ssyncset.done $0x0  }
0x28: {  	s31 =	simm.s32 $0x2800;
	[sflag:s22] =	ssyncadd.s32 $0xFFFFE0C0  }
0x29: {  	[spmem:s2] =	stream.indirect.scatter.add.f32 [tilespmem:s15], [sflag:$0x5], $0x40, s31, s14, $0xb8;
	[tilespmem:$0x16D00] =	vst v63  }
0x2a: {  	_ =	swait.ge [sflag:s23], $0x1F40  }
0x2b: {  	[sflag:s23] =	ssyncset.done $0x0  }
0x2c: {  	s20 =	simm.s32 $0x200;
	[sflag:s23] =	ssyncadd.s32 $0xFFFFE0C0  }
0x2d: {  	[tilespmem:s15], [sflag:$0x1] =	stream.indirect.gather [hbm4b:s4+s14], $0x40, s20, s14, $0xb8;
	[tilespmem:$0x16D00] =	vst v63  }
0x2e: {  	_ =	swait.ge [sflag:s24], $0x1F40  }
0x2f: {  	[sflag:s24] =	ssyncset.done $0x0  }
0x30: {  	s31 =	simm.s32 $0x2880;
	[sflag:s24] =	ssyncadd.s32 $0xFFFFE0C0  }
0x31: {  	[spmem:s2] =	stream.indirect.scatter.add.f32 [tilespmem:s17], [sflag:$0x6], $0x40, s31, s14, $0xb8;
	[tilespmem:$0x16D00] =	vst v63  }
0x32: {  	_ =	swait.ge [sflag:s25], $0x1F40  }
0x33: {  	[sflag:s25] =	ssyncset.done $0x0  }
0x34: {  	s20 =	simm.s32 $0x280;
	[sflag:s25] =	ssyncadd.s32 $0xFFFFE0C0  }
0x35: {  	[tilespmem:s17], [sflag:$0x2] =	stream.indirect.gather [hbm4b:s4+s14], $0x40, s20, s14, $0xb8;
	[tilespmem:$0x16D00] =	vst v63  }
0x36: {  	_ =	swait.ge [sflag:s26], $0x1F40  }
0x37: {  	[sflag:s26] =	ssyncset.done $0x0  }
0x38: {  	s31 =	simm.s32 $0x2900;
	[sflag:s26] =	ssyncadd.s32 $0xFFFFE0C0  }
0x39: {  	[spmem:s2] =	stream.indirect.scatter.add.f32 [tilespmem:s19], [sflag:$0x7], $0x40, s31, s14, $0xb8;
	[tilespmem:$0x16D00] =	vst v63  }
0x3a: {  	_ =	swait.ge [sflag:s28], $0x1F40  }
0x3b: {  	[sflag:s28] =	ssyncset.done $0x0  }
0x3c: {  	s20 =	simm.s32 $0x300;
	[sflag:s28] =	ssyncadd.s32 $0xFFFFE0C0  }
0x3d: {  	[tilespmem:s19], [sflag:$0x3] =	stream.indirect.gather [hbm4b:s4+s14], $0x40, s20, s14, $0xb8;
	[tilespmem:$0x16D00] =	vst v63  }
0x3e: {  	_ =	swait.ge [sflag:s29], $0x1F40  }
0x3f: {  	[sflag:s29] =	ssyncset.done $0x0  }
0x40: {  	s31 =	simm.s32 $0x2980;
	[sflag:s29] =	ssyncadd.s32 $0xFFFFE0C0  }
0x41: {  	[spmem:s2] =	stream.indirect.scatter.add.f32 [tilespmem:s21], [sflag:$0x8], $0x40, s31, s14, $0xb8;
	[tilespmem:$0x16D00] =	vst v63  }
0x42: {  	_ =	swait.ge [sflag:s30], $0x1F40  }
0x43: {  	[sflag:s30] =	ssyncset.done $0x0  }
0x44: {  	s18 =	simm.s32 $0x800;
	s20 =	simm.s32 $0x380;
	[sflag:s30] =	ssyncadd.s32 $0xFFFFE0C0  }
.LBB2_2:
0x45: {  	[tilespmem:s21], [sflag:$0x4] =	stream.indirect.gather [hbm4b:s4+s14], $0x40, s20, s14, $0xb8;
	[tilespmem:$0x16D00] =	vst v63  }
0x46: {  	s20 =	smov.u32 s18  }
0x47: {  	p0 =	sne.s32 s18, $0x9000;
	s18 =	sadd.s32 $0x800, s18;
	_ =	swait.ge [sflag:s22], $0x1F40  }
0x48: {  	s20 =	sshra.s32 s20, $0x2;
	[sflag:s22] =	ssyncset.done $0x0  }
0x49: {  	s31 =	sadd.s32 $0x2800, s20;
	[sflag:s22] =	ssyncadd.s32 $0xFFFFE0C0  }
0x4a: {  	[spmem:s2] =	stream.indirect.scatter.add.f32 [tilespmem:s15], [sflag:$0x5], $0x40, s31, s14, $0xb8;
	[tilespmem:$0x16D00] =	vst v63  }
0x4b: {  	_ =	swait.ge [sflag:s23], $0x1F40  }
0x4c: {  	[sflag:s23] =	ssyncset.done $0x0  }
0x4d: {  	s31 =	sadd.s32 $0x200, s20;
	[sflag:s23] =	ssyncadd.s32 $0xFFFFE0C0  }
0x4e: {  	[tilespmem:s15], [sflag:$0x1] =	stream.indirect.gather [hbm4b:s4+s14], $0x40, s31, s14, $0xb8;
	[tilespmem:$0x16D00] =	vst v63  }
0x4f: {  	_ =	swait.ge [sflag:s24], $0x1F40  }
0x50: {  	[sflag:s24] =	ssyncset.done $0x0  }
0x51: {  	s31 =	sadd.s32 $0x2880, s20;
	[sflag:s24] =	ssyncadd.s32 $0xFFFFE0C0  }
0x52: {  	[spmem:s2] =	stream.indirect.scatter.add.f32 [tilespmem:s17], [sflag:$0x6], $0x40, s31, s14, $0xb8;
	[tilespmem:$0x16D00] =	vst v63  }
0x53: {  	_ =	swait.ge [sflag:s25], $0x1F40  }
0x54: {  	[sflag:s25] =	ssyncset.done $0x0  }
0x55: {  	s31 =	sadd.s32 $0x280, s20;
	[sflag:s25] =	ssyncadd.s32 $0xFFFFE0C0  }
0x56: {  	[tilespmem:s17], [sflag:$0x2] =	stream.indirect.gather [hbm4b:s4+s14], $0x40, s31, s14, $0xb8;
	[tilespmem:$0x16D00] =	vst v63  }
0x57: {  	_ =	swait.ge [sflag:s26], $0x1F40  }
0x58: {  	[sflag:s26] =	ssyncset.done $0x0  }
0x59: {  	s31 =	sadd.s32 $0x2900, s20;
	[sflag:s26] =	ssyncadd.s32 $0xFFFFE0C0  }
0x5a: {  	[spmem:s2] =	stream.indirect.scatter.add.f32 [tilespmem:s19], [sflag:$0x7], $0x40, s31, s14, $0xb8;
	[tilespmem:$0x16D00] =	vst v63  }
0x5b: {  	_ =	swait.ge [sflag:s28], $0x1F40  }
0x5c: {  	[sflag:s28] =	ssyncset.done $0x0  }
0x5d: {  	s31 =	sadd.s32 $0x300, s20;
	[sflag:s28] =	ssyncadd.s32 $0xFFFFE0C0  }
0x5e: {  	[tilespmem:s19], [sflag:$0x3] =	stream.indirect.gather [hbm4b:s4+s14], $0x40, s31, s14, $0xb8;
	[tilespmem:$0x16D00] =	vst v63  }
0x5f: {  	_ =	swait.ge [sflag:s29], $0x1F40  }
0x60: {  	[sflag:s29] =	ssyncset.done $0x0  }
.Ltmp0:
0x61: {  	s31 =	sadd.s32 $0x2980, s20;
	[sflag:s29] =	ssyncadd.s32 $0xFFFFE0C0;
	(pc) =	sbr.rel @p0 .LBB2_2-.Ltmp0, $4  }
0x62: {  	[spmem:s2] =	stream.indirect.scatter.add.f32 [tilespmem:s21], [sflag:$0x8], $0x40, s31, s14, $0xb8;
	[tilespmem:$0x16D00] =	vst v63  }
0x63: {  	_ =	swait.ge [sflag:s30], $0x1F40  }
0x64: {  	[sflag:s30] =	ssyncset.done $0x0  }
0x65: {  	s20 =	sadd.s32 $0x380, s20;
	[sflag:s30] =	ssyncadd.s32 $0xFFFFE0C0  }
0x66: {  	[tilespmem:s21], [sflag:$0x4] =	stream.indirect.gather [hbm4b:s4+s14], $0x40, s20, s14, $0xb8;
	[tilespmem:$0x16D00] =	vst v63  }
0x67: {  	_ =	swait.ge [sflag:s22], $0x1F40  }
0x68: {  	[sflag:s22] =	ssyncset.done $0x0  }
0x69: {  	s18 =	simm.s32 $0x4E00;
	[sflag:s22] =	ssyncadd.s32 $0xFFFFE0C0  }
0x6a: {  	[spmem:s2] =	stream.indirect.scatter.add.f32 [tilespmem:s15], [sflag:$0x5], $0x40, s18, s14, $0xb8;
	[tilespmem:$0x16D00] =	vst v63  }
0x6b: {  	_ =	swait.ge [sflag:s23], $0x1F40  }
0x6c: {  	[sflag:s23] =	ssyncset.done $0x0  }
0x6d: {  	[sflag:s23] =	ssyncadd.s32 $0xFFFFE0C0  }
0x6e: {  	_ =	swait.ge [sflag:s24], $0x1F40  }
0x6f: {  	[sflag:s24] =	ssyncset.done $0x0  }
0x70: {  	[sflag:s24] =	ssyncadd.s32 $0xFFFFE0C0  }
0x71: {  	[spmem:s2] =	stream.indirect.scatter.add.f32 [tilespmem:s17], [sflag:$0x6], $0x40, s1, s14, $0xb8;
	[tilespmem:$0x16D00] =	vst v63  }
0x72: {  	_ =	swait.ge [sflag:s25], $0x1F40  }
0x73: {  	[sflag:s25] =	ssyncset.done $0x0  }
0x74: {  	[sflag:s25] =	ssyncadd.s32 $0xFFFFE0C0  }
0x75: {  	_ =	swait.ge [sflag:s26], $0x1F40  }
0x76: {  	[sflag:s26] =	ssyncset.done $0x0  }
0x77: {  	[sflag:s26] =	ssyncadd.s32 $0xFFFFE0C0  }
0x78: {  	[spmem:s2] =	stream.indirect.scatter.add.f32 [tilespmem:s19], [sflag:$0x7], $0x40, s0, s14, $0xb8;
	[tilespmem:$0x16D00] =	vst v63  }
0x79: {  	_ =	swait.ge [sflag:s28], $0x1F40  }
0x7a: {  	[sflag:s28] =	ssyncset.done $0x0  }
0x7b: {  	[sflag:s28] =	ssyncadd.s32 $0xFFFFE0C0  }
0x7c: {  	_ =	swait.ge [sflag:s29], $0x1F40  }
0x7d: {  	[sflag:s29] =	ssyncset.done $0x0  }
0x7e: {  	[sflag:s29] =	ssyncadd.s32 $0xFFFFE0C0  }
0x7f: {  	[spmem:s2] =	stream.indirect.scatter.add.f32 [tilespmem:s21], [sflag:$0x8], $0x40, s13, s14, $0xb8;
	[tilespmem:$0x16D00] =	vst v63  }
0x80: {  	_ =	swait.ge [sflag:s30], $0x1F40  }
0x81: {  	s16 =	sadd.s32 $0x1, s16;
	[sflag:s30] =	ssyncset.done $0x0  }
0x82: {  	p0 =	sne.s32 s16, s10;
	[sflag:s30] =	ssyncadd.s32 $0xFFFFE0C0  }
.Ltmp1:
0x83: {  	[bflag:$0x0] =	sbarrier.arrive $0xFFFF;
	(pc) =	sbr.rel @p0 .LBB2_1-.Ltmp1, $4  }
0x84: {  	[hbm:s9], [sflag:s6] =	dma.local [spmem:s11], $0x1400  }
0x85: {  	_ =	swait.ge [sflag:s12], $0x1400  }
0x86: {  	[sflag:s12] =	ssyncset.done $0x0  }
0x87: {  	[sflag:s12] =	ssyncadd.s32 $0xFFFFEC00  }
0x88: {  	_ =	sfence.sel $0x180000  }
0x89: {  	[bflag:$0x0] =	sbarrier.arrive $0xFFFF  }
0x8a: {  	_ =	strace $0x90000053  }
0x8b: {  	s0 =	stileid.u32;
	[bflag:$0x2] =	sbarrier.arrive $0xFFFF  }
0x8c: {  	p0 =	sne.s32 s0, $0x0;
	s0 =	rddreg [dreg:$0x2]  }
0x8d: {  	s0 =	sadd.s32 @!p0 $0x100000, s0  }
0x8e: {  	[sflag:s0] =	ssyncadd.tile.s32 @!p0 $0x1;
	_ =	shalt  }
.Lfunc_end2:
_tile_overlayer_lowered:
.L_overlay_start_2:
0x8f: {  	(tag) =	ssettag $0x2  }
0x90: {  	s0 =	rddreg [dreg:$0x0];
	s2 =	stileid.u32  }
0x91: {  	s1 =	rddreg [dreg:$0x1];
	p0 =	sne.s32 s2, $0x0  }
0x92: {  	s3 =	rddreg [dreg:$0x2];
	[bflag:$0x3] =	sbarrier.arrive $0xFFFF;
	s2 =	simm.s32 @!p0 $0x1C09  }
0x93: {  	[timem:s3], [sflag:s2] =	dma.local @!p0 [hbm:s0], s1  }
0x94: {  	s0 =	simm.s32 @!p0 $0x9  }
0x95: {  	_ =	swait.ge @!p0 [sflag:s0], s1  }
0x96: {  	s1 =	ssub.s32 @!p0 $0x0, s1;
	[sflag:s0] =	ssyncset.done @!p0 $0x0  }
0x97: {  	[sflag:s0] =	ssyncadd.s32 @!p0 s1  }
0x98: {  	[bflag:$0x3] =	sbarrier.arrive $0xFFFF  }
0x99: {  	_ =	shalt  }

</sc_bundles>
